<compile_context>
chip_gen: v7x
topology: tpu7x:2x2x1
jax: 0.10.2.dev20260603
libtpu: 0.0.44.dev20260713+nightly
codegen_flags: <defaults>
</compile_context>

<pallas_src>
import dataclasses
import functools

import jax
import jax.numpy as jnp
from jax import lax
from jax.experimental import pallas as pl
from jax.experimental.pallas import tpu as pltpu
from jax.experimental.pallas import tpu_sc as plsc

_N = 50000
_E = 800000
_M = 200000
_EB = 200000

_NP = 50048
_EP = 819200
_EBP = 212992
_MR = 66688
_MRP = 66816

_B = 1024


def _compiler_params():
    return pltpu.CompilerParams(use_tc_tiling_on_sc=False,
                                needs_layout_passes=False)


def _scale_rows(g_ref, vals_ref, ncols, nedges):
    @pl.loop(0, nedges // 16)
    def _(grp):
        base = grp * 16
        vv = vals_ref[pl.ds(base, 16)]
        ridx = base + lax.iota(jnp.int32, 16)
        for c in range(ncols):
            cidx = jnp.full((16,), c, jnp.int32)
            colv = plsc.load_gather(g_ref, [ridx, cidx])
            plsc.store_scatter(g_ref, [ridx, cidx], colv * vv)


def _sc_mesh():
    return plsc.VectorSubcoreMesh(core_axis_name="c", subcore_axis_name="s")


def _writeback(t, acc, out_ref, nrows, dst_base=0):
    w = ((nrows // 16) + 7) // 8 * 8
    rem = nrows - 15 * w

    @pl.when(t < 15)
    def _():
        pltpu.sync_copy(acc.at[pl.ds(t * w, w)],
                        out_ref.at[pl.ds(dst_base + t * w, w)])

    @pl.when(t == 15)
    def _():
        pltpu.sync_copy(acc.at[pl.ds(15 * w, rem)],
                        out_ref.at[pl.ds(dst_base + 15 * w, rem)])


def _sc_spmm1(fp, cols, rows, vals, z1):
    quota = _EP // 32
    nblk = quota // _B

    @functools.partial(
        pl.kernel,
        out_type=jax.ShapeDtypeStruct((2, _N, 16), jnp.float32),
        mesh=_sc_mesh(),
        scratch_types=[
            pltpu.VMEM((_B,), jnp.int32),
            pltpu.VMEM((_B,), jnp.int32),
            pltpu.VMEM((_B,), jnp.float32),
            pltpu.VMEM((_B, 16), jnp.float32),
            pltpu.VMEM_SHARED((_NP, 16), jnp.float32),
        ],
        compiler_params=_compiler_params(),
    )
    def k(fp_hbm, cols_hbm, rows_hbm, vals_hbm, z_hbm, out_hbm,
          cols_v, rows_v, vals_v, g, acc):
        c = lax.axis_index("c")
        t = lax.axis_index("s")
        zrows = _NP // 16
        pltpu.sync_copy(z_hbm.at[pl.ds(t * zrows, zrows)],
                        acc.at[pl.ds(t * zrows, zrows)])
        plsc.subcore_barrier()

        base_e = (c * 16 + t) * quota

        @pl.loop(0, nblk)
        def _(blk):
            off = base_e + blk * _B
            pltpu.sync_copy(cols_hbm.at[pl.ds(off, _B)], cols_v)
            pltpu.sync_copy(rows_hbm.at[pl.ds(off, _B)], rows_v)
            pltpu.sync_copy(vals_hbm.at[pl.ds(off, _B)], vals_v)
            pltpu.sync_copy(fp_hbm.at[cols_v], g)
            _scale_rows(g, vals_v, 16, _B)
            pltpu.sync_copy(g, acc.at[rows_v], add=True)

        plsc.subcore_barrier()

        @pl.when(c == 0)
        def _():
            _writeback(t, acc, out_hbm.at[0], _N)

        @pl.when(c == 1)
        def _():
            _writeback(t, acc, out_hbm.at[1], _N)

    return k(fp, cols, rows, vals, z1)


def _sc_spmm2(xc, cols, rows, vals, z2):
    quota = _EP // 16
    nblk = quota // _B

    @functools.partial(
        pl.kernel,
        out_type=jax.ShapeDtypeStruct((8, _N, 16), jnp.float32),
        mesh=_sc_mesh(),
        scratch_types=[
            pltpu.VMEM((_B,), jnp.int32),
            pltpu.VMEM((_B,), jnp.int32),
            pltpu.VMEM((_B,), jnp.float32),
            pltpu.VMEM((_B, 16), jnp.float32),
            pltpu.VMEM_SHARED((_NP, 16), jnp.float32),
        ],
        compiler_params=_compiler_params(),
    )
    def k(xc_hbm, cols_hbm, rows_hbm, vals_hbm, z_hbm, out_hbm,
          cols_v, rows_v, vals_v, g, acc):
        c = lax.axis_index("c")
        t = lax.axis_index("s")
        zrows = _NP // 16

        def one_chunk(kk):
            pltpu.sync_copy(z_hbm.at[pl.ds(t * zrows, zrows)],
                            acc.at[pl.ds(t * zrows, zrows)])
            plsc.subcore_barrier()

            @pl.loop(0, nblk)
            def _(blk):
                off = t * quota + blk * _B
                pltpu.sync_copy(cols_hbm.at[pl.ds(off, _B)], cols_v)
                pltpu.sync_copy(rows_hbm.at[pl.ds(off, _B)], rows_v)
                pltpu.sync_copy(vals_hbm.at[pl.ds(off, _B)], vals_v)
                pltpu.sync_copy(xc_hbm.at[kk].at[cols_v], g)
                _scale_rows(g, vals_v, 16, _B)
                pltpu.sync_copy(g, acc.at[rows_v], add=True)

            plsc.subcore_barrier()
            _writeback(t, acc, out_hbm.at[kk], _N)
            plsc.subcore_barrier()

        @pl.loop(0, 4)
        def _(j):
            one_chunk(c * 4 + j)

    return k(xc, cols, rows, vals, z2)


def _sc_spmm3(xc, cols, rows, vals, z3):
    quota = _EBP // 16
    nblk = quota // _B

    @functools.partial(
        pl.kernel,
        out_type=jax.ShapeDtypeStruct((16, _M, 16), jnp.float32),
        mesh=_sc_mesh(),
        scratch_types=[
            pltpu.VMEM((_B,), jnp.int32),
            pltpu.VMEM((_B,), jnp.int32),
            pltpu.VMEM((_B,), jnp.int32),
            pltpu.VMEM((_B,), jnp.float32),
            pltpu.VMEM((_B, 16), jnp.float32),
            pltpu.VMEM_SHARED((_MRP, 16), jnp.float32),
        ],
        compiler_params=_compiler_params(),
    )
    def k(xc_hbm, cols_hbm, rows_hbm, vals_hbm, z_hbm, out_hbm,
          cols_v, rows_v, ridx_v, vals_v, g, acc):
        c = lax.axis_index("c")
        t = lax.axis_index("s")
        zrows = _MRP // 16

        def one_pass(kk, h, nrows):
            pltpu.sync_copy(z_hbm.at[pl.ds(t * zrows, zrows)],
                            acc.at[pl.ds(t * zrows, zrows)])
            plsc.subcore_barrier()

            @pl.loop(0, nblk)
            def _(blk):
                off = t * quota + blk * _B
                pltpu.sync_copy(cols_hbm.at[pl.ds(off, _B)], cols_v)
                pltpu.sync_copy(rows_hbm.at[pl.ds(off, _B)], rows_v)
                pltpu.sync_copy(vals_hbm.at[pl.ds(off, _B)], vals_v)
                pltpu.sync_copy(xc_hbm.at[kk].at[cols_v], g)
                _scale_rows(g, vals_v, 16, _B)

                @pl.loop(0, _B // 16)
                def _(grp):
                    sl = pl.ds(grp * 16, 16)
                    rv = rows_v[sl] - h * _MR
                    ok = (rv >= 0) & (rv < _MR)
                    ridx_v[sl] = jnp.where(ok, rv, _MR + lax.iota(jnp.int32, 16))

                pltpu.sync_copy(g, acc.at[ridx_v], add=True)

            plsc.subcore_barrier()
            _writeback(t, acc, out_hbm.at[kk], nrows, dst_base=h * _MR)
            plsc.subcore_barrier()

        for h in range(3):
            nrows = _MR if h < 2 else _M - 2 * _MR

            @pl.loop(0, 8)
            def _(j, h=h, nrows=nrows):
                one_pass(c * 8 + j, h, nrows)

    return k(xc, cols, rows, vals, z3)


def _tc_layer1(s1pair, W1, b1, W2b, b2):
    nb = 2000
    grid = _N // nb

    def body(sa_ref, sb_ref, w1_ref, b1_ref, w2b_ref, b2_ref, h1r_ref, g2b_ref):
        x = (sa_ref[...] + sb_ref[...])[:, :4]
        h1r_ref[...] = jnp.maximum(
            jnp.dot(x, w1_ref[...], preferred_element_type=jnp.float32)
            + b1_ref[...], 0.0)
        g2b_ref[...] = (
            jnp.dot(x, w2b_ref[...], preferred_element_type=jnp.float32)
            + b2_ref[...])

    return pl.pallas_call(
        body,
        grid=(grid,),
        in_specs=[
            pl.BlockSpec((nb, 16), lambda i: (i, 0)),
            pl.BlockSpec((nb, 16), lambda i: (i, 0)),
            pl.BlockSpec((4, 128), lambda i: (0, 0)),
            pl.BlockSpec((1, 128), lambda i: (0, 0)),
            pl.BlockSpec((4, 256), lambda i: (0, 0)),
            pl.BlockSpec((1, 256), lambda i: (0, 0)),
        ],
        out_specs=[
            pl.BlockSpec((nb, 128), lambda i: (i, 0)),
            pl.BlockSpec((nb, 256), lambda i: (i, 0)),
        ],
        out_shape=[
            jax.ShapeDtypeStruct((_N, 128), jnp.float32),
            jax.ShapeDtypeStruct((_N, 256), jnp.float32),
        ],
    )(s1pair[0], s1pair[1], W1, b1, W2b, b2)


def _tc_layer2(s2c, g2b, W2a):
    nb = 2000
    grid = _N // nb

    def body(s2_ref, g2b_ref, w_ref, h2_ref):
        x = jnp.concatenate([s2_ref[j] for j in range(8)], axis=1)
        h2_ref[...] = jnp.maximum(
            jnp.dot(x, w_ref[...], preferred_element_type=jnp.float32)
            + g2b_ref[...], 0.0)

    return pl.pallas_call(
        body,
        grid=(grid,),
        in_specs=[
            pl.BlockSpec((8, nb, 16), lambda i: (0, i, 0)),
            pl.BlockSpec((nb, 256), lambda i: (i, 0)),
            pl.BlockSpec((128, 256), lambda i: (0, 0)),
        ],
        out_specs=pl.BlockSpec((nb, 256), lambda i: (i, 0)),
        out_shape=jax.ShapeDtypeStruct((_N, 256), jnp.float32),
    )(s2c, g2b, W2a)


def _tc_layer34(s3, x3, W3a, W3b, b3, W4a, W4b, b4):
    mb = 2000
    grid = _M // mb

    def body(s3_ref, x3_ref, w3a_ref, w3b_ref, b3_ref, w4a_ref, w4b_ref,
             b4_ref, h3_ref, h4_ref):
        x3v = x3_ref[...]
        h3 = jnp.maximum(
            jnp.dot(s3_ref[...], w3a_ref[...], preferred_element_type=jnp.float32)
            + jnp.dot(x3v, w3b_ref[...], preferred_element_type=jnp.float32)
            + b3_ref[...], 0.0)
        h3_ref[...] = h3
        h4_ref[...] = (
            jnp.dot(h3, w4a_ref[...], preferred_element_type=jnp.float32)
            + jnp.dot(x3v, w4b_ref[...], preferred_element_type=jnp.float32)
            + b4_ref[...])

    return pl.pallas_call(
        body,
        grid=(grid,),
        in_specs=[
            pl.BlockSpec((mb, 256), lambda i: (i, 0)),
            pl.BlockSpec((mb, 4), lambda i: (i, 0)),
            pl.BlockSpec((256, 512), lambda i: (0, 0)),
            pl.BlockSpec((4, 512), lambda i: (0, 0)),
            pl.BlockSpec((1, 512), lambda i: (0, 0)),
            pl.BlockSpec((512, 4), lambda i: (0, 0)),
            pl.BlockSpec((4, 4), lambda i: (0, 0)),
            pl.BlockSpec((1, 4), lambda i: (0, 0)),
        ],
        out_specs=[
            pl.BlockSpec((mb, 512), lambda i: (i, 0)),
            pl.BlockSpec((mb, 4), lambda i: (i, 0)),
        ],
        out_shape=[
            jax.ShapeDtypeStruct((_M, 512), jnp.float32),
            jax.ShapeDtypeStruct((_M, 4), jnp.float32),
        ],
    )(s3, x3, W3a, W3b, b3, W4a, W4b, b4)


def kernel(adj_indices, adj_values, feature, tensor_x3, bing_rows, bing_cols,
           bing_values, W1, b1, W2, b2, W3, b3, W4, b4):
    f32 = jnp.float32
    rows = adj_indices[0].astype(jnp.int32)
    cols = adj_indices[1].astype(jnp.int32)
    vals = adj_values.astype(f32)

    padn = _EP - _E
    ar = jnp.arange(padn, dtype=jnp.int32)
    rows_p = jnp.concatenate([rows, _N + (ar % 16)])
    cols_p = jnp.concatenate([cols, ar % 2048])
    vals_p = jnp.concatenate([vals, jnp.zeros((padn,), f32)])

    padb = _EBP - _EB
    ab = jnp.arange(padb, dtype=jnp.int32)
    brows_p = jnp.concatenate([bing_rows.astype(jnp.int32),
                               jnp.full((padb,), 1 << 20, jnp.int32)])
    bcols_p = jnp.concatenate([bing_cols.astype(jnp.int32), ab % 2048])
    bvals_p = jnp.concatenate([bing_values.astype(f32), jnp.zeros((padb,), f32)])

    fp = jnp.pad(feature, ((0, 0), (0, 12)))

    z1 = jnp.zeros((_NP, 16), f32)
    z3 = jnp.zeros((_MRP, 16), f32)

    b1r = b1.reshape(1, 128)
    b2r = b2.reshape(1, 256)
    b3r = b3.reshape(1, 512)
    b4r = b4.reshape(1, 4)
    W2a, W2b = W2[:128], W2[128:]
    W3a, W3b = W3[:256], W3[256:]
    W4a, W4b = W4[:512], W4[512:]

    s1pair = _sc_spmm1(fp, cols_p, rows_p, vals_p, z1)
    h1r, g2b = _tc_layer1(s1pair, W1, b1r, W2b, b2r)

    xc2 = h1r.reshape(_N, 8, 16).transpose(1, 0, 2)
    s2c = _sc_spmm2(xc2, cols_p, rows_p, vals_p, z1)
    h2 = _tc_layer2(s2c, g2b, W2a)

    xc3 = h2.reshape(_N, 16, 16).transpose(1, 0, 2)
    s3c = _sc_spmm3(xc3, bcols_p, brows_p, bvals_p, z3)
    s3 = s3c.transpose(1, 0, 2).reshape(_M, 256)

    h3, h4 = _tc_layer34(s3, tensor_x3, W3a, W3b, b3r, W4a, W4b, b4r)

    h1 = jnp.concatenate([h1r, feature], axis=1)
    h3c = jnp.concatenate([h3, tensor_x3], axis=1)
    return (h4, h1, h3, h3c, h4)

# --- scband reference (transcript-rebuilt; emitter-appended) ---
"""Pipeline reference for scband-gcn-net-72035191488553 (READ-ONLY COPY).

The authoritative reference and input builder live on the scoring server;
editing this copy changes nothing except your own understanding.
"""

import jax, jax.numpy as jnp
import numpy as np

N = 50000
E = 800000
M = 200000
EB = 200000


def _kaiming_uniform(key, fan_in, fan_out):
    bound = np.sqrt(6.0 / fan_in)
    return jax.random.uniform(key, (fan_in, fan_out), minval=-bound, maxval=bound, dtype=jnp.float32)


def setup_inputs(seed: int = 0) -> dict:
    key = jax.random.key(seed)
    ks = jax.random.split(key, 12)
    adj_indices = jax.random.randint(ks[0], (2, E), 0, N, dtype=jnp.int64 if jax.config.jax_enable_x64 else jnp.int32)
    adj_values = jax.random.uniform(ks[1], (E,), dtype=jnp.float32)
    feature = jax.random.normal(ks[2], (N, 4), dtype=jnp.float32)
    tensor_x3 = jax.random.normal(ks[3], (M, 4), dtype=jnp.float32)
    bing_rows = jax.random.randint(ks[4], (EB,), 0, M)
    bing_cols = jax.random.randint(ks[5], (EB,), 0, N)
    bing_values = jax.random.uniform(ks[6], (EB,), dtype=jnp.float32)
    W1 = _kaiming_uniform(ks[7], 4, 128)
    b1 = jnp.zeros((128,), jnp.float32)
    W2 = _kaiming_uniform(ks[8], 132, 256)
    b2 = jnp.zeros((256,), jnp.float32)
    W3 = _kaiming_uniform(ks[9], 260, 512)
    b3 = jnp.zeros((512,), jnp.float32)
    W4 = _kaiming_uniform(ks[10], 516, 4)
    b4 = jnp.zeros((4,), jnp.float32)
    return {
        "adj_indices": adj_indices, "adj_values": adj_values, "feature": feature,
        "tensor_x3": tensor_x3, "bing_rows": bing_rows, "bing_cols": bing_cols,
        "bing_values": bing_values, "W1": W1, "b1": b1, "W2": W2, "b2": b2,
        "W3": W3, "b3": b3, "W4": W4, "b4": b4,
    }


def _spmm(rows, cols, vals, X, n_out):
    # sparse (COO) @ dense: gather rows of X by col index, scale, scatter-add by row index
    gathered = jnp.take(X, cols, axis=0) * vals[:, None]
    return jax.ops.segment_sum(gathered, rows, num_segments=n_out)


def reference(adj_indices, adj_values, feature, tensor_x3, bing_rows, bing_cols,
              bing_values, W1, b1, W2, b2, W3, b3, W4, b4):
    rows = adj_indices[0]
    cols = adj_indices[1]
    # gcn1: GraphConvolution(4 -> 128)
    h1 = jax.nn.relu(_spmm(rows, cols, adj_values, feature @ W1, N) + b1)
    h1 = jnp.concatenate([h1, feature], axis=1)  # [N, 132]
    # gcn2: GraphConvolution(132 -> 256)
    h2 = jax.nn.relu(_spmm(rows, cols, adj_values, h1 @ W2, N) + b2)
    # bing sparse unpooling: [M, N] @ [N, 256] -> [M, 256]
    h2 = _spmm(bing_rows, bing_cols, bing_values, h2, M)
    h2 = jnp.concatenate([h2, tensor_x3], axis=1)  # [M, 260]
    # gcn3: Combine(260 -> 512)
    h3 = jax.nn.relu(h2 @ W3 + b3)
    h2 = h3
    h3c = jnp.concatenate([h3, tensor_x3], axis=1)  # [M, 516]
    # gcn4: Combine(516 -> 4)
    h4 = h3c @ W4 + b4
    logits = h4
    return (logits, h1, h2, h3c, h4)

if __name__ == "__main__":
    import jax
    _d = setup_inputs()
    print(jax.jit(kernel)(*tuple(_d.values())))

</pallas_src>

<mosaic_0001>
#map = affine_map<(d0, d1) -> (0, 0)>
#map1 = affine_map<(d0, d1) -> (0)>
#map2 = affine_map<(d0, d1) -> (0, 0, 0)>
module attributes {stable_mosaic.version = 14 : i64} {
  func.func @k(%arg0: i32, %arg1: i32, %arg2: memref<50000x16xf32, #tpu.memory_space<hbm>>, %arg3: memref<819200xi32, #tpu.memory_space<hbm>>, %arg4: memref<819200xi32, #tpu.memory_space<hbm>>, %arg5: memref<819200xf32, #tpu.memory_space<hbm>>, %arg6: memref<50048x16xf32, #tpu.memory_space<hbm>>, %arg7: memref<2x50000x16xf32, #tpu.memory_space<hbm>>, %arg8: memref<1024xi32, #tpu.memory_space<vmem>>, %arg9: memref<1024xi32, #tpu.memory_space<vmem>>, %arg10: memref<1024xf32, #tpu.memory_space<vmem>>, %arg11: memref<1024x16xf32, #tpu.memory_space<vmem>>, %arg12: memref<50048x16xf32, #tpu.memory_space<vmem_shared>>) attributes {dimension_semantics = [#tpu.dimension_semantics<core_parallel>, #tpu.dimension_semantics<subcore_parallel>], iteration_bounds = array<i64: 2, 16>, scalar_prefetch = 0 : i64, scratch_operands = 5 : i64, tpu.core_type = #tpu.core_type<sc_vector_subcore>, window_params = [{transform_indices = #map}, {transform_indices = #map1}, {transform_indices = #map1}, {transform_indices = #map1}, {transform_indices = #map}, {transform_indices = #map2}]} {
    %mul3A = arith.constant 3128 : i32
    %mul3A_0 = arith.muli %arg1, %mul3A : i32
    %mul3A_1 = arith.constant 3128 : i32
    %mul3A_2 = arith.muli %arg1, %mul3A_1 : i32
    "tpu.region"() ({
      %run_scoped3A = tpu.sem_alloc : memref<!tpu.dma_semaphore, #tpu.memory_space<semaphore_mem>>
      %dma_start3A = arith.constant 0 : i32
      %dma_start3A_19 = tpu.memref_slice %arg12[%mul3A_2, %dma_start3A] : memref<50048x16xf32, #tpu.memory_space<vmem_shared>> -> memref<3128x16xf32, #tpu.memory_space<vmem_shared>>
      %dma_start3A_20 = arith.constant 0 : i32
      %dma_start3A_21 = tpu.memref_slice %arg6[%mul3A_0, %dma_start3A_20] : memref<50048x16xf32, #tpu.memory_space<hbm>> -> memref<3128x16xf32, #tpu.memory_space<hbm>>
      tpu.enqueue_dma source(%dma_start3A_21 : memref<3128x16xf32, #tpu.memory_space<hbm>>) target(%dma_start3A_19 : memref<3128x16xf32, #tpu.memory_space<vmem_shared>>) target_semaphore(%run_scoped3A : memref<!tpu.dma_semaphore, #tpu.memory_space<semaphore_mem>>)
      %dma_wait3A = arith.constant 0 : i32
      %dma_wait3A_22 = tpu.memref_slice %arg12[%mul3A_2, %dma_wait3A] : memref<50048x16xf32, #tpu.memory_space<vmem_shared>> -> memref<3128x16xf32, #tpu.memory_space<vmem_shared>>
      %dma_wait3A_23 = arith.constant 0 : i32
      %dma_wait3A_24 = tpu.memref_slice %arg6[%mul3A_0, %dma_wait3A_23] : memref<50048x16xf32, #tpu.memory_space<hbm>> -> memref<3128x16xf32, #tpu.memory_space<hbm>>
      tpu.wait_dma2 semaphore(%run_scoped3A : memref<!tpu.dma_semaphore, #tpu.memory_space<semaphore_mem>>) src(%dma_wait3A_24 : memref<3128x16xf32, #tpu.memory_space<hbm>>) dst(%dma_wait3A_22 : memref<3128x16xf32, #tpu.memory_space<vmem_shared>>)
      tpu.yield
    }) : () -> ()
    %barrier3A = arith.constant 0 : index
    tpu.barrier barrier_id(%barrier3A)
    %mul3A_3 = arith.constant 16 : i32
    %mul3A_4 = arith.muli %arg0, %mul3A_3 : i32
    %add3A = arith.addi %mul3A_4, %arg1 : i32
    %mul3A_5 = arith.constant 25600 : i32
    %mul3A_6 = arith.muli %add3A, %mul3A_5 : i32
    %scan3A = arith.constant 0 : i32
    %scan3A_7 = arith.constant 25 : i32
    %scan3A_8 = arith.addi %scan3A, %scan3A_7 : i32
    %scan3A_9 = arith.constant 1 : i32
    scf.for %scan3A_19 = %scan3A to %scan3A_8 step %scan3A_9  : i32 {
      %mul3A_20 = arith.constant 1 : i32
      %mul3A_21 = arith.muli %scan3A_19, %mul3A_20 : i32
      %add3A_22 = arith.constant 0 : i32
      %add3A_23 = arith.addi %add3A_22, %mul3A_21 : i32
      %mul3A_24 = arith.constant 1024 : i32
      %mul3A_25 = arith.muli %add3A_23, %mul3A_24 : i32
      %add3A_26 = arith.addi %mul3A_6, %mul3A_25 : i32
      "tpu.region"() ({
        %run_scoped3A = tpu.sem_alloc : memref<!tpu.dma_semaphore, #tpu.memory_space<semaphore_mem>>
        %dma_start3A = tpu.memref_slice %arg3[%add3A_26] : memref<819200xi32, #tpu.memory_space<hbm>> -> memref<1024xi32, #tpu.memory_space<hbm>>
        %dma_start3A_32 = tpu.memref_slice %arg3[%add3A_26] : memref<819200xi32, #tpu.memory_space<hbm>> -> memref<1024xi32, #tpu.memory_space<hbm>>
        tpu.enqueue_dma source(%dma_start3A_32 : memref<1024xi32, #tpu.memory_space<hbm>>) target(%arg8 : memref<1024xi32, #tpu.memory_space<vmem>>) target_semaphore(%run_scoped3A : memref<!tpu.dma_semaphore, #tpu.memory_space<semaphore_mem>>)
        %dma_wait3A = tpu.memref_slice %arg3[%add3A_26] : memref<819200xi32, #tpu.memory_space<hbm>> -> memref<1024xi32, #tpu.memory_space<hbm>>
        %dma_wait3A_33 = tpu.memref_slice %arg3[%add3A_26] : memref<819200xi32, #tpu.memory_space<hbm>> -> memref<1024xi32, #tpu.memory_space<hbm>>
        tpu.wait_dma2 semaphore(%run_scoped3A : memref<!tpu.dma_semaphore, #tpu.memory_space<semaphore_mem>>) src(%dma_wait3A_33 : memref<1024xi32, #tpu.memory_space<hbm>>) dst(%arg8 : memref<1024xi32, #tpu.memory_space<vmem>>)
        tpu.yield
      }) : () -> ()
      "tpu.region"() ({
        %run_scoped3A = tpu.sem_alloc : memref<!tpu.dma_semaphore, #tpu.memory_space<semaphore_mem>>
        %dma_start3A = tpu.memref_slice %arg4[%add3A_26] : memref<819200xi32, #tpu.memory_space<hbm>> -> memref<1024xi32, #tpu.memory_space<hbm>>
        %dma_start3A_32 = tpu.memref_slice %arg4[%add3A_26] : memref<819200xi32, #tpu.memory_space<hbm>> -> memref<1024xi32, #tpu.memory_space<hbm>>
        tpu.enqueue_dma source(%dma_start3A_32 : memref<1024xi32, #tpu.memory_space<hbm>>) target(%arg9 : memref<1024xi32, #tpu.memory_space<vmem>>) target_semaphore(%run_scoped3A : memref<!tpu.dma_semaphore, #tpu.memory_space<semaphore_mem>>)
        %dma_wait3A = tpu.memref_slice %arg4[%add3A_26] : memref<819200xi32, #tpu.memory_space<hbm>> -> memref<1024xi32, #tpu.memory_space<hbm>>
        %dma_wait3A_33 = tpu.memref_slice %arg4[%add3A_26] : memref<819200xi32, #tpu.memory_space<hbm>> -> memref<1024xi32, #tpu.memory_space<hbm>>
        tpu.wait_dma2 semaphore(%run_scoped3A : memref<!tpu.dma_semaphore, #tpu.memory_space<semaphore_mem>>) src(%dma_wait3A_33 : memref<1024xi32, #tpu.memory_space<hbm>>) dst(%arg9 : memref<1024xi32, #tpu.memory_space<vmem>>)
        tpu.yield
      }) : () -> ()
      "tpu.region"() ({
        %run_scoped3A = tpu.sem_alloc : memref<!tpu.dma_semaphore, #tpu.memory_space<semaphore_mem>>
        %dma_start3A = tpu.memref_slice %arg5[%add3A_26] : memref<819200xf32, #tpu.memory_space<hbm>> -> memref<1024xf32, #tpu.memory_space<hbm>>
        %dma_start3A_32 = tpu.memref_slice %arg5[%add3A_26] : memref<819200xf32, #tpu.memory_space<hbm>> -> memref<1024xf32, #tpu.memory_space<hbm>>
        tpu.enqueue_dma source(%dma_start3A_32 : memref<1024xf32, #tpu.memory_space<hbm>>) target(%arg10 : memref<1024xf32, #tpu.memory_space<vmem>>) target_semaphore(%run_scoped3A : memref<!tpu.dma_semaphore, #tpu.memory_space<semaphore_mem>>)
        %dma_wait3A = tpu.memref_slice %arg5[%add3A_26] : memref<819200xf32, #tpu.memory_space<hbm>> -> memref<1024xf32, #tpu.memory_space<hbm>>
        %dma_wait3A_33 = tpu.memref_slice %arg5[%add3A_26] : memref<819200xf32, #tpu.memory_space<hbm>> -> memref<1024xf32, #tpu.memory_space<hbm>>
        tpu.wait_dma2 semaphore(%run_scoped3A : memref<!tpu.dma_semaphore, #tpu.memory_space<semaphore_mem>>) src(%dma_wait3A_33 : memref<1024xf32, #tpu.memory_space<hbm>>) dst(%arg10 : memref<1024xf32, #tpu.memory_space<vmem>>)
        tpu.yield
      }) : () -> ()
      "tpu.region"() ({
        %run_scoped3A = tpu.sem_alloc : memref<!tpu.dma_semaphore, #tpu.memory_space<semaphore_mem>>
        %dma_start3A = arith.constant 0 : i32
        %dma_start3A_32 = arith.constant 0 : i32
        %dma_start3A_33 = tpu.memref_slice %arg2[%dma_start3A, %dma_start3A_32] : memref<50000x16xf32, #tpu.memory_space<hbm>> -> memref<50000x16xf32, #tpu.memory_space<hbm>>
        tpu.enqueue_indirect_dma source(%dma_start3A_33 : memref<50000x16xf32, #tpu.memory_space<hbm>>) target(%arg11 : memref<1024x16xf32, #tpu.memory_space<vmem>>) offsets(%arg8 : memref<1024xi32, #tpu.memory_space<vmem>>) semaphore(%run_scoped3A : memref<!tpu.dma_semaphore, #tpu.memory_space<semaphore_mem>>)
        %dma_wait3A = arith.constant 0 : i32
        %dma_wait3A_34 = arith.constant 0 : i32
        %dma_wait3A_35 = tpu.memref_slice %arg2[%dma_wait3A, %dma_wait3A_34] : memref<50000x16xf32, #tpu.memory_space<hbm>> -> memref<50000x16xf32, #tpu.memory_space<hbm>>
        tpu.wait_indirect_dma semaphore(%run_scoped3A : memref<!tpu.dma_semaphore, #tpu.memory_space<semaphore_mem>>) src(%dma_wait3A_35 : memref<50000x16xf32, #tpu.memory_space<hbm>>) dst(%arg11 : memref<1024x16xf32, #tpu.memory_space<vmem>>)
        tpu.yield
      }) : () -> ()
      %scan3A_27 = arith.constant 0 : i32
      %scan3A_28 = arith.constant 64 : i32
      %scan3A_29 = arith.addi %scan3A_27, %scan3A_28 : i32
      %scan3A_30 = arith.constant 1 : i32
      scf.for %scan3A_32 = %scan3A_27 to %scan3A_29 step %scan3A_30  : i32 {
        %mul3A_33 = arith.constant 1 : i32
        %mul3A_34 = arith.muli %scan3A_32, %mul3A_33 : i32
        %add3A_35 = arith.constant 0 : i32
        %add3A_36 = arith.addi %add3A_35, %mul3A_34 : i32
        %mul3A_37 = arith.constant 16 : i32
        %mul3A_38 = arith.muli %add3A_36, %mul3A_37 : i32
        %get3A = arith.index_cast %mul3A_38 : i32 to index
        %get3A_39 = tpu.vector_load %arg10[%get3A] {strides = array<i32>} : memref<1024xf32, #tpu.memory_space<vmem>>, vector<16xf32>,
        %iota3A = tpu.iota {dimensions = array<i32: 0>} : vector<16xi32>
        %add3A_40 = vector.broadcast %mul3A_38 : i32 to vector<16xi32>
        %add3A_41 = arith.addi %add3A_40, %iota3A : vector<16xi32>
        %broadcast_in_dim3A = arith.constant 0 : i32
        %broadcast_in_dim3A_42 = vector.broadcast %broadcast_in_dim3A : i32 to vector<16xi32>
        %gather3A = tpu.vector_load_idx %arg11[%add3A_41, %broadcast_in_dim3A_42] : memref<1024x16xf32, #tpu.memory_space<vmem>>[vector<16xi32>, vector<16xi32>], vector<16xf32>,
        %mul3A_43 = arith.mulf %gather3A, %get3A_39 : vector<16xf32>
        tpu.vector_store_idx %arg11[%add3A_41, %broadcast_in_dim3A_42], %mul3A_43 : memref<1024x16xf32, #tpu.memory_space<vmem>>[vector<16xi32>, vector<16xi32>], vector<16xf32>,
        %broadcast_in_dim3A_44 = arith.constant 1 : i32
        %broadcast_in_dim3A_45 = vector.broadcast %broadcast_in_dim3A_44 : i32 to vector<16xi32>
        %gather3A_46 = tpu.vector_load_idx %arg11[%add3A_41, %broadcast_in_dim3A_45] : memref<1024x16xf32, #tpu.memory_space<vmem>>[vector<16xi32>, vector<16xi32>], vector<16xf32>,
        %mul3A_47 = arith.mulf %gather3A_46, %get3A_39 : vector<16xf32>
        tpu.vector_store_idx %arg11[%add3A_41, %broadcast_in_dim3A_45], %mul3A_47 : memref<1024x16xf32, #tpu.memory_space<vmem>>[vector<16xi32>, vector<16xi32>], vector<16xf32>,
        %broadcast_in_dim3A_48 = arith.constant 2 : i32
        %broadcast_in_dim3A_49 = vector.broadcast %broadcast_in_dim3A_48 : i32 to vector<16xi32>
        %gather3A_50 = tpu.vector_load_idx %arg11[%add3A_41, %broadcast_in_dim3A_49] : memref<1024x16xf32, #tpu.memory_space<vmem>>[vector<16xi32>, vector<16xi32>], vector<16xf32>,
        %mul3A_51 = arith.mulf %gather3A_50, %get3A_39 : vector<16xf32>
        tpu.vector_store_idx %arg11[%add3A_41, %broadcast_in_dim3A_49], %mul3A_51 : memref<1024x16xf32, #tpu.memory_space<vmem>>[vector<16xi32>, vector<16xi32>], vector<16xf32>,
        %broadcast_in_dim3A_52 = arith.constant 3 : i32
        %broadcast_in_dim3A_53 = vector.broadcast %broadcast_in_dim3A_52 : i32 to vector<16xi32>
        %gather3A_54 = tpu.vector_load_idx %arg11[%add3A_41, %broadcast_in_dim3A_53] : memref<1024x16xf32, #tpu.memory_space<vmem>>[vector<16xi32>, vector<16xi32>], vector<16xf32>,
        %mul3A_55 = arith.mulf %gather3A_54, %get3A_39 : vector<16xf32>
        tpu.vector_store_idx %arg11[%add3A_41, %broadcast_in_dim3A_53], %mul3A_55 : memref<1024x16xf32, #tpu.memory_space<vmem>>[vector<16xi32>, vector<16xi32>], vector<16xf32>,
        %broadcast_in_dim3A_56 = arith.constant 4 : i32
        %broadcast_in_dim3A_57 = vector.broadcast %broadcast_in_dim3A_56 : i32 to vector<16xi32>
        %gather3A_58 = tpu.vector_load_idx %arg11[%add3A_41, %broadcast_in_dim3A_57] : memref<1024x16xf32, #tpu.memory_space<vmem>>[vector<16xi32>, vector<16xi32>], vector<16xf32>,
        %mul3A_59 = arith.mulf %gather3A_58, %get3A_39 : vector<16xf32>
        tpu.vector_store_idx %arg11[%add3A_41, %broadcast_in_dim3A_57], %mul3A_59 : memref<1024x16xf32, #tpu.memory_space<vmem>>[vector<16xi32>, vector<16xi32>], vector<16xf32>,
        %broadcast_in_dim3A_60 = arith.constant 5 : i32
        %broadcast_in_dim3A_61 = vector.broadcast %broadcast_in_dim3A_60 : i32 to vector<16xi32>
        %gather3A_62 = tpu.vector_load_idx %arg11[%add3A_41, %broadcast_in_dim3A_61] : memref<1024x16xf32, #tpu.memory_space<vmem>>[vector<16xi32>, vector<16xi32>], vector<16xf32>,
        %mul3A_63 = arith.mulf %gather3A_62, %get3A_39 : vector<16xf32>
        tpu.vector_store_idx %arg11[%add3A_41, %broadcast_in_dim3A_61], %mul3A_63 : memref<1024x16xf32, #tpu.memory_space<vmem>>[vector<16xi32>, vector<16xi32>], vector<16xf32>,
        %broadcast_in_dim3A_64 = arith.constant 6 : i32
        %broadcast_in_dim3A_65 = vector.broadcast %broadcast_in_dim3A_64 : i32 to vector<16xi32>
        %gather3A_66 = tpu.vector_load_idx %arg11[%add3A_41, %broadcast_in_dim3A_65] : memref<1024x16xf32, #tpu.memory_space<vmem>>[vector<16xi32>, vector<16xi32>], vector<16xf32>,
        %mul3A_67 = arith.mulf %gather3A_66, %get3A_39 : vector<16xf32>
        tpu.vector_store_idx %arg11[%add3A_41, %broadcast_in_dim3A_65], %mul3A_67 : memref<1024x16xf32, #tpu.memory_space<vmem>>[vector<16xi32>, vector<16xi32>], vector<16xf32>,
        %broadcast_in_dim3A_68 = arith.constant 7 : i32
        %broadcast_in_dim3A_69 = vector.broadcast %broadcast_in_dim3A_68 : i32 to vector<16xi32>
        %gather3A_70 = tpu.vector_load_idx %arg11[%add3A_41, %broadcast_in_dim3A_69] : memref<1024x16xf32, #tpu.memory_space<vmem>>[vector<16xi32>, vector<16xi32>], vector<16xf32>,
        %mul3A_71 = arith.mulf %gather3A_70, %get3A_39 : vector<16xf32>
        tpu.vector_store_idx %arg11[%add3A_41, %broadcast_in_dim3A_69], %mul3A_71 : memref<1024x16xf32, #tpu.memory_space<vmem>>[vector<16xi32>, vector<16xi32>], vector<16xf32>,
        %broadcast_in_dim3A_72 = arith.constant 8 : i32
        %broadcast_in_dim3A_73 = vector.broadcast %broadcast_in_dim3A_72 : i32 to vector<16xi32>
        %gather3A_74 = tpu.vector_load_idx %arg11[%add3A_41, %broadcast_in_dim3A_73] : memref<1024x16xf32, #tpu.memory_space<vmem>>[vector<16xi32>, vector<16xi32>], vector<16xf32>,
        %mul3A_75 = arith.mulf %gather3A_74, %get3A_39 : vector<16xf32>
        tpu.vector_store_idx %arg11[%add3A_41, %broadcast_in_dim3A_73], %mul3A_75 : memref<1024x16xf32, #tpu.memory_space<vmem>>[vector<16xi32>, vector<16xi32>], vector<16xf32>,
        %broadcast_in_dim3A_76 = arith.constant 9 : i32
        %broadcast_in_dim3A_77 = vector.broadcast %broadcast_in_dim3A_76 : i32 to vector<16xi32>
        %gather3A_78 = tpu.vector_load_idx %arg11[%add3A_41, %broadcast_in_dim3A_77] : memref<1024x16xf32, #tpu.memory_space<vmem>>[vector<16xi32>, vector<16xi32>], vector<16xf32>,
        %mul3A_79 = arith.mulf %gather3A_78, %get3A_39 : vector<16xf32>
        tpu.vector_store_idx %arg11[%add3A_41, %broadcast_in_dim3A_77], %mul3A_79 : memref<1024x16xf32, #tpu.memory_space<vmem>>[vector<16xi32>, vector<16xi32>], vector<16xf32>,
        %broadcast_in_dim3A_80 = arith.constant 10 : i32
        %broadcast_in_dim3A_81 = vector.broadcast %broadcast_in_dim3A_80 : i32 to vector<16xi32>
        %gather3A_82 = tpu.vector_load_idx %arg11[%add3A_41, %broadcast_in_dim3A_81] : memref<1024x16xf32, #tpu.memory_space<vmem>>[vector<16xi32>, vector<16xi32>], vector<16xf32>,
        %mul3A_83 = arith.mulf %gather3A_82, %get3A_39 : vector<16xf32>
        tpu.vector_store_idx %arg11[%add3A_41, %broadcast_in_dim3A_81], %mul3A_83 : memref<1024x16xf32, #tpu.memory_space<vmem>>[vector<16xi32>, vector<16xi32>], vector<16xf32>,
        %broadcast_in_dim3A_84 = arith.constant 11 : i32
        %broadcast_in_dim3A_85 = vector.broadcast %broadcast_in_dim3A_84 : i32 to vector<16xi32>
        %gather3A_86 = tpu.vector_load_idx %arg11[%add3A_41, %broadcast_in_dim3A_85] : memref<1024x16xf32, #tpu.memory_space<vmem>>[vector<16xi32>, vector<16xi32>], vector<16xf32>,
        %mul3A_87 = arith.mulf %gather3A_86, %get3A_39 : vector<16xf32>
        tpu.vector_store_idx %arg11[%add3A_41, %broadcast_in_dim3A_85], %mul3A_87 : memref<1024x16xf32, #tpu.memory_space<vmem>>[vector<16xi32>, vector<16xi32>], vector<16xf32>,
        %broadcast_in_dim3A_88 = arith.constant 12 : i32
        %broadcast_in_dim3A_89 = vector.broadcast %broadcast_in_dim3A_88 : i32 to vector<16xi32>
        %gather3A_90 = tpu.vector_load_idx %arg11[%add3A_41, %broadcast_in_dim3A_89] : memref<1024x16xf32, #tpu.memory_space<vmem>>[vector<16xi32>, vector<16xi32>], vector<16xf32>,
        %mul3A_91 = arith.mulf %gather3A_90, %get3A_39 : vector<16xf32>
        tpu.vector_store_idx %arg11[%add3A_41, %broadcast_in_dim3A_89], %mul3A_91 : memref<1024x16xf32, #tpu.memory_space<vmem>>[vector<16xi32>, vector<16xi32>], vector<16xf32>,
        %broadcast_in_dim3A_92 = arith.constant 13 : i32
        %broadcast_in_dim3A_93 = vector.broadcast %broadcast_in_dim3A_92 : i32 to vector<16xi32>
        %gather3A_94 = tpu.vector_load_idx %arg11[%add3A_41, %broadcast_in_dim3A_93] : memref<1024x16xf32, #tpu.memory_space<vmem>>[vector<16xi32>, vector<16xi32>], vector<16xf32>,
        %mul3A_95 = arith.mulf %gather3A_94, %get3A_39 : vector<16xf32>
        tpu.vector_store_idx %arg11[%add3A_41, %broadcast_in_dim3A_93], %mul3A_95 : memref<1024x16xf32, #tpu.memory_space<vmem>>[vector<16xi32>, vector<16xi32>], vector<16xf32>,
        %broadcast_in_dim3A_96 = arith.constant 14 : i32
        %broadcast_in_dim3A_97 = vector.broadcast %broadcast_in_dim3A_96 : i32 to vector<16xi32>
        %gather3A_98 = tpu.vector_load_idx %arg11[%add3A_41, %broadcast_in_dim3A_97] : memref<1024x16xf32, #tpu.memory_space<vmem>>[vector<16xi32>, vector<16xi32>], vector<16xf32>,
        %mul3A_99 = arith.mulf %gather3A_98, %get3A_39 : vector<16xf32>
        tpu.vector_store_idx %arg11[%add3A_41, %broadcast_in_dim3A_97], %mul3A_99 : memref<1024x16xf32, #tpu.memory_space<vmem>>[vector<16xi32>, vector<16xi32>], vector<16xf32>,
        %broadcast_in_dim3A_100 = arith.constant 15 : i32
        %broadcast_in_dim3A_101 = vector.broadcast %broadcast_in_dim3A_100 : i32 to vector<16xi32>
        %gather3A_102 = tpu.vector_load_idx %arg11[%add3A_41, %broadcast_in_dim3A_101] : memref<1024x16xf32, #tpu.memory_space<vmem>>[vector<16xi32>, vector<16xi32>], vector<16xf32>,
        %mul3A_103 = arith.mulf %gather3A_102, %get3A_39 : vector<16xf32>
        tpu.vector_store_idx %arg11[%add3A_41, %broadcast_in_dim3A_101], %mul3A_103 : memref<1024x16xf32, #tpu.memory_space<vmem>>[vector<16xi32>, vector<16xi32>], vector<16xf32>,
      }
      %scan3A_31 = arith.constant 64 : i32
      "tpu.region"() ({
        %run_scoped3A = tpu.sem_alloc : memref<!tpu.dma_semaphore, #tpu.memory_space<semaphore_mem>>
        %dma_start3A = arith.constant 0 : i32
        %dma_start3A_32 = arith.constant 0 : i32
        %dma_start3A_33 = tpu.memref_slice %arg12[%dma_start3A, %dma_start3A_32] : memref<50048x16xf32, #tpu.memory_space<vmem_shared>> -> memref<50048x16xf32, #tpu.memory_space<vmem_shared>>
        tpu.enqueue_indirect_dma source(%arg11 : memref<1024x16xf32, #tpu.memory_space<vmem>>) target(%dma_start3A_33 : memref<50048x16xf32, #tpu.memory_space<vmem_shared>>) offsets(%arg9 : memref<1024xi32, #tpu.memory_space<vmem>>) semaphore(%run_scoped3A : memref<!tpu.dma_semaphore, #tpu.memory_space<semaphore_mem>>) {add = true}
        %dma_wait3A = arith.constant 0 : i32
        %dma_wait3A_34 = arith.constant 0 : i32
        %dma_wait3A_35 = tpu.memref_slice %arg12[%dma_wait3A, %dma_wait3A_34] : memref<50048x16xf32, #tpu.memory_space<vmem_shared>> -> memref<50048x16xf32, #tpu.memory_space<vmem_shared>>
        tpu.wait_indirect_dma semaphore(%run_scoped3A : memref<!tpu.dma_semaphore, #tpu.memory_space<semaphore_mem>>) src(%arg11 : memref<1024x16xf32, #tpu.memory_space<vmem>>) dst(%dma_wait3A_35 : memref<50048x16xf32, #tpu.memory_space<vmem_shared>>)
        tpu.yield
      }) : () -> ()
    }
    %scan3A_10 = arith.constant 25 : i32
    %barrier3A_11 = arith.constant 0 : index
    tpu.barrier barrier_id(%barrier3A_11)
    %eq3A = arith.constant 0 : i32
    %eq3A_12 = arith.cmpi eq, %arg0, %eq3A : i32
    %convert_element_type3A = arith.extui %eq3A_12 : i1 to i32
    %cond3A = arith.constant 0 : i32
    %cond3A_13 = arith.cmpi ne, %convert_element_type3A, %cond3A : i32
    scf.if %cond3A_13 {
      %lt3A = arith.constant 15 : i32
      %lt3A_19 = arith.cmpi slt, %arg1, %lt3A : i32
      %convert_element_type3A_20 = arith.extui %lt3A_19 : i1 to i32
      %cond3A_21 = arith.constant 0 : i32
      %cond3A_22 = arith.constant 0 : i32
      %cond3A_23 = arith.cmpi ne, %convert_element_type3A_20, %cond3A_22 : i32
      scf.if %cond3A_23 {
        %mul3A_30 = arith.constant 3128 : i32
        %mul3A_31 = arith.muli %arg1, %mul3A_30 : i32
        %mul3A_32 = arith.constant 3128 : i32
        %mul3A_33 = arith.muli %arg1, %mul3A_32 : i32
        %add3A_34 = arith.constant 0 : i32
        %add3A_35 = arith.addi %add3A_34, %mul3A_33 : i32
        "tpu.region"() ({
          %run_scoped3A = tpu.sem_alloc : memref<!tpu.dma_semaphore, #tpu.memory_space<semaphore_mem>>
          %dma_start3A = arith.constant 0 : i32
          %dma_start3A_36 = arith.constant 0 : i32
          %dma_start3A_37 = tpu.memref_slice %arg7[%cond3A_21, %dma_start3A, %dma_start3A_36] : memref<2x50000x16xf32, #tpu.memory_space<hbm>> -> memref<1x50000x16xf32, #tpu.memory_space<hbm>>
          %dma_start3A_38 = tpu.memref_squeeze %dma_start3A_37 : memref<1x50000x16xf32, #tpu.memory_space<hbm>> -> memref<50000x16xf32, #tpu.memory_space<hbm>>
          %dma_start3A_39 = arith.constant 0 : i32
          %dma_start3A_40 = tpu.memref_slice %dma_start3A_38[%add3A_35, %dma_start3A_39] : memref<50000x16xf32, #tpu.memory_space<hbm>> -> memref<3128x16xf32, #tpu.memory_space<hbm>>
          %dma_start3A_41 = arith.constant 0 : i32
          %dma_start3A_42 = tpu.memref_slice %arg12[%mul3A_31, %dma_start3A_41] : memref<50048x16xf32, #tpu.memory_space<vmem_shared>> -> memref<3128x16xf32, #tpu.memory_space<vmem_shared>>
          tpu.enqueue_dma source(%dma_start3A_42 : memref<3128x16xf32, #tpu.memory_space<vmem_shared>>) target(%dma_start3A_40 : memref<3128x16xf32, #tpu.memory_space<hbm>>) target_semaphore(%run_scoped3A : memref<!tpu.dma_semaphore, #tpu.memory_space<semaphore_mem>>)
          %dma_wait3A = arith.constant 0 : i32
          %dma_wait3A_43 = arith.constant 0 : i32
          %dma_wait3A_44 = tpu.memref_slice %arg7[%cond3A_21, %dma_wait3A, %dma_wait3A_43] : memref<2x50000x16xf32, #tpu.memory_space<hbm>> -> memref<1x50000x16xf32, #tpu.memory_space<hbm>>
          %dma_wait3A_45 = tpu.memref_squeeze %dma_wait3A_44 : memref<1x50000x16xf32, #tpu.memory_space<hbm>> -> memref<50000x16xf32, #tpu.memory_space<hbm>>
          %dma_wait3A_46 = arith.constant 0 : i32
          %dma_wait3A_47 = tpu.memref_slice %dma_wait3A_45[%add3A_35, %dma_wait3A_46] : memref<50000x16xf32, #tpu.memory_space<hbm>> -> memref<3128x16xf32, #tpu.memory_space<hbm>>
          %dma_wait3A_48 = arith.constant 0 : i32
          %dma_wait3A_49 = tpu.memref_slice %arg12[%mul3A_31, %dma_wait3A_48] : memref<50048x16xf32, #tpu.memory_space<vmem_shared>> -> memref<3128x16xf32, #tpu.memory_space<vmem_shared>>
          tpu.wait_dma2 semaphore(%run_scoped3A : memref<!tpu.dma_semaphore, #tpu.memory_space<semaphore_mem>>) src(%dma_wait3A_49 : memref<3128x16xf32, #tpu.memory_space<vmem_shared>>) dst(%dma_wait3A_47 : memref<3128x16xf32, #tpu.memory_space<hbm>>)
          tpu.yield
        }) : () -> ()
      } else {
      }
      %eq3A_24 = arith.constant 15 : i32
      %eq3A_25 = arith.cmpi eq, %arg1, %eq3A_24 : i32
      %convert_element_type3A_26 = arith.extui %eq3A_25 : i1 to i32
      %cond3A_27 = arith.constant 0 : i32
      %cond3A_28 = arith.constant 0 : i32
      %cond3A_29 = arith.cmpi ne, %convert_element_type3A_26, %cond3A_28 : i32
      scf.if %cond3A_29 {
        "tpu.region"() ({
          %run_scoped3A = tpu.sem_alloc : memref<!tpu.dma_semaphore, #tpu.memory_space<semaphore_mem>>
          %dma_start3A = arith.constant 0 : i32
          %dma_start3A_30 = arith.constant 0 : i32
          %dma_start3A_31 = tpu.memref_slice %arg7[%cond3A_27, %dma_start3A, %dma_start3A_30] : memref<2x50000x16xf32, #tpu.memory_space<hbm>> -> memref<1x50000x16xf32, #tpu.memory_space<hbm>>
          %dma_start3A_32 = tpu.memref_squeeze %dma_start3A_31 : memref<1x50000x16xf32, #tpu.memory_space<hbm>> -> memref<50000x16xf32, #tpu.memory_space<hbm>>
          %dma_start3A_33 = arith.constant 46920 : i32
          %dma_start3A_34 = arith.constant 0 : i32
          %dma_start3A_35 = tpu.memref_slice %dma_start3A_32[%dma_start3A_33, %dma_start3A_34] : memref<50000x16xf32, #tpu.memory_space<hbm>> -> memref<3080x16xf32, #tpu.memory_space<hbm>>
          %dma_start3A_36 = arith.constant 46920 : i32
          %dma_start3A_37 = arith.constant 0 : i32
          %dma_start3A_38 = tpu.memref_slice %arg12[%dma_start3A_36, %dma_start3A_37] : memref<50048x16xf32, #tpu.memory_space<vmem_shared>> -> memref<3080x16xf32, #tpu.memory_space<vmem_shared>>
          tpu.enqueue_dma source(%dma_start3A_38 : memref<3080x16xf32, #tpu.memory_space<vmem_shared>>) target(%dma_start3A_35 : memref<3080x16xf32, #tpu.memory_space<hbm>>) target_semaphore(%run_scoped3A : memref<!tpu.dma_semaphore, #tpu.memory_space<semaphore_mem>>)
          %dma_wait3A = arith.constant 0 : i32
          %dma_wait3A_39 = arith.constant 0 : i32
          %dma_wait3A_40 = tpu.memref_slice %arg7[%cond3A_27, %dma_wait3A, %dma_wait3A_39] : memref<2x50000x16xf32, #tpu.memory_space<hbm>> -> memref<1x50000x16xf32, #tpu.memory_space<hbm>>
          %dma_wait3A_41 = tpu.memref_squeeze %dma_wait3A_40 : memref<1x50000x16xf32, #tpu.memory_space<hbm>> -> memref<50000x16xf32, #tpu.memory_space<hbm>>
          %dma_wait3A_42 = arith.constant 46920 : i32
          %dma_wait3A_43 = arith.constant 0 : i32
          %dma_wait3A_44 = tpu.memref_slice %dma_wait3A_41[%dma_wait3A_42, %dma_wait3A_43] : memref<50000x16xf32, #tpu.memory_space<hbm>> -> memref<3080x16xf32, #tpu.memory_space<hbm>>
          %dma_wait3A_45 = arith.constant 46920 : i32
          %dma_wait3A_46 = arith.constant 0 : i32
          %dma_wait3A_47 = tpu.memref_slice %arg12[%dma_wait3A_45, %dma_wait3A_46] : memref<50048x16xf32, #tpu.memory_space<vmem_shared>> -> memref<3080x16xf32, #tpu.memory_space<vmem_shared>>
          tpu.wait_dma2 semaphore(%run_scoped3A : memref<!tpu.dma_semaphore, #tpu.memory_space<semaphore_mem>>) src(%dma_wait3A_47 : memref<3080x16xf32, #tpu.memory_space<vmem_shared>>) dst(%dma_wait3A_44 : memref<3080x16xf32, #tpu.memory_space<hbm>>)
          tpu.yield
        }) : () -> ()
      } else {
      }
    } else {
    }
    %eq3A_14 = arith.constant 1 : i32
    %eq3A_15 = arith.cmpi eq, %arg0, %eq3A_14 : i32
    %convert_element_type3A_16 = arith.extui %eq3A_15 : i1 to i32
    %cond3A_17 = arith.constant 0 : i32
    %cond3A_18 = arith.cmpi ne, %convert_element_type3A_16, %cond3A_17 : i32
    scf.if %cond3A_18 {
      %lt3A = arith.constant 15 : i32
      %lt3A_19 = arith.cmpi slt, %arg1, %lt3A : i32
      %convert_element_type3A_20 = arith.extui %lt3A_19 : i1 to i32
      %cond3A_21 = arith.constant 1 : i32
      %cond3A_22 = arith.constant 0 : i32
      %cond3A_23 = arith.cmpi ne, %convert_element_type3A_20, %cond3A_22 : i32
      scf.if %cond3A_23 {
        %mul3A_30 = arith.constant 3128 : i32
        %mul3A_31 = arith.muli %arg1, %mul3A_30 : i32
        %mul3A_32 = arith.constant 3128 : i32
        %mul3A_33 = arith.muli %arg1, %mul3A_32 : i32
        %add3A_34 = arith.constant 0 : i32
        %add3A_35 = arith.addi %add3A_34, %mul3A_33 : i32
        "tpu.region"() ({
          %run_scoped3A = tpu.sem_alloc : memref<!tpu.dma_semaphore, #tpu.memory_space<semaphore_mem>>
          %dma_start3A = arith.constant 0 : i32
          %dma_start3A_36 = arith.constant 0 : i32
          %dma_start3A_37 = tpu.memref_slice %arg7[%cond3A_21, %dma_start3A, %dma_start3A_36] : memref<2x50000x16xf32, #tpu.memory_space<hbm>> -> memref<1x50000x16xf32, #tpu.memory_space<hbm>>
          %dma_start3A_38 = tpu.memref_squeeze %dma_start3A_37 : memref<1x50000x16xf32, #tpu.memory_space<hbm>> -> memref<50000x16xf32, #tpu.memory_space<hbm>>
          %dma_start3A_39 = arith.constant 0 : i32
          %dma_start3A_40 = tpu.memref_slice %dma_start3A_38[%add3A_35, %dma_start3A_39] : memref<50000x16xf32, #tpu.memory_space<hbm>> -> memref<3128x16xf32, #tpu.memory_space<hbm>>
          %dma_start3A_41 = arith.constant 0 : i32
          %dma_start3A_42 = tpu.memref_slice %arg12[%mul3A_31, %dma_start3A_41] : memref<50048x16xf32, #tpu.memory_space<vmem_shared>> -> memref<3128x16xf32, #tpu.memory_space<vmem_shared>>
          tpu.enqueue_dma source(%dma_start3A_42 : memref<3128x16xf32, #tpu.memory_space<vmem_shared>>) target(%dma_start3A_40 : memref<3128x16xf32, #tpu.memory_space<hbm>>) target_semaphore(%run_scoped3A : memref<!tpu.dma_semaphore, #tpu.memory_space<semaphore_mem>>)
          %dma_wait3A = arith.constant 0 : i32
          %dma_wait3A_43 = arith.constant 0 : i32
          %dma_wait3A_44 = tpu.memref_slice %arg7[%cond3A_21, %dma_wait3A, %dma_wait3A_43] : memref<2x50000x16xf32, #tpu.memory_space<hbm>> -> memref<1x50000x16xf32, #tpu.memory_space<hbm>>
          %dma_wait3A_45 = tpu.memref_squeeze %dma_wait3A_44 : memref<1x50000x16xf32, #tpu.memory_space<hbm>> -> memref<50000x16xf32, #tpu.memory_space<hbm>>
          %dma_wait3A_46 = arith.constant 0 : i32
          %dma_wait3A_47 = tpu.memref_slice %dma_wait3A_45[%add3A_35, %dma_wait3A_46] : memref<50000x16xf32, #tpu.memory_space<hbm>> -> memref<3128x16xf32, #tpu.memory_space<hbm>>
          %dma_wait3A_48 = arith.constant 0 : i32
          %dma_wait3A_49 = tpu.memref_slice %arg12[%mul3A_31, %dma_wait3A_48] : memref<50048x16xf32, #tpu.memory_space<vmem_shared>> -> memref<3128x16xf32, #tpu.memory_space<vmem_shared>>
          tpu.wait_dma2 semaphore(%run_scoped3A : memref<!tpu.dma_semaphore, #tpu.memory_space<semaphore_mem>>) src(%dma_wait3A_49 : memref<3128x16xf32, #tpu.memory_space<vmem_shared>>) dst(%dma_wait3A_47 : memref<3128x16xf32, #tpu.memory_space<hbm>>)
          tpu.yield
        }) : () -> ()
      } else {
      }
      %eq3A_24 = arith.constant 15 : i32
      %eq3A_25 = arith.cmpi eq, %arg1, %eq3A_24 : i32
      %convert_element_type3A_26 = arith.extui %eq3A_25 : i1 to i32
      %cond3A_27 = arith.constant 1 : i32
      %cond3A_28 = arith.constant 0 : i32
      %cond3A_29 = arith.cmpi ne, %convert_element_type3A_26, %cond3A_28 : i32
      scf.if %cond3A_29 {
        "tpu.region"() ({
          %run_scoped3A = tpu.sem_alloc : memref<!tpu.dma_semaphore, #tpu.memory_space<semaphore_mem>>
          %dma_start3A = arith.constant 0 : i32
          %dma_start3A_30 = arith.constant 0 : i32
          %dma_start3A_31 = tpu.memref_slice %arg7[%cond3A_27, %dma_start3A, %dma_start3A_30] : memref<2x50000x16xf32, #tpu.memory_space<hbm>> -> memref<1x50000x16xf32, #tpu.memory_space<hbm>>
          %dma_start3A_32 = tpu.memref_squeeze %dma_start3A_31 : memref<1x50000x16xf32, #tpu.memory_space<hbm>> -> memref<50000x16xf32, #tpu.memory_space<hbm>>
          %dma_start3A_33 = arith.constant 46920 : i32
          %dma_start3A_34 = arith.constant 0 : i32
          %dma_start3A_35 = tpu.memref_slice %dma_start3A_32[%dma_start3A_33, %dma_start3A_34] : memref<50000x16xf32, #tpu.memory_space<hbm>> -> memref<3080x16xf32, #tpu.memory_space<hbm>>
          %dma_start3A_36 = arith.constant 46920 : i32
          %dma_start3A_37 = arith.constant 0 : i32
          %dma_start3A_38 = tpu.memref_slice %arg12[%dma_start3A_36, %dma_start3A_37] : memref<50048x16xf32, #tpu.memory_space<vmem_shared>> -> memref<3080x16xf32, #tpu.memory_space<vmem_shared>>
          tpu.enqueue_dma source(%dma_start3A_38 : memref<3080x16xf32, #tpu.memory_space<vmem_shared>>) target(%dma_start3A_35 : memref<3080x16xf32, #tpu.memory_space<hbm>>) target_semaphore(%run_scoped3A : memref<!tpu.dma_semaphore, #tpu.memory_space<semaphore_mem>>)
          %dma_wait3A = arith.constant 0 : i32
          %dma_wait3A_39 = arith.constant 0 : i32
          %dma_wait3A_40 = tpu.memref_slice %arg7[%cond3A_27, %dma_wait3A, %dma_wait3A_39] : memref<2x50000x16xf32, #tpu.memory_space<hbm>> -> memref<1x50000x16xf32, #tpu.memory_space<hbm>>
          %dma_wait3A_41 = tpu.memref_squeeze %dma_wait3A_40 : memref<1x50000x16xf32, #tpu.memory_space<hbm>> -> memref<50000x16xf32, #tpu.memory_space<hbm>>
          %dma_wait3A_42 = arith.constant 46920 : i32
          %dma_wait3A_43 = arith.constant 0 : i32
          %dma_wait3A_44 = tpu.memref_slice %dma_wait3A_41[%dma_wait3A_42, %dma_wait3A_43] : memref<50000x16xf32, #tpu.memory_space<hbm>> -> memref<3080x16xf32, #tpu.memory_space<hbm>>
          %dma_wait3A_45 = arith.constant 46920 : i32
          %dma_wait3A_46 = arith.constant 0 : i32
          %dma_wait3A_47 = tpu.memref_slice %arg12[%dma_wait3A_45, %dma_wait3A_46] : memref<50048x16xf32, #tpu.memory_space<vmem_shared>> -> memref<3080x16xf32, #tpu.memory_space<vmem_shared>>
          tpu.wait_dma2 semaphore(%run_scoped3A : memref<!tpu.dma_semaphore, #tpu.memory_space<semaphore_mem>>) src(%dma_wait3A_47 : memref<3080x16xf32, #tpu.memory_space<vmem_shared>>) dst(%dma_wait3A_44 : memref<3080x16xf32, #tpu.memory_space<hbm>>)
          tpu.yield
        }) : () -> ()
      } else {
      }
    } else {
    }
    return
  }
}

#map = affine_map<(d0, d1) -> (0, 0, 0)>
#map1 = affine_map<(d0, d1) -> (0)>
#map2 = affine_map<(d0, d1) -> (0, 0)>
module attributes {stable_mosaic.version = 14 : i64} {
  func.func @k(%arg0: i32, %arg1: i32, %arg2: memref<16x50000x16xf32, #tpu.memory_space<hbm>>, %arg3: memref<212992xi32, #tpu.memory_space<hbm>>, %arg4: memref<212992xi32, #tpu.memory_space<hbm>>, %arg5: memref<212992xf32, #tpu.memory_space<hbm>>, %arg6: memref<66816x16xf32, #tpu.memory_space<hbm>>, %arg7: memref<16x200000x16xf32, #tpu.memory_space<hbm>>, %arg8: memref<1024xi32, #tpu.memory_space<vmem>>, %arg9: memref<1024xi32, #tpu.memory_space<vmem>>, %arg10: memref<1024xi32, #tpu.memory_space<vmem>>, %arg11: memref<1024xf32, #tpu.memory_space<vmem>>, %arg12: memref<1024x16xf32, #tpu.memory_space<vmem>>, %arg13: memref<66816x16xf32, #tpu.memory_space<vmem_shared>>) attributes {dimension_semantics = [#tpu.dimension_semantics<core_parallel>, #tpu.dimension_semantics<subcore_parallel>], iteration_bounds = array<i64: 2, 16>, scalar_prefetch = 0 : i64, scratch_operands = 6 : i64, tpu.core_type = #tpu.core_type<sc_vector_subcore>, window_params = [{transform_indices = #map}, {transform_indices = #map1}, {transform_indices = #map1}, {transform_indices = #map1}, {transform_indices = #map2}, {transform_indices = #map}]} {
    %scan3A = arith.constant 0 : i32
    %scan3A_0 = arith.constant 8 : i32
    %scan3A_1 = arith.addi %scan3A, %scan3A_0 : i32
    %scan3A_2 = arith.constant 1 : i32
    scf.for %scan3A_14 = %scan3A to %scan3A_1 step %scan3A_2  : i32 {
      %mul3A = arith.constant 1 : i32
      %mul3A_15 = arith.muli %scan3A_14, %mul3A : i32
      %add3A = arith.constant 0 : i32
      %add3A_16 = arith.addi %add3A, %mul3A_15 : i32
      %mul3A_17 = arith.constant 8 : i32
      %mul3A_18 = arith.muli %arg0, %mul3A_17 : i32
      %add3A_19 = arith.addi %mul3A_18, %add3A_16 : i32
      %mul3A_20 = arith.constant 4176 : i32
      %mul3A_21 = arith.muli %arg1, %mul3A_20 : i32
      %mul3A_22 = arith.constant 4176 : i32
      %mul3A_23 = arith.muli %arg1, %mul3A_22 : i32
      "tpu.region"() ({
        %run_scoped3A = tpu.sem_alloc : memref<!tpu.dma_semaphore, #tpu.memory_space<semaphore_mem>>
        %dma_start3A = arith.constant 0 : i32
        %dma_start3A_37 = tpu.memref_slice %arg13[%mul3A_23, %dma_start3A] : memref<66816x16xf32, #tpu.memory_space<vmem_shared>> -> memref<4176x16xf32, #tpu.memory_space<vmem_shared>>
        %dma_start3A_38 = arith.constant 0 : i32
        %dma_start3A_39 = tpu.memref_slice %arg6[%mul3A_21, %dma_start3A_38] : memref<66816x16xf32, #tpu.memory_space<hbm>> -> memref<4176x16xf32, #tpu.memory_space<hbm>>
        tpu.enqueue_dma source(%dma_start3A_39 : memref<4176x16xf32, #tpu.memory_space<hbm>>) target(%dma_start3A_37 : memref<4176x16xf32, #tpu.memory_space<vmem_shared>>) target_semaphore(%run_scoped3A : memref<!tpu.dma_semaphore, #tpu.memory_space<semaphore_mem>>)
        %dma_wait3A = arith.constant 0 : i32
        %dma_wait3A_40 = tpu.memref_slice %arg13[%mul3A_23, %dma_wait3A] : memref<66816x16xf32, #tpu.memory_space<vmem_shared>> -> memref<4176x16xf32, #tpu.memory_space<vmem_shared>>
        %dma_wait3A_41 = arith.constant 0 : i32
        %dma_wait3A_42 = tpu.memref_slice %arg6[%mul3A_21, %dma_wait3A_41] : memref<66816x16xf32, #tpu.memory_space<hbm>> -> memref<4176x16xf32, #tpu.memory_space<hbm>>
        tpu.wait_dma2 semaphore(%run_scoped3A : memref<!tpu.dma_semaphore, #tpu.memory_space<semaphore_mem>>) src(%dma_wait3A_42 : memref<4176x16xf32, #tpu.memory_space<hbm>>) dst(%dma_wait3A_40 : memref<4176x16xf32, #tpu.memory_space<vmem_shared>>)
        tpu.yield
      }) : () -> ()
      %barrier3A = arith.constant 0 : index
      tpu.barrier barrier_id(%barrier3A)
      %scan3A_24 = arith.constant 0 : i32
      %scan3A_25 = arith.constant 13 : i32
      %scan3A_26 = arith.addi %scan3A_24, %scan3A_25 : i32
      %scan3A_27 = arith.constant 1 : i32
      scf.for %scan3A_37 = %scan3A_24 to %scan3A_26 step %scan3A_27  : i32 {
        %mul3A_38 = arith.constant 1 : i32
        %mul3A_39 = arith.muli %scan3A_37, %mul3A_38 : i32
        %add3A_40 = arith.constant 0 : i32
        %add3A_41 = arith.addi %add3A_40, %mul3A_39 : i32
        %mul3A_42 = arith.constant 13312 : i32
        %mul3A_43 = arith.muli %arg1, %mul3A_42 : i32
        %mul3A_44 = arith.constant 1024 : i32
        %mul3A_45 = arith.muli %add3A_41, %mul3A_44 : i32
        %add3A_46 = arith.addi %mul3A_43, %mul3A_45 : i32
        "tpu.region"() ({
          %run_scoped3A = tpu.sem_alloc : memref<!tpu.dma_semaphore, #tpu.memory_space<semaphore_mem>>
          %dma_start3A = tpu.memref_slice %arg3[%add3A_46] : memref<212992xi32, #tpu.memory_space<hbm>> -> memref<1024xi32, #tpu.memory_space<hbm>>
          %dma_start3A_57 = tpu.memref_slice %arg3[%add3A_46] : memref<212992xi32, #tpu.memory_space<hbm>> -> memref<1024xi32, #tpu.memory_space<hbm>>
          tpu.enqueue_dma source(%dma_start3A_57 : memref<1024xi32, #tpu.memory_space<hbm>>) target(%arg8 : memref<1024xi32, #tpu.memory_space<vmem>>) target_semaphore(%run_scoped3A : memref<!tpu.dma_semaphore, #tpu.memory_space<semaphore_mem>>)
          %dma_wait3A = tpu.memref_slice %arg3[%add3A_46] : memref<212992xi32, #tpu.memory_space<hbm>> -> memref<1024xi32, #tpu.memory_space<hbm>>
          %dma_wait3A_58 = tpu.memref_slice %arg3[%add3A_46] : memref<212992xi32, #tpu.memory_space<hbm>> -> memref<1024xi32, #tpu.memory_space<hbm>>
          tpu.wait_dma2 semaphore(%run_scoped3A : memref<!tpu.dma_semaphore, #tpu.memory_space<semaphore_mem>>) src(%dma_wait3A_58 : memref<1024xi32, #tpu.memory_space<hbm>>) dst(%arg8 : memref<1024xi32, #tpu.memory_space<vmem>>)
          tpu.yield
        }) : () -> ()
        "tpu.region"() ({
          %run_scoped3A = tpu.sem_alloc : memref<!tpu.dma_semaphore, #tpu.memory_space<semaphore_mem>>
          %dma_start3A = tpu.memref_slice %arg4[%add3A_46] : memref<212992xi32, #tpu.memory_space<hbm>> -> memref<1024xi32, #tpu.memory_space<hbm>>
          %dma_start3A_57 = tpu.memref_slice %arg4[%add3A_46] : memref<212992xi32, #tpu.memory_space<hbm>> -> memref<1024xi32, #tpu.memory_space<hbm>>
          tpu.enqueue_dma source(%dma_start3A_57 : memref<1024xi32, #tpu.memory_space<hbm>>) target(%arg9 : memref<1024xi32, #tpu.memory_space<vmem>>) target_semaphore(%run_scoped3A : memref<!tpu.dma_semaphore, #tpu.memory_space<semaphore_mem>>)
          %dma_wait3A = tpu.memref_slice %arg4[%add3A_46] : memref<212992xi32, #tpu.memory_space<hbm>> -> memref<1024xi32, #tpu.memory_space<hbm>>
          %dma_wait3A_58 = tpu.memref_slice %arg4[%add3A_46] : memref<212992xi32, #tpu.memory_space<hbm>> -> memref<1024xi32, #tpu.memory_space<hbm>>
          tpu.wait_dma2 semaphore(%run_scoped3A : memref<!tpu.dma_semaphore, #tpu.memory_space<semaphore_mem>>) src(%dma_wait3A_58 : memref<1024xi32, #tpu.memory_space<hbm>>) dst(%arg9 : memref<1024xi32, #tpu.memory_space<vmem>>)
          tpu.yield
        }) : () -> ()
        "tpu.region"() ({
          %run_scoped3A = tpu.sem_alloc : memref<!tpu.dma_semaphore, #tpu.memory_space<semaphore_mem>>
          %dma_start3A = tpu.memref_slice %arg5[%add3A_46] : memref<212992xf32, #tpu.memory_space<hbm>> -> memref<1024xf32, #tpu.memory_space<hbm>>
          %dma_start3A_57 = tpu.memref_slice %arg5[%add3A_46] : memref<212992xf32, #tpu.memory_space<hbm>> -> memref<1024xf32, #tpu.memory_space<hbm>>
          tpu.enqueue_dma source(%dma_start3A_57 : memref<1024xf32, #tpu.memory_space<hbm>>) target(%arg11 : memref<1024xf32, #tpu.memory_space<vmem>>) target_semaphore(%run_scoped3A : memref<!tpu.dma_semaphore, #tpu.memory_space<semaphore_mem>>)
          %dma_wait3A = tpu.memref_slice %arg5[%add3A_46] : memref<212992xf32, #tpu.memory_space<hbm>> -> memref<1024xf32, #tpu.memory_space<hbm>>
          %dma_wait3A_58 = tpu.memref_slice %arg5[%add3A_46] : memref<212992xf32, #tpu.memory_space<hbm>> -> memref<1024xf32, #tpu.memory_space<hbm>>
          tpu.wait_dma2 semaphore(%run_scoped3A : memref<!tpu.dma_semaphore, #tpu.memory_space<semaphore_mem>>) src(%dma_wait3A_58 : memref<1024xf32, #tpu.memory_space<hbm>>) dst(%arg11 : memref<1024xf32, #tpu.memory_space<vmem>>)
          tpu.yield
        }) : () -> ()
        "tpu.region"() ({
          %run_scoped3A = tpu.sem_alloc : memref<!tpu.dma_semaphore, #tpu.memory_space<semaphore_mem>>
          %dma_start3A = arith.constant 0 : i32
          %dma_start3A_57 = arith.constant 0 : i32
          %dma_start3A_58 = tpu.memref_slice %arg2[%add3A_19, %dma_start3A, %dma_start3A_57] : memref<16x50000x16xf32, #tpu.memory_space<hbm>> -> memref<1x50000x16xf32, #tpu.memory_space<hbm>>
          %dma_start3A_59 = tpu.memref_squeeze %dma_start3A_58 : memref<1x50000x16xf32, #tpu.memory_space<hbm>> -> memref<50000x16xf32, #tpu.memory_space<hbm>>
          %dma_start3A_60 = arith.constant 0 : i32
          %dma_start3A_61 = arith.constant 0 : i32
          %dma_start3A_62 = tpu.memref_slice %dma_start3A_59[%dma_start3A_60, %dma_start3A_61] : memref<50000x16xf32, #tpu.memory_space<hbm>> -> memref<50000x16xf32, #tpu.memory_space<hbm>>
          tpu.enqueue_indirect_dma source(%dma_start3A_62 : memref<50000x16xf32, #tpu.memory_space<hbm>>) target(%arg12 : memref<1024x16xf32, #tpu.memory_space<vmem>>) offsets(%arg8 : memref<1024xi32, #tpu.memory_space<vmem>>) semaphore(%run_scoped3A : memref<!tpu.dma_semaphore, #tpu.memory_space<semaphore_mem>>)
          %dma_wait3A = arith.constant 0 : i32
          %dma_wait3A_63 = arith.constant 0 : i32
          %dma_wait3A_64 = tpu.memref_slice %arg2[%add3A_19, %dma_wait3A, %dma_wait3A_63] : memref<16x50000x16xf32, #tpu.memory_space<hbm>> -> memref<1x50000x16xf32, #tpu.memory_space<hbm>>
          %dma_wait3A_65 = tpu.memref_squeeze %dma_wait3A_64 : memref<1x50000x16xf32, #tpu.memory_space<hbm>> -> memref<50000x16xf32, #tpu.memory_space<hbm>>
          %dma_wait3A_66 = arith.constant 0 : i32
          %dma_wait3A_67 = arith.constant 0 : i32
          %dma_wait3A_68 = tpu.memref_slice %dma_wait3A_65[%dma_wait3A_66, %dma_wait3A_67] : memref<50000x16xf32, #tpu.memory_space<hbm>> -> memref<50000x16xf32, #tpu.memory_space<hbm>>
          tpu.wait_indirect_dma semaphore(%run_scoped3A : memref<!tpu.dma_semaphore, #tpu.memory_space<semaphore_mem>>) src(%dma_wait3A_68 : memref<50000x16xf32, #tpu.memory_space<hbm>>) dst(%arg12 : memref<1024x16xf32, #tpu.memory_space<vmem>>)
          tpu.yield
        }) : () -> ()
        %scan3A_47 = arith.constant 0 : i32
        %scan3A_48 = arith.constant 64 : i32
        %scan3A_49 = arith.addi %scan3A_47, %scan3A_48 : i32
        %scan3A_50 = arith.constant 1 : i32
        scf.for %scan3A_57 = %scan3A_47 to %scan3A_49 step %scan3A_50  : i32 {
          %mul3A_58 = arith.constant 1 : i32
          %mul3A_59 = arith.muli %scan3A_57, %mul3A_58 : i32
          %add3A_60 = arith.constant 0 : i32
          %add3A_61 = arith.addi %add3A_60, %mul3A_59 : i32
          %mul3A_62 = arith.constant 16 : i32
          %mul3A_63 = arith.muli %add3A_61, %mul3A_62 : i32
          %get3A = arith.index_cast %mul3A_63 : i32 to index
          %get3A_64 = tpu.vector_load %arg11[%get3A] {strides = array<i32>} : memref<1024xf32, #tpu.memory_space<vmem>>, vector<16xf32>,
          %iota3A = tpu.iota {dimensions = array<i32: 0>} : vector<16xi32>
          %add3A_65 = vector.broadcast %mul3A_63 : i32 to vector<16xi32>
          %add3A_66 = arith.addi %add3A_65, %iota3A : vector<16xi32>
          %broadcast_in_dim3A = arith.constant 0 : i32
          %broadcast_in_dim3A_67 = vector.broadcast %broadcast_in_dim3A : i32 to vector<16xi32>
          %gather3A = tpu.vector_load_idx %arg12[%add3A_66, %broadcast_in_dim3A_67] : memref<1024x16xf32, #tpu.memory_space<vmem>>[vector<16xi32>, vector<16xi32>], vector<16xf32>,
          %mul3A_68 = arith.mulf %gather3A, %get3A_64 : vector<16xf32>
          tpu.vector_store_idx %arg12[%add3A_66, %broadcast_in_dim3A_67], %mul3A_68 : memref<1024x16xf32, #tpu.memory_space<vmem>>[vector<16xi32>, vector<16xi32>], vector<16xf32>,
          %broadcast_in_dim3A_69 = arith.constant 1 : i32
          %broadcast_in_dim3A_70 = vector.broadcast %broadcast_in_dim3A_69 : i32 to vector<16xi32>
          %gather3A_71 = tpu.vector_load_idx %arg12[%add3A_66, %broadcast_in_dim3A_70] : memref<1024x16xf32, #tpu.memory_space<vmem>>[vector<16xi32>, vector<16xi32>], vector<16xf32>,
          %mul3A_72 = arith.mulf %gather3A_71, %get3A_64 : vector<16xf32>
          tpu.vector_store_idx %arg12[%add3A_66, %broadcast_in_dim3A_70], %mul3A_72 : memref<1024x16xf32, #tpu.memory_space<vmem>>[vector<16xi32>, vector<16xi32>], vector<16xf32>,
          %broadcast_in_dim3A_73 = arith.constant 2 : i32
          %broadcast_in_dim3A_74 = vector.broadcast %broadcast_in_dim3A_73 : i32 to vector<16xi32>
          %gather3A_75 = tpu.vector_load_idx %arg12[%add3A_66, %broadcast_in_dim3A_74] : memref<1024x16xf32, #tpu.memory_space<vmem>>[vector<16xi32>, vector<16xi32>], vector<16xf32>,
          %mul3A_76 = arith.mulf %gather3A_75, %get3A_64 : vector<16xf32>
          tpu.vector_store_idx %arg12[%add3A_66, %broadcast_in_dim3A_74], %mul3A_76 : memref<1024x16xf32, #tpu.memory_space<vmem>>[vector<16xi32>, vector<16xi32>], vector<16xf32>,
          %broadcast_in_dim3A_77 = arith.constant 3 : i32
          %broadcast_in_dim3A_78 = vector.broadcast %broadcast_in_dim3A_77 : i32 to vector<16xi32>
          %gather3A_79 = tpu.vector_load_idx %arg12[%add3A_66, %broadcast_in_dim3A_78] : memref<1024x16xf32, #tpu.memory_space<vmem>>[vector<16xi32>, vector<16xi32>], vector<16xf32>,
          %mul3A_80 = arith.mulf %gather3A_79, %get3A_64 : vector<16xf32>
          tpu.vector_store_idx %arg12[%add3A_66, %broadcast_in_dim3A_78], %mul3A_80 : memref<1024x16xf32, #tpu.memory_space<vmem>>[vector<16xi32>, vector<16xi32>], vector<16xf32>,
          %broadcast_in_dim3A_81 = arith.constant 4 : i32
          %broadcast_in_dim3A_82 = vector.broadcast %broadcast_in_dim3A_81 : i32 to vector<16xi32>
          %gather3A_83 = tpu.vector_load_idx %arg12[%add3A_66, %broadcast_in_dim3A_82] : memref<1024x16xf32, #tpu.memory_space<vmem>>[vector<16xi32>, vector<16xi32>], vector<16xf32>,
          %mul3A_84 = arith.mulf %gather3A_83, %get3A_64 : vector<16xf32>
          tpu.vector_store_idx %arg12[%add3A_66, %broadcast_in_dim3A_82], %mul3A_84 : memref<1024x16xf32, #tpu.memory_space<vmem>>[vector<16xi32>, vector<16xi32>], vector<16xf32>,
          %broadcast_in_dim3A_85 = arith.constant 5 : i32
          %broadcast_in_dim3A_86 = vector.broadcast %broadcast_in_dim3A_85 : i32 to vector<16xi32>
          %gather3A_87 = tpu.vector_load_idx %arg12[%add3A_66, %broadcast_in_dim3A_86] : memref<1024x16xf32, #tpu.memory_space<vmem>>[vector<16xi32>, vector<16xi32>], vector<16xf32>,
          %mul3A_88 = arith.mulf %gather3A_87, %get3A_64 : vector<16xf32>
          tpu.vector_store_idx %arg12[%add3A_66, %broadcast_in_dim3A_86], %mul3A_88 : memref<1024x16xf32, #tpu.memory_space<vmem>>[vector<16xi32>, vector<16xi32>], vector<16xf32>,
          %broadcast_in_dim3A_89 = arith.constant 6 : i32
          %broadcast_in_dim3A_90 = vector.broadcast %broadcast_in_dim3A_89 : i32 to vector<16xi32>
          %gather3A_91 = tpu.vector_load_idx %arg12[%add3A_66, %broadcast_in_dim3A_90] : memref<1024x16xf32, #tpu.memory_space<vmem>>[vector<16xi32>, vector<16xi32>], vector<16xf32>,
          %mul3A_92 = arith.mulf %gather3A_91, %get3A_64 : vector<16xf32>
          tpu.vector_store_idx %arg12[%add3A_66, %broadcast_in_dim3A_90], %mul3A_92 : memref<1024x16xf32, #tpu.memory_space<vmem>>[vector<16xi32>, vector<16xi32>], vector<16xf32>,
          %broadcast_in_dim3A_93 = arith.constant 7 : i32
          %broadcast_in_dim3A_94 = vector.broadcast %broadcast_in_dim3A_93 : i32 to vector<16xi32>
          %gather3A_95 = tpu.vector_load_idx %arg12[%add3A_66, %broadcast_in_dim3A_94] : memref<1024x16xf32, #tpu.memory_space<vmem>>[vector<16xi32>, vector<16xi32>], vector<16xf32>,
          %mul3A_96 = arith.mulf %gather3A_95, %get3A_64 : vector<16xf32>
          tpu.vector_store_idx %arg12[%add3A_66, %broadcast_in_dim3A_94], %mul3A_96 : memref<1024x16xf32, #tpu.memory_space<vmem>>[vector<16xi32>, vector<16xi32>], vector<16xf32>,
          %broadcast_in_dim3A_97 = arith.constant 8 : i32
          %broadcast_in_dim3A_98 = vector.broadcast %broadcast_in_dim3A_97 : i32 to vector<16xi32>
          %gather3A_99 = tpu.vector_load_idx %arg12[%add3A_66, %broadcast_in_dim3A_98] : memref<1024x16xf32, #tpu.memory_space<vmem>>[vector<16xi32>, vector<16xi32>], vector<16xf32>,
          %mul3A_100 = arith.mulf %gather3A_99, %get3A_64 : vector<16xf32>
          tpu.vector_store_idx %arg12[%add3A_66, %broadcast_in_dim3A_98], %mul3A_100 : memref<1024x16xf32, #tpu.memory_space<vmem>>[vector<16xi32>, vector<16xi32>], vector<16xf32>,
          %broadcast_in_dim3A_101 = arith.constant 9 : i32
          %broadcast_in_dim3A_102 = vector.broadcast %broadcast_in_dim3A_101 : i32 to vector<16xi32>
          %gather3A_103 = tpu.vector_load_idx %arg12[%add3A_66, %broadcast_in_dim3A_102] : memref<1024x16xf32, #tpu.memory_space<vmem>>[vector<16xi32>, vector<16xi32>], vector<16xf32>,
          %mul3A_104 = arith.mulf %gather3A_103, %get3A_64 : vector<16xf32>
          tpu.vector_store_idx %arg12[%add3A_66, %broadcast_in_dim3A_102], %mul3A_104 : memref<1024x16xf32, #tpu.memory_space<vmem>>[vector<16xi32>, vector<16xi32>], vector<16xf32>,
          %broadcast_in_dim3A_105 = arith.constant 10 : i32
          %broadcast_in_dim3A_106 = vector.broadcast %broadcast_in_dim3A_105 : i32 to vector<16xi32>
          %gather3A_107 = tpu.vector_load_idx %arg12[%add3A_66, %broadcast_in_dim3A_106] : memref<1024x16xf32, #tpu.memory_space<vmem>>[vector<16xi32>, vector<16xi32>], vector<16xf32>,
          %mul3A_108 = arith.mulf %gather3A_107, %get3A_64 : vector<16xf32>
          tpu.vector_store_idx %arg12[%add3A_66, %broadcast_in_dim3A_106], %mul3A_108 : memref<1024x16xf32, #tpu.memory_space<vmem>>[vector<16xi32>, vector<16xi32>], vector<16xf32>,
          %broadcast_in_dim3A_109 = arith.constant 11 : i32
          %broadcast_in_dim3A_110 = vector.broadcast %broadcast_in_dim3A_109 : i32 to vector<16xi32>
          %gather3A_111 = tpu.vector_load_idx %arg12[%add3A_66, %broadcast_in_dim3A_110] : memref<1024x16xf32, #tpu.memory_space<vmem>>[vector<16xi32>, vector<16xi32>], vector<16xf32>,
          %mul3A_112 = arith.mulf %gather3A_111, %get3A_64 : vector<16xf32>
          tpu.vector_store_idx %arg12[%add3A_66, %broadcast_in_dim3A_110], %mul3A_112 : memref<1024x16xf32, #tpu.memory_space<vmem>>[vector<16xi32>, vector<16xi32>], vector<16xf32>,
          %broadcast_in_dim3A_113 = arith.constant 12 : i32
          %broadcast_in_dim3A_114 = vector.broadcast %broadcast_in_dim3A_113 : i32 to vector<16xi32>
          %gather3A_115 = tpu.vector_load_idx %arg12[%add3A_66, %broadcast_in_dim3A_114] : memref<1024x16xf32, #tpu.memory_space<vmem>>[vector<16xi32>, vector<16xi32>], vector<16xf32>,
          %mul3A_116 = arith.mulf %gather3A_115, %get3A_64 : vector<16xf32>
          tpu.vector_store_idx %arg12[%add3A_66, %broadcast_in_dim3A_114], %mul3A_116 : memref<1024x16xf32, #tpu.memory_space<vmem>>[vector<16xi32>, vector<16xi32>], vector<16xf32>,
          %broadcast_in_dim3A_117 = arith.constant 13 : i32
          %broadcast_in_dim3A_118 = vector.broadcast %broadcast_in_dim3A_117 : i32 to vector<16xi32>
          %gather3A_119 = tpu.vector_load_idx %arg12[%add3A_66, %broadcast_in_dim3A_118] : memref<1024x16xf32, #tpu.memory_space<vmem>>[vector<16xi32>, vector<16xi32>], vector<16xf32>,
          %mul3A_120 = arith.mulf %gather3A_119, %get3A_64 : vector<16xf32>
          tpu.vector_store_idx %arg12[%add3A_66, %broadcast_in_dim3A_118], %mul3A_120 : memref<1024x16xf32, #tpu.memory_space<vmem>>[vector<16xi32>, vector<16xi32>], vector<16xf32>,
          %broadcast_in_dim3A_121 = arith.constant 14 : i32
          %broadcast_in_dim3A_122 = vector.broadcast %broadcast_in_dim3A_121 : i32 to vector<16xi32>
          %gather3A_123 = tpu.vector_load_idx %arg12[%add3A_66, %broadcast_in_dim3A_122] : memref<1024x16xf32, #tpu.memory_space<vmem>>[vector<16xi32>, vector<16xi32>], vector<16xf32>,
          %mul3A_124 = arith.mulf %gather3A_123, %get3A_64 : vector<16xf32>
          tpu.vector_store_idx %arg12[%add3A_66, %broadcast_in_dim3A_122], %mul3A_124 : memref<1024x16xf32, #tpu.memory_space<vmem>>[vector<16xi32>, vector<16xi32>], vector<16xf32>,
          %broadcast_in_dim3A_125 = arith.constant 15 : i32
          %broadcast_in_dim3A_126 = vector.broadcast %broadcast_in_dim3A_125 : i32 to vector<16xi32>
          %gather3A_127 = tpu.vector_load_idx %arg12[%add3A_66, %broadcast_in_dim3A_126] : memref<1024x16xf32, #tpu.memory_space<vmem>>[vector<16xi32>, vector<16xi32>], vector<16xf32>,
          %mul3A_128 = arith.mulf %gather3A_127, %get3A_64 : vector<16xf32>
          tpu.vector_store_idx %arg12[%add3A_66, %broadcast_in_dim3A_126], %mul3A_128 : memref<1024x16xf32, #tpu.memory_space<vmem>>[vector<16xi32>, vector<16xi32>], vector<16xf32>,
        }
        %scan3A_51 = arith.constant 64 : i32
        %scan3A_52 = arith.constant 0 : i32
        %scan3A_53 = arith.constant 64 : i32
        %scan3A_54 = arith.addi %scan3A_52, %scan3A_53 : i32
        %scan3A_55 = arith.constant 1 : i32
        scf.for %scan3A_57 = %scan3A_52 to %scan3A_54 step %scan3A_55  : i32 {
          %mul3A_58 = arith.constant 1 : i32
          %mul3A_59 = arith.muli %scan3A_57, %mul3A_58 : i32
          %add3A_60 = arith.constant 0 : i32
          %add3A_61 = arith.addi %add3A_60, %mul3A_59 : i32
          %mul3A_62 = arith.constant 16 : i32
          %mul3A_63 = arith.muli %add3A_61, %mul3A_62 : i32
          %get3A = arith.index_cast %mul3A_63 : i32 to index
          %get3A_64 = tpu.vector_load %arg9[%get3A] {strides = array<i32>} : memref<1024xi32, #tpu.memory_space<vmem>>, vector<16xi32>,
          %sub3A = arith.constant 0 : i32
          %sub3A_65 = vector.broadcast %sub3A : i32 to vector<16xi32>
          %sub3A_66 = arith.subi %get3A_64, %sub3A_65 : vector<16xi32>
          %ge3A = arith.constant 0 : i32
          %ge3A_67 = vector.broadcast %ge3A : i32 to vector<16xi32>
          %ge3A_68 = arith.cmpi sge, %sub3A_66, %ge3A_67 : vector<16xi32>
          %lt3A_69 = arith.constant 66688 : i32
          %lt3A_70 = vector.broadcast %lt3A_69 : i32 to vector<16xi32>
          %lt3A_71 = arith.cmpi slt, %sub3A_66, %lt3A_70 : vector<16xi32>
          %and3A = arith.andi %ge3A_68, %lt3A_71 : vector<16xi1>
          %iota3A = tpu.iota {dimensions = array<i32: 0>} : vector<16xi32>
          %add3A_72 = arith.constant 66688 : i32
          %add3A_73 = vector.broadcast %add3A_72 : i32 to vector<16xi32>
          %add3A_74 = arith.addi %add3A_73, %iota3A : vector<16xi32>
          %select_n3A = arith.select %and3A, %sub3A_66, %add3A_74 : vector<16xi1>, vector<16xi32>
          %swap3A = arith.index_cast %mul3A_63 : i32 to index
          %swap3A_75 = tpu.vector_load %arg10[%swap3A] {strides = array<i32>} : memref<1024xi32, #tpu.memory_space<vmem>>, vector<16xi32>,
          tpu.vector_store %arg10[%swap3A], %select_n3A {strides = array<i32>} : memref<1024xi32, #tpu.memory_space<vmem>>, vector<16xi32>,
        }
        %scan3A_56 = arith.constant 64 : i32
        "tpu.region"() ({
          %run_scoped3A = tpu.sem_alloc : memref<!tpu.dma_semaphore, #tpu.memory_space<semaphore_mem>>
          %dma_start3A = arith.constant 0 : i32
          %dma_start3A_57 = arith.constant 0 : i32
          %dma_start3A_58 = tpu.memref_slice %arg13[%dma_start3A, %dma_start3A_57] : memref<66816x16xf32, #tpu.memory_space<vmem_shared>> -> memref<66816x16xf32, #tpu.memory_space<vmem_shared>>
          tpu.enqueue_indirect_dma source(%arg12 : memref<1024x16xf32, #tpu.memory_space<vmem>>) target(%dma_start3A_58 : memref<66816x16xf32, #tpu.memory_space<vmem_shared>>) offsets(%arg10 : memref<1024xi32, #tpu.memory_space<vmem>>) semaphore(%run_scoped3A : memref<!tpu.dma_semaphore, #tpu.memory_space<semaphore_mem>>) {add = true}
          %dma_wait3A = arith.constant 0 : i32
          %dma_wait3A_59 = arith.constant 0 : i32
          %dma_wait3A_60 = tpu.memref_slice %arg13[%dma_wait3A, %dma_wait3A_59] : memref<66816x16xf32, #tpu.memory_space<vmem_shared>> -> memref<66816x16xf32, #tpu.memory_space<vmem_shared>>
          tpu.wait_indirect_dma semaphore(%run_scoped3A : memref<!tpu.dma_semaphore, #tpu.memory_space<semaphore_mem>>) src(%arg12 : memref<1024x16xf32, #tpu.memory_space<vmem>>) dst(%dma_wait3A_60 : memref<66816x16xf32, #tpu.memory_space<vmem_shared>>)
          tpu.yield
        }) : () -> ()
      }
      %scan3A_28 = arith.constant 13 : i32
      %barrier3A_29 = arith.constant 0 : index
      tpu.barrier barrier_id(%barrier3A_29)
      %lt3A = arith.constant 15 : i32
      %lt3A_30 = arith.cmpi slt, %arg1, %lt3A : i32
      %convert_element_type3A = arith.extui %lt3A_30 : i1 to i32
      %cond3A = arith.constant 0 : i32
      %cond3A_31 = arith.cmpi ne, %convert_element_type3A, %cond3A : i32
      scf.if %cond3A_31 {
        %mul3A_37 = arith.constant 4168 : i32
        %mul3A_38 = arith.muli %arg1, %mul3A_37 : i32
        %mul3A_39 = arith.constant 4168 : i32
        %mul3A_40 = arith.muli %arg1, %mul3A_39 : i32
        %add3A_41 = arith.constant 0 : i32
        %add3A_42 = arith.addi %add3A_41, %mul3A_40 : i32
        "tpu.region"() ({
          %run_scoped3A = tpu.sem_alloc : memref<!tpu.dma_semaphore, #tpu.memory_space<semaphore_mem>>
          %dma_start3A = arith.constant 0 : i32
          %dma_start3A_43 = arith.constant 0 : i32
          %dma_start3A_44 = tpu.memref_slice %arg7[%add3A_19, %dma_start3A, %dma_start3A_43] : memref<16x200000x16xf32, #tpu.memory_space<hbm>> -> memref<1x200000x16xf32, #tpu.memory_space<hbm>>
          %dma_start3A_45 = tpu.memref_squeeze %dma_start3A_44 : memref<1x200000x16xf32, #tpu.memory_space<hbm>> -> memref<200000x16xf32, #tpu.memory_space<hbm>>
          %dma_start3A_46 = arith.constant 0 : i32
          %dma_start3A_47 = tpu.memref_slice %dma_start3A_45[%add3A_42, %dma_start3A_46] : memref<200000x16xf32, #tpu.memory_space<hbm>> -> memref<4168x16xf32, #tpu.memory_space<hbm>>
          %dma_start3A_48 = arith.constant 0 : i32
          %dma_start3A_49 = tpu.memref_slice %arg13[%mul3A_38, %dma_start3A_48] : memref<66816x16xf32, #tpu.memory_space<vmem_shared>> -> memref<4168x16xf32, #tpu.memory_space<vmem_shared>>
          tpu.enqueue_dma source(%dma_start3A_49 : memref<4168x16xf32, #tpu.memory_space<vmem_shared>>) target(%dma_start3A_47 : memref<4168x16xf32, #tpu.memory_space<hbm>>) target_semaphore(%run_scoped3A : memref<!tpu.dma_semaphore, #tpu.memory_space<semaphore_mem>>)
          %dma_wait3A = arith.constant 0 : i32
          %dma_wait3A_50 = arith.constant 0 : i32
          %dma_wait3A_51 = tpu.memref_slice %arg7[%add3A_19, %dma_wait3A, %dma_wait3A_50] : memref<16x200000x16xf32, #tpu.memory_space<hbm>> -> memref<1x200000x16xf32, #tpu.memory_space<hbm>>
          %dma_wait3A_52 = tpu.memref_squeeze %dma_wait3A_51 : memref<1x200000x16xf32, #tpu.memory_space<hbm>> -> memref<200000x16xf32, #tpu.memory_space<hbm>>
          %dma_wait3A_53 = arith.constant 0 : i32
          %dma_wait3A_54 = tpu.memref_slice %dma_wait3A_52[%add3A_42, %dma_wait3A_53] : memref<200000x16xf32, #tpu.memory_space<hbm>> -> memref<4168x16xf32, #tpu.memory_space<hbm>>
          %dma_wait3A_55 = arith.constant 0 : i32
          %dma_wait3A_56 = tpu.memref_slice %arg13[%mul3A_38, %dma_wait3A_55] : memref<66816x16xf32, #tpu.memory_space<vmem_shared>> -> memref<4168x16xf32, #tpu.memory_space<vmem_shared>>
          tpu.wait_dma2 semaphore(%run_scoped3A : memref<!tpu.dma_semaphore, #tpu.memory_space<semaphore_mem>>) src(%dma_wait3A_56 : memref<4168x16xf32, #tpu.memory_space<vmem_shared>>) dst(%dma_wait3A_54 : memref<4168x16xf32, #tpu.memory_space<hbm>>)
          tpu.yield
        }) : () -> ()
      } else {
      }
      %eq3A = arith.constant 15 : i32
      %eq3A_32 = arith.cmpi eq, %arg1, %eq3A : i32
      %convert_element_type3A_33 = arith.extui %eq3A_32 : i1 to i32
      %cond3A_34 = arith.constant 0 : i32
      %cond3A_35 = arith.cmpi ne, %convert_element_type3A_33, %cond3A_34 : i32
      scf.if %cond3A_35 {
        "tpu.region"() ({
          %run_scoped3A = tpu.sem_alloc : memref<!tpu.dma_semaphore, #tpu.memory_space<semaphore_mem>>
          %dma_start3A = arith.constant 0 : i32
          %dma_start3A_37 = arith.constant 0 : i32
          %dma_start3A_38 = tpu.memref_slice %arg7[%add3A_19, %dma_start3A, %dma_start3A_37] : memref<16x200000x16xf32, #tpu.memory_space<hbm>> -> memref<1x200000x16xf32, #tpu.memory_space<hbm>>
          %dma_start3A_39 = tpu.memref_squeeze %dma_start3A_38 : memref<1x200000x16xf32, #tpu.memory_space<hbm>> -> memref<200000x16xf32, #tpu.memory_space<hbm>>
          %dma_start3A_40 = arith.constant 62520 : i32
          %dma_start3A_41 = arith.constant 0 : i32
          %dma_start3A_42 = tpu.memref_slice %dma_start3A_39[%dma_start3A_40, %dma_start3A_41] : memref<200000x16xf32, #tpu.memory_space<hbm>> -> memref<4168x16xf32, #tpu.memory_space<hbm>>
          %dma_start3A_43 = arith.constant 62520 : i32
          %dma_start3A_44 = arith.constant 0 : i32
          %dma_start3A_45 = tpu.memref_slice %arg13[%dma_start3A_43, %dma_start3A_44] : memref<66816x16xf32, #tpu.memory_space<vmem_shared>> -> memref<4168x16xf32, #tpu.memory_space<vmem_shared>>
          tpu.enqueue_dma source(%dma_start3A_45 : memref<4168x16xf32, #tpu.memory_space<vmem_shared>>) target(%dma_start3A_42 : memref<4168x16xf32, #tpu.memory_space<hbm>>) target_semaphore(%run_scoped3A : memref<!tpu.dma_semaphore, #tpu.memory_space<semaphore_mem>>)
          %dma_wait3A = arith.constant 0 : i32
          %dma_wait3A_46 = arith.constant 0 : i32
          %dma_wait3A_47 = tpu.memref_slice %arg7[%add3A_19, %dma_wait3A, %dma_wait3A_46] : memref<16x200000x16xf32, #tpu.memory_space<hbm>> -> memref<1x200000x16xf32, #tpu.memory_space<hbm>>
          %dma_wait3A_48 = tpu.memref_squeeze %dma_wait3A_47 : memref<1x200000x16xf32, #tpu.memory_space<hbm>> -> memref<200000x16xf32, #tpu.memory_space<hbm>>
          %dma_wait3A_49 = arith.constant 62520 : i32
          %dma_wait3A_50 = arith.constant 0 : i32
          %dma_wait3A_51 = tpu.memref_slice %dma_wait3A_48[%dma_wait3A_49, %dma_wait3A_50] : memref<200000x16xf32, #tpu.memory_space<hbm>> -> memref<4168x16xf32, #tpu.memory_space<hbm>>
          %dma_wait3A_52 = arith.constant 62520 : i32
          %dma_wait3A_53 = arith.constant 0 : i32
          %dma_wait3A_54 = tpu.memref_slice %arg13[%dma_wait3A_52, %dma_wait3A_53] : memref<66816x16xf32, #tpu.memory_space<vmem_shared>> -> memref<4168x16xf32, #tpu.memory_space<vmem_shared>>
          tpu.wait_dma2 semaphore(%run_scoped3A : memref<!tpu.dma_semaphore, #tpu.memory_space<semaphore_mem>>) src(%dma_wait3A_54 : memref<4168x16xf32, #tpu.memory_space<vmem_shared>>) dst(%dma_wait3A_51 : memref<4168x16xf32, #tpu.memory_space<hbm>>)
          tpu.yield
        }) : () -> ()
      } else {
      }
      %barrier3A_36 = arith.constant 0 : index
      tpu.barrier barrier_id(%barrier3A_36)
    }
    %scan3A_3 = arith.constant 8 : i32
    %scan3A_4 = arith.constant 0 : i32
    %scan3A_5 = arith.constant 8 : i32
    %scan3A_6 = arith.addi %scan3A_4, %scan3A_5 : i32
    %scan3A_7 = arith.constant 1 : i32
    scf.for %scan3A_14 = %scan3A_4 to %scan3A_6 step %scan3A_7  : i32 {
      %mul3A = arith.constant 1 : i32
      %mul3A_15 = arith.muli %scan3A_14, %mul3A : i32
      %add3A = arith.constant 0 : i32
      %add3A_16 = arith.addi %add3A, %mul3A_15 : i32
      %mul3A_17 = arith.constant 8 : i32
      %mul3A_18 = arith.muli %arg0, %mul3A_17 : i32
      %add3A_19 = arith.addi %mul3A_18, %add3A_16 : i32
      %mul3A_20 = arith.constant 4176 : i32
      %mul3A_21 = arith.muli %arg1, %mul3A_20 : i32
      %mul3A_22 = arith.constant 4176 : i32
      %mul3A_23 = arith.muli %arg1, %mul3A_22 : i32
      "tpu.region"() ({
        %run_scoped3A = tpu.sem_alloc : memref<!tpu.dma_semaphore, #tpu.memory_space<semaphore_mem>>
        %dma_start3A = arith.constant 0 : i32
        %dma_start3A_37 = tpu.memref_slice %arg13[%mul3A_23, %dma_start3A] : memref<66816x16xf32, #tpu.memory_space<vmem_shared>> -> memref<4176x16xf32, #tpu.memory_space<vmem_shared>>
        %dma_start3A_38 = arith.constant 0 : i32
        %dma_start3A_39 = tpu.memref_slice %arg6[%mul3A_21, %dma_start3A_38] : memref<66816x16xf32, #tpu.memory_space<hbm>> -> memref<4176x16xf32, #tpu.memory_space<hbm>>
        tpu.enqueue_dma source(%dma_start3A_39 : memref<4176x16xf32, #tpu.memory_space<hbm>>) target(%dma_start3A_37 : memref<4176x16xf32, #tpu.memory_space<vmem_shared>>) target_semaphore(%run_scoped3A : memref<!tpu.dma_semaphore, #tpu.memory_space<semaphore_mem>>)
        %dma_wait3A = arith.constant 0 : i32
        %dma_wait3A_40 = tpu.memref_slice %arg13[%mul3A_23, %dma_wait3A] : memref<66816x16xf32, #tpu.memory_space<vmem_shared>> -> memref<4176x16xf32, #tpu.memory_space<vmem_shared>>
        %dma_wait3A_41 = arith.constant 0 : i32
        %dma_wait3A_42 = tpu.memref_slice %arg6[%mul3A_21, %dma_wait3A_41] : memref<66816x16xf32, #tpu.memory_space<hbm>> -> memref<4176x16xf32, #tpu.memory_space<hbm>>
        tpu.wait_dma2 semaphore(%run_scoped3A : memref<!tpu.dma_semaphore, #tpu.memory_space<semaphore_mem>>) src(%dma_wait3A_42 : memref<4176x16xf32, #tpu.memory_space<hbm>>) dst(%dma_wait3A_40 : memref<4176x16xf32, #tpu.memory_space<vmem_shared>>)
        tpu.yield
      }) : () -> ()
      %barrier3A = arith.constant 0 : index
      tpu.barrier barrier_id(%barrier3A)
      %scan3A_24 = arith.constant 0 : i32
      %scan3A_25 = arith.constant 13 : i32
      %scan3A_26 = arith.addi %scan3A_24, %scan3A_25 : i32
      %scan3A_27 = arith.constant 1 : i32
      scf.for %scan3A_37 = %scan3A_24 to %scan3A_26 step %scan3A_27  : i32 {
        %mul3A_38 = arith.constant 1 : i32
        %mul3A_39 = arith.muli %scan3A_37, %mul3A_38 : i32
        %add3A_40 = arith.constant 0 : i32
        %add3A_41 = arith.addi %add3A_40, %mul3A_39 : i32
        %mul3A_42 = arith.constant 13312 : i32
        %mul3A_43 = arith.muli %arg1, %mul3A_42 : i32
        %mul3A_44 = arith.constant 1024 : i32
        %mul3A_45 = arith.muli %add3A_41, %mul3A_44 : i32
        %add3A_46 = arith.addi %mul3A_43, %mul3A_45 : i32
        "tpu.region"() ({
          %run_scoped3A = tpu.sem_alloc : memref<!tpu.dma_semaphore, #tpu.memory_space<semaphore_mem>>
          %dma_start3A = tpu.memref_slice %arg3[%add3A_46] : memref<212992xi32, #tpu.memory_space<hbm>> -> memref<1024xi32, #tpu.memory_space<hbm>>
          %dma_start3A_57 = tpu.memref_slice %arg3[%add3A_46] : memref<212992xi32, #tpu.memory_space<hbm>> -> memref<1024xi32, #tpu.memory_space<hbm>>
          tpu.enqueue_dma source(%dma_start3A_57 : memref<1024xi32, #tpu.memory_space<hbm>>) target(%arg8 : memref<1024xi32, #tpu.memory_space<vmem>>) target_semaphore(%run_scoped3A : memref<!tpu.dma_semaphore, #tpu.memory_space<semaphore_mem>>)
          %dma_wait3A = tpu.memref_slice %arg3[%add3A_46] : memref<212992xi32, #tpu.memory_space<hbm>> -> memref<1024xi32, #tpu.memory_space<hbm>>
          %dma_wait3A_58 = tpu.memref_slice %arg3[%add3A_46] : memref<212992xi32, #tpu.memory_space<hbm>> -> memref<1024xi32, #tpu.memory_space<hbm>>
          tpu.wait_dma2 semaphore(%run_scoped3A : memref<!tpu.dma_semaphore, #tpu.memory_space<semaphore_mem>>) src(%dma_wait3A_58 : memref<1024xi32, #tpu.memory_space<hbm>>) dst(%arg8 : memref<1024xi32, #tpu.memory_space<vmem>>)
          tpu.yield
        }) : () -> ()
        "tpu.region"() ({
          %run_scoped3A = tpu.sem_alloc : memref<!tpu.dma_semaphore, #tpu.memory_space<semaphore_mem>>
          %dma_start3A = tpu.memref_slice %arg4[%add3A_46] : memref<212992xi32, #tpu.memory_space<hbm>> -> memref<1024xi32, #tpu.memory_space<hbm>>
          %dma_start3A_57 = tpu.memref_slice %arg4[%add3A_46] : memref<212992xi32, #tpu.memory_space<hbm>> -> memref<1024xi32, #tpu.memory_space<hbm>>
          tpu.enqueue_dma source(%dma_start3A_57 : memref<1024xi32, #tpu.memory_space<hbm>>) target(%arg9 : memref<1024xi32, #tpu.memory_space<vmem>>) target_semaphore(%run_scoped3A : memref<!tpu.dma_semaphore, #tpu.memory_space<semaphore_mem>>)
          %dma_wait3A = tpu.memref_slice %arg4[%add3A_46] : memref<212992xi32, #tpu.memory_space<hbm>> -> memref<1024xi32, #tpu.memory_space<hbm>>
          %dma_wait3A_58 = tpu.memref_slice %arg4[%add3A_46] : memref<212992xi32, #tpu.memory_space<hbm>> -> memref<1024xi32, #tpu.memory_space<hbm>>
          tpu.wait_dma2 semaphore(%run_scoped3A : memref<!tpu.dma_semaphore, #tpu.memory_space<semaphore_mem>>) src(%dma_wait3A_58 : memref<1024xi32, #tpu.memory_space<hbm>>) dst(%arg9 : memref<1024xi32, #tpu.memory_space<vmem>>)
          tpu.yield
        }) : () -> ()
        "tpu.region"() ({
          %run_scoped3A = tpu.sem_alloc : memref<!tpu.dma_semaphore, #tpu.memory_space<semaphore_mem>>
          %dma_start3A = tpu.memref_slice %arg5[%add3A_46] : memref<212992xf32, #tpu.memory_space<hbm>> -> memref<1024xf32, #tpu.memory_space<hbm>>
          %dma_start3A_57 = tpu.memref_slice %arg5[%add3A_46] : memref<212992xf32, #tpu.memory_space<hbm>> -> memref<1024xf32, #tpu.memory_space<hbm>>
          tpu.enqueue_dma source(%dma_start3A_57 : memref<1024xf32, #tpu.memory_space<hbm>>) target(%arg11 : memref<1024xf32, #tpu.memory_space<vmem>>) target_semaphore(%run_scoped3A : memref<!tpu.dma_semaphore, #tpu.memory_space<semaphore_mem>>)
          %dma_wait3A = tpu.memref_slice %arg5[%add3A_46] : memref<212992xf32, #tpu.memory_space<hbm>> -> memref<1024xf32, #tpu.memory_space<hbm>>
          %dma_wait3A_58 = tpu.memref_slice %arg5[%add3A_46] : memref<212992xf32, #tpu.memory_space<hbm>> -> memref<1024xf32, #tpu.memory_space<hbm>>
          tpu.wait_dma2 semaphore(%run_scoped3A : memref<!tpu.dma_semaphore, #tpu.memory_space<semaphore_mem>>) src(%dma_wait3A_58 : memref<1024xf32, #tpu.memory_space<hbm>>) dst(%arg11 : memref<1024xf32, #tpu.memory_space<vmem>>)
          tpu.yield
        }) : () -> ()
        "tpu.region"() ({
          %run_scoped3A = tpu.sem_alloc : memref<!tpu.dma_semaphore, #tpu.memory_space<semaphore_mem>>
          %dma_start3A = arith.constant 0 : i32
          %dma_start3A_57 = arith.constant 0 : i32
          %dma_start3A_58 = tpu.memref_slice %arg2[%add3A_19, %dma_start3A, %dma_start3A_57] : memref<16x50000x16xf32, #tpu.memory_space<hbm>> -> memref<1x50000x16xf32, #tpu.memory_space<hbm>>
          %dma_start3A_59 = tpu.memref_squeeze %dma_start3A_58 : memref<1x50000x16xf32, #tpu.memory_space<hbm>> -> memref<50000x16xf32, #tpu.memory_space<hbm>>
          %dma_start3A_60 = arith.constant 0 : i32
          %dma_start3A_61 = arith.constant 0 : i32
          %dma_start3A_62 = tpu.memref_slice %dma_start3A_59[%dma_start3A_60, %dma_start3A_61] : memref<50000x16xf32, #tpu.memory_space<hbm>> -> memref<50000x16xf32, #tpu.memory_space<hbm>>
          tpu.enqueue_indirect_dma source(%dma_start3A_62 : memref<50000x16xf32, #tpu.memory_space<hbm>>) target(%arg12 : memref<1024x16xf32, #tpu.memory_space<vmem>>) offsets(%arg8 : memref<1024xi32, #tpu.memory_space<vmem>>) semaphore(%run_scoped3A : memref<!tpu.dma_semaphore, #tpu.memory_space<semaphore_mem>>)
          %dma_wait3A = arith.constant 0 : i32
          %dma_wait3A_63 = arith.constant 0 : i32
          %dma_wait3A_64 = tpu.memref_slice %arg2[%add3A_19, %dma_wait3A, %dma_wait3A_63] : memref<16x50000x16xf32, #tpu.memory_space<hbm>> -> memref<1x50000x16xf32, #tpu.memory_space<hbm>>
          %dma_wait3A_65 = tpu.memref_squeeze %dma_wait3A_64 : memref<1x50000x16xf32, #tpu.memory_space<hbm>> -> memref<50000x16xf32, #tpu.memory_space<hbm>>
          %dma_wait3A_66 = arith.constant 0 : i32
          %dma_wait3A_67 = arith.constant 0 : i32
          %dma_wait3A_68 = tpu.memref_slice %dma_wait3A_65[%dma_wait3A_66, %dma_wait3A_67] : memref<50000x16xf32, #tpu.memory_space<hbm>> -> memref<50000x16xf32, #tpu.memory_space<hbm>>
          tpu.wait_indirect_dma semaphore(%run_scoped3A : memref<!tpu.dma_semaphore, #tpu.memory_space<semaphore_mem>>) src(%dma_wait3A_68 : memref<50000x16xf32, #tpu.memory_space<hbm>>) dst(%arg12 : memref<1024x16xf32, #tpu.memory_space<vmem>>)
          tpu.yield
        }) : () -> ()
        %scan3A_47 = arith.constant 0 : i32
        %scan3A_48 = arith.constant 64 : i32
        %scan3A_49 = arith.addi %scan3A_47, %scan3A_48 : i32
        %scan3A_50 = arith.constant 1 : i32
        scf.for %scan3A_57 = %scan3A_47 to %scan3A_49 step %scan3A_50  : i32 {
          %mul3A_58 = arith.constant 1 : i32
          %mul3A_59 = arith.muli %scan3A_57, %mul3A_58 : i32
          %add3A_60 = arith.constant 0 : i32
          %add3A_61 = arith.addi %add3A_60, %mul3A_59 : i32
          %mul3A_62 = arith.constant 16 : i32
          %mul3A_63 = arith.muli %add3A_61, %mul3A_62 : i32
          %get3A = arith.index_cast %mul3A_63 : i32 to index
          %get3A_64 = tpu.vector_load %arg11[%get3A] {strides = array<i32>} : memref<1024xf32, #tpu.memory_space<vmem>>, vector<16xf32>,
          %iota3A = tpu.iota {dimensions = array<i32: 0>} : vector<16xi32>
          %add3A_65 = vector.broadcast %mul3A_63 : i32 to vector<16xi32>
          %add3A_66 = arith.addi %add3A_65, %iota3A : vector<16xi32>
          %broadcast_in_dim3A = arith.constant 0 : i32
          %broadcast_in_dim3A_67 = vector.broadcast %broadcast_in_dim3A : i32 to vector<16xi32>
          %gather3A = tpu.vector_load_idx %arg12[%add3A_66, %broadcast_in_dim3A_67] : memref<1024x16xf32, #tpu.memory_space<vmem>>[vector<16xi32>, vector<16xi32>], vector<16xf32>,
          %mul3A_68 = arith.mulf %gather3A, %get3A_64 : vector<16xf32>
          tpu.vector_store_idx %arg12[%add3A_66, %broadcast_in_dim3A_67], %mul3A_68 : memref<1024x16xf32, #tpu.memory_space<vmem>>[vector<16xi32>, vector<16xi32>], vector<16xf32>,
          %broadcast_in_dim3A_69 = arith.constant 1 : i32
          %broadcast_in_dim3A_70 = vector.broadcast %broadcast_in_dim3A_69 : i32 to vector<16xi32>
          %gather3A_71 = tpu.vector_load_idx %arg12[%add3A_66, %broadcast_in_dim3A_70] : memref<1024x16xf32, #tpu.memory_space<vmem>>[vector<16xi32>, vector<16xi32>], vector<16xf32>,
          %mul3A_72 = arith.mulf %gather3A_71, %get3A_64 : vector<16xf32>
          tpu.vector_store_idx %arg12[%add3A_66, %broadcast_in_dim3A_70], %mul3A_72 : memref<1024x16xf32, #tpu.memory_space<vmem>>[vector<16xi32>, vector<16xi32>], vector<16xf32>,
          %broadcast_in_dim3A_73 = arith.constant 2 : i32
          %broadcast_in_dim3A_74 = vector.broadcast %broadcast_in_dim3A_73 : i32 to vector<16xi32>
          %gather3A_75 = tpu.vector_load_idx %arg12[%add3A_66, %broadcast_in_dim3A_74] : memref<1024x16xf32, #tpu.memory_space<vmem>>[vector<16xi32>, vector<16xi32>], vector<16xf32>,
          %mul3A_76 = arith.mulf %gather3A_75, %get3A_64 : vector<16xf32>
          tpu.vector_store_idx %arg12[%add3A_66, %broadcast_in_dim3A_74], %mul3A_76 : memref<1024x16xf32, #tpu.memory_space<vmem>>[vector<16xi32>, vector<16xi32>], vector<16xf32>,
          %broadcast_in_dim3A_77 = arith.constant 3 : i32
          %broadcast_in_dim3A_78 = vector.broadcast %broadcast_in_dim3A_77 : i32 to vector<16xi32>
          %gather3A_79 = tpu.vector_load_idx %arg12[%add3A_66, %broadcast_in_dim3A_78] : memref<1024x16xf32, #tpu.memory_space<vmem>>[vector<16xi32>, vector<16xi32>], vector<16xf32>,
          %mul3A_80 = arith.mulf %gather3A_79, %get3A_64 : vector<16xf32>
          tpu.vector_store_idx %arg12[%add3A_66, %broadcast_in_dim3A_78], %mul3A_80 : memref<1024x16xf32, #tpu.memory_space<vmem>>[vector<16xi32>, vector<16xi32>], vector<16xf32>,
          %broadcast_in_dim3A_81 = arith.constant 4 : i32
          %broadcast_in_dim3A_82 = vector.broadcast %broadcast_in_dim3A_81 : i32 to vector<16xi32>
          %gather3A_83 = tpu.vector_load_idx %arg12[%add3A_66, %broadcast_in_dim3A_82] : memref<1024x16xf32, #tpu.memory_space<vmem>>[vector<16xi32>, vector<16xi32>], vector<16xf32>,
          %mul3A_84 = arith.mulf %gather3A_83, %get3A_64 : vector<16xf32>
          tpu.vector_store_idx %arg12[%add3A_66, %broadcast_in_dim3A_82], %mul3A_84 : memref<1024x16xf32, #tpu.memory_space<vmem>>[vector<16xi32>, vector<16xi32>], vector<16xf32>,
          %broadcast_in_dim3A_85 = arith.constant 5 : i32
          %broadcast_in_dim3A_86 = vector.broadcast %broadcast_in_dim3A_85 : i32 to vector<16xi32>
          %gather3A_87 = tpu.vector_load_idx %arg12[%add3A_66, %broadcast_in_dim3A_86] : memref<1024x16xf32, #tpu.memory_space<vmem>>[vector<16xi32>, vector<16xi32>], vector<16xf32>,
          %mul3A_88 = arith.mulf %gather3A_87, %get3A_64 : vector<16xf32>
          tpu.vector_store_idx %arg12[%add3A_66, %broadcast_in_dim3A_86], %mul3A_88 : memref<1024x16xf32, #tpu.memory_space<vmem>>[vector<16xi32>, vector<16xi32>], vector<16xf32>,
          %broadcast_in_dim3A_89 = arith.constant 6 : i32
          %broadcast_in_dim3A_90 = vector.broadcast %broadcast_in_dim3A_89 : i32 to vector<16xi32>
          %gather3A_91 = tpu.vector_load_idx %arg12[%add3A_66, %broadcast_in_dim3A_90] : memref<1024x16xf32, #tpu.memory_space<vmem>>[vector<16xi32>, vector<16xi32>], vector<16xf32>,
          %mul3A_92 = arith.mulf %gather3A_91, %get3A_64 : vector<16xf32>
          tpu.vector_store_idx %arg12[%add3A_66, %broadcast_in_dim3A_90], %mul3A_92 : memref<1024x16xf32, #tpu.memory_space<vmem>>[vector<16xi32>, vector<16xi32>], vector<16xf32>,
          %broadcast_in_dim3A_93 = arith.constant 7 : i32
          %broadcast_in_dim3A_94 = vector.broadcast %broadcast_in_dim3A_93 : i32 to vector<16xi32>
          %gather3A_95 = tpu.vector_load_idx %arg12[%add3A_66, %broadcast_in_dim3A_94] : memref<1024x16xf32, #tpu.memory_space<vmem>>[vector<16xi32>, vector<16xi32>], vector<16xf32>,
          %mul3A_96 = arith.mulf %gather3A_95, %get3A_64 : vector<16xf32>
          tpu.vector_store_idx %arg12[%add3A_66, %broadcast_in_dim3A_94], %mul3A_96 : memref<1024x16xf32, #tpu.memory_space<vmem>>[vector<16xi32>, vector<16xi32>], vector<16xf32>,
          %broadcast_in_dim3A_97 = arith.constant 8 : i32
          %broadcast_in_dim3A_98 = vector.broadcast %broadcast_in_dim3A_97 : i32 to vector<16xi32>
          %gather3A_99 = tpu.vector_load_idx %arg12[%add3A_66, %broadcast_in_dim3A_98] : memref<1024x16xf32, #tpu.memory_space<vmem>>[vector<16xi32>, vector<16xi32>], vector<16xf32>,
          %mul3A_100 = arith.mulf %gather3A_99, %get3A_64 : vector<16xf32>
          tpu.vector_store_idx %arg12[%add3A_66, %broadcast_in_dim3A_98], %mul3A_100 : memref<1024x16xf32, #tpu.memory_space<vmem>>[vector<16xi32>, vector<16xi32>], vector<16xf32>,
          %broadcast_in_dim3A_101 = arith.constant 9 : i32
          %broadcast_in_dim3A_102 = vector.broadcast %broadcast_in_dim3A_101 : i32 to vector<16xi32>
          %gather3A_103 = tpu.vector_load_idx %arg12[%add3A_66, %broadcast_in_dim3A_102] : memref<1024x16xf32, #tpu.memory_space<vmem>>[vector<16xi32>, vector<16xi32>], vector<16xf32>,
          %mul3A_104 = arith.mulf %gather3A_103, %get3A_64 : vector<16xf32>
          tpu.vector_store_idx %arg12[%add3A_66, %broadcast_in_dim3A_102], %mul3A_104 : memref<1024x16xf32, #tpu.memory_space<vmem>>[vector<16xi32>, vector<16xi32>], vector<16xf32>,
          %broadcast_in_dim3A_105 = arith.constant 10 : i32
          %broadcast_in_dim3A_106 = vector.broadcast %broadcast_in_dim3A_105 : i32 to vector<16xi32>
          %gather3A_107 = tpu.vector_load_idx %arg12[%add3A_66, %broadcast_in_dim3A_106] : memref<1024x16xf32, #tpu.memory_space<vmem>>[vector<16xi32>, vector<16xi32>], vector<16xf32>,
          %mul3A_108 = arith.mulf %gather3A_107, %get3A_64 : vector<16xf32>
          tpu.vector_store_idx %arg12[%add3A_66, %broadcast_in_dim3A_106], %mul3A_108 : memref<1024x16xf32, #tpu.memory_space<vmem>>[vector<16xi32>, vector<16xi32>], vector<16xf32>,
          %broadcast_in_dim3A_109 = arith.constant 11 : i32
          %broadcast_in_dim3A_110 = vector.broadcast %broadcast_in_dim3A_109 : i32 to vector<16xi32>
          %gather3A_111 = tpu.vector_load_idx %arg12[%add3A_66, %broadcast_in_dim3A_110] : memref<1024x16xf32, #tpu.memory_space<vmem>>[vector<16xi32>, vector<16xi32>], vector<16xf32>,
          %mul3A_112 = arith.mulf %gather3A_111, %get3A_64 : vector<16xf32>
          tpu.vector_store_idx %arg12[%add3A_66, %broadcast_in_dim3A_110], %mul3A_112 : memref<1024x16xf32, #tpu.memory_space<vmem>>[vector<16xi32>, vector<16xi32>], vector<16xf32>,
          %broadcast_in_dim3A_113 = arith.constant 12 : i32
          %broadcast_in_dim3A_114 = vector.broadcast %broadcast_in_dim3A_113 : i32 to vector<16xi32>
          %gather3A_115 = tpu.vector_load_idx %arg12[%add3A_66, %broadcast_in_dim3A_114] : memref<1024x16xf32, #tpu.memory_space<vmem>>[vector<16xi32>, vector<16xi32>], vector<16xf32>,
          %mul3A_116 = arith.mulf %gather3A_115, %get3A_64 : vector<16xf32>
          tpu.vector_store_idx %arg12[%add3A_66, %broadcast_in_dim3A_114], %mul3A_116 : memref<1024x16xf32, #tpu.memory_space<vmem>>[vector<16xi32>, vector<16xi32>], vector<16xf32>,
          %broadcast_in_dim3A_117 = arith.constant 13 : i32
          %broadcast_in_dim3A_118 = vector.broadcast %broadcast_in_dim3A_117 : i32 to vector<16xi32>
          %gather3A_119 = tpu.vector_load_idx %arg12[%add3A_66, %broadcast_in_dim3A_118] : memref<1024x16xf32, #tpu.memory_space<vmem>>[vector<16xi32>, vector<16xi32>], vector<16xf32>,
          %mul3A_120 = arith.mulf %gather3A_119, %get3A_64 : vector<16xf32>
          tpu.vector_store_idx %arg12[%add3A_66, %broadcast_in_dim3A_118], %mul3A_120 : memref<1024x16xf32, #tpu.memory_space<vmem>>[vector<16xi32>, vector<16xi32>], vector<16xf32>,
          %broadcast_in_dim3A_121 = arith.constant 14 : i32
          %broadcast_in_dim3A_122 = vector.broadcast %broadcast_in_dim3A_121 : i32 to vector<16xi32>
          %gather3A_123 = tpu.vector_load_idx %arg12[%add3A_66, %broadcast_in_dim3A_122] : memref<1024x16xf32, #tpu.memory_space<vmem>>[vector<16xi32>, vector<16xi32>], vector<16xf32>,
          %mul3A_124 = arith.mulf %gather3A_123, %get3A_64 : vector<16xf32>
          tpu.vector_store_idx %arg12[%add3A_66, %broadcast_in_dim3A_122], %mul3A_124 : memref<1024x16xf32, #tpu.memory_space<vmem>>[vector<16xi32>, vector<16xi32>], vector<16xf32>,
          %broadcast_in_dim3A_125 = arith.constant 15 : i32
          %broadcast_in_dim3A_126 = vector.broadcast %broadcast_in_dim3A_125 : i32 to vector<16xi32>
          %gather3A_127 = tpu.vector_load_idx %arg12[%add3A_66, %broadcast_in_dim3A_126] : memref<1024x16xf32, #tpu.memory_space<vmem>>[vector<16xi32>, vector<16xi32>], vector<16xf32>,
          %mul3A_128 = arith.mulf %gather3A_127, %get3A_64 : vector<16xf32>
          tpu.vector_store_idx %arg12[%add3A_66, %broadcast_in_dim3A_126], %mul3A_128 : memref<1024x16xf32, #tpu.memory_space<vmem>>[vector<16xi32>, vector<16xi32>], vector<16xf32>,
        }
        %scan3A_51 = arith.constant 64 : i32
        %scan3A_52 = arith.constant 0 : i32
        %scan3A_53 = arith.constant 64 : i32
        %scan3A_54 = arith.addi %scan3A_52, %scan3A_53 : i32
        %scan3A_55 = arith.constant 1 : i32
        scf.for %scan3A_57 = %scan3A_52 to %scan3A_54 step %scan3A_55  : i32 {
          %mul3A_58 = arith.constant 1 : i32
          %mul3A_59 = arith.muli %scan3A_57, %mul3A_58 : i32
          %add3A_60 = arith.constant 0 : i32
          %add3A_61 = arith.addi %add3A_60, %mul3A_59 : i32
          %mul3A_62 = arith.constant 16 : i32
          %mul3A_63 = arith.muli %add3A_61, %mul3A_62 : i32
          %get3A = arith.index_cast %mul3A_63 : i32 to index
          %get3A_64 = tpu.vector_load %arg9[%get3A] {strides = array<i32>} : memref<1024xi32, #tpu.memory_space<vmem>>, vector<16xi32>,
          %sub3A = arith.constant 66688 : i32
          %sub3A_65 = vector.broadcast %sub3A : i32 to vector<16xi32>
          %sub3A_66 = arith.subi %get3A_64, %sub3A_65 : vector<16xi32>
          %ge3A = arith.constant 0 : i32
          %ge3A_67 = vector.broadcast %ge3A : i32 to vector<16xi32>
          %ge3A_68 = arith.cmpi sge, %sub3A_66, %ge3A_67 : vector<16xi32>
          %lt3A_69 = arith.constant 66688 : i32
          %lt3A_70 = vector.broadcast %lt3A_69 : i32 to vector<16xi32>
          %lt3A_71 = arith.cmpi slt, %sub3A_66, %lt3A_70 : vector<16xi32>
          %and3A = arith.andi %ge3A_68, %lt3A_71 : vector<16xi1>
          %iota3A = tpu.iota {dimensions = array<i32: 0>} : vector<16xi32>
          %add3A_72 = arith.constant 66688 : i32
          %add3A_73 = vector.broadcast %add3A_72 : i32 to vector<16xi32>
          %add3A_74 = arith.addi %add3A_73, %iota3A : vector<16xi32>
          %select_n3A = arith.select %and3A, %sub3A_66, %add3A_74 : vector<16xi1>, vector<16xi32>
          %swap3A = arith.index_cast %mul3A_63 : i32 to index
          %swap3A_75 = tpu.vector_load %arg10[%swap3A] {strides = array<i32>} : memref<1024xi32, #tpu.memory_space<vmem>>, vector<16xi32>,
          tpu.vector_store %arg10[%swap3A], %select_n3A {strides = array<i32>} : memref<1024xi32, #tpu.memory_space<vmem>>, vector<16xi32>,
        }
        %scan3A_56 = arith.constant 64 : i32
        "tpu.region"() ({
          %run_scoped3A = tpu.sem_alloc : memref<!tpu.dma_semaphore, #tpu.memory_space<semaphore_mem>>
          %dma_start3A = arith.constant 0 : i32
          %dma_start3A_57 = arith.constant 0 : i32
          %dma_start3A_58 = tpu.memref_slice %arg13[%dma_start3A, %dma_start3A_57] : memref<66816x16xf32, #tpu.memory_space<vmem_shared>> -> memref<66816x16xf32, #tpu.memory_space<vmem_shared>>
          tpu.enqueue_indirect_dma source(%arg12 : memref<1024x16xf32, #tpu.memory_space<vmem>>) target(%dma_start3A_58 : memref<66816x16xf32, #tpu.memory_space<vmem_shared>>) offsets(%arg10 : memref<1024xi32, #tpu.memory_space<vmem>>) semaphore(%run_scoped3A : memref<!tpu.dma_semaphore, #tpu.memory_space<semaphore_mem>>) {add = true}
          %dma_wait3A = arith.constant 0 : i32
          %dma_wait3A_59 = arith.constant 0 : i32
          %dma_wait3A_60 = tpu.memref_slice %arg13[%dma_wait3A, %dma_wait3A_59] : memref<66816x16xf32, #tpu.memory_space<vmem_shared>> -> memref<66816x16xf32, #tpu.memory_space<vmem_shared>>
          tpu.wait_indirect_dma semaphore(%run_scoped3A : memref<!tpu.dma_semaphore, #tpu.memory_space<semaphore_mem>>) src(%arg12 : memref<1024x16xf32, #tpu.memory_space<vmem>>) dst(%dma_wait3A_60 : memref<66816x16xf32, #tpu.memory_space<vmem_shared>>)
          tpu.yield
        }) : () -> ()
      }
      %scan3A_28 = arith.constant 13 : i32
      %barrier3A_29 = arith.constant 0 : index
      tpu.barrier barrier_id(%barrier3A_29)
      %lt3A = arith.constant 15 : i32
      %lt3A_30 = arith.cmpi slt, %arg1, %lt3A : i32
      %convert_element_type3A = arith.extui %lt3A_30 : i1 to i32
      %cond3A = arith.constant 0 : i32
      %cond3A_31 = arith.cmpi ne, %convert_element_type3A, %cond3A : i32
      scf.if %cond3A_31 {
        %mul3A_37 = arith.constant 4168 : i32
        %mul3A_38 = arith.muli %arg1, %mul3A_37 : i32
        %mul3A_39 = arith.constant 4168 : i32
        %mul3A_40 = arith.muli %arg1, %mul3A_39 : i32
        %add3A_41 = arith.constant 66688 : i32
        %add3A_42 = arith.addi %add3A_41, %mul3A_40 : i32
        "tpu.region"() ({
          %run_scoped3A = tpu.sem_alloc : memref<!tpu.dma_semaphore, #tpu.memory_space<semaphore_mem>>
          %dma_start3A = arith.constant 0 : i32
          %dma_start3A_43 = arith.constant 0 : i32
          %dma_start3A_44 = tpu.memref_slice %arg7[%add3A_19, %dma_start3A, %dma_start3A_43] : memref<16x200000x16xf32, #tpu.memory_space<hbm>> -> memref<1x200000x16xf32, #tpu.memory_space<hbm>>
          %dma_start3A_45 = tpu.memref_squeeze %dma_start3A_44 : memref<1x200000x16xf32, #tpu.memory_space<hbm>> -> memref<200000x16xf32, #tpu.memory_space<hbm>>
          %dma_start3A_46 = arith.constant 0 : i32
          %dma_start3A_47 = tpu.memref_slice %dma_start3A_45[%add3A_42, %dma_start3A_46] : memref<200000x16xf32, #tpu.memory_space<hbm>> -> memref<4168x16xf32, #tpu.memory_space<hbm>>
          %dma_start3A_48 = arith.constant 0 : i32
          %dma_start3A_49 = tpu.memref_slice %arg13[%mul3A_38, %dma_start3A_48] : memref<66816x16xf32, #tpu.memory_space<vmem_shared>> -> memref<4168x16xf32, #tpu.memory_space<vmem_shared>>
          tpu.enqueue_dma source(%dma_start3A_49 : memref<4168x16xf32, #tpu.memory_space<vmem_shared>>) target(%dma_start3A_47 : memref<4168x16xf32, #tpu.memory_space<hbm>>) target_semaphore(%run_scoped3A : memref<!tpu.dma_semaphore, #tpu.memory_space<semaphore_mem>>)
          %dma_wait3A = arith.constant 0 : i32
          %dma_wait3A_50 = arith.constant 0 : i32
          %dma_wait3A_51 = tpu.memref_slice %arg7[%add3A_19, %dma_wait3A, %dma_wait3A_50] : memref<16x200000x16xf32, #tpu.memory_space<hbm>> -> memref<1x200000x16xf32, #tpu.memory_space<hbm>>
          %dma_wait3A_52 = tpu.memref_squeeze %dma_wait3A_51 : memref<1x200000x16xf32, #tpu.memory_space<hbm>> -> memref<200000x16xf32, #tpu.memory_space<hbm>>
          %dma_wait3A_53 = arith.constant 0 : i32
          %dma_wait3A_54 = tpu.memref_slice %dma_wait3A_52[%add3A_42, %dma_wait3A_53] : memref<200000x16xf32, #tpu.memory_space<hbm>> -> memref<4168x16xf32, #tpu.memory_space<hbm>>
          %dma_wait3A_55 = arith.constant 0 : i32
          %dma_wait3A_56 = tpu.memref_slice %arg13[%mul3A_38, %dma_wait3A_55] : memref<66816x16xf32, #tpu.memory_space<vmem_shared>> -> memref<4168x16xf32, #tpu.memory_space<vmem_shared>>
          tpu.wait_dma2 semaphore(%run_scoped3A : memref<!tpu.dma_semaphore, #tpu.memory_space<semaphore_mem>>) src(%dma_wait3A_56 : memref<4168x16xf32, #tpu.memory_space<vmem_shared>>) dst(%dma_wait3A_54 : memref<4168x16xf32, #tpu.memory_space<hbm>>)
          tpu.yield
        }) : () -> ()
      } else {
      }
      %eq3A = arith.constant 15 : i32
      %eq3A_32 = arith.cmpi eq, %arg1, %eq3A : i32
      %convert_element_type3A_33 = arith.extui %eq3A_32 : i1 to i32
      %cond3A_34 = arith.constant 0 : i32
      %cond3A_35 = arith.cmpi ne, %convert_element_type3A_33, %cond3A_34 : i32
      scf.if %cond3A_35 {
        "tpu.region"() ({
          %run_scoped3A = tpu.sem_alloc : memref<!tpu.dma_semaphore, #tpu.memory_space<semaphore_mem>>
          %dma_start3A = arith.constant 0 : i32
          %dma_start3A_37 = arith.constant 0 : i32
          %dma_start3A_38 = tpu.memref_slice %arg7[%add3A_19, %dma_start3A, %dma_start3A_37] : memref<16x200000x16xf32, #tpu.memory_space<hbm>> -> memref<1x200000x16xf32, #tpu.memory_space<hbm>>
          %dma_start3A_39 = tpu.memref_squeeze %dma_start3A_38 : memref<1x200000x16xf32, #tpu.memory_space<hbm>> -> memref<200000x16xf32, #tpu.memory_space<hbm>>
          %dma_start3A_40 = arith.constant 129208 : i32
          %dma_start3A_41 = arith.constant 0 : i32
          %dma_start3A_42 = tpu.memref_slice %dma_start3A_39[%dma_start3A_40, %dma_start3A_41] : memref<200000x16xf32, #tpu.memory_space<hbm>> -> memref<4168x16xf32, #tpu.memory_space<hbm>>
          %dma_start3A_43 = arith.constant 62520 : i32
          %dma_start3A_44 = arith.constant 0 : i32
          %dma_start3A_45 = tpu.memref_slice %arg13[%dma_start3A_43, %dma_start3A_44] : memref<66816x16xf32, #tpu.memory_space<vmem_shared>> -> memref<4168x16xf32, #tpu.memory_space<vmem_shared>>
          tpu.enqueue_dma source(%dma_start3A_45 : memref<4168x16xf32, #tpu.memory_space<vmem_shared>>) target(%dma_start3A_42 : memref<4168x16xf32, #tpu.memory_space<hbm>>) target_semaphore(%run_scoped3A : memref<!tpu.dma_semaphore, #tpu.memory_space<semaphore_mem>>)
          %dma_wait3A = arith.constant 0 : i32
          %dma_wait3A_46 = arith.constant 0 : i32
          %dma_wait3A_47 = tpu.memref_slice %arg7[%add3A_19, %dma_wait3A, %dma_wait3A_46] : memref<16x200000x16xf32, #tpu.memory_space<hbm>> -> memref<1x200000x16xf32, #tpu.memory_space<hbm>>
          %dma_wait3A_48 = tpu.memref_squeeze %dma_wait3A_47 : memref<1x200000x16xf32, #tpu.memory_space<hbm>> -> memref<200000x16xf32, #tpu.memory_space<hbm>>
          %dma_wait3A_49 = arith.constant 129208 : i32
          %dma_wait3A_50 = arith.constant 0 : i32
          %dma_wait3A_51 = tpu.memref_slice %dma_wait3A_48[%dma_wait3A_49, %dma_wait3A_50] : memref<200000x16xf32, #tpu.memory_space<hbm>> -> memref<4168x16xf32, #tpu.memory_space<hbm>>
          %dma_wait3A_52 = arith.constant 62520 : i32
          %dma_wait3A_53 = arith.constant 0 : i32
          %dma_wait3A_54 = tpu.memref_slice %arg13[%dma_wait3A_52, %dma_wait3A_53] : memref<66816x16xf32, #tpu.memory_space<vmem_shared>> -> memref<4168x16xf32, #tpu.memory_space<vmem_shared>>
          tpu.wait_dma2 semaphore(%run_scoped3A : memref<!tpu.dma_semaphore, #tpu.memory_space<semaphore_mem>>) src(%dma_wait3A_54 : memref<4168x16xf32, #tpu.memory_space<vmem_shared>>) dst(%dma_wait3A_51 : memref<4168x16xf32, #tpu.memory_space<hbm>>)
          tpu.yield
        }) : () -> ()
      } else {
      }
      %barrier3A_36 = arith.constant 0 : index
      tpu.barrier barrier_id(%barrier3A_36)
    }
    %scan3A_8 = arith.constant 8 : i32
    %scan3A_9 = arith.constant 0 : i32
    %scan3A_10 = arith.constant 8 : i32
    %scan3A_11 = arith.addi %scan3A_9, %scan3A_10 : i32
    %scan3A_12 = arith.constant 1 : i32
    scf.for %scan3A_14 = %scan3A_9 to %scan3A_11 step %scan3A_12  : i32 {
      %mul3A = arith.constant 1 : i32
      %mul3A_15 = arith.muli %scan3A_14, %mul3A : i32
      %add3A = arith.constant 0 : i32
      %add3A_16 = arith.addi %add3A, %mul3A_15 : i32
      %mul3A_17 = arith.constant 8 : i32
      %mul3A_18 = arith.muli %arg0, %mul3A_17 : i32
      %add3A_19 = arith.addi %mul3A_18, %add3A_16 : i32
      %mul3A_20 = arith.constant 4176 : i32
      %mul3A_21 = arith.muli %arg1, %mul3A_20 : i32
      %mul3A_22 = arith.constant 4176 : i32
      %mul3A_23 = arith.muli %arg1, %mul3A_22 : i32
      "tpu.region"() ({
        %run_scoped3A = tpu.sem_alloc : memref<!tpu.dma_semaphore, #tpu.memory_space<semaphore_mem>>
        %dma_start3A = arith.constant 0 : i32
        %dma_start3A_37 = tpu.memref_slice %arg13[%mul3A_23, %dma_start3A] : memref<66816x16xf32, #tpu.memory_space<vmem_shared>> -> memref<4176x16xf32, #tpu.memory_space<vmem_shared>>
        %dma_start3A_38 = arith.constant 0 : i32
        %dma_start3A_39 = tpu.memref_slice %arg6[%mul3A_21, %dma_start3A_38] : memref<66816x16xf32, #tpu.memory_space<hbm>> -> memref<4176x16xf32, #tpu.memory_space<hbm>>
        tpu.enqueue_dma source(%dma_start3A_39 : memref<4176x16xf32, #tpu.memory_space<hbm>>) target(%dma_start3A_37 : memref<4176x16xf32, #tpu.memory_space<vmem_shared>>) target_semaphore(%run_scoped3A : memref<!tpu.dma_semaphore, #tpu.memory_space<semaphore_mem>>)
        %dma_wait3A = arith.constant 0 : i32
        %dma_wait3A_40 = tpu.memref_slice %arg13[%mul3A_23, %dma_wait3A] : memref<66816x16xf32, #tpu.memory_space<vmem_shared>> -> memref<4176x16xf32, #tpu.memory_space<vmem_shared>>
        %dma_wait3A_41 = arith.constant 0 : i32
        %dma_wait3A_42 = tpu.memref_slice %arg6[%mul3A_21, %dma_wait3A_41] : memref<66816x16xf32, #tpu.memory_space<hbm>> -> memref<4176x16xf32, #tpu.memory_space<hbm>>
        tpu.wait_dma2 semaphore(%run_scoped3A : memref<!tpu.dma_semaphore, #tpu.memory_space<semaphore_mem>>) src(%dma_wait3A_42 : memref<4176x16xf32, #tpu.memory_space<hbm>>) dst(%dma_wait3A_40 : memref<4176x16xf32, #tpu.memory_space<vmem_shared>>)
        tpu.yield
      }) : () -> ()
      %barrier3A = arith.constant 0 : index
      tpu.barrier barrier_id(%barrier3A)
      %scan3A_24 = arith.constant 0 : i32
      %scan3A_25 = arith.constant 13 : i32
      %scan3A_26 = arith.addi %scan3A_24, %scan3A_25 : i32
      %scan3A_27 = arith.constant 1 : i32
      scf.for %scan3A_37 = %scan3A_24 to %scan3A_26 step %scan3A_27  : i32 {
        %mul3A_38 = arith.constant 1 : i32
        %mul3A_39 = arith.muli %scan3A_37, %mul3A_38 : i32
        %add3A_40 = arith.constant 0 : i32
        %add3A_41 = arith.addi %add3A_40, %mul3A_39 : i32
        %mul3A_42 = arith.constant 13312 : i32
        %mul3A_43 = arith.muli %arg1, %mul3A_42 : i32
        %mul3A_44 = arith.constant 1024 : i32
        %mul3A_45 = arith.muli %add3A_41, %mul3A_44 : i32
        %add3A_46 = arith.addi %mul3A_43, %mul3A_45 : i32
        "tpu.region"() ({
          %run_scoped3A = tpu.sem_alloc : memref<!tpu.dma_semaphore, #tpu.memory_space<semaphore_mem>>
          %dma_start3A = tpu.memref_slice %arg3[%add3A_46] : memref<212992xi32, #tpu.memory_space<hbm>> -> memref<1024xi32, #tpu.memory_space<hbm>>
          %dma_start3A_57 = tpu.memref_slice %arg3[%add3A_46] : memref<212992xi32, #tpu.memory_space<hbm>> -> memref<1024xi32, #tpu.memory_space<hbm>>
          tpu.enqueue_dma source(%dma_start3A_57 : memref<1024xi32, #tpu.memory_space<hbm>>) target(%arg8 : memref<1024xi32, #tpu.memory_space<vmem>>) target_semaphore(%run_scoped3A : memref<!tpu.dma_semaphore, #tpu.memory_space<semaphore_mem>>)
          %dma_wait3A = tpu.memref_slice %arg3[%add3A_46] : memref<212992xi32, #tpu.memory_space<hbm>> -> memref<1024xi32, #tpu.memory_space<hbm>>
          %dma_wait3A_58 = tpu.memref_slice %arg3[%add3A_46] : memref<212992xi32, #tpu.memory_space<hbm>> -> memref<1024xi32, #tpu.memory_space<hbm>>
          tpu.wait_dma2 semaphore(%run_scoped3A : memref<!tpu.dma_semaphore, #tpu.memory_space<semaphore_mem>>) src(%dma_wait3A_58 : memref<1024xi32, #tpu.memory_space<hbm>>) dst(%arg8 : memref<1024xi32, #tpu.memory_space<vmem>>)
          tpu.yield
        }) : () -> ()
        "tpu.region"() ({
          %run_scoped3A = tpu.sem_alloc : memref<!tpu.dma_semaphore, #tpu.memory_space<semaphore_mem>>
          %dma_start3A = tpu.memref_slice %arg4[%add3A_46] : memref<212992xi32, #tpu.memory_space<hbm>> -> memref<1024xi32, #tpu.memory_space<hbm>>
          %dma_start3A_57 = tpu.memref_slice %arg4[%add3A_46] : memref<212992xi32, #tpu.memory_space<hbm>> -> memref<1024xi32, #tpu.memory_space<hbm>>
          tpu.enqueue_dma source(%dma_start3A_57 : memref<1024xi32, #tpu.memory_space<hbm>>) target(%arg9 : memref<1024xi32, #tpu.memory_space<vmem>>) target_semaphore(%run_scoped3A : memref<!tpu.dma_semaphore, #tpu.memory_space<semaphore_mem>>)
          %dma_wait3A = tpu.memref_slice %arg4[%add3A_46] : memref<212992xi32, #tpu.memory_space<hbm>> -> memref<1024xi32, #tpu.memory_space<hbm>>
          %dma_wait3A_58 = tpu.memref_slice %arg4[%add3A_46] : memref<212992xi32, #tpu.memory_space<hbm>> -> memref<1024xi32, #tpu.memory_space<hbm>>
          tpu.wait_dma2 semaphore(%run_scoped3A : memref<!tpu.dma_semaphore, #tpu.memory_space<semaphore_mem>>) src(%dma_wait3A_58 : memref<1024xi32, #tpu.memory_space<hbm>>) dst(%arg9 : memref<1024xi32, #tpu.memory_space<vmem>>)
          tpu.yield
        }) : () -> ()
        "tpu.region"() ({
          %run_scoped3A = tpu.sem_alloc : memref<!tpu.dma_semaphore, #tpu.memory_space<semaphore_mem>>
          %dma_start3A = tpu.memref_slice %arg5[%add3A_46] : memref<212992xf32, #tpu.memory_space<hbm>> -> memref<1024xf32, #tpu.memory_space<hbm>>
          %dma_start3A_57 = tpu.memref_slice %arg5[%add3A_46] : memref<212992xf32, #tpu.memory_space<hbm>> -> memref<1024xf32, #tpu.memory_space<hbm>>
          tpu.enqueue_dma source(%dma_start3A_57 : memref<1024xf32, #tpu.memory_space<hbm>>) target(%arg11 : memref<1024xf32, #tpu.memory_space<vmem>>) target_semaphore(%run_scoped3A : memref<!tpu.dma_semaphore, #tpu.memory_space<semaphore_mem>>)
          %dma_wait3A = tpu.memref_slice %arg5[%add3A_46] : memref<212992xf32, #tpu.memory_space<hbm>> -> memref<1024xf32, #tpu.memory_space<hbm>>
          %dma_wait3A_58 = tpu.memref_slice %arg5[%add3A_46] : memref<212992xf32, #tpu.memory_space<hbm>> -> memref<1024xf32, #tpu.memory_space<hbm>>
          tpu.wait_dma2 semaphore(%run_scoped3A : memref<!tpu.dma_semaphore, #tpu.memory_space<semaphore_mem>>) src(%dma_wait3A_58 : memref<1024xf32, #tpu.memory_space<hbm>>) dst(%arg11 : memref<1024xf32, #tpu.memory_space<vmem>>)
          tpu.yield
        }) : () -> ()
        "tpu.region"() ({
          %run_scoped3A = tpu.sem_alloc : memref<!tpu.dma_semaphore, #tpu.memory_space<semaphore_mem>>
          %dma_start3A = arith.constant 0 : i32
          %dma_start3A_57 = arith.constant 0 : i32
          %dma_start3A_58 = tpu.memref_slice %arg2[%add3A_19, %dma_start3A, %dma_start3A_57] : memref<16x50000x16xf32, #tpu.memory_space<hbm>> -> memref<1x50000x16xf32, #tpu.memory_space<hbm>>
          %dma_start3A_59 = tpu.memref_squeeze %dma_start3A_58 : memref<1x50000x16xf32, #tpu.memory_space<hbm>> -> memref<50000x16xf32, #tpu.memory_space<hbm>>
          %dma_start3A_60 = arith.constant 0 : i32
          %dma_start3A_61 = arith.constant 0 : i32
          %dma_start3A_62 = tpu.memref_slice %dma_start3A_59[%dma_start3A_60, %dma_start3A_61] : memref<50000x16xf32, #tpu.memory_space<hbm>> -> memref<50000x16xf32, #tpu.memory_space<hbm>>
          tpu.enqueue_indirect_dma source(%dma_start3A_62 : memref<50000x16xf32, #tpu.memory_space<hbm>>) target(%arg12 : memref<1024x16xf32, #tpu.memory_space<vmem>>) offsets(%arg8 : memref<1024xi32, #tpu.memory_space<vmem>>) semaphore(%run_scoped3A : memref<!tpu.dma_semaphore, #tpu.memory_space<semaphore_mem>>)
          %dma_wait3A = arith.constant 0 : i32
          %dma_wait3A_63 = arith.constant 0 : i32
          %dma_wait3A_64 = tpu.memref_slice %arg2[%add3A_19, %dma_wait3A, %dma_wait3A_63] : memref<16x50000x16xf32, #tpu.memory_space<hbm>> -> memref<1x50000x16xf32, #tpu.memory_space<hbm>>
          %dma_wait3A_65 = tpu.memref_squeeze %dma_wait3A_64 : memref<1x50000x16xf32, #tpu.memory_space<hbm>> -> memref<50000x16xf32, #tpu.memory_space<hbm>>
          %dma_wait3A_66 = arith.constant 0 : i32
          %dma_wait3A_67 = arith.constant 0 : i32
          %dma_wait3A_68 = tpu.memref_slice %dma_wait3A_65[%dma_wait3A_66, %dma_wait3A_67] : memref<50000x16xf32, #tpu.memory_space<hbm>> -> memref<50000x16xf32, #tpu.memory_space<hbm>>
          tpu.wait_indirect_dma semaphore(%run_scoped3A : memref<!tpu.dma_semaphore, #tpu.memory_space<semaphore_mem>>) src(%dma_wait3A_68 : memref<50000x16xf32, #tpu.memory_space<hbm>>) dst(%arg12 : memref<1024x16xf32, #tpu.memory_space<vmem>>)
          tpu.yield
        }) : () -> ()
        %scan3A_47 = arith.constant 0 : i32
        %scan3A_48 = arith.constant 64 : i32
        %scan3A_49 = arith.addi %scan3A_47, %scan3A_48 : i32
        %scan3A_50 = arith.constant 1 : i32
        scf.for %scan3A_57 = %scan3A_47 to %scan3A_49 step %scan3A_50  : i32 {
          %mul3A_58 = arith.constant 1 : i32
          %mul3A_59 = arith.muli %scan3A_57, %mul3A_58 : i32
          %add3A_60 = arith.constant 0 : i32
          %add3A_61 = arith.addi %add3A_60, %mul3A_59 : i32
          %mul3A_62 = arith.constant 16 : i32
          %mul3A_63 = arith.muli %add3A_61, %mul3A_62 : i32
          %get3A = arith.index_cast %mul3A_63 : i32 to index
          %get3A_64 = tpu.vector_load %arg11[%get3A] {strides = array<i32>} : memref<1024xf32, #tpu.memory_space<vmem>>, vector<16xf32>,
          %iota3A = tpu.iota {dimensions = array<i32: 0>} : vector<16xi32>
          %add3A_65 = vector.broadcast %mul3A_63 : i32 to vector<16xi32>
          %add3A_66 = arith.addi %add3A_65, %iota3A : vector<16xi32>
          %broadcast_in_dim3A = arith.constant 0 : i32
          %broadcast_in_dim3A_67 = vector.broadcast %broadcast_in_dim3A : i32 to vector<16xi32>
          %gather3A = tpu.vector_load_idx %arg12[%add3A_66, %broadcast_in_dim3A_67] : memref<1024x16xf32, #tpu.memory_space<vmem>>[vector<16xi32>, vector<16xi32>], vector<16xf32>,
          %mul3A_68 = arith.mulf %gather3A, %get3A_64 : vector<16xf32>
          tpu.vector_store_idx %arg12[%add3A_66, %broadcast_in_dim3A_67], %mul3A_68 : memref<1024x16xf32, #tpu.memory_space<vmem>>[vector<16xi32>, vector<16xi32>], vector<16xf32>,
          %broadcast_in_dim3A_69 = arith.constant 1 : i32
          %broadcast_in_dim3A_70 = vector.broadcast %broadcast_in_dim3A_69 : i32 to vector<16xi32>
          %gather3A_71 = tpu.vector_load_idx %arg12[%add3A_66, %broadcast_in_dim3A_70] : memref<1024x16xf32, #tpu.memory_space<vmem>>[vector<16xi32>, vector<16xi32>], vector<16xf32>,
          %mul3A_72 = arith.mulf %gather3A_71, %get3A_64 : vector<16xf32>
          tpu.vector_store_idx %arg12[%add3A_66, %broadcast_in_dim3A_70], %mul3A_72 : memref<1024x16xf32, #tpu.memory_space<vmem>>[vector<16xi32>, vector<16xi32>], vector<16xf32>,
          %broadcast_in_dim3A_73 = arith.constant 2 : i32
          %broadcast_in_dim3A_74 = vector.broadcast %broadcast_in_dim3A_73 : i32 to vector<16xi32>
          %gather3A_75 = tpu.vector_load_idx %arg12[%add3A_66, %broadcast_in_dim3A_74] : memref<1024x16xf32, #tpu.memory_space<vmem>>[vector<16xi32>, vector<16xi32>], vector<16xf32>,
          %mul3A_76 = arith.mulf %gather3A_75, %get3A_64 : vector<16xf32>
          tpu.vector_store_idx %arg12[%add3A_66, %broadcast_in_dim3A_74], %mul3A_76 : memref<1024x16xf32, #tpu.memory_space<vmem>>[vector<16xi32>, vector<16xi32>], vector<16xf32>,
          %broadcast_in_dim3A_77 = arith.constant 3 : i32
          %broadcast_in_dim3A_78 = vector.broadcast %broadcast_in_dim3A_77 : i32 to vector<16xi32>
          %gather3A_79 = tpu.vector_load_idx %arg12[%add3A_66, %broadcast_in_dim3A_78] : memref<1024x16xf32, #tpu.memory_space<vmem>>[vector<16xi32>, vector<16xi32>], vector<16xf32>,
          %mul3A_80 = arith.mulf %gather3A_79, %get3A_64 : vector<16xf32>
          tpu.vector_store_idx %arg12[%add3A_66, %broadcast_in_dim3A_78], %mul3A_80 : memref<1024x16xf32, #tpu.memory_space<vmem>>[vector<16xi32>, vector<16xi32>], vector<16xf32>,
          %broadcast_in_dim3A_81 = arith.constant 4 : i32
          %broadcast_in_dim3A_82 = vector.broadcast %broadcast_in_dim3A_81 : i32 to vector<16xi32>
          %gather3A_83 = tpu.vector_load_idx %arg12[%add3A_66, %broadcast_in_dim3A_82] : memref<1024x16xf32, #tpu.memory_space<vmem>>[vector<16xi32>, vector<16xi32>], vector<16xf32>,
          %mul3A_84 = arith.mulf %gather3A_83, %get3A_64 : vector<16xf32>
          tpu.vector_store_idx %arg12[%add3A_66, %broadcast_in_dim3A_82], %mul3A_84 : memref<1024x16xf32, #tpu.memory_space<vmem>>[vector<16xi32>, vector<16xi32>], vector<16xf32>,
          %broadcast_in_dim3A_85 = arith.constant 5 : i32
          %broadcast_in_dim3A_86 = vector.broadcast %broadcast_in_dim3A_85 : i32 to vector<16xi32>
          %gather3A_87 = tpu.vector_load_idx %arg12[%add3A_66, %broadcast_in_dim3A_86] : memref<1024x16xf32, #tpu.memory_space<vmem>>[vector<16xi32>, vector<16xi32>], vector<16xf32>,
          %mul3A_88 = arith.mulf %gather3A_87, %get3A_64 : vector<16xf32>
          tpu.vector_store_idx %arg12[%add3A_66, %broadcast_in_dim3A_86], %mul3A_88 : memref<1024x16xf32, #tpu.memory_space<vmem>>[vector<16xi32>, vector<16xi32>], vector<16xf32>,
          %broadcast_in_dim3A_89 = arith.constant 6 : i32
          %broadcast_in_dim3A_90 = vector.broadcast %broadcast_in_dim3A_89 : i32 to vector<16xi32>
          %gather3A_91 = tpu.vector_load_idx %arg12[%add3A_66, %broadcast_in_dim3A_90] : memref<1024x16xf32, #tpu.memory_space<vmem>>[vector<16xi32>, vector<16xi32>], vector<16xf32>,
          %mul3A_92 = arith.mulf %gather3A_91, %get3A_64 : vector<16xf32>
          tpu.vector_store_idx %arg12[%add3A_66, %broadcast_in_dim3A_90], %mul3A_92 : memref<1024x16xf32, #tpu.memory_space<vmem>>[vector<16xi32>, vector<16xi32>], vector<16xf32>,
          %broadcast_in_dim3A_93 = arith.constant 7 : i32
          %broadcast_in_dim3A_94 = vector.broadcast %broadcast_in_dim3A_93 : i32 to vector<16xi32>
          %gather3A_95 = tpu.vector_load_idx %arg12[%add3A_66, %broadcast_in_dim3A_94] : memref<1024x16xf32, #tpu.memory_space<vmem>>[vector<16xi32>, vector<16xi32>], vector<16xf32>,
          %mul3A_96 = arith.mulf %gather3A_95, %get3A_64 : vector<16xf32>
          tpu.vector_store_idx %arg12[%add3A_66, %broadcast_in_dim3A_94], %mul3A_96 : memref<1024x16xf32, #tpu.memory_space<vmem>>[vector<16xi32>, vector<16xi32>], vector<16xf32>,
          %broadcast_in_dim3A_97 = arith.constant 8 : i32
          %broadcast_in_dim3A_98 = vector.broadcast %broadcast_in_dim3A_97 : i32 to vector<16xi32>
          %gather3A_99 = tpu.vector_load_idx %arg12[%add3A_66, %broadcast_in_dim3A_98] : memref<1024x16xf32, #tpu.memory_space<vmem>>[vector<16xi32>, vector<16xi32>], vector<16xf32>,
          %mul3A_100 = arith.mulf %gather3A_99, %get3A_64 : vector<16xf32>
          tpu.vector_store_idx %arg12[%add3A_66, %broadcast_in_dim3A_98], %mul3A_100 : memref<1024x16xf32, #tpu.memory_space<vmem>>[vector<16xi32>, vector<16xi32>], vector<16xf32>,
          %broadcast_in_dim3A_101 = arith.constant 9 : i32
          %broadcast_in_dim3A_102 = vector.broadcast %broadcast_in_dim3A_101 : i32 to vector<16xi32>
          %gather3A_103 = tpu.vector_load_idx %arg12[%add3A_66, %broadcast_in_dim3A_102] : memref<1024x16xf32, #tpu.memory_space<vmem>>[vector<16xi32>, vector<16xi32>], vector<16xf32>,
          %mul3A_104 = arith.mulf %gather3A_103, %get3A_64 : vector<16xf32>
          tpu.vector_store_idx %arg12[%add3A_66, %broadcast_in_dim3A_102], %mul3A_104 : memref<1024x16xf32, #tpu.memory_space<vmem>>[vector<16xi32>, vector<16xi32>], vector<16xf32>,
          %broadcast_in_dim3A_105 = arith.constant 10 : i32
          %broadcast_in_dim3A_106 = vector.broadcast %broadcast_in_dim3A_105 : i32 to vector<16xi32>
          %gather3A_107 = tpu.vector_load_idx %arg12[%add3A_66, %broadcast_in_dim3A_106] : memref<1024x16xf32, #tpu.memory_space<vmem>>[vector<16xi32>, vector<16xi32>], vector<16xf32>,
          %mul3A_108 = arith.mulf %gather3A_107, %get3A_64 : vector<16xf32>
          tpu.vector_store_idx %arg12[%add3A_66, %broadcast_in_dim3A_106], %mul3A_108 : memref<1024x16xf32, #tpu.memory_space<vmem>>[vector<16xi32>, vector<16xi32>], vector<16xf32>,
          %broadcast_in_dim3A_109 = arith.constant 11 : i32
          %broadcast_in_dim3A_110 = vector.broadcast %broadcast_in_dim3A_109 : i32 to vector<16xi32>
          %gather3A_111 = tpu.vector_load_idx %arg12[%add3A_66, %broadcast_in_dim3A_110] : memref<1024x16xf32, #tpu.memory_space<vmem>>[vector<16xi32>, vector<16xi32>], vector<16xf32>,
          %mul3A_112 = arith.mulf %gather3A_111, %get3A_64 : vector<16xf32>
          tpu.vector_store_idx %arg12[%add3A_66, %broadcast_in_dim3A_110], %mul3A_112 : memref<1024x16xf32, #tpu.memory_space<vmem>>[vector<16xi32>, vector<16xi32>], vector<16xf32>,
          %broadcast_in_dim3A_113 = arith.constant 12 : i32
          %broadcast_in_dim3A_114 = vector.broadcast %broadcast_in_dim3A_113 : i32 to vector<16xi32>
          %gather3A_115 = tpu.vector_load_idx %arg12[%add3A_66, %broadcast_in_dim3A_114] : memref<1024x16xf32, #tpu.memory_space<vmem>>[vector<16xi32>, vector<16xi32>], vector<16xf32>,
          %mul3A_116 = arith.mulf %gather3A_115, %get3A_64 : vector<16xf32>
          tpu.vector_store_idx %arg12[%add3A_66, %broadcast_in_dim3A_114], %mul3A_116 : memref<1024x16xf32, #tpu.memory_space<vmem>>[vector<16xi32>, vector<16xi32>], vector<16xf32>,
          %broadcast_in_dim3A_117 = arith.constant 13 : i32
          %broadcast_in_dim3A_118 = vector.broadcast %broadcast_in_dim3A_117 : i32 to vector<16xi32>
          %gather3A_119 = tpu.vector_load_idx %arg12[%add3A_66, %broadcast_in_dim3A_118] : memref<1024x16xf32, #tpu.memory_space<vmem>>[vector<16xi32>, vector<16xi32>], vector<16xf32>,
          %mul3A_120 = arith.mulf %gather3A_119, %get3A_64 : vector<16xf32>
          tpu.vector_store_idx %arg12[%add3A_66, %broadcast_in_dim3A_118], %mul3A_120 : memref<1024x16xf32, #tpu.memory_space<vmem>>[vector<16xi32>, vector<16xi32>], vector<16xf32>,
          %broadcast_in_dim3A_121 = arith.constant 14 : i32
          %broadcast_in_dim3A_122 = vector.broadcast %broadcast_in_dim3A_121 : i32 to vector<16xi32>
          %gather3A_123 = tpu.vector_load_idx %arg12[%add3A_66, %broadcast_in_dim3A_122] : memref<1024x16xf32, #tpu.memory_space<vmem>>[vector<16xi32>, vector<16xi32>], vector<16xf32>,
          %mul3A_124 = arith.mulf %gather3A_123, %get3A_64 : vector<16xf32>
          tpu.vector_store_idx %arg12[%add3A_66, %broadcast_in_dim3A_122], %mul3A_124 : memref<1024x16xf32, #tpu.memory_space<vmem>>[vector<16xi32>, vector<16xi32>], vector<16xf32>,
          %broadcast_in_dim3A_125 = arith.constant 15 : i32
          %broadcast_in_dim3A_126 = vector.broadcast %broadcast_in_dim3A_125 : i32 to vector<16xi32>
          %gather3A_127 = tpu.vector_load_idx %arg12[%add3A_66, %broadcast_in_dim3A_126] : memref<1024x16xf32, #tpu.memory_space<vmem>>[vector<16xi32>, vector<16xi32>], vector<16xf32>,
          %mul3A_128 = arith.mulf %gather3A_127, %get3A_64 : vector<16xf32>
          tpu.vector_store_idx %arg12[%add3A_66, %broadcast_in_dim3A_126], %mul3A_128 : memref<1024x16xf32, #tpu.memory_space<vmem>>[vector<16xi32>, vector<16xi32>], vector<16xf32>,
        }
        %scan3A_51 = arith.constant 64 : i32
        %scan3A_52 = arith.constant 0 : i32
        %scan3A_53 = arith.constant 64 : i32
        %scan3A_54 = arith.addi %scan3A_52, %scan3A_53 : i32
        %scan3A_55 = arith.constant 1 : i32
        scf.for %scan3A_57 = %scan3A_52 to %scan3A_54 step %scan3A_55  : i32 {
          %mul3A_58 = arith.constant 1 : i32
          %mul3A_59 = arith.muli %scan3A_57, %mul3A_58 : i32
          %add3A_60 = arith.constant 0 : i32
          %add3A_61 = arith.addi %add3A_60, %mul3A_59 : i32
          %mul3A_62 = arith.constant 16 : i32
          %mul3A_63 = arith.muli %add3A_61, %mul3A_62 : i32
          %get3A = arith.index_cast %mul3A_63 : i32 to index
          %get3A_64 = tpu.vector_load %arg9[%get3A] {strides = array<i32>} : memref<1024xi32, #tpu.memory_space<vmem>>, vector<16xi32>,
          %sub3A = arith.constant 133376 : i32
          %sub3A_65 = vector.broadcast %sub3A : i32 to vector<16xi32>
          %sub3A_66 = arith.subi %get3A_64, %sub3A_65 : vector<16xi32>
          %ge3A = arith.constant 0 : i32
          %ge3A_67 = vector.broadcast %ge3A : i32 to vector<16xi32>
          %ge3A_68 = arith.cmpi sge, %sub3A_66, %ge3A_67 : vector<16xi32>
          %lt3A_69 = arith.constant 66688 : i32
          %lt3A_70 = vector.broadcast %lt3A_69 : i32 to vector<16xi32>
          %lt3A_71 = arith.cmpi slt, %sub3A_66, %lt3A_70 : vector<16xi32>
          %and3A = arith.andi %ge3A_68, %lt3A_71 : vector<16xi1>
          %iota3A = tpu.iota {dimensions = array<i32: 0>} : vector<16xi32>
          %add3A_72 = arith.constant 66688 : i32
          %add3A_73 = vector.broadcast %add3A_72 : i32 to vector<16xi32>
          %add3A_74 = arith.addi %add3A_73, %iota3A : vector<16xi32>
          %select_n3A = arith.select %and3A, %sub3A_66, %add3A_74 : vector<16xi1>, vector<16xi32>
          %swap3A = arith.index_cast %mul3A_63 : i32 to index
          %swap3A_75 = tpu.vector_load %arg10[%swap3A] {strides = array<i32>} : memref<1024xi32, #tpu.memory_space<vmem>>, vector<16xi32>,
          tpu.vector_store %arg10[%swap3A], %select_n3A {strides = array<i32>} : memref<1024xi32, #tpu.memory_space<vmem>>, vector<16xi32>,
        }
        %scan3A_56 = arith.constant 64 : i32
        "tpu.region"() ({
          %run_scoped3A = tpu.sem_alloc : memref<!tpu.dma_semaphore, #tpu.memory_space<semaphore_mem>>
          %dma_start3A = arith.constant 0 : i32
          %dma_start3A_57 = arith.constant 0 : i32
          %dma_start3A_58 = tpu.memref_slice %arg13[%dma_start3A, %dma_start3A_57] : memref<66816x16xf32, #tpu.memory_space<vmem_shared>> -> memref<66816x16xf32, #tpu.memory_space<vmem_shared>>
          tpu.enqueue_indirect_dma source(%arg12 : memref<1024x16xf32, #tpu.memory_space<vmem>>) target(%dma_start3A_58 : memref<66816x16xf32, #tpu.memory_space<vmem_shared>>) offsets(%arg10 : memref<1024xi32, #tpu.memory_space<vmem>>) semaphore(%run_scoped3A : memref<!tpu.dma_semaphore, #tpu.memory_space<semaphore_mem>>) {add = true}
          %dma_wait3A = arith.constant 0 : i32
          %dma_wait3A_59 = arith.constant 0 : i32
          %dma_wait3A_60 = tpu.memref_slice %arg13[%dma_wait3A, %dma_wait3A_59] : memref<66816x16xf32, #tpu.memory_space<vmem_shared>> -> memref<66816x16xf32, #tpu.memory_space<vmem_shared>>
          tpu.wait_indirect_dma semaphore(%run_scoped3A : memref<!tpu.dma_semaphore, #tpu.memory_space<semaphore_mem>>) src(%arg12 : memref<1024x16xf32, #tpu.memory_space<vmem>>) dst(%dma_wait3A_60 : memref<66816x16xf32, #tpu.memory_space<vmem_shared>>)
          tpu.yield
        }) : () -> ()
      }
      %scan3A_28 = arith.constant 13 : i32
      %barrier3A_29 = arith.constant 0 : index
      tpu.barrier barrier_id(%barrier3A_29)
      %lt3A = arith.constant 15 : i32
      %lt3A_30 = arith.cmpi slt, %arg1, %lt3A : i32
      %convert_element_type3A = arith.extui %lt3A_30 : i1 to i32
      %cond3A = arith.constant 0 : i32
      %cond3A_31 = arith.cmpi ne, %convert_element_type3A, %cond3A : i32
      scf.if %cond3A_31 {
        %mul3A_37 = arith.constant 4168 : i32
        %mul3A_38 = arith.muli %arg1, %mul3A_37 : i32
        %mul3A_39 = arith.constant 4168 : i32
        %mul3A_40 = arith.muli %arg1, %mul3A_39 : i32
        %add3A_41 = arith.constant 133376 : i32
        %add3A_42 = arith.addi %add3A_41, %mul3A_40 : i32
        "tpu.region"() ({
          %run_scoped3A = tpu.sem_alloc : memref<!tpu.dma_semaphore, #tpu.memory_space<semaphore_mem>>
          %dma_start3A = arith.constant 0 : i32
          %dma_start3A_43 = arith.constant 0 : i32
          %dma_start3A_44 = tpu.memref_slice %arg7[%add3A_19, %dma_start3A, %dma_start3A_43] : memref<16x200000x16xf32, #tpu.memory_space<hbm>> -> memref<1x200000x16xf32, #tpu.memory_space<hbm>>
          %dma_start3A_45 = tpu.memref_squeeze %dma_start3A_44 : memref<1x200000x16xf32, #tpu.memory_space<hbm>> -> memref<200000x16xf32, #tpu.memory_space<hbm>>
          %dma_start3A_46 = arith.constant 0 : i32
          %dma_start3A_47 = tpu.memref_slice %dma_start3A_45[%add3A_42, %dma_start3A_46] : memref<200000x16xf32, #tpu.memory_space<hbm>> -> memref<4168x16xf32, #tpu.memory_space<hbm>>
          %dma_start3A_48 = arith.constant 0 : i32
          %dma_start3A_49 = tpu.memref_slice %arg13[%mul3A_38, %dma_start3A_48] : memref<66816x16xf32, #tpu.memory_space<vmem_shared>> -> memref<4168x16xf32, #tpu.memory_space<vmem_shared>>
          tpu.enqueue_dma source(%dma_start3A_49 : memref<4168x16xf32, #tpu.memory_space<vmem_shared>>) target(%dma_start3A_47 : memref<4168x16xf32, #tpu.memory_space<hbm>>) target_semaphore(%run_scoped3A : memref<!tpu.dma_semaphore, #tpu.memory_space<semaphore_mem>>)
          %dma_wait3A = arith.constant 0 : i32
          %dma_wait3A_50 = arith.constant 0 : i32
          %dma_wait3A_51 = tpu.memref_slice %arg7[%add3A_19, %dma_wait3A, %dma_wait3A_50] : memref<16x200000x16xf32, #tpu.memory_space<hbm>> -> memref<1x200000x16xf32, #tpu.memory_space<hbm>>
          %dma_wait3A_52 = tpu.memref_squeeze %dma_wait3A_51 : memref<1x200000x16xf32, #tpu.memory_space<hbm>> -> memref<200000x16xf32, #tpu.memory_space<hbm>>
          %dma_wait3A_53 = arith.constant 0 : i32
          %dma_wait3A_54 = tpu.memref_slice %dma_wait3A_52[%add3A_42, %dma_wait3A_53] : memref<200000x16xf32, #tpu.memory_space<hbm>> -> memref<4168x16xf32, #tpu.memory_space<hbm>>
          %dma_wait3A_55 = arith.constant 0 : i32
          %dma_wait3A_56 = tpu.memref_slice %arg13[%mul3A_38, %dma_wait3A_55] : memref<66816x16xf32, #tpu.memory_space<vmem_shared>> -> memref<4168x16xf32, #tpu.memory_space<vmem_shared>>
          tpu.wait_dma2 semaphore(%run_scoped3A : memref<!tpu.dma_semaphore, #tpu.memory_space<semaphore_mem>>) src(%dma_wait3A_56 : memref<4168x16xf32, #tpu.memory_space<vmem_shared>>) dst(%dma_wait3A_54 : memref<4168x16xf32, #tpu.memory_space<hbm>>)
          tpu.yield
        }) : () -> ()
      } else {
      }
      %eq3A = arith.constant 15 : i32
      %eq3A_32 = arith.cmpi eq, %arg1, %eq3A : i32
      %convert_element_type3A_33 = arith.extui %eq3A_32 : i1 to i32
      %cond3A_34 = arith.constant 0 : i32
      %cond3A_35 = arith.cmpi ne, %convert_element_type3A_33, %cond3A_34 : i32
      scf.if %cond3A_35 {
        "tpu.region"() ({
          %run_scoped3A = tpu.sem_alloc : memref<!tpu.dma_semaphore, #tpu.memory_space<semaphore_mem>>
          %dma_start3A = arith.constant 0 : i32
          %dma_start3A_37 = arith.constant 0 : i32
          %dma_start3A_38 = tpu.memref_slice %arg7[%add3A_19, %dma_start3A, %dma_start3A_37] : memref<16x200000x16xf32, #tpu.memory_space<hbm>> -> memref<1x200000x16xf32, #tpu.memory_space<hbm>>
          %dma_start3A_39 = tpu.memref_squeeze %dma_start3A_38 : memref<1x200000x16xf32, #tpu.memory_space<hbm>> -> memref<200000x16xf32, #tpu.memory_space<hbm>>
          %dma_start3A_40 = arith.constant 195896 : i32
          %dma_start3A_41 = arith.constant 0 : i32
          %dma_start3A_42 = tpu.memref_slice %dma_start3A_39[%dma_start3A_40, %dma_start3A_41] : memref<200000x16xf32, #tpu.memory_space<hbm>> -> memref<4104x16xf32, #tpu.memory_space<hbm>>
          %dma_start3A_43 = arith.constant 62520 : i32
          %dma_start3A_44 = arith.constant 0 : i32
          %dma_start3A_45 = tpu.memref_slice %arg13[%dma_start3A_43, %dma_start3A_44] : memref<66816x16xf32, #tpu.memory_space<vmem_shared>> -> memref<4104x16xf32, #tpu.memory_space<vmem_shared>>
          tpu.enqueue_dma source(%dma_start3A_45 : memref<4104x16xf32, #tpu.memory_space<vmem_shared>>) target(%dma_start3A_42 : memref<4104x16xf32, #tpu.memory_space<hbm>>) target_semaphore(%run_scoped3A : memref<!tpu.dma_semaphore, #tpu.memory_space<semaphore_mem>>)
          %dma_wait3A = arith.constant 0 : i32
          %dma_wait3A_46 = arith.constant 0 : i32
          %dma_wait3A_47 = tpu.memref_slice %arg7[%add3A_19, %dma_wait3A, %dma_wait3A_46] : memref<16x200000x16xf32, #tpu.memory_space<hbm>> -> memref<1x200000x16xf32, #tpu.memory_space<hbm>>
          %dma_wait3A_48 = tpu.memref_squeeze %dma_wait3A_47 : memref<1x200000x16xf32, #tpu.memory_space<hbm>> -> memref<200000x16xf32, #tpu.memory_space<hbm>>
          %dma_wait3A_49 = arith.constant 195896 : i32
          %dma_wait3A_50 = arith.constant 0 : i32
          %dma_wait3A_51 = tpu.memref_slice %dma_wait3A_48[%dma_wait3A_49, %dma_wait3A_50] : memref<200000x16xf32, #tpu.memory_space<hbm>> -> memref<4104x16xf32, #tpu.memory_space<hbm>>
          %dma_wait3A_52 = arith.constant 62520 : i32
          %dma_wait3A_53 = arith.constant 0 : i32
          %dma_wait3A_54 = tpu.memref_slice %arg13[%dma_wait3A_52, %dma_wait3A_53] : memref<66816x16xf32, #tpu.memory_space<vmem_shared>> -> memref<4104x16xf32, #tpu.memory_space<vmem_shared>>
          tpu.wait_dma2 semaphore(%run_scoped3A : memref<!tpu.dma_semaphore, #tpu.memory_space<semaphore_mem>>) src(%dma_wait3A_54 : memref<4104x16xf32, #tpu.memory_space<vmem_shared>>) dst(%dma_wait3A_51 : memref<4104x16xf32, #tpu.memory_space<hbm>>)
          tpu.yield
        }) : () -> ()
      } else {
      }
      %barrier3A_36 = arith.constant 0 : index
      tpu.barrier barrier_id(%barrier3A_36)
    }
    %scan3A_13 = arith.constant 8 : i32
    return
  }
}

#map = affine_map<(d0, d1) -> (0, 0, 0)>
#map1 = affine_map<(d0, d1) -> (0)>
#map2 = affine_map<(d0, d1) -> (0, 0)>
module attributes {stable_mosaic.version = 14 : i64} {
  func.func @k(%arg0: i32, %arg1: i32, %arg2: memref<8x50000x16xf32, #tpu.memory_space<hbm>>, %arg3: memref<819200xi32, #tpu.memory_space<hbm>>, %arg4: memref<819200xi32, #tpu.memory_space<hbm>>, %arg5: memref<819200xf32, #tpu.memory_space<hbm>>, %arg6: memref<50048x16xf32, #tpu.memory_space<hbm>>, %arg7: memref<8x50000x16xf32, #tpu.memory_space<hbm>>, %arg8: memref<1024xi32, #tpu.memory_space<vmem>>, %arg9: memref<1024xi32, #tpu.memory_space<vmem>>, %arg10: memref<1024xf32, #tpu.memory_space<vmem>>, %arg11: memref<1024x16xf32, #tpu.memory_space<vmem>>, %arg12: memref<50048x16xf32, #tpu.memory_space<vmem_shared>>) attributes {dimension_semantics = [#tpu.dimension_semantics<core_parallel>, #tpu.dimension_semantics<subcore_parallel>], iteration_bounds = array<i64: 2, 16>, scalar_prefetch = 0 : i64, scratch_operands = 5 : i64, tpu.core_type = #tpu.core_type<sc_vector_subcore>, window_params = [{transform_indices = #map}, {transform_indices = #map1}, {transform_indices = #map1}, {transform_indices = #map1}, {transform_indices = #map2}, {transform_indices = #map}]} {
    %scan3A = arith.constant 0 : i32
    %scan3A_0 = arith.constant 4 : i32
    %scan3A_1 = arith.addi %scan3A, %scan3A_0 : i32
    %scan3A_2 = arith.constant 1 : i32
    scf.for %scan3A_4 = %scan3A to %scan3A_1 step %scan3A_2  : i32 {
      %mul3A = arith.constant 1 : i32
      %mul3A_5 = arith.muli %scan3A_4, %mul3A : i32
      %add3A = arith.constant 0 : i32
      %add3A_6 = arith.addi %add3A, %mul3A_5 : i32
      %mul3A_7 = arith.constant 4 : i32
      %mul3A_8 = arith.muli %arg0, %mul3A_7 : i32
      %add3A_9 = arith.addi %mul3A_8, %add3A_6 : i32
      %mul3A_10 = arith.constant 3128 : i32
      %mul3A_11 = arith.muli %arg1, %mul3A_10 : i32
      %mul3A_12 = arith.constant 3128 : i32
      %mul3A_13 = arith.muli %arg1, %mul3A_12 : i32
      "tpu.region"() ({
        %run_scoped3A = tpu.sem_alloc : memref<!tpu.dma_semaphore, #tpu.memory_space<semaphore_mem>>
        %dma_start3A = arith.constant 0 : i32
        %dma_start3A_27 = tpu.memref_slice %arg12[%mul3A_13, %dma_start3A] : memref<50048x16xf32, #tpu.memory_space<vmem_shared>> -> memref<3128x16xf32, #tpu.memory_space<vmem_shared>>
        %dma_start3A_28 = arith.constant 0 : i32
        %dma_start3A_29 = tpu.memref_slice %arg6[%mul3A_11, %dma_start3A_28] : memref<50048x16xf32, #tpu.memory_space<hbm>> -> memref<3128x16xf32, #tpu.memory_space<hbm>>
        tpu.enqueue_dma source(%dma_start3A_29 : memref<3128x16xf32, #tpu.memory_space<hbm>>) target(%dma_start3A_27 : memref<3128x16xf32, #tpu.memory_space<vmem_shared>>) target_semaphore(%run_scoped3A : memref<!tpu.dma_semaphore, #tpu.memory_space<semaphore_mem>>)
        %dma_wait3A = arith.constant 0 : i32
        %dma_wait3A_30 = tpu.memref_slice %arg12[%mul3A_13, %dma_wait3A] : memref<50048x16xf32, #tpu.memory_space<vmem_shared>> -> memref<3128x16xf32, #tpu.memory_space<vmem_shared>>
        %dma_wait3A_31 = arith.constant 0 : i32
        %dma_wait3A_32 = tpu.memref_slice %arg6[%mul3A_11, %dma_wait3A_31] : memref<50048x16xf32, #tpu.memory_space<hbm>> -> memref<3128x16xf32, #tpu.memory_space<hbm>>
        tpu.wait_dma2 semaphore(%run_scoped3A : memref<!tpu.dma_semaphore, #tpu.memory_space<semaphore_mem>>) src(%dma_wait3A_32 : memref<3128x16xf32, #tpu.memory_space<hbm>>) dst(%dma_wait3A_30 : memref<3128x16xf32, #tpu.memory_space<vmem_shared>>)
        tpu.yield
      }) : () -> ()
      %barrier3A = arith.constant 0 : index
      tpu.barrier barrier_id(%barrier3A)
      %scan3A_14 = arith.constant 0 : i32
      %scan3A_15 = arith.constant 50 : i32
      %scan3A_16 = arith.addi %scan3A_14, %scan3A_15 : i32
      %scan3A_17 = arith.constant 1 : i32
      scf.for %scan3A_27 = %scan3A_14 to %scan3A_16 step %scan3A_17  : i32 {
        %mul3A_28 = arith.constant 1 : i32
        %mul3A_29 = arith.muli %scan3A_27, %mul3A_28 : i32
        %add3A_30 = arith.constant 0 : i32
        %add3A_31 = arith.addi %add3A_30, %mul3A_29 : i32
        %mul3A_32 = arith.constant 51200 : i32
        %mul3A_33 = arith.muli %arg1, %mul3A_32 : i32
        %mul3A_34 = arith.constant 1024 : i32
        %mul3A_35 = arith.muli %add3A_31, %mul3A_34 : i32
        %add3A_36 = arith.addi %mul3A_33, %mul3A_35 : i32
        "tpu.region"() ({
          %run_scoped3A = tpu.sem_alloc : memref<!tpu.dma_semaphore, #tpu.memory_space<semaphore_mem>>
          %dma_start3A = tpu.memref_slice %arg3[%add3A_36] : memref<819200xi32, #tpu.memory_space<hbm>> -> memref<1024xi32, #tpu.memory_space<hbm>>
          %dma_start3A_42 = tpu.memref_slice %arg3[%add3A_36] : memref<819200xi32, #tpu.memory_space<hbm>> -> memref<1024xi32, #tpu.memory_space<hbm>>
          tpu.enqueue_dma source(%dma_start3A_42 : memref<1024xi32, #tpu.memory_space<hbm>>) target(%arg8 : memref<1024xi32, #tpu.memory_space<vmem>>) target_semaphore(%run_scoped3A : memref<!tpu.dma_semaphore, #tpu.memory_space<semaphore_mem>>)
          %dma_wait3A = tpu.memref_slice %arg3[%add3A_36] : memref<819200xi32, #tpu.memory_space<hbm>> -> memref<1024xi32, #tpu.memory_space<hbm>>
          %dma_wait3A_43 = tpu.memref_slice %arg3[%add3A_36] : memref<819200xi32, #tpu.memory_space<hbm>> -> memref<1024xi32, #tpu.memory_space<hbm>>
          tpu.wait_dma2 semaphore(%run_scoped3A : memref<!tpu.dma_semaphore, #tpu.memory_space<semaphore_mem>>) src(%dma_wait3A_43 : memref<1024xi32, #tpu.memory_space<hbm>>) dst(%arg8 : memref<1024xi32, #tpu.memory_space<vmem>>)
          tpu.yield
        }) : () -> ()
        "tpu.region"() ({
          %run_scoped3A = tpu.sem_alloc : memref<!tpu.dma_semaphore, #tpu.memory_space<semaphore_mem>>
          %dma_start3A = tpu.memref_slice %arg4[%add3A_36] : memref<819200xi32, #tpu.memory_space<hbm>> -> memref<1024xi32, #tpu.memory_space<hbm>>
          %dma_start3A_42 = tpu.memref_slice %arg4[%add3A_36] : memref<819200xi32, #tpu.memory_space<hbm>> -> memref<1024xi32, #tpu.memory_space<hbm>>
          tpu.enqueue_dma source(%dma_start3A_42 : memref<1024xi32, #tpu.memory_space<hbm>>) target(%arg9 : memref<1024xi32, #tpu.memory_space<vmem>>) target_semaphore(%run_scoped3A : memref<!tpu.dma_semaphore, #tpu.memory_space<semaphore_mem>>)
          %dma_wait3A = tpu.memref_slice %arg4[%add3A_36] : memref<819200xi32, #tpu.memory_space<hbm>> -> memref<1024xi32, #tpu.memory_space<hbm>>
          %dma_wait3A_43 = tpu.memref_slice %arg4[%add3A_36] : memref<819200xi32, #tpu.memory_space<hbm>> -> memref<1024xi32, #tpu.memory_space<hbm>>
          tpu.wait_dma2 semaphore(%run_scoped3A : memref<!tpu.dma_semaphore, #tpu.memory_space<semaphore_mem>>) src(%dma_wait3A_43 : memref<1024xi32, #tpu.memory_space<hbm>>) dst(%arg9 : memref<1024xi32, #tpu.memory_space<vmem>>)
          tpu.yield
        }) : () -> ()
        "tpu.region"() ({
          %run_scoped3A = tpu.sem_alloc : memref<!tpu.dma_semaphore, #tpu.memory_space<semaphore_mem>>
          %dma_start3A = tpu.memref_slice %arg5[%add3A_36] : memref<819200xf32, #tpu.memory_space<hbm>> -> memref<1024xf32, #tpu.memory_space<hbm>>
          %dma_start3A_42 = tpu.memref_slice %arg5[%add3A_36] : memref<819200xf32, #tpu.memory_space<hbm>> -> memref<1024xf32, #tpu.memory_space<hbm>>
          tpu.enqueue_dma source(%dma_start3A_42 : memref<1024xf32, #tpu.memory_space<hbm>>) target(%arg10 : memref<1024xf32, #tpu.memory_space<vmem>>) target_semaphore(%run_scoped3A : memref<!tpu.dma_semaphore, #tpu.memory_space<semaphore_mem>>)
          %dma_wait3A = tpu.memref_slice %arg5[%add3A_36] : memref<819200xf32, #tpu.memory_space<hbm>> -> memref<1024xf32, #tpu.memory_space<hbm>>
          %dma_wait3A_43 = tpu.memref_slice %arg5[%add3A_36] : memref<819200xf32, #tpu.memory_space<hbm>> -> memref<1024xf32, #tpu.memory_space<hbm>>
          tpu.wait_dma2 semaphore(%run_scoped3A : memref<!tpu.dma_semaphore, #tpu.memory_space<semaphore_mem>>) src(%dma_wait3A_43 : memref<1024xf32, #tpu.memory_space<hbm>>) dst(%arg10 : memref<1024xf32, #tpu.memory_space<vmem>>)
          tpu.yield
        }) : () -> ()
        "tpu.region"() ({
          %run_scoped3A = tpu.sem_alloc : memref<!tpu.dma_semaphore, #tpu.memory_space<semaphore_mem>>
          %dma_start3A = arith.constant 0 : i32
          %dma_start3A_42 = arith.constant 0 : i32
          %dma_start3A_43 = tpu.memref_slice %arg2[%add3A_9, %dma_start3A, %dma_start3A_42] : memref<8x50000x16xf32, #tpu.memory_space<hbm>> -> memref<1x50000x16xf32, #tpu.memory_space<hbm>>
          %dma_start3A_44 = tpu.memref_squeeze %dma_start3A_43 : memref<1x50000x16xf32, #tpu.memory_space<hbm>> -> memref<50000x16xf32, #tpu.memory_space<hbm>>
          %dma_start3A_45 = arith.constant 0 : i32
          %dma_start3A_46 = arith.constant 0 : i32
          %dma_start3A_47 = tpu.memref_slice %dma_start3A_44[%dma_start3A_45, %dma_start3A_46] : memref<50000x16xf32, #tpu.memory_space<hbm>> -> memref<50000x16xf32, #tpu.memory_space<hbm>>
          tpu.enqueue_indirect_dma source(%dma_start3A_47 : memref<50000x16xf32, #tpu.memory_space<hbm>>) target(%arg11 : memref<1024x16xf32, #tpu.memory_space<vmem>>) offsets(%arg8 : memref<1024xi32, #tpu.memory_space<vmem>>) semaphore(%run_scoped3A : memref<!tpu.dma_semaphore, #tpu.memory_space<semaphore_mem>>)
          %dma_wait3A = arith.constant 0 : i32
          %dma_wait3A_48 = arith.constant 0 : i32
          %dma_wait3A_49 = tpu.memref_slice %arg2[%add3A_9, %dma_wait3A, %dma_wait3A_48] : memref<8x50000x16xf32, #tpu.memory_space<hbm>> -> memref<1x50000x16xf32, #tpu.memory_space<hbm>>
          %dma_wait3A_50 = tpu.memref_squeeze %dma_wait3A_49 : memref<1x50000x16xf32, #tpu.memory_space<hbm>> -> memref<50000x16xf32, #tpu.memory_space<hbm>>
          %dma_wait3A_51 = arith.constant 0 : i32
          %dma_wait3A_52 = arith.constant 0 : i32
          %dma_wait3A_53 = tpu.memref_slice %dma_wait3A_50[%dma_wait3A_51, %dma_wait3A_52] : memref<50000x16xf32, #tpu.memory_space<hbm>> -> memref<50000x16xf32, #tpu.memory_space<hbm>>
          tpu.wait_indirect_dma semaphore(%run_scoped3A : memref<!tpu.dma_semaphore, #tpu.memory_space<semaphore_mem>>) src(%dma_wait3A_53 : memref<50000x16xf32, #tpu.memory_space<hbm>>) dst(%arg11 : memref<1024x16xf32, #tpu.memory_space<vmem>>)
          tpu.yield
        }) : () -> ()
        %scan3A_37 = arith.constant 0 : i32
        %scan3A_38 = arith.constant 64 : i32
        %scan3A_39 = arith.addi %scan3A_37, %scan3A_38 : i32
        %scan3A_40 = arith.constant 1 : i32
        scf.for %scan3A_42 = %scan3A_37 to %scan3A_39 step %scan3A_40  : i32 {
          %mul3A_43 = arith.constant 1 : i32
          %mul3A_44 = arith.muli %scan3A_42, %mul3A_43 : i32
          %add3A_45 = arith.constant 0 : i32
          %add3A_46 = arith.addi %add3A_45, %mul3A_44 : i32
          %mul3A_47 = arith.constant 16 : i32
          %mul3A_48 = arith.muli %add3A_46, %mul3A_47 : i32
          %get3A = arith.index_cast %mul3A_48 : i32 to index
          %get3A_49 = tpu.vector_load %arg10[%get3A] {strides = array<i32>} : memref<1024xf32, #tpu.memory_space<vmem>>, vector<16xf32>,
          %iota3A = tpu.iota {dimensions = array<i32: 0>} : vector<16xi32>
          %add3A_50 = vector.broadcast %mul3A_48 : i32 to vector<16xi32>
          %add3A_51 = arith.addi %add3A_50, %iota3A : vector<16xi32>
          %broadcast_in_dim3A = arith.constant 0 : i32
          %broadcast_in_dim3A_52 = vector.broadcast %broadcast_in_dim3A : i32 to vector<16xi32>
          %gather3A = tpu.vector_load_idx %arg11[%add3A_51, %broadcast_in_dim3A_52] : memref<1024x16xf32, #tpu.memory_space<vmem>>[vector<16xi32>, vector<16xi32>], vector<16xf32>,
          %mul3A_53 = arith.mulf %gather3A, %get3A_49 : vector<16xf32>
          tpu.vector_store_idx %arg11[%add3A_51, %broadcast_in_dim3A_52], %mul3A_53 : memref<1024x16xf32, #tpu.memory_space<vmem>>[vector<16xi32>, vector<16xi32>], vector<16xf32>,
          %broadcast_in_dim3A_54 = arith.constant 1 : i32
          %broadcast_in_dim3A_55 = vector.broadcast %broadcast_in_dim3A_54 : i32 to vector<16xi32>
          %gather3A_56 = tpu.vector_load_idx %arg11[%add3A_51, %broadcast_in_dim3A_55] : memref<1024x16xf32, #tpu.memory_space<vmem>>[vector<16xi32>, vector<16xi32>], vector<16xf32>,
          %mul3A_57 = arith.mulf %gather3A_56, %get3A_49 : vector<16xf32>
          tpu.vector_store_idx %arg11[%add3A_51, %broadcast_in_dim3A_55], %mul3A_57 : memref<1024x16xf32, #tpu.memory_space<vmem>>[vector<16xi32>, vector<16xi32>], vector<16xf32>,
          %broadcast_in_dim3A_58 = arith.constant 2 : i32
          %broadcast_in_dim3A_59 = vector.broadcast %broadcast_in_dim3A_58 : i32 to vector<16xi32>
          %gather3A_60 = tpu.vector_load_idx %arg11[%add3A_51, %broadcast_in_dim3A_59] : memref<1024x16xf32, #tpu.memory_space<vmem>>[vector<16xi32>, vector<16xi32>], vector<16xf32>,
          %mul3A_61 = arith.mulf %gather3A_60, %get3A_49 : vector<16xf32>
          tpu.vector_store_idx %arg11[%add3A_51, %broadcast_in_dim3A_59], %mul3A_61 : memref<1024x16xf32, #tpu.memory_space<vmem>>[vector<16xi32>, vector<16xi32>], vector<16xf32>,
          %broadcast_in_dim3A_62 = arith.constant 3 : i32
          %broadcast_in_dim3A_63 = vector.broadcast %broadcast_in_dim3A_62 : i32 to vector<16xi32>
          %gather3A_64 = tpu.vector_load_idx %arg11[%add3A_51, %broadcast_in_dim3A_63] : memref<1024x16xf32, #tpu.memory_space<vmem>>[vector<16xi32>, vector<16xi32>], vector<16xf32>,
          %mul3A_65 = arith.mulf %gather3A_64, %get3A_49 : vector<16xf32>
          tpu.vector_store_idx %arg11[%add3A_51, %broadcast_in_dim3A_63], %mul3A_65 : memref<1024x16xf32, #tpu.memory_space<vmem>>[vector<16xi32>, vector<16xi32>], vector<16xf32>,
          %broadcast_in_dim3A_66 = arith.constant 4 : i32
          %broadcast_in_dim3A_67 = vector.broadcast %broadcast_in_dim3A_66 : i32 to vector<16xi32>
          %gather3A_68 = tpu.vector_load_idx %arg11[%add3A_51, %broadcast_in_dim3A_67] : memref<1024x16xf32, #tpu.memory_space<vmem>>[vector<16xi32>, vector<16xi32>], vector<16xf32>,
          %mul3A_69 = arith.mulf %gather3A_68, %get3A_49 : vector<16xf32>
          tpu.vector_store_idx %arg11[%add3A_51, %broadcast_in_dim3A_67], %mul3A_69 : memref<1024x16xf32, #tpu.memory_space<vmem>>[vector<16xi32>, vector<16xi32>], vector<16xf32>,
          %broadcast_in_dim3A_70 = arith.constant 5 : i32
          %broadcast_in_dim3A_71 = vector.broadcast %broadcast_in_dim3A_70 : i32 to vector<16xi32>
          %gather3A_72 = tpu.vector_load_idx %arg11[%add3A_51, %broadcast_in_dim3A_71] : memref<1024x16xf32, #tpu.memory_space<vmem>>[vector<16xi32>, vector<16xi32>], vector<16xf32>,
          %mul3A_73 = arith.mulf %gather3A_72, %get3A_49 : vector<16xf32>
          tpu.vector_store_idx %arg11[%add3A_51, %broadcast_in_dim3A_71], %mul3A_73 : memref<1024x16xf32, #tpu.memory_space<vmem>>[vector<16xi32>, vector<16xi32>], vector<16xf32>,
          %broadcast_in_dim3A_74 = arith.constant 6 : i32
          %broadcast_in_dim3A_75 = vector.broadcast %broadcast_in_dim3A_74 : i32 to vector<16xi32>
          %gather3A_76 = tpu.vector_load_idx %arg11[%add3A_51, %broadcast_in_dim3A_75] : memref<1024x16xf32, #tpu.memory_space<vmem>>[vector<16xi32>, vector<16xi32>], vector<16xf32>,
          %mul3A_77 = arith.mulf %gather3A_76, %get3A_49 : vector<16xf32>
          tpu.vector_store_idx %arg11[%add3A_51, %broadcast_in_dim3A_75], %mul3A_77 : memref<1024x16xf32, #tpu.memory_space<vmem>>[vector<16xi32>, vector<16xi32>], vector<16xf32>,
          %broadcast_in_dim3A_78 = arith.constant 7 : i32
          %broadcast_in_dim3A_79 = vector.broadcast %broadcast_in_dim3A_78 : i32 to vector<16xi32>
          %gather3A_80 = tpu.vector_load_idx %arg11[%add3A_51, %broadcast_in_dim3A_79] : memref<1024x16xf32, #tpu.memory_space<vmem>>[vector<16xi32>, vector<16xi32>], vector<16xf32>,
          %mul3A_81 = arith.mulf %gather3A_80, %get3A_49 : vector<16xf32>
          tpu.vector_store_idx %arg11[%add3A_51, %broadcast_in_dim3A_79], %mul3A_81 : memref<1024x16xf32, #tpu.memory_space<vmem>>[vector<16xi32>, vector<16xi32>], vector<16xf32>,
          %broadcast_in_dim3A_82 = arith.constant 8 : i32
          %broadcast_in_dim3A_83 = vector.broadcast %broadcast_in_dim3A_82 : i32 to vector<16xi32>
          %gather3A_84 = tpu.vector_load_idx %arg11[%add3A_51, %broadcast_in_dim3A_83] : memref<1024x16xf32, #tpu.memory_space<vmem>>[vector<16xi32>, vector<16xi32>], vector<16xf32>,
          %mul3A_85 = arith.mulf %gather3A_84, %get3A_49 : vector<16xf32>
          tpu.vector_store_idx %arg11[%add3A_51, %broadcast_in_dim3A_83], %mul3A_85 : memref<1024x16xf32, #tpu.memory_space<vmem>>[vector<16xi32>, vector<16xi32>], vector<16xf32>,
          %broadcast_in_dim3A_86 = arith.constant 9 : i32
          %broadcast_in_dim3A_87 = vector.broadcast %broadcast_in_dim3A_86 : i32 to vector<16xi32>
          %gather3A_88 = tpu.vector_load_idx %arg11[%add3A_51, %broadcast_in_dim3A_87] : memref<1024x16xf32, #tpu.memory_space<vmem>>[vector<16xi32>, vector<16xi32>], vector<16xf32>,
          %mul3A_89 = arith.mulf %gather3A_88, %get3A_49 : vector<16xf32>
          tpu.vector_store_idx %arg11[%add3A_51, %broadcast_in_dim3A_87], %mul3A_89 : memref<1024x16xf32, #tpu.memory_space<vmem>>[vector<16xi32>, vector<16xi32>], vector<16xf32>,
          %broadcast_in_dim3A_90 = arith.constant 10 : i32
          %broadcast_in_dim3A_91 = vector.broadcast %broadcast_in_dim3A_90 : i32 to vector<16xi32>
          %gather3A_92 = tpu.vector_load_idx %arg11[%add3A_51, %broadcast_in_dim3A_91] : memref<1024x16xf32, #tpu.memory_space<vmem>>[vector<16xi32>, vector<16xi32>], vector<16xf32>,
          %mul3A_93 = arith.mulf %gather3A_92, %get3A_49 : vector<16xf32>
          tpu.vector_store_idx %arg11[%add3A_51, %broadcast_in_dim3A_91], %mul3A_93 : memref<1024x16xf32, #tpu.memory_space<vmem>>[vector<16xi32>, vector<16xi32>], vector<16xf32>,
          %broadcast_in_dim3A_94 = arith.constant 11 : i32
          %broadcast_in_dim3A_95 = vector.broadcast %broadcast_in_dim3A_94 : i32 to vector<16xi32>
          %gather3A_96 = tpu.vector_load_idx %arg11[%add3A_51, %broadcast_in_dim3A_95] : memref<1024x16xf32, #tpu.memory_space<vmem>>[vector<16xi32>, vector<16xi32>], vector<16xf32>,
          %mul3A_97 = arith.mulf %gather3A_96, %get3A_49 : vector<16xf32>
          tpu.vector_store_idx %arg11[%add3A_51, %broadcast_in_dim3A_95], %mul3A_97 : memref<1024x16xf32, #tpu.memory_space<vmem>>[vector<16xi32>, vector<16xi32>], vector<16xf32>,
          %broadcast_in_dim3A_98 = arith.constant 12 : i32
          %broadcast_in_dim3A_99 = vector.broadcast %broadcast_in_dim3A_98 : i32 to vector<16xi32>
          %gather3A_100 = tpu.vector_load_idx %arg11[%add3A_51, %broadcast_in_dim3A_99] : memref<1024x16xf32, #tpu.memory_space<vmem>>[vector<16xi32>, vector<16xi32>], vector<16xf32>,
          %mul3A_101 = arith.mulf %gather3A_100, %get3A_49 : vector<16xf32>
          tpu.vector_store_idx %arg11[%add3A_51, %broadcast_in_dim3A_99], %mul3A_101 : memref<1024x16xf32, #tpu.memory_space<vmem>>[vector<16xi32>, vector<16xi32>], vector<16xf32>,
          %broadcast_in_dim3A_102 = arith.constant 13 : i32
          %broadcast_in_dim3A_103 = vector.broadcast %broadcast_in_dim3A_102 : i32 to vector<16xi32>
          %gather3A_104 = tpu.vector_load_idx %arg11[%add3A_51, %broadcast_in_dim3A_103] : memref<1024x16xf32, #tpu.memory_space<vmem>>[vector<16xi32>, vector<16xi32>], vector<16xf32>,
          %mul3A_105 = arith.mulf %gather3A_104, %get3A_49 : vector<16xf32>
          tpu.vector_store_idx %arg11[%add3A_51, %broadcast_in_dim3A_103], %mul3A_105 : memref<1024x16xf32, #tpu.memory_space<vmem>>[vector<16xi32>, vector<16xi32>], vector<16xf32>,
          %broadcast_in_dim3A_106 = arith.constant 14 : i32
          %broadcast_in_dim3A_107 = vector.broadcast %broadcast_in_dim3A_106 : i32 to vector<16xi32>
          %gather3A_108 = tpu.vector_load_idx %arg11[%add3A_51, %broadcast_in_dim3A_107] : memref<1024x16xf32, #tpu.memory_space<vmem>>[vector<16xi32>, vector<16xi32>], vector<16xf32>,
          %mul3A_109 = arith.mulf %gather3A_108, %get3A_49 : vector<16xf32>
          tpu.vector_store_idx %arg11[%add3A_51, %broadcast_in_dim3A_107], %mul3A_109 : memref<1024x16xf32, #tpu.memory_space<vmem>>[vector<16xi32>, vector<16xi32>], vector<16xf32>,
          %broadcast_in_dim3A_110 = arith.constant 15 : i32
          %broadcast_in_dim3A_111 = vector.broadcast %broadcast_in_dim3A_110 : i32 to vector<16xi32>
          %gather3A_112 = tpu.vector_load_idx %arg11[%add3A_51, %broadcast_in_dim3A_111] : memref<1024x16xf32, #tpu.memory_space<vmem>>[vector<16xi32>, vector<16xi32>], vector<16xf32>,
          %mul3A_113 = arith.mulf %gather3A_112, %get3A_49 : vector<16xf32>
          tpu.vector_store_idx %arg11[%add3A_51, %broadcast_in_dim3A_111], %mul3A_113 : memref<1024x16xf32, #tpu.memory_space<vmem>>[vector<16xi32>, vector<16xi32>], vector<16xf32>,
        }
        %scan3A_41 = arith.constant 64 : i32
        "tpu.region"() ({
          %run_scoped3A = tpu.sem_alloc : memref<!tpu.dma_semaphore, #tpu.memory_space<semaphore_mem>>
          %dma_start3A = arith.constant 0 : i32
          %dma_start3A_42 = arith.constant 0 : i32
          %dma_start3A_43 = tpu.memref_slice %arg12[%dma_start3A, %dma_start3A_42] : memref<50048x16xf32, #tpu.memory_space<vmem_shared>> -> memref<50048x16xf32, #tpu.memory_space<vmem_shared>>
          tpu.enqueue_indirect_dma source(%arg11 : memref<1024x16xf32, #tpu.memory_space<vmem>>) target(%dma_start3A_43 : memref<50048x16xf32, #tpu.memory_space<vmem_shared>>) offsets(%arg9 : memref<1024xi32, #tpu.memory_space<vmem>>) semaphore(%run_scoped3A : memref<!tpu.dma_semaphore, #tpu.memory_space<semaphore_mem>>) {add = true}
          %dma_wait3A = arith.constant 0 : i32
          %dma_wait3A_44 = arith.constant 0 : i32
          %dma_wait3A_45 = tpu.memref_slice %arg12[%dma_wait3A, %dma_wait3A_44] : memref<50048x16xf32, #tpu.memory_space<vmem_shared>> -> memref<50048x16xf32, #tpu.memory_space<vmem_shared>>
          tpu.wait_indirect_dma semaphore(%run_scoped3A : memref<!tpu.dma_semaphore, #tpu.memory_space<semaphore_mem>>) src(%arg11 : memref<1024x16xf32, #tpu.memory_space<vmem>>) dst(%dma_wait3A_45 : memref<50048x16xf32, #tpu.memory_space<vmem_shared>>)
          tpu.yield
        }) : () -> ()
      }
      %scan3A_18 = arith.constant 50 : i32
      %barrier3A_19 = arith.constant 0 : index
      tpu.barrier barrier_id(%barrier3A_19)
      %lt3A = arith.constant 15 : i32
      %lt3A_20 = arith.cmpi slt, %arg1, %lt3A : i32
      %convert_element_type3A = arith.extui %lt3A_20 : i1 to i32
      %cond3A = arith.constant 0 : i32
      %cond3A_21 = arith.cmpi ne, %convert_element_type3A, %cond3A : i32
      scf.if %cond3A_21 {
        %mul3A_27 = arith.constant 3128 : i32
        %mul3A_28 = arith.muli %arg1, %mul3A_27 : i32
        %mul3A_29 = arith.constant 3128 : i32
        %mul3A_30 = arith.muli %arg1, %mul3A_29 : i32
        %add3A_31 = arith.constant 0 : i32
        %add3A_32 = arith.addi %add3A_31, %mul3A_30 : i32
        "tpu.region"() ({
          %run_scoped3A = tpu.sem_alloc : memref<!tpu.dma_semaphore, #tpu.memory_space<semaphore_mem>>
          %dma_start3A = arith.constant 0 : i32
          %dma_start3A_33 = arith.constant 0 : i32
          %dma_start3A_34 = tpu.memref_slice %arg7[%add3A_9, %dma_start3A, %dma_start3A_33] : memref<8x50000x16xf32, #tpu.memory_space<hbm>> -> memref<1x50000x16xf32, #tpu.memory_space<hbm>>
          %dma_start3A_35 = tpu.memref_squeeze %dma_start3A_34 : memref<1x50000x16xf32, #tpu.memory_space<hbm>> -> memref<50000x16xf32, #tpu.memory_space<hbm>>
          %dma_start3A_36 = arith.constant 0 : i32
          %dma_start3A_37 = tpu.memref_slice %dma_start3A_35[%add3A_32, %dma_start3A_36] : memref<50000x16xf32, #tpu.memory_space<hbm>> -> memref<3128x16xf32, #tpu.memory_space<hbm>>
          %dma_start3A_38 = arith.constant 0 : i32
          %dma_start3A_39 = tpu.memref_slice %arg12[%mul3A_28, %dma_start3A_38] : memref<50048x16xf32, #tpu.memory_space<vmem_shared>> -> memref<3128x16xf32, #tpu.memory_space<vmem_shared>>
          tpu.enqueue_dma source(%dma_start3A_39 : memref<3128x16xf32, #tpu.memory_space<vmem_shared>>) target(%dma_start3A_37 : memref<3128x16xf32, #tpu.memory_space<hbm>>) target_semaphore(%run_scoped3A : memref<!tpu.dma_semaphore, #tpu.memory_space<semaphore_mem>>)
          %dma_wait3A = arith.constant 0 : i32
          %dma_wait3A_40 = arith.constant 0 : i32
          %dma_wait3A_41 = tpu.memref_slice %arg7[%add3A_9, %dma_wait3A, %dma_wait3A_40] : memref<8x50000x16xf32, #tpu.memory_space<hbm>> -> memref<1x50000x16xf32, #tpu.memory_space<hbm>>
          %dma_wait3A_42 = tpu.memref_squeeze %dma_wait3A_41 : memref<1x50000x16xf32, #tpu.memory_space<hbm>> -> memref<50000x16xf32, #tpu.memory_space<hbm>>
          %dma_wait3A_43 = arith.constant 0 : i32
          %dma_wait3A_44 = tpu.memref_slice %dma_wait3A_42[%add3A_32, %dma_wait3A_43] : memref<50000x16xf32, #tpu.memory_space<hbm>> -> memref<3128x16xf32, #tpu.memory_space<hbm>>
          %dma_wait3A_45 = arith.constant 0 : i32
          %dma_wait3A_46 = tpu.memref_slice %arg12[%mul3A_28, %dma_wait3A_45] : memref<50048x16xf32, #tpu.memory_space<vmem_shared>> -> memref<3128x16xf32, #tpu.memory_space<vmem_shared>>
          tpu.wait_dma2 semaphore(%run_scoped3A : memref<!tpu.dma_semaphore, #tpu.memory_space<semaphore_mem>>) src(%dma_wait3A_46 : memref<3128x16xf32, #tpu.memory_space<vmem_shared>>) dst(%dma_wait3A_44 : memref<3128x16xf32, #tpu.memory_space<hbm>>)
          tpu.yield
        }) : () -> ()
      } else {
      }
      %eq3A = arith.constant 15 : i32
      %eq3A_22 = arith.cmpi eq, %arg1, %eq3A : i32
      %convert_element_type3A_23 = arith.extui %eq3A_22 : i1 to i32
      %cond3A_24 = arith.constant 0 : i32
      %cond3A_25 = arith.cmpi ne, %convert_element_type3A_23, %cond3A_24 : i32
      scf.if %cond3A_25 {
        "tpu.region"() ({
          %run_scoped3A = tpu.sem_alloc : memref<!tpu.dma_semaphore, #tpu.memory_space<semaphore_mem>>
          %dma_start3A = arith.constant 0 : i32
          %dma_start3A_27 = arith.constant 0 : i32
          %dma_start3A_28 = tpu.memref_slice %arg7[%add3A_9, %dma_start3A, %dma_start3A_27] : memref<8x50000x16xf32, #tpu.memory_space<hbm>> -> memref<1x50000x16xf32, #tpu.memory_space<hbm>>
          %dma_start3A_29 = tpu.memref_squeeze %dma_start3A_28 : memref<1x50000x16xf32, #tpu.memory_space<hbm>> -> memref<50000x16xf32, #tpu.memory_space<hbm>>
          %dma_start3A_30 = arith.constant 46920 : i32
          %dma_start3A_31 = arith.constant 0 : i32
          %dma_start3A_32 = tpu.memref_slice %dma_start3A_29[%dma_start3A_30, %dma_start3A_31] : memref<50000x16xf32, #tpu.memory_space<hbm>> -> memref<3080x16xf32, #tpu.memory_space<hbm>>
          %dma_start3A_33 = arith.constant 46920 : i32
          %dma_start3A_34 = arith.constant 0 : i32
          %dma_start3A_35 = tpu.memref_slice %arg12[%dma_start3A_33, %dma_start3A_34] : memref<50048x16xf32, #tpu.memory_space<vmem_shared>> -> memref<3080x16xf32, #tpu.memory_space<vmem_shared>>
          tpu.enqueue_dma source(%dma_start3A_35 : memref<3080x16xf32, #tpu.memory_space<vmem_shared>>) target(%dma_start3A_32 : memref<3080x16xf32, #tpu.memory_space<hbm>>) target_semaphore(%run_scoped3A : memref<!tpu.dma_semaphore, #tpu.memory_space<semaphore_mem>>)
          %dma_wait3A = arith.constant 0 : i32
          %dma_wait3A_36 = arith.constant 0 : i32
          %dma_wait3A_37 = tpu.memref_slice %arg7[%add3A_9, %dma_wait3A, %dma_wait3A_36] : memref<8x50000x16xf32, #tpu.memory_space<hbm>> -> memref<1x50000x16xf32, #tpu.memory_space<hbm>>
          %dma_wait3A_38 = tpu.memref_squeeze %dma_wait3A_37 : memref<1x50000x16xf32, #tpu.memory_space<hbm>> -> memref<50000x16xf32, #tpu.memory_space<hbm>>
          %dma_wait3A_39 = arith.constant 46920 : i32
          %dma_wait3A_40 = arith.constant 0 : i32
          %dma_wait3A_41 = tpu.memref_slice %dma_wait3A_38[%dma_wait3A_39, %dma_wait3A_40] : memref<50000x16xf32, #tpu.memory_space<hbm>> -> memref<3080x16xf32, #tpu.memory_space<hbm>>
          %dma_wait3A_42 = arith.constant 46920 : i32
          %dma_wait3A_43 = arith.constant 0 : i32
          %dma_wait3A_44 = tpu.memref_slice %arg12[%dma_wait3A_42, %dma_wait3A_43] : memref<50048x16xf32, #tpu.memory_space<vmem_shared>> -> memref<3080x16xf32, #tpu.memory_space<vmem_shared>>
          tpu.wait_dma2 semaphore(%run_scoped3A : memref<!tpu.dma_semaphore, #tpu.memory_space<semaphore_mem>>) src(%dma_wait3A_44 : memref<3080x16xf32, #tpu.memory_space<vmem_shared>>) dst(%dma_wait3A_41 : memref<3080x16xf32, #tpu.memory_space<hbm>>)
          tpu.yield
        }) : () -> ()
      } else {
      }
      %barrier3A_26 = arith.constant 0 : index
      tpu.barrier barrier_id(%barrier3A_26)
    }
    %scan3A_3 = arith.constant 4 : i32
    return
  }
}

module attributes {stable_mosaic.version = 14 : i64} {
  func.func @body(%arg0: i32, %arg1: memref<2000x16xf32, #tpu.memory_space<vmem>>, %arg2: memref<2000x16xf32, #tpu.memory_space<vmem>>, %arg3: memref<4x128xf32, #tpu.memory_space<vmem>>, %arg4: memref<1x128xf32, #tpu.memory_space<vmem>>, %arg5: memref<4x256xf32, #tpu.memory_space<vmem>>, %arg6: memref<1x256xf32, #tpu.memory_space<vmem>>, %arg7: memref<2000x128xf32, #tpu.memory_space<vmem>>, %arg8: memref<2000x256xf32, #tpu.memory_space<vmem>>) attributes {dimension_semantics = [#tpu.dimension_semantics<arbitrary>], iteration_bounds = array<i64: 25>, scalar_prefetch = 0 : i64, scratch_operands = 0 : i64, tpu.core_type = #tpu.core_type<tc>, window_params = [{transform_indices = @transform_0, window_bounds = array<i64: 2000, 16>}, {transform_indices = @transform_1, window_bounds = array<i64: 2000, 16>}, {pipeline_mode = #tpu.pipeline_mode<synchronous>, transform_indices = @transform_2, window_bounds = array<i64: 4, 128>}, {pipeline_mode = #tpu.pipeline_mode<synchronous>, transform_indices = @transform_3, window_bounds = array<i64: 1, 128>}, {pipeline_mode = #tpu.pipeline_mode<synchronous>, transform_indices = @transform_4, window_bounds = array<i64: 4, 256>}, {pipeline_mode = #tpu.pipeline_mode<synchronous>, transform_indices = @transform_5, window_bounds = array<i64: 1, 256>}, {transform_indices = @transform_6, window_bounds = array<i64: 2000, 128>}, {transform_indices = @transform_7, window_bounds = array<i64: 2000, 256>}]} {
    %get3A = arith.constant 0 : index
    %get3A_0 = arith.constant 0 : index
    %get3A_1 = vector.load %arg1[%get3A, %get3A_0] : memref<2000x16xf32, #tpu.memory_space<vmem>>, vector<2000x16xf32>
    %get3A_2 = arith.constant 0 : index
    %get3A_3 = arith.constant 0 : index
    %get3A_4 = vector.load %arg2[%get3A_2, %get3A_3] : memref<2000x16xf32, #tpu.memory_space<vmem>>, vector<2000x16xf32>
    %add3A = arith.addf %get3A_1, %get3A_4 : vector<2000x16xf32>
    %slice3A = vector.extract_strided_slice %add3A {offsets = [0, 0], sizes = [2000, 4], strides = [1, 1]} : vector<2000x16xf32> to vector<2000x4xf32>
    %get3A_5 = arith.constant 0 : index
    %get3A_6 = arith.constant 0 : index
    %get3A_7 = vector.load %arg3[%get3A_5, %get3A_6] : memref<4x128xf32, #tpu.memory_space<vmem>>, vector<4x128xf32>
    %dot_general3A = arith.constant dense<0.000000e+00> : vector<2000x128xf32>
    %dot_general3A_8 = tpu.matmul %slice3A, %get3A_7, %dot_general3A {dimension_numbers = #tpu.dot_dimension_numbers<[1], [0], [0], [1], [0, 0, 1, 1], [], []>, transpose_lhs_hint = false} : vector<2000x4xf32>, vector<4x128xf32>, vector<2000x128xf32> -> vector<2000x128xf32>
    %get3A_9 = arith.constant 0 : index
    %get3A_10 = arith.constant 0 : index
    %get3A_11 = vector.load %arg4[%get3A_9, %get3A_10] : memref<1x128xf32, #tpu.memory_space<vmem>>, vector<1x128xf32>
    %add3A_12 = vector.broadcast %get3A_11 : vector<1x128xf32> to vector<2000x128xf32>
    %add3A_13 = arith.addf %dot_general3A_8, %add3A_12 : vector<2000x128xf32>
    %max3A = arith.constant 0.000000e+00 : f32
    %max3A_14 = vector.broadcast %max3A : f32 to vector<2000x128xf32>
    %max3A_15 = arith.maximumf %add3A_13, %max3A_14 : vector<2000x128xf32>
    %swap3A = arith.constant 0 : index
    %swap3A_16 = arith.constant 0 : index
    %swap3A_17 = vector.load %arg7[%swap3A, %swap3A_16] : memref<2000x128xf32, #tpu.memory_space<vmem>>, vector<2000x128xf32>
    tpu.vector_store %arg7[%swap3A, %swap3A_16], %max3A_15 {strides = array<i32>} : memref<2000x128xf32, #tpu.memory_space<vmem>>, vector<2000x128xf32>,
    %get3A_18 = arith.constant 0 : index
    %get3A_19 = arith.constant 0 : index
    %get3A_20 = vector.load %arg5[%get3A_18, %get3A_19] : memref<4x256xf32, #tpu.memory_space<vmem>>, vector<4x256xf32>
    %dot_general3A_21 = arith.constant dense<0.000000e+00> : vector<2000x256xf32>
    %dot_general3A_22 = tpu.matmul %slice3A, %get3A_20, %dot_general3A_21 {dimension_numbers = #tpu.dot_dimension_numbers<[1], [0], [0], [1], [0, 0, 1, 1], [], []>, transpose_lhs_hint = false} : vector<2000x4xf32>, vector<4x256xf32>, vector<2000x256xf32> -> vector<2000x256xf32>
    %get3A_23 = arith.constant 0 : index
    %get3A_24 = arith.constant 0 : index
    %get3A_25 = vector.load %arg6[%get3A_23, %get3A_24] : memref<1x256xf32, #tpu.memory_space<vmem>>, vector<1x256xf32>
    %add3A_26 = vector.broadcast %get3A_25 : vector<1x256xf32> to vector<2000x256xf32>
    %add3A_27 = arith.addf %dot_general3A_22, %add3A_26 : vector<2000x256xf32>
    %swap3A_28 = arith.constant 0 : index
    %swap3A_29 = arith.constant 0 : index
    %swap3A_30 = vector.load %arg8[%swap3A_28, %swap3A_29] : memref<2000x256xf32, #tpu.memory_space<vmem>>, vector<2000x256xf32>
    tpu.vector_store %arg8[%swap3A_28, %swap3A_29], %add3A_27 {strides = array<i32>} : memref<2000x256xf32, #tpu.memory_space<vmem>>, vector<2000x256xf32>,
    return
  }
  func.func @transform_0(%arg0: i32) -> (i32, i32) {
    %c0_i32 = arith.constant 0 : i32
    %c0_i32_0 = arith.constant 0 : i32
    return %arg0, %c0_i32 : i32, i32
  }
  func.func @transform_1(%arg0: i32) -> (i32, i32) {
    %c0_i32 = arith.constant 0 : i32
    %c0_i32_0 = arith.constant 0 : i32
    return %arg0, %c0_i32 : i32, i32
  }
  func.func @transform_2(%arg0: i32) -> (i32, i32) {
    %c0_i32 = arith.constant 0 : i32
    %c0_i32_0 = arith.constant 0 : i32
    %c0_i32_1 = arith.constant 0 : i32
    return %c0_i32, %c0_i32_0 : i32, i32
  }
  func.func @transform_3(%arg0: i32) -> (i32, i32) {
    %c0_i32 = arith.constant 0 : i32
    %c0_i32_0 = arith.constant 0 : i32
    %c0_i32_1 = arith.constant 0 : i32
    return %c0_i32, %c0_i32_0 : i32, i32
  }
  func.func @transform_4(%arg0: i32) -> (i32, i32) {
    %c0_i32 = arith.constant 0 : i32
    %c0_i32_0 = arith.constant 0 : i32
    %c0_i32_1 = arith.constant 0 : i32
    return %c0_i32, %c0_i32_0 : i32, i32
  }
  func.func @transform_5(%arg0: i32) -> (i32, i32) {
    %c0_i32 = arith.constant 0 : i32
    %c0_i32_0 = arith.constant 0 : i32
    %c0_i32_1 = arith.constant 0 : i32
    return %c0_i32, %c0_i32_0 : i32, i32
  }
  func.func @transform_6(%arg0: i32) -> (i32, i32) {
    %c0_i32 = arith.constant 0 : i32
    %c0_i32_0 = arith.constant 0 : i32
    return %arg0, %c0_i32 : i32, i32
  }
  func.func @transform_7(%arg0: i32) -> (i32, i32) {
    %c0_i32 = arith.constant 0 : i32
    %c0_i32_0 = arith.constant 0 : i32
    return %arg0, %c0_i32 : i32, i32
  }
}

module attributes {stable_mosaic.version = 14 : i64} {
  func.func @body(%arg0: i32, %arg1: memref<8x2000x16xf32, #tpu.memory_space<vmem>>, %arg2: memref<2000x256xf32, #tpu.memory_space<vmem>>, %arg3: memref<128x256xf32, #tpu.memory_space<vmem>>, %arg4: memref<2000x256xf32, #tpu.memory_space<vmem>>) attributes {dimension_semantics = [#tpu.dimension_semantics<arbitrary>], iteration_bounds = array<i64: 25>, scalar_prefetch = 0 : i64, scratch_operands = 0 : i64, tpu.core_type = #tpu.core_type<tc>, window_params = [{transform_indices = @transform_0, window_bounds = array<i64: 8, 2000, 16>}, {transform_indices = @transform_1, window_bounds = array<i64: 2000, 256>}, {pipeline_mode = #tpu.pipeline_mode<synchronous>, transform_indices = @transform_2, window_bounds = array<i64: 128, 256>}, {transform_indices = @transform_3, window_bounds = array<i64: 2000, 256>}]} {
    %get3A = arith.constant 0 : index
    %get3A_0 = arith.constant 0 : index
    %get3A_1 = arith.constant 0 : index
    %get3A_2 = vector.load %arg1[%get3A, %get3A_0, %get3A_1] : memref<8x2000x16xf32, #tpu.memory_space<vmem>>, vector<1x2000x16xf32>
    %get3A_3 = vector.shape_cast %get3A_2 : vector<1x2000x16xf32> to vector<2000x16xf32>
    %get3A_4 = arith.constant 1 : index
    %get3A_5 = arith.constant 0 : index
    %get3A_6 = arith.constant 0 : index
    %get3A_7 = vector.load %arg1[%get3A_4, %get3A_5, %get3A_6] : memref<8x2000x16xf32, #tpu.memory_space<vmem>>, vector<1x2000x16xf32>
    %get3A_8 = vector.shape_cast %get3A_7 : vector<1x2000x16xf32> to vector<2000x16xf32>
    %get3A_9 = arith.constant 2 : index
    %get3A_10 = arith.constant 0 : index
    %get3A_11 = arith.constant 0 : index
    %get3A_12 = vector.load %arg1[%get3A_9, %get3A_10, %get3A_11] : memref<8x2000x16xf32, #tpu.memory_space<vmem>>, vector<1x2000x16xf32>
    %get3A_13 = vector.shape_cast %get3A_12 : vector<1x2000x16xf32> to vector<2000x16xf32>
    %get3A_14 = arith.constant 3 : index
    %get3A_15 = arith.constant 0 : index
    %get3A_16 = arith.constant 0 : index
    %get3A_17 = vector.load %arg1[%get3A_14, %get3A_15, %get3A_16] : memref<8x2000x16xf32, #tpu.memory_space<vmem>>, vector<1x2000x16xf32>
    %get3A_18 = vector.shape_cast %get3A_17 : vector<1x2000x16xf32> to vector<2000x16xf32>
    %get3A_19 = arith.constant 4 : index
    %get3A_20 = arith.constant 0 : index
    %get3A_21 = arith.constant 0 : index
    %get3A_22 = vector.load %arg1[%get3A_19, %get3A_20, %get3A_21] : memref<8x2000x16xf32, #tpu.memory_space<vmem>>, vector<1x2000x16xf32>
    %get3A_23 = vector.shape_cast %get3A_22 : vector<1x2000x16xf32> to vector<2000x16xf32>
    %get3A_24 = arith.constant 5 : index
    %get3A_25 = arith.constant 0 : index
    %get3A_26 = arith.constant 0 : index
    %get3A_27 = vector.load %arg1[%get3A_24, %get3A_25, %get3A_26] : memref<8x2000x16xf32, #tpu.memory_space<vmem>>, vector<1x2000x16xf32>
    %get3A_28 = vector.shape_cast %get3A_27 : vector<1x2000x16xf32> to vector<2000x16xf32>
    %get3A_29 = arith.constant 6 : index
    %get3A_30 = arith.constant 0 : index
    %get3A_31 = arith.constant 0 : index
    %get3A_32 = vector.load %arg1[%get3A_29, %get3A_30, %get3A_31] : memref<8x2000x16xf32, #tpu.memory_space<vmem>>, vector<1x2000x16xf32>
    %get3A_33 = vector.shape_cast %get3A_32 : vector<1x2000x16xf32> to vector<2000x16xf32>
    %get3A_34 = arith.constant 7 : index
    %get3A_35 = arith.constant 0 : index
    %get3A_36 = arith.constant 0 : index
    %get3A_37 = vector.load %arg1[%get3A_34, %get3A_35, %get3A_36] : memref<8x2000x16xf32, #tpu.memory_space<vmem>>, vector<1x2000x16xf32>
    %get3A_38 = vector.shape_cast %get3A_37 : vector<1x2000x16xf32> to vector<2000x16xf32>
    %concatenate3A = tpu.concatenate %get3A_3, %get3A_8, %get3A_13, %get3A_18, %get3A_23, %get3A_28, %get3A_33, %get3A_38 in 1 : vector<2000x16xf32>, vector<2000x16xf32>, vector<2000x16xf32>, vector<2000x16xf32>, vector<2000x16xf32>, vector<2000x16xf32>, vector<2000x16xf32>, vector<2000x16xf32> -> vector<2000x128xf32>
    %get3A_39 = arith.constant 0 : index
    %get3A_40 = arith.constant 0 : index
    %get3A_41 = vector.load %arg3[%get3A_39, %get3A_40] : memref<128x256xf32, #tpu.memory_space<vmem>>, vector<128x256xf32>
    %dot_general3A = arith.constant dense<0.000000e+00> : vector<2000x256xf32>
    %dot_general3A_42 = tpu.matmul %concatenate3A, %get3A_41, %dot_general3A {dimension_numbers = #tpu.dot_dimension_numbers<[1], [0], [0], [1], [0, 0, 1, 1], [], []>, transpose_lhs_hint = false} : vector<2000x128xf32>, vector<128x256xf32>, vector<2000x256xf32> -> vector<2000x256xf32>
    %get3A_43 = arith.constant 0 : index
    %get3A_44 = arith.constant 0 : index
    %get3A_45 = vector.load %arg2[%get3A_43, %get3A_44] : memref<2000x256xf32, #tpu.memory_space<vmem>>, vector<2000x256xf32>
    %add3A = arith.addf %dot_general3A_42, %get3A_45 : vector<2000x256xf32>
    %max3A = arith.constant 0.000000e+00 : f32
    %max3A_46 = vector.broadcast %max3A : f32 to vector<2000x256xf32>
    %max3A_47 = arith.maximumf %add3A, %max3A_46 : vector<2000x256xf32>
    %swap3A = arith.constant 0 : index
    %swap3A_48 = arith.constant 0 : index
    %swap3A_49 = vector.load %arg4[%swap3A, %swap3A_48] : memref<2000x256xf32, #tpu.memory_space<vmem>>, vector<2000x256xf32>
    tpu.vector_store %arg4[%swap3A, %swap3A_48], %max3A_47 {strides = array<i32>} : memref<2000x256xf32, #tpu.memory_space<vmem>>, vector<2000x256xf32>,
    return
  }
  func.func @transform_0(%arg0: i32) -> (i32, i32, i32) {
    %c0_i32 = arith.constant 0 : i32
    %c0_i32_0 = arith.constant 0 : i32
    %c0_i32_1 = arith.constant 0 : i32
    return %c0_i32, %arg0, %c0_i32_0 : i32, i32, i32
  }
  func.func @transform_1(%arg0: i32) -> (i32, i32) {
    %c0_i32 = arith.constant 0 : i32
    %c0_i32_0 = arith.constant 0 : i32
    return %arg0, %c0_i32 : i32, i32
  }
  func.func @transform_2(%arg0: i32) -> (i32, i32) {
    %c0_i32 = arith.constant 0 : i32
    %c0_i32_0 = arith.constant 0 : i32
    %c0_i32_1 = arith.constant 0 : i32
    return %c0_i32, %c0_i32_0 : i32, i32
  }
  func.func @transform_3(%arg0: i32) -> (i32, i32) {
    %c0_i32 = arith.constant 0 : i32
    %c0_i32_0 = arith.constant 0 : i32
    return %arg0, %c0_i32 : i32, i32
  }
}

module attributes {stable_mosaic.version = 14 : i64} {
  func.func @body(%arg0: i32, %arg1: memref<2000x256xf32, #tpu.memory_space<vmem>>, %arg2: memref<2000x4xf32, #tpu.memory_space<vmem>>, %arg3: memref<256x512xf32, #tpu.memory_space<vmem>>, %arg4: memref<4x512xf32, #tpu.memory_space<vmem>>, %arg5: memref<1x512xf32, #tpu.memory_space<vmem>>, %arg6: memref<512x4xf32, #tpu.memory_space<vmem>>, %arg7: memref<4x4xf32, #tpu.memory_space<vmem>>, %arg8: memref<1x4xf32, #tpu.memory_space<vmem>>, %arg9: memref<2000x512xf32, #tpu.memory_space<vmem>>, %arg10: memref<2000x4xf32, #tpu.memory_space<vmem>>) attributes {dimension_semantics = [#tpu.dimension_semantics<arbitrary>], iteration_bounds = array<i64: 100>, scalar_prefetch = 0 : i64, scratch_operands = 0 : i64, tpu.core_type = #tpu.core_type<tc>, window_params = [{transform_indices = @transform_0, window_bounds = array<i64: 2000, 256>}, {transform_indices = @transform_1, window_bounds = array<i64: 2000, 4>}, {pipeline_mode = #tpu.pipeline_mode<synchronous>, transform_indices = @transform_2, window_bounds = array<i64: 256, 512>}, {pipeline_mode = #tpu.pipeline_mode<synchronous>, transform_indices = @transform_3, window_bounds = array<i64: 4, 512>}, {pipeline_mode = #tpu.pipeline_mode<synchronous>, transform_indices = @transform_4, window_bounds = array<i64: 1, 512>}, {pipeline_mode = #tpu.pipeline_mode<synchronous>, transform_indices = @transform_5, window_bounds = array<i64: 512, 4>}, {pipeline_mode = #tpu.pipeline_mode<synchronous>, transform_indices = @transform_6, window_bounds = array<i64: 4, 4>}, {pipeline_mode = #tpu.pipeline_mode<synchronous>, transform_indices = @transform_7, window_bounds = array<i64: 1, 4>}, {transform_indices = @transform_8, window_bounds = array<i64: 2000, 512>}, {transform_indices = @transform_9, window_bounds = array<i64: 2000, 4>}]} {
    %get3A = arith.constant 0 : index
    %get3A_0 = arith.constant 0 : index
    %get3A_1 = vector.load %arg2[%get3A, %get3A_0] : memref<2000x4xf32, #tpu.memory_space<vmem>>, vector<2000x4xf32>
    %get3A_2 = arith.constant 0 : index
    %get3A_3 = arith.constant 0 : index
    %get3A_4 = vector.load %arg1[%get3A_2, %get3A_3] : memref<2000x256xf32, #tpu.memory_space<vmem>>, vector<2000x256xf32>
    %get3A_5 = arith.constant 0 : index
    %get3A_6 = arith.constant 0 : index
    %get3A_7 = vector.load %arg3[%get3A_5, %get3A_6] : memref<256x512xf32, #tpu.memory_space<vmem>>, vector<256x512xf32>
    %dot_general3A = arith.constant dense<0.000000e+00> : vector<2000x512xf32>
    %dot_general3A_8 = tpu.matmul %get3A_4, %get3A_7, %dot_general3A {dimension_numbers = #tpu.dot_dimension_numbers<[1], [0], [0], [1], [0, 0, 1, 1], [], []>, transpose_lhs_hint = false} : vector<2000x256xf32>, vector<256x512xf32>, vector<2000x512xf32> -> vector<2000x512xf32>
    %get3A_9 = arith.constant 0 : index
    %get3A_10 = arith.constant 0 : index
    %get3A_11 = vector.load %arg4[%get3A_9, %get3A_10] : memref<4x512xf32, #tpu.memory_space<vmem>>, vector<4x512xf32>
    %dot_general3A_12 = arith.constant dense<0.000000e+00> : vector<2000x512xf32>
    %dot_general3A_13 = tpu.matmul %get3A_1, %get3A_11, %dot_general3A_12 {dimension_numbers = #tpu.dot_dimension_numbers<[1], [0], [0], [1], [0, 0, 1, 1], [], []>, transpose_lhs_hint = false} : vector<2000x4xf32>, vector<4x512xf32>, vector<2000x512xf32> -> vector<2000x512xf32>
    %add3A = arith.addf %dot_general3A_8, %dot_general3A_13 : vector<2000x512xf32>
    %get3A_14 = arith.constant 0 : index
    %get3A_15 = arith.constant 0 : index
    %get3A_16 = vector.load %arg5[%get3A_14, %get3A_15] : memref<1x512xf32, #tpu.memory_space<vmem>>, vector<1x512xf32>
    %add3A_17 = vector.broadcast %get3A_16 : vector<1x512xf32> to vector<2000x512xf32>
    %add3A_18 = arith.addf %add3A, %add3A_17 : vector<2000x512xf32>
    %max3A = arith.constant 0.000000e+00 : f32
    %max3A_19 = vector.broadcast %max3A : f32 to vector<2000x512xf32>
    %max3A_20 = arith.maximumf %add3A_18, %max3A_19 : vector<2000x512xf32>
    %swap3A = arith.constant 0 : index
    %swap3A_21 = arith.constant 0 : index
    %swap3A_22 = vector.load %arg9[%swap3A, %swap3A_21] : memref<2000x512xf32, #tpu.memory_space<vmem>>, vector<2000x512xf32>
    tpu.vector_store %arg9[%swap3A, %swap3A_21], %max3A_20 {strides = array<i32>} : memref<2000x512xf32, #tpu.memory_space<vmem>>, vector<2000x512xf32>,
    %get3A_23 = arith.constant 0 : index
    %get3A_24 = arith.constant 0 : index
    %get3A_25 = vector.load %arg6[%get3A_23, %get3A_24] : memref<512x4xf32, #tpu.memory_space<vmem>>, vector<512x4xf32>
    %dot_general3A_26 = arith.constant dense<0.000000e+00> : vector<2000x4xf32>
    %dot_general3A_27 = tpu.matmul %max3A_20, %get3A_25, %dot_general3A_26 {dimension_numbers = #tpu.dot_dimension_numbers<[1], [0], [0], [1], [0, 0, 1, 1], [], []>, transpose_lhs_hint = false} : vector<2000x512xf32>, vector<512x4xf32>, vector<2000x4xf32> -> vector<2000x4xf32>
    %get3A_28 = arith.constant 0 : index
    %get3A_29 = arith.constant 0 : index
    %get3A_30 = vector.load %arg7[%get3A_28, %get3A_29] : memref<4x4xf32, #tpu.memory_space<vmem>>, vector<4x4xf32>
    %dot_general3A_31 = arith.constant dense<0.000000e+00> : vector<2000x4xf32>
    %dot_general3A_32 = tpu.matmul %get3A_1, %get3A_30, %dot_general3A_31 {dimension_numbers = #tpu.dot_dimension_numbers<[1], [0], [0], [1], [0, 0, 1, 1], [], []>, transpose_lhs_hint = false} : vector<2000x4xf32>, vector<4x4xf32>, vector<2000x4xf32> -> vector<2000x4xf32>
    %add3A_33 = arith.addf %dot_general3A_27, %dot_general3A_32 : vector<2000x4xf32>
    %get3A_34 = arith.constant 0 : index
    %get3A_35 = arith.constant 0 : index
    %get3A_36 = vector.load %arg8[%get3A_34, %get3A_35] : memref<1x4xf32, #tpu.memory_space<vmem>>, vector<1x4xf32>
    %add3A_37 = vector.broadcast %get3A_36 : vector<1x4xf32> to vector<2000x4xf32>
    %add3A_38 = arith.addf %add3A_33, %add3A_37 : vector<2000x4xf32>
    %swap3A_39 = arith.constant 0 : index
    %swap3A_40 = arith.constant 0 : index
    %swap3A_41 = vector.load %arg10[%swap3A_39, %swap3A_40] : memref<2000x4xf32, #tpu.memory_space<vmem>>, vector<2000x4xf32>
    tpu.vector_store %arg10[%swap3A_39, %swap3A_40], %add3A_38 {strides = array<i32>} : memref<2000x4xf32, #tpu.memory_space<vmem>>, vector<2000x4xf32>,
    return
  }
  func.func @transform_0(%arg0: i32) -> (i32, i32) {
    %c0_i32 = arith.constant 0 : i32
    %c0_i32_0 = arith.constant 0 : i32
    return %arg0, %c0_i32 : i32, i32
  }
  func.func @transform_1(%arg0: i32) -> (i32, i32) {
    %c0_i32 = arith.constant 0 : i32
    %c0_i32_0 = arith.constant 0 : i32
    return %arg0, %c0_i32 : i32, i32
  }
  func.func @transform_2(%arg0: i32) -> (i32, i32) {
    %c0_i32 = arith.constant 0 : i32
    %c0_i32_0 = arith.constant 0 : i32
    %c0_i32_1 = arith.constant 0 : i32
    return %c0_i32, %c0_i32_0 : i32, i32
  }
  func.func @transform_3(%arg0: i32) -> (i32, i32) {
    %c0_i32 = arith.constant 0 : i32
    %c0_i32_0 = arith.constant 0 : i32
    %c0_i32_1 = arith.constant 0 : i32
    return %c0_i32, %c0_i32_0 : i32, i32
  }
  func.func @transform_4(%arg0: i32) -> (i32, i32) {
    %c0_i32 = arith.constant 0 : i32
    %c0_i32_0 = arith.constant 0 : i32
    %c0_i32_1 = arith.constant 0 : i32
    return %c0_i32, %c0_i32_0 : i32, i32
  }
  func.func @transform_5(%arg0: i32) -> (i32, i32) {
    %c0_i32 = arith.constant 0 : i32
    %c0_i32_0 = arith.constant 0 : i32
    %c0_i32_1 = arith.constant 0 : i32
    return %c0_i32, %c0_i32_0 : i32, i32
  }
  func.func @transform_6(%arg0: i32) -> (i32, i32) {
    %c0_i32 = arith.constant 0 : i32
    %c0_i32_0 = arith.constant 0 : i32
    %c0_i32_1 = arith.constant 0 : i32
    return %c0_i32, %c0_i32_0 : i32, i32
  }
  func.func @transform_7(%arg0: i32) -> (i32, i32) {
    %c0_i32 = arith.constant 0 : i32
    %c0_i32_0 = arith.constant 0 : i32
    %c0_i32_1 = arith.constant 0 : i32
    return %c0_i32, %c0_i32_0 : i32, i32
  }
  func.func @transform_8(%arg0: i32) -> (i32, i32) {
    %c0_i32 = arith.constant 0 : i32
    %c0_i32_0 = arith.constant 0 : i32
    return %arg0, %c0_i32 : i32, i32
  }
  func.func @transform_9(%arg0: i32) -> (i32, i32) {
    %c0_i32 = arith.constant 0 : i32
    %c0_i32_0 = arith.constant 0 : i32
    return %arg0, %c0_i32 : i32, i32
  }
}

</mosaic_0001>

<sc_bundles>
// kernel: kernel.11.cloned.1.call-start
scs
__scs_entry_jumppad:
0x0: {  	(pc) =	sbr.rel $0x88, $3  }
0x1: {  	(tag) =	ssettag $0x0;
	lr =	simm.s32 $0x1  }
0x2: {  	[smem:$0x3F92] =	sst lr;
	_ =	strace $0xD0000000  }
0x3: {  	_ = 	snop  }
0x4: {  	_ = 	snop  }
0x5: {  	_ = 	snop  }
0x6: {  	_ = 	snop  }
0x7: {  	_ = 	snop  }
__scs_overlays_trampoline_lowered:
0x8: {  	[smem:$0x3FA1] =	sst s0  }
0x9: {  	[smem:$0x3FA2] =	sst s1  }
0xa: {  	[smem:$0x3FA3] =	sst s2  }
0xb: {  	[smem:$0x3FA4] =	sst s3  }
0xc: {  	[smem:$0x3FA5] =	sst s4  }
0xd: {  	[smem:$0x3FA6] =	sst s5  }
0xe: {  	[smem:$0x3FA7] =	sst s6  }
0xf: {  	[smem:$0x3FA8] =	sst s7  }
0x10: {  	[smem:$0x3FA9] =	sst s8  }
0x11: {  	[smem:$0x3FAA] =	sst s9;
	s0 =	simm.s32 @!p0 $0x0  }
0x12: {  	s1 =	sld [smem:$0x3F90];
	s0 =	simm.s32 @p0 $0x1  }
0x13: {  	[smem:$0x3FAB] =	sst s0;
	s0 =	simm.s32 @!p1 $0x0  }
0x14: {  	s2 =	sld [smem:$0x3F8F];
	s0 =	simm.s32 @p1 $0x1  }
0x15: {  	[smem:$0x3FAC] =	sst s0;
	s0 =	simm.s32 @!p2 $0x0  }
0x16: {  	s3 =	sld [smem:$0x3FDB];
	s0 =	simm.s32 @p2 $0x1  }
0x17: {  	s4 =	simm.s32 $0x1BF5;
	[smem:$0x3FAE] =	sst s0  }
0x18: {  	s0 =	sld [smem:$0x3F91];
	_ =	swait.ge [sflag:s4], $0x0  }
0x19: {  	s7 =	sld [smem:$0x3F92]  }
0x1a: {  	s8 =	sadd.s32 $0xFFFFE003, lr  }
0x1b: {  	s9 =	sadd.s32 $0xFFFFFEF7, lr;
	s5 =	simm.s32 $0xFFFFFFFF;
	p2 =	slt.u32 s8, $0xFFFFF086  }
0x1c: {  	p1 =	slt.u32 s9, $0xF7A;
	s5 =	simm.s32 @!p2 $0x0  }
0x1d: {  	s5 =	simm.s32 @p1 $0x1;
	p0 =	seq.s32 s7, s2  }
0x1e: {  	s7 =	smul.u32 @!p0 $0xF7A, s2;
	p2 =	seq.s32 @!p0 s5, $0x0  }
0x1f: {  	s9 =	smul.u32 $0xF7A, s1;
	s8 =	simm.s32 @!p0 $0x1BF5;
	p2 =	por !p2, p0  }
0x20: {  	[sflag:s8] =	ssyncset.s32 @!p0 $0xFFFFF086;
	s6 =	sadd.s32 @!p0 s3, s7;
	s7 =	simm.s32 @!p0 $0x108  }
0x21: {  	s3 =	sadd.s32 s3, s9;
	s6 =	sadd.s32 @!p0 $0x88, s6;
	s7 =	simm.s32 @p2 $0x1082  }
0x22: {  	[simem:s7], [sflag:s8] =	dma.local @!p0 [hbm:s6], $0xF7A  }
0x23: {  	s9 =	sor.u32 $0xD0000000, s2;
	s6 =	simm.s32 $0x108;
	_ =	swait.ge @!p0 [sflag:s8], $0x0  }
0x24: {  	s3 =	sadd.s32 $0x88, s3;
	s6 =	simm.s32 @!p1 $0x1082;
	[sflag:s4] =	ssyncset.s32 $0xFFFFF086  }
0x25: {  	[simem:s6], [sflag:s4] =	dma.local [hbm:s3], $0xF7A  }
0x26: {  	[smem:$0x3F92] =	sst s1;
	(tag) =	ssettag s2;
	_ =	strace s9  }
0x27: {  	s1 =	sld [smem:$0x3FA2]  }
0x28: {  	s2 =	sld [smem:$0x3FA3]  }
0x29: {  	s4 =	sld [smem:$0x3FA5]  }
0x2a: {  	p0 =	seq.s32 s5, $0x0;
	s5 =	sld [smem:$0x3FA6]  }
0x2b: {  	s6 =	sld [smem:$0x3FA7]  }
0x2c: {  	s7 =	sld [smem:$0x3FA8]  }
0x2d: {  	s3 =	simm.s32 $0x108;
	s8 =	sld [smem:$0x3FA9]  }
0x2e: {  	s3 =	simm.s32 @!p0 $0x1082;
	s9 =	sld [smem:$0x3FAA]  }
0x2f: {  	lr =	sadd.s32 s0, s3;
	s0 =	sld [smem:$0x3FA1]  }
0x30: {  	s3 =	sld [smem:$0x3FA4]  }
0x31: {  	[smem:$0x3FAD] =	sst s10  }
0x32: {  	s10 =	sld [smem:$0x3FAB];
	_ =	sdelay $0x3  }
0x33: {  	p0 =	seq.s32 s10, $0x1;
	s10 =	sld [smem:$0x3FAD];
	_ =	sdelay $0x3  }
0x34: {  	[smem:$0x3FAD] =	sst s10  }
0x35: {  	s10 =	sld [smem:$0x3FAC];
	_ =	sdelay $0x3  }
0x36: {  	p1 =	seq.s32 s10, $0x1;
	s10 =	sld [smem:$0x3FAD];
	_ =	sdelay $0x3  }
0x37: {  	[smem:$0x3FAD] =	sst s10  }
0x38: {  	s10 =	sld [smem:$0x3FAE]  }
0x39: {  	_ = 	snop;
	(pc) =	sbr.ind lr, $3  }
0x3a: {  	_ = 	snop  }
0x3b: {  	_ = 	snop  }
0x3c: {  	p2 =	seq.s32 s10, $0x1;
	s10 =	sld [smem:$0x3FAD]  }
0x3d: {  	_ =	shalt  }
0x3e: {  	_ =	shalt  }
0x3f: {  	_ =	shalt  }
0x40: {  	_ =	shalt  }
0x41: {  	_ =	shalt  }
0x42: {  	_ =	shalt  }
0x43: {  	_ =	shalt  }
0x44: {  	_ =	shalt  }
0x45: {  	_ =	shalt  }
0x46: {  	_ =	shalt  }
0x47: {  	_ =	shalt  }
0x48: {  	_ =	shalt  }
0x49: {  	_ =	shalt  }
0x4a: {  	_ =	shalt  }
0x4b: {  	_ =	shalt  }
0x4c: {  	_ =	shalt  }
0x4d: {  	_ =	shalt  }
0x4e: {  	_ =	shalt  }
0x4f: {  	_ =	shalt  }
0x50: {  	_ =	shalt  }
0x51: {  	_ =	shalt  }
0x52: {  	_ =	shalt  }
0x53: {  	_ =	shalt  }
0x54: {  	_ =	shalt  }
0x55: {  	_ =	shalt  }
0x56: {  	_ =	shalt  }
0x57: {  	_ =	shalt  }
0x58: {  	_ =	shalt  }
0x59: {  	_ =	shalt  }
0x5a: {  	_ =	shalt  }
0x5b: {  	_ =	shalt  }
0x5c: {  	_ =	shalt  }
0x5d: {  	_ =	shalt  }
0x5e: {  	_ =	shalt  }
0x5f: {  	_ =	shalt  }
0x60: {  	_ =	shalt  }
0x61: {  	_ =	shalt  }
0x62: {  	_ =	shalt  }
0x63: {  	_ =	shalt  }
0x64: {  	_ =	shalt  }
0x65: {  	_ =	shalt  }
0x66: {  	_ =	shalt  }
0x67: {  	_ =	shalt  }
0x68: {  	_ =	shalt  }
0x69: {  	_ =	shalt  }
0x6a: {  	_ =	shalt  }
0x6b: {  	_ =	shalt  }
0x6c: {  	_ =	shalt  }
0x6d: {  	_ =	shalt  }
0x6e: {  	_ =	shalt  }
0x6f: {  	_ =	shalt  }
0x70: {  	_ =	shalt  }
0x71: {  	_ =	shalt  }
0x72: {  	_ =	shalt  }
0x73: {  	_ =	shalt  }
0x74: {  	_ =	shalt  }
0x75: {  	_ =	shalt  }
0x76: {  	_ =	shalt  }
0x77: {  	_ =	shalt  }
0x78: {  	_ =	shalt  }
0x79: {  	_ =	shalt  }
0x7a: {  	_ =	shalt  }
0x7b: {  	_ =	shalt  }
0x7c: {  	_ =	shalt  }
0x7d: {  	_ =	shalt  }
0x7e: {  	_ =	shalt  }
0x7f: {  	_ =	shalt  }
0x80: {  	_ =	shalt  }
0x81: {  	_ =	shalt  }
0x82: {  	_ =	shalt  }
0x83: {  	_ =	shalt  }
0x84: {  	_ =	shalt  }
0x85: {  	_ =	shalt  }
0x86: {  	_ =	shalt  }
0x87: {  	_ =	shalt  }
.Lfunc_end0:
.L_simem_size_0:
called_computation.4_lowered:
.L_overlay_start_0:
0x88: {  	s2 =	sld [smem:$0x3FD9]  }
0x89: {  	s3 =	sld [smem:$0x3FFE];
	_ =	sdelay $0x1  }
0x8a: {  	s1 =	srdreg.scid  }
0x8b: {  	s0 =	sand.u32 $0x1, s1  }
0x8c: {  	s14 =	sshll.u32 s0, $0xA;
	s2 =	sadd.s32 s3, s2  }
0x8d: {  	s2 =	sadd.s32 s2, s14  }
0x8e: {  	[smem:$0x3FB9] =	sst s2  }
0x8f: {  	_ = 	snop  }
0x90: {  	s2 =	sld [smem:$0x3FD0];
	_ =	sdelay $0x2  }
0x91: {  	s15 =	simm.s32 $0xA;
	s4 =	simm.s32 $0x10  }
0x92: {  	[smem:s4], [sflag:s15] =	dma.local [hbm:s2], $0x1  }
0x93: {  	_ =	swait.eq [sflag:s15], $0x1  }
0x94: {  	[sflag:s15] =	ssyncset.done $0x0  }
0x95: {  	[sflag:s15] =	ssyncadd.s32 $0xFFFFFFFF  }
0x96: {  	s16 =	sld [smem:$0x11];
	(tm) =	ssettm $0x1  }
0x97: {  	s17 =	sld [smem:$0x3FFB];
	_ =	sdelay $0x3  }
0x98: {  	_ =	strace s17  }
0x99: {  	s3 =	sld [smem:$0x3FFC];
	_ =	sdelay $0x3  }
0x9a: {  	_ =	strace s3  }
0x9b: {  	s3 =	sld [smem:$0x3FFD];
	_ =	sdelay $0x3  }
0x9c: {  	_ =	strace s3  }
0x9d: {  	_ =	strace $0x8FFFFFFF  }
0x9e: {  	s18 =	sld [smem:$0x3FDB];
	_ =	sdelay $0x1  }
0x9f: {  	s19 =	simm.s32 $_scs_section_size  }
0xa0: {  	s5 =	simm.s32 $_size__tile_overlayer_lowered;
	s6 =	simm.s32 $_tile_overlayer_lowered  }
0xa1: {  	s22 =	simm.s32 $0x1BFF;
	s21 =	sshll.u32 s6, $0x1;
	s3 =	sadd.s32 s19, s18  }
0xa2: {  	s7 =	simm.s32 $0x0;
	s20 =	sshll.u32 s5, $0x1;
	s5 =	sadd.s32 s21, s3  }
0xa3: {  	[timem:s7], [sflag:s22] =	dma.local [hbm:s5], s20  }
0xa4: {  	_ =	swait.ge [sflag:s22], s20  }
0xa5: {  	s4 =	ssub.s32 $0x0, s20;
	[sflag:s22] =	ssyncset.done $0x0  }
0xa6: {  	[sflag:s22] =	ssyncadd.s32 s4;
	_ =	sdelay $0x1  }
0xa7: {  	s23 =	simm.s32 $0x1B8B  }
0xa8: {  	_ =	swait.ge [sflag:s23], $0x1  }
0xa9: {  	[sflag:s23] =	ssyncset.done $0x0  }
0xaa: {  	s25 =	simm.s32 $0x1B8E;
	s24 =	sld [smem:$0x3FFE];
	[sflag:s23] =	ssyncadd.s32 $0xFFFFFFFF  }
0xab: {  	s26 =	simm.s32 $execute0_lowered;
	[smem:$0x3FD2] =	sst s25  }
0xac: {  	s5 =	sshll.u32 s26, $0x1;
	_ =	strace $0x80000049;
	[dreg:$0x1] =	wrdreg $0xFFFFFFFF  }
0xad: {  	s28 =	simm.s32 $_size_execute0_lowered;
	s3 =	sadd.s32 s3, s5;
	[dreg:$0x0] =	wrdreg $0x0  }
0xae: {  	s5 =	sshll.u32 s28, $0x1;
	[dreg:$0x2] =	wrdreg s3  }
0xaf: {  	[dreg:$0x3] =	wrdreg s5  }
0xb0: {  	[dreg:$0x4] =	wrdreg $0xC0  }
0xb1: {  	_ =	task [dreg:s7], $0x5FFFF  }
0xb2: {  	[dreg:$0x1] =	wrdreg $0xFFFFFFFF  }
0xb3: {  	[dreg:$0x0] =	wrdreg $0x60  }
0xb4: {  	[dreg:$0x2] =	wrdreg s16  }
0xb5: {  	[dreg:$0x3] =	wrdreg s24  }
0xb6: {  	[dreg:$0x4] =	wrdreg $0x4C000  }
0xb7: {  	[dreg:$0x5] =	wrdreg $0x9  }
0xb8: {  	_ =	task.clear_ibuf [dreg:s7], $0x6FFFF;
	_ =	strace $0x90000049  }
0xb9: {  	s29 =	simm.s32 $0x9;
	_ =	strace $0x8000004B  }
0xba: {  	_ =	swait.ge [sflag:s29], $0x1  }
0xbb: {  	[sflag:s29] =	ssyncadd.s32 $0xFFFFFFFF  }
0xbc: {  	_ =	strace $0x9000004B  }
0xbd: {  	_ =	sfence  }
0xbe: {  	s30 =	sld [smem:$0x0];
	_ =	sdelay $0x2  }
0xbf: {  	s31 =	sshll.u32 s1, $0xD;
	s1 =	sshrl.u32 s1, $0x2  }
0xc0: {  	s3 =	sand.u32 $0x4000, s31;
	s1 =	sadd.s32 s1, s30  }
0xc1: {  	s0 =	sor.u32 s3, s0;
	s1 =	sshll.u32 s1, $0x11  }
0xc2: {  	s0 =	sor.u32 s1, s0  }
0xc3: {  	s0 =	sadd.s32 $0x8F2B, s0  }
0xc4: {  	[sflag:s0] =	ssyncadd.remote.s32 $0x1  }
0xc5: {  	_ =	sfence.sel $0xFFFF  }
0xc6: {  	[dreg:$0x0] =	wrdreg $0xFFFFFFFF;
	(pc) =	sbr.abs _section_cstart, $3  }
0xc7: {  	[dreg:$0x1] =	wrdreg $0xFFFFFFFF  }
0xc8: {  	_ =	task.clear_ibuf [dreg:s7], $0x2FFFF;
	_ =	strace $0x9FFFFFFF  }
0xc9: {  	(tm) =	ssettm $0x7FFFFFFF  }
tec
execute0_lowered:
.L_overlay_start_1:
0x0: {  	(tag) =	ssettag $0x1  }
0x1: {  	s1 =	rddreg [dreg:$0x0]  }
0x2: {  	s9 =	rddreg [dreg:$0x1]  }
0x3: {  	s3 =	rddreg [dreg:$0x2]  }
0x4: {  	s0 =	rddreg [dreg:$0x3];
	s4 =	simm.s32 $0x0;
	s2 =	stileid.u32  }
0x5: {  	s5 =	srdreg.scid;
	s16 =	simm.s32 $0x1;
	s17 =	simm.s32 $0x400  }
0x6: {  	s18 =	simm.s32 $0xC00;
	s24 =	simm.s32 $0x0;
	[smem:$0x7FF] =	sst s4  }
0x7: {  	s11 =	smul.u32 $0xC380, s2;
	s10 =	sand.u32 $0x1, s5;
	s5 =	sadd.s32 $0xE0400, s9  }
0x8: {  	s6 =	sadd.s32 $0xF9400, s9;
	s7 =	sadd.s32 $0xC7400, s9;
	s31 =	sshll.u32 s2, $0x6  }
0x9: {  	s19 =	sadd.s32 $0xB7480, s3;
	p0 =	seq.s32 s2, $0xF;
	_ =	strace $0x8000004A  }
0xa: {  	s12 =	ssub.s32 $0x2, s10;
	s10 =	sshll.u32 s10, $0x2;
	s19 =	sshrl.u32 @p0 s19, $0x3  }
0xb: {  	s8 =	sshrl.u32 s11, $0x3;
	s13 =	sshrl.u32 s12, $0x1;
	s20 =	sadd.s32 s11, s3  }
0xc: {  	s14 =	sadd.s32 s8, s9;
	s9 =	sadd.s32 $0x12AC00, s9;
	s15 =	ssub.s32 s12, s13  }
0xd: {  	v0 =	vlaneseq.u32;
	s12 =	sor.u32 $0x1C01, s31;
	s13 =	smul.u32 $0xC800, s2;
	s11 =	sadd.s32 $0x112400, s14  }
0xe: {  	v0 =	vmul.u32 $0x10, v0;
	s14 =	smax.u32 s15, $0x1;
	s15 =	sshrl.u32 s20, $0x3;
	s20 =	sshrl.u32 @!p0 s20, $0x3  }
.LBB2_1:
0xf: {  	s21 =	simm.s32 $0x0  }
.LBB2_2:
0x10: {  	[spmem:s15], [sflag:s12] =	dma.local [hbm:s11], $0x1870  }
0x11: {  	s22 =	sadd.s32 s10, s21;
	_ =	swait.ge [sflag:s16], $0x1870  }
0x12: {  	s22 =	smul.u32 $0x186A0, s22;
	[sflag:s16] =	ssyncset.done $0x0  }
0x13: {  	[sflag:s16] =	ssyncadd.s32 $0xFFFFE790  }
0x14: {  	s25 =	simm.s32 $0x0;
	s23 =	sadd.s32 s1, s22;
	[bflag:$0x0] =	sbarrier.arrive $0xFFFF  }
.LBB2_3:
0x15: {  	s26 =	sshll.u32 s25, $0xA  }
0x16: {  	s26 =	sadd.s32 s13, s26  }
0x17: {  	s26 =	sshrl.u32 s26, $0x3  }
0x18: {  	s28 =	sadd.s32 s5, s26  }
0x19: {  	[tilespmem:s24], [sflag:$0x1] =	stream.linear.gather [hbm4b:s28+s24], $0x400, $0x38;
	[tilespmem:$0x10F80] =	vst v63  }
0x1a: {  	_ =	swait.ge [sflag:s16], $0x400  }
0x1b: {  	[sflag:s16] =	ssyncset.done $0x0  }
0x1c: {  	s28 =	sadd.s32 s6, s26;
	[sflag:s16] =	ssyncadd.s32 $0xFFFFFC00  }
0x1d: {  	[tilespmem:s17], [sflag:$0x1] =	stream.linear.gather [hbm4b:s28+s24], $0x400, $0x38;
	[tilespmem:$0x10F80] =	vst v63  }
0x1e: {  	_ =	swait.ge [sflag:s16], $0x400  }
0x1f: {  	[sflag:s16] =	ssyncset.done $0x0  }
0x20: {  	s28 =	sadd.s32 s7, s26;
	s26 =	simm.s32 $0x800;
	[sflag:s16] =	ssyncadd.s32 $0xFFFFFC00  }
0x21: {  	[tilespmem:s26], [sflag:$0x1] =	stream.linear.gather [hbm4b:s28+s24], $0x400, $0x38;
	[tilespmem:$0x10F80] =	vst v63  }
0x22: {  	v1 =	vmov s24;
	_ =	swait.ge [sflag:s16], $0x400  }
0x23: {  	v1 =	vshll.u32 v1, $0x4;
	[sflag:s16] =	ssyncset.done $0x0  }
0x24: {  	v1 =	vor.u32 v0, v1;
	[sflag:s16] =	ssyncadd.s32 $0xFFFFFC00  }
0x25: {  	[tilespmem:s18], [sflag:$0x1] =	stream.indirect.gather [hbm4b:s23+s17], $0x10, s24, s17, $0xb8;
	[tilespmem:$0x10F80] =	vst v63  }
0x26: {  	_ =	swait.ge [sflag:s16], $0x4000  }
0x27: {  	[sflag:s16] =	ssyncset.done $0x0  }
0x28: {  	[sflag:s16] =	ssyncadd.s32 $0xFFFFC000  }
0x29: {  	v2 =	vld.idx.msk [tilespmem:v1+s18+$0x0], $0xffff  }
0x2a: {  	v4 =	vld [tilespmem:s26+$0x0];
	_ =	sdelay $0x2  }
0x2b: {  	v3 =	vor.u32 $0x1, v1;
	_ =	sdelay $0x1  }
0x2c: {  	v2 =	vmul.f32 v2, v4;
	_ =	sdelay $0x1  }
0x2d: {  	[tilespmem:v1+s18+$0x0] =	vst.idx.msk $0xffff, v2  }
0x2e: {  	v2 =	vld.idx.msk [tilespmem:v3+s18+$0x0], $0xffff;
	_ =	sdelay $0x2  }
0x2f: {  	v5 =	vor.u32 $0x2, v1;
	_ =	sdelay $0x1  }
0x30: {  	v2 =	vmul.f32 v2, v4;
	_ =	sdelay $0x1  }
0x31: {  	[tilespmem:v3+s18+$0x0] =	vst.idx.msk $0xffff, v2  }
0x32: {  	v2 =	vld.idx.msk [tilespmem:v5+s18+$0x0], $0xffff;
	_ =	sdelay $0x2  }
0x33: {  	v3 =	vor.u32 $0x3, v1;
	_ =	sdelay $0x1  }
0x34: {  	v2 =	vmul.f32 v2, v4;
	_ =	sdelay $0x1  }
0x35: {  	[tilespmem:v5+s18+$0x0] =	vst.idx.msk $0xffff, v2  }
0x36: {  	v2 =	vld.idx.msk [tilespmem:v3+s18+$0x0], $0xffff;
	_ =	sdelay $0x2  }
0x37: {  	v5 =	vor.u32 $0x4, v1;
	_ =	sdelay $0x1  }
0x38: {  	v2 =	vmul.f32 v2, v4;
	_ =	sdelay $0x1  }
0x39: {  	[tilespmem:v3+s18+$0x0] =	vst.idx.msk $0xffff, v2  }
0x3a: {  	v2 =	vld.idx.msk [tilespmem:v5+s18+$0x0], $0xffff;
	_ =	sdelay $0x2  }
0x3b: {  	v3 =	vor.u32 $0x5, v1;
	_ =	sdelay $0x1  }
0x3c: {  	v2 =	vmul.f32 v2, v4;
	_ =	sdelay $0x1  }
0x3d: {  	[tilespmem:v5+s18+$0x0] =	vst.idx.msk $0xffff, v2  }
0x3e: {  	v2 =	vld.idx.msk [tilespmem:v3+s18+$0x0], $0xffff;
	_ =	sdelay $0x2  }
0x3f: {  	v5 =	vor.u32 $0x6, v1;
	_ =	sdelay $0x1  }
0x40: {  	v2 =	vmul.f32 v2, v4;
	_ =	sdelay $0x1  }
0x41: {  	[tilespmem:v3+s18+$0x0] =	vst.idx.msk $0xffff, v2  }
0x42: {  	v2 =	vld.idx.msk [tilespmem:v5+s18+$0x0], $0xffff;
	_ =	sdelay $0x2  }
0x43: {  	v3 =	vor.u32 $0x7, v1;
	_ =	sdelay $0x1  }
0x44: {  	v2 =	vmul.f32 v2, v4;
	_ =	sdelay $0x1  }
0x45: {  	[tilespmem:v5+s18+$0x0] =	vst.idx.msk $0xffff, v2  }
0x46: {  	v2 =	vld.idx.msk [tilespmem:v3+s18+$0x0], $0xffff;
	_ =	sdelay $0x2  }
0x47: {  	v5 =	vor.u32 $0x8, v1;
	_ =	sdelay $0x1  }
0x48: {  	v2 =	vmul.f32 v2, v4;
	_ =	sdelay $0x1  }
0x49: {  	[tilespmem:v3+s18+$0x0] =	vst.idx.msk $0xffff, v2  }
0x4a: {  	v2 =	vld.idx.msk [tilespmem:v5+s18+$0x0], $0xffff;
	_ =	sdelay $0x2  }
0x4b: {  	v3 =	vor.u32 $0x9, v1;
	_ =	sdelay $0x1  }
0x4c: {  	v2 =	vmul.f32 v2, v4;
	_ =	sdelay $0x1  }
0x4d: {  	[tilespmem:v5+s18+$0x0] =	vst.idx.msk $0xffff, v2  }
0x4e: {  	v2 =	vld.idx.msk [tilespmem:v3+s18+$0x0], $0xffff;
	_ =	sdelay $0x2  }
0x4f: {  	v5 =	vor.u32 $0xA, v1;
	_ =	sdelay $0x1  }
0x50: {  	v2 =	vmul.f32 v2, v4;
	_ =	sdelay $0x1  }
0x51: {  	[tilespmem:v3+s18+$0x0] =	vst.idx.msk $0xffff, v2  }
0x52: {  	v2 =	vld.idx.msk [tilespmem:v5+s18+$0x0], $0xffff;
	_ =	sdelay $0x2  }
0x53: {  	v3 =	vor.u32 $0xB, v1;
	_ =	sdelay $0x1  }
0x54: {  	v2 =	vmul.f32 v2, v4;
	_ =	sdelay $0x1  }
0x55: {  	[tilespmem:v5+s18+$0x0] =	vst.idx.msk $0xffff, v2  }
0x56: {  	v2 =	vld.idx.msk [tilespmem:v3+s18+$0x0], $0xffff;
	_ =	sdelay $0x2  }
0x57: {  	v5 =	vor.u32 $0xC, v1;
	_ =	sdelay $0x1  }
0x58: {  	v2 =	vmul.f32 v2, v4;
	_ =	sdelay $0x1  }
0x59: {  	[tilespmem:v3+s18+$0x0] =	vst.idx.msk $0xffff, v2  }
0x5a: {  	v2 =	vld.idx.msk [tilespmem:v5+s18+$0x0], $0xffff;
	_ =	sdelay $0x2  }
0x5b: {  	v3 =	vor.u32 $0xD, v1;
	_ =	sdelay $0x1  }
0x5c: {  	v2 =	vmul.f32 v2, v4;
	_ =	sdelay $0x1  }
0x5d: {  	[tilespmem:v5+s18+$0x0] =	vst.idx.msk $0xffff, v2  }
0x5e: {  	v2 =	vld.idx.msk [tilespmem:v3+s18+$0x0], $0xffff;
	_ =	sdelay $0x2  }
0x5f: {  	v5 =	vor.u32 $0xE, v1;
	_ =	sdelay $0x1  }
0x60: {  	v2 =	vmul.f32 v2, v4;
	_ =	sdelay $0x1  }
0x61: {  	[tilespmem:v3+s18+$0x0] =	vst.idx.msk $0xffff, v2  }
0x62: {  	v2 =	vld.idx.msk [tilespmem:v5+s18+$0x0], $0xffff;
	_ =	sdelay $0x2  }
0x63: {  	v3 =	vor.u32 $0xF, v1;
	_ =	sdelay $0x1  }
0x64: {  	v1 =	vmul.f32 v2, v4;
	_ =	sdelay $0x1  }
0x65: {  	[tilespmem:v5+s18+$0x0] =	vst.idx.msk $0xffff, v1  }
0x66: {  	s28 =	simm.s32 $0x10;
	v2 =	vld.idx.msk [tilespmem:v3+s18+$0x0], $0xffff  }
0x67: {  	v1 =	vmov s28  }
0x68: {  	v1 =	vshll.u32 v1, $0x4  }
0x69: {  	v1 =	vor.u32 v0, v1;
	_ =	sdelay $0x1  }
0x6a: {  	s28 =	simm.s32 $0x20;
	v2 =	vmul.f32 v2, v4  }
.LBB2_4:
0x6b: {  	p1 =	sne.s32 s28, $0x3F0  }
0x6c: {  	s26 =	sadd.s32 $0x10, s26;
	s29 =	smov.u32 s28;
	s28 =	sadd.s32 $0x10, s28;
	[tilespmem:v3+s18+$0x0] =	vst.idx.msk $0xffff, v2  }
0x6d: {  	v3 =	vld.idx.msk [tilespmem:v1+s18+$0x0], $0xffff  }
0x6e: {  	v2 =	vld [tilespmem:s26+$0x0];
	_ =	sdelay $0x2  }
0x6f: {  	v4 =	vor.u32 $0x1, v1;
	_ =	sdelay $0x1  }
0x70: {  	v3 =	vmul.f32 v3, v2;
	_ =	sdelay $0x1  }
0x71: {  	[tilespmem:v1+s18+$0x0] =	vst.idx.msk $0xffff, v3  }
0x72: {  	v3 =	vld.idx.msk [tilespmem:v4+s18+$0x0], $0xffff;
	_ =	sdelay $0x3  }
0x73: {  	v5 =	vor.u32 $0x2, v1;
	_ =	sdelay $0x1  }
0x74: {  	v3 =	vmul.f32 v3, v2;
	_ =	sdelay $0x1  }
0x75: {  	[tilespmem:v4+s18+$0x0] =	vst.idx.msk $0xffff, v3  }
0x76: {  	v3 =	vld.idx.msk [tilespmem:v5+s18+$0x0], $0xffff;
	_ =	sdelay $0x3  }
0x77: {  	v4 =	vor.u32 $0x3, v1;
	_ =	sdelay $0x1  }
0x78: {  	v3 =	vmul.f32 v3, v2;
	_ =	sdelay $0x1  }
0x79: {  	[tilespmem:v5+s18+$0x0] =	vst.idx.msk $0xffff, v3  }
0x7a: {  	v3 =	vld.idx.msk [tilespmem:v4+s18+$0x0], $0xffff;
	_ =	sdelay $0x3  }
0x7b: {  	v5 =	vor.u32 $0x4, v1;
	_ =	sdelay $0x1  }
0x7c: {  	v3 =	vmul.f32 v3, v2;
	_ =	sdelay $0x1  }
0x7d: {  	[tilespmem:v4+s18+$0x0] =	vst.idx.msk $0xffff, v3  }
0x7e: {  	v3 =	vld.idx.msk [tilespmem:v5+s18+$0x0], $0xffff;
	_ =	sdelay $0x3  }
0x7f: {  	v4 =	vor.u32 $0x5, v1;
	_ =	sdelay $0x1  }
0x80: {  	v3 =	vmul.f32 v3, v2;
	_ =	sdelay $0x1  }
0x81: {  	[tilespmem:v5+s18+$0x0] =	vst.idx.msk $0xffff, v3  }
0x82: {  	v3 =	vld.idx.msk [tilespmem:v4+s18+$0x0], $0xffff;
	_ =	sdelay $0x3  }
0x83: {  	v5 =	vor.u32 $0x6, v1;
	_ =	sdelay $0x1  }
0x84: {  	v3 =	vmul.f32 v3, v2;
	_ =	sdelay $0x1  }
0x85: {  	[tilespmem:v4+s18+$0x0] =	vst.idx.msk $0xffff, v3  }
0x86: {  	v3 =	vld.idx.msk [tilespmem:v5+s18+$0x0], $0xffff;
	_ =	sdelay $0x3  }
0x87: {  	v4 =	vor.u32 $0x7, v1;
	_ =	sdelay $0x1  }
0x88: {  	v3 =	vmul.f32 v3, v2;
	_ =	sdelay $0x1  }
0x89: {  	[tilespmem:v5+s18+$0x0] =	vst.idx.msk $0xffff, v3  }
0x8a: {  	v3 =	vld.idx.msk [tilespmem:v4+s18+$0x0], $0xffff;
	_ =	sdelay $0x3  }
0x8b: {  	v5 =	vor.u32 $0x8, v1;
	_ =	sdelay $0x1  }
0x8c: {  	v3 =	vmul.f32 v3, v2;
	_ =	sdelay $0x1  }
0x8d: {  	[tilespmem:v4+s18+$0x0] =	vst.idx.msk $0xffff, v3  }
0x8e: {  	v3 =	vld.idx.msk [tilespmem:v5+s18+$0x0], $0xffff;
	_ =	sdelay $0x3  }
0x8f: {  	v4 =	vor.u32 $0x9, v1;
	_ =	sdelay $0x1  }
0x90: {  	v3 =	vmul.f32 v3, v2;
	_ =	sdelay $0x1  }
0x91: {  	[tilespmem:v5+s18+$0x0] =	vst.idx.msk $0xffff, v3  }
0x92: {  	v3 =	vld.idx.msk [tilespmem:v4+s18+$0x0], $0xffff;
	_ =	sdelay $0x3  }
0x93: {  	v5 =	vor.u32 $0xA, v1;
	_ =	sdelay $0x1  }
0x94: {  	v3 =	vmul.f32 v3, v2;
	_ =	sdelay $0x1  }
0x95: {  	[tilespmem:v4+s18+$0x0] =	vst.idx.msk $0xffff, v3  }
0x96: {  	v3 =	vld.idx.msk [tilespmem:v5+s18+$0x0], $0xffff;
	_ =	sdelay $0x3  }
0x97: {  	v4 =	vor.u32 $0xB, v1;
	_ =	sdelay $0x1  }
0x98: {  	v3 =	vmul.f32 v3, v2;
	_ =	sdelay $0x1  }
0x99: {  	[tilespmem:v5+s18+$0x0] =	vst.idx.msk $0xffff, v3  }
0x9a: {  	v3 =	vld.idx.msk [tilespmem:v4+s18+$0x0], $0xffff;
	_ =	sdelay $0x3  }
0x9b: {  	v5 =	vor.u32 $0xC, v1;
	_ =	sdelay $0x1  }
0x9c: {  	v3 =	vmul.f32 v3, v2;
	_ =	sdelay $0x1  }
0x9d: {  	[tilespmem:v4+s18+$0x0] =	vst.idx.msk $0xffff, v3  }
0x9e: {  	v3 =	vld.idx.msk [tilespmem:v5+s18+$0x0], $0xffff;
	_ =	sdelay $0x3  }
0x9f: {  	v4 =	vor.u32 $0xD, v1;
	_ =	sdelay $0x1  }
0xa0: {  	v3 =	vmul.f32 v3, v2;
	_ =	sdelay $0x1  }
0xa1: {  	[tilespmem:v5+s18+$0x0] =	vst.idx.msk $0xffff, v3  }
0xa2: {  	v3 =	vld.idx.msk [tilespmem:v4+s18+$0x0], $0xffff;
	_ =	sdelay $0x3  }
0xa3: {  	v5 =	vor.u32 $0xE, v1;
	_ =	sdelay $0x1  }
0xa4: {  	v3 =	vmul.f32 v3, v2;
	_ =	sdelay $0x1  }
0xa5: {  	[tilespmem:v4+s18+$0x0] =	vst.idx.msk $0xffff, v3  }
0xa6: {  	v4 =	vld.idx.msk [tilespmem:v5+s18+$0x0], $0xffff;
	_ =	sdelay $0x3  }
0xa7: {  	v3 =	vor.u32 $0xF, v1;
	_ =	sdelay $0x1  }
0xa8: {  	v1 =	vmul.f32 v4, v2;
	_ =	sdelay $0x1  }
0xa9: {  	[tilespmem:v5+s18+$0x0] =	vst.idx.msk $0xffff, v1  }
0xaa: {  	v4 =	vld.idx.msk [tilespmem:v3+s18+$0x0], $0xffff;
	_ =	sdelay $0x1  }
.Ltmp0:
0xab: {  	v1 =	vmov s29;
	(pc) =	sbr.rel @p1 .LBB2_4-.Ltmp0, $3  }
0xac: {  	v1 =	vshll.u32 v1, $0x4  }
0xad: {  	v1 =	vor.u32 v0, v1;
	_ =	sdelay $0x1  }
0xae: {  	v2 =	vmul.f32 v4, v2  }
0xaf: {  	_ =	sdelay $0x3  }
0xb0: {  	[tilespmem:v3+s18+$0x0] =	vst.idx.msk $0xffff, v2  }
0xb1: {  	s26 =	sadd.s32 $0x10, s26;
	v2 =	vld.idx.msk [tilespmem:v1+s18+$0x0], $0xffff  }
0xb2: {  	v3 =	vld [tilespmem:s26+$0x0];
	_ =	sdelay $0x2  }
0xb3: {  	v4 =	vor.u32 $0x1, v1;
	_ =	sdelay $0x1  }
0xb4: {  	v2 =	vmul.f32 v2, v3;
	_ =	sdelay $0x1  }
0xb5: {  	[tilespmem:v1+s18+$0x0] =	vst.idx.msk $0xffff, v2  }
0xb6: {  	v2 =	vld.idx.msk [tilespmem:v4+s18+$0x0], $0xffff;
	_ =	sdelay $0x2  }
0xb7: {  	v5 =	vor.u32 $0x2, v1;
	_ =	sdelay $0x1  }
0xb8: {  	v2 =	vmul.f32 v2, v3;
	_ =	sdelay $0x1  }
0xb9: {  	[tilespmem:v4+s18+$0x0] =	vst.idx.msk $0xffff, v2  }
0xba: {  	v2 =	vld.idx.msk [tilespmem:v5+s18+$0x0], $0xffff;
	_ =	sdelay $0x2  }
0xbb: {  	v52 =	vor.u32 $0x3, v1;
	_ =	sdelay $0x1  }
0xbc: {  	v2 =	vmul.f32 v2, v3;
	_ =	sdelay $0x1  }
0xbd: {  	[tilespmem:v5+s18+$0x0] =	vst.idx.msk $0xffff, v2  }
0xbe: {  	v2 =	vld.idx.msk [tilespmem:v52+s18+$0x0], $0xffff;
	_ =	sdelay $0x2  }
0xbf: {  	v53 =	vor.u32 $0x4, v1;
	_ =	sdelay $0x1  }
0xc0: {  	v2 =	vmul.f32 v2, v3;
	_ =	sdelay $0x1  }
0xc1: {  	[tilespmem:v52+s18+$0x0] =	vst.idx.msk $0xffff, v2  }
0xc2: {  	v2 =	vld.idx.msk [tilespmem:v53+s18+$0x0], $0xffff;
	_ =	sdelay $0x2  }
0xc3: {  	v54 =	vor.u32 $0x5, v1;
	_ =	sdelay $0x1  }
0xc4: {  	v2 =	vmul.f32 v2, v3;
	_ =	sdelay $0x1  }
0xc5: {  	[tilespmem:v53+s18+$0x0] =	vst.idx.msk $0xffff, v2  }
0xc6: {  	v2 =	vld.idx.msk [tilespmem:v54+s18+$0x0], $0xffff;
	_ =	sdelay $0x2  }
0xc7: {  	v55 =	vor.u32 $0x6, v1;
	_ =	sdelay $0x1  }
0xc8: {  	v2 =	vmul.f32 v2, v3;
	_ =	sdelay $0x1  }
0xc9: {  	[tilespmem:v54+s18+$0x0] =	vst.idx.msk $0xffff, v2  }
0xca: {  	v2 =	vld.idx.msk [tilespmem:v55+s18+$0x0], $0xffff;
	_ =	sdelay $0x2  }
0xcb: {  	v56 =	vor.u32 $0x7, v1;
	_ =	sdelay $0x1  }
0xcc: {  	v2 =	vmul.f32 v2, v3;
	_ =	sdelay $0x1  }
0xcd: {  	[tilespmem:v55+s18+$0x0] =	vst.idx.msk $0xffff, v2  }
0xce: {  	v2 =	vld.idx.msk [tilespmem:v56+s18+$0x0], $0xffff;
	_ =	sdelay $0x2  }
0xcf: {  	v57 =	vor.u32 $0x8, v1;
	_ =	sdelay $0x1  }
0xd0: {  	v2 =	vmul.f32 v2, v3;
	_ =	sdelay $0x1  }
0xd1: {  	[tilespmem:v56+s18+$0x0] =	vst.idx.msk $0xffff, v2  }
0xd2: {  	v2 =	vld.idx.msk [tilespmem:v57+s18+$0x0], $0xffff;
	_ =	sdelay $0x2  }
0xd3: {  	v58 =	vor.u32 $0x9, v1;
	_ =	sdelay $0x1  }
0xd4: {  	v2 =	vmul.f32 v2, v3;
	_ =	sdelay $0x1  }
0xd5: {  	[tilespmem:v57+s18+$0x0] =	vst.idx.msk $0xffff, v2  }
0xd6: {  	v2 =	vld.idx.msk [tilespmem:v58+s18+$0x0], $0xffff;
	_ =	sdelay $0x2  }
0xd7: {  	v59 =	vor.u32 $0xA, v1;
	_ =	sdelay $0x1  }
0xd8: {  	v2 =	vmul.f32 v2, v3;
	_ =	sdelay $0x1  }
0xd9: {  	[tilespmem:v58+s18+$0x0] =	vst.idx.msk $0xffff, v2  }
0xda: {  	v2 =	vld.idx.msk [tilespmem:v59+s18+$0x0], $0xffff;
	_ =	sdelay $0x2  }
0xdb: {  	v60 =	vor.u32 $0xB, v1;
	_ =	sdelay $0x1  }
0xdc: {  	v2 =	vmul.f32 v2, v3;
	_ =	sdelay $0x1  }
0xdd: {  	[tilespmem:v59+s18+$0x0] =	vst.idx.msk $0xffff, v2  }
0xde: {  	v2 =	vld.idx.msk [tilespmem:v60+s18+$0x0], $0xffff;
	_ =	sdelay $0x2  }
0xdf: {  	v61 =	vor.u32 $0xC, v1;
	_ =	sdelay $0x1  }
0xe0: {  	v2 =	vmul.f32 v2, v3;
	_ =	sdelay $0x1  }
0xe1: {  	[tilespmem:v60+s18+$0x0] =	vst.idx.msk $0xffff, v2  }
0xe2: {  	v2 =	vld.idx.msk [tilespmem:v61+s18+$0x0], $0xffff;
	_ =	sdelay $0x2  }
0xe3: {  	v62 =	vor.u32 $0xD, v1;
	_ =	sdelay $0x1  }
0xe4: {  	v2 =	vmul.f32 v2, v3;
	_ =	sdelay $0x1  }
0xe5: {  	[tilespmem:v61+s18+$0x0] =	vst.idx.msk $0xffff, v2  }
0xe6: {  	v2 =	vld.idx.msk [tilespmem:v62+s18+$0x0], $0xffff;
	_ =	sdelay $0x2  }
0xe7: {  	v63 =	vor.u32 $0xE, v1;
	_ =	sdelay $0x1  }
0xe8: {  	v2 =	vmul.f32 v2, v3;
	_ =	sdelay $0x1  }
0xe9: {  	[tilespmem:v62+s18+$0x0] =	vst.idx.msk $0xffff, v2  }
0xea: {  	v2 =	vld.idx.msk [tilespmem:v63+s18+$0x0], $0xffff;
	_ =	sdelay $0x2  }
0xeb: {  	v1 =	vor.u32 $0xF, v1;
	_ =	sdelay $0x1  }
0xec: {  	v2 =	vmul.f32 v2, v3;
	_ =	sdelay $0x1  }
0xed: {  	[tilespmem:v63+s18+$0x0] =	vst.idx.msk $0xffff, v2  }
0xee: {  	v2 =	vld.idx.msk [tilespmem:v1+s18+$0x0], $0xffff;
	_ =	sdelay $0x4  }
0xef: {  	s25 =	sadd.s32 $0x1, s25;
	v2 =	vmul.f32 v2, v3  }
0xf0: {  	p1 =	sne.s32 s25, $0x32  }
.Ltmp1:
0xf1: {  	[tilespmem:v1+s18+$0x0] =	vst.idx.msk $0xffff, v2;
	(pc) =	sbr.rel @p1 .LBB2_3-.Ltmp1, $4  }
0xf2: {  	[spmem:s3] =	stream.indirect.scatter.add.f32 [tilespmem:s18], [sflag:$0x1], $0x10, s17, s17, $0xb8;
	[tilespmem:$0x10F80] =	vst v63  }
0xf3: {  	_ =	swait.ge [sflag:s16], $0x4000  }
0xf4: {  	[sflag:s16] =	ssyncset.done $0x0  }
0xf5: {  	[sflag:s16] =	ssyncadd.s32 $0xFFFFC000  }
0xf6: {  	s22 =	sadd.s32 s9, s22  }
0xf7: {  	[bflag:$0x0] =	sbarrier.arrive $0xFFFF;
	s23 =	sadd.s32 @p0 $0x16E90, s22  }
0xf8: {  	[hbm:s23], [sflag:s12] =	dma.local @p0 [spmem:s19], $0x1810  }
0xf9: {  	s23 =	simm.s32 @p0 $0x1  }
0xfa: {  	_ =	swait.ge @p0 [sflag:s23], $0x1810  }
0xfb: {  	[sflag:s23] =	ssyncset.done @p0 $0x0  }
0xfc: {  	s21 =	sadd.s32 $0x1, s21;
	s22 =	sadd.s32 @!p0 s8, s22;
	[sflag:s23] =	ssyncadd.s32 @p0 $0xFFFFE7F0  }
0xfd: {  	[hbm:s22], [sflag:s12] =	dma.local @!p0 [spmem:s20], $0x1870  }
0xfe: {  	p1 =	sne.s32 s21, $0x4;
	s22 =	simm.s32 @!p0 $0x1  }
.Ltmp2:
0xff: {  	_ =	swait.ge @!p0 [sflag:s22], $0x1870;
	(pc) =	sbr.rel @p1 .LBB2_2-.Ltmp2, $3  }
0x100: {  	[sflag:s22] =	ssyncset.done @!p0 $0x0  }
0x101: {  	[sflag:s22] =	ssyncadd.s32 @!p0 $0xFFFFE790  }
0x102: {  	[bflag:$0x0] =	sbarrier.arrive $0xFFFF;
	_ =	sdelay $0x1  }
0x103: {  	s4 =	sadd.s32 $0x1, s4  }
0x104: {  	p1 =	sne.s32 s4, s14  }
.Ltmp3:
0x105: {  	_ = 	snop;
	(pc) =	sbr.rel @p1 .LBB2_1-.Ltmp3, $1  }
0x106: {  	_ =	sdelay $0x3  }
0x107: {  	_ =	sfence.sel $0x180000  }
0x108: {  	[bflag:$0x0] =	sbarrier.arrive $0xFFFF  }
0x109: {  	p0 =	sne.s32 s2, $0x0;
	_ =	strace $0x9000004A  }
0x10a: {  	s0 =	sadd.s32 @!p0 $0x100000, s0;
	[bflag:$0x2] =	sbarrier.arrive $0xFFFF  }
0x10b: {  	[sflag:s0] =	ssyncadd.tile.s32 @!p0 $0x1;
	_ =	shalt  }
.Lfunc_end2:
_tile_overlayer_lowered:
.L_overlay_start_2:
0x10c: {  	(tag) =	ssettag $0x2  }
0x10d: {  	s0 =	rddreg [dreg:$0x0];
	s2 =	stileid.u32  }
0x10e: {  	s1 =	rddreg [dreg:$0x1];
	p0 =	sne.s32 s2, $0x0  }
0x10f: {  	s3 =	rddreg [dreg:$0x2];
	[bflag:$0x3] =	sbarrier.arrive $0xFFFF;
	s2 =	simm.s32 @!p0 $0x1C01  }
0x110: {  	[timem:s3], [sflag:s2] =	dma.local @!p0 [hbm:s0], s1  }
0x111: {  	s0 =	simm.s32 @!p0 $0x1  }
0x112: {  	_ =	swait.ge @!p0 [sflag:s0], s1  }
0x113: {  	s1 =	ssub.s32 @!p0 $0x0, s1;
	[sflag:s0] =	ssyncset.done @!p0 $0x0  }
0x114: {  	[sflag:s0] =	ssyncadd.s32 @!p0 s1  }
0x115: {  	[bflag:$0x3] =	sbarrier.arrive $0xFFFF  }
0x116: {  	_ =	shalt  }

// kernel: kernel.14.cloned.1.call-start
scs
__scs_entry_jumppad:
0x0: {  	(pc) =	sbr.rel $0x88, $3  }
0x1: {  	(tag) =	ssettag $0x0;
	lr =	simm.s32 $0x1  }
0x2: {  	[smem:$0x3F92] =	sst lr;
	_ =	strace $0xD0000000  }
0x3: {  	_ = 	snop  }
0x4: {  	_ = 	snop  }
0x5: {  	_ = 	snop  }
0x6: {  	_ = 	snop  }
0x7: {  	_ = 	snop  }
__scs_overlays_trampoline_lowered:
0x8: {  	[smem:$0x3FA1] =	sst s0  }
0x9: {  	[smem:$0x3FA2] =	sst s1  }
0xa: {  	[smem:$0x3FA3] =	sst s2  }
0xb: {  	[smem:$0x3FA4] =	sst s3  }
0xc: {  	[smem:$0x3FA5] =	sst s4  }
0xd: {  	[smem:$0x3FA6] =	sst s5  }
0xe: {  	[smem:$0x3FA7] =	sst s6  }
0xf: {  	[smem:$0x3FA8] =	sst s7  }
0x10: {  	[smem:$0x3FA9] =	sst s8  }
0x11: {  	[smem:$0x3FAA] =	sst s9;
	s0 =	simm.s32 @!p0 $0x0  }
0x12: {  	s1 =	sld [smem:$0x3F90];
	s0 =	simm.s32 @p0 $0x1  }
0x13: {  	[smem:$0x3FAB] =	sst s0;
	s0 =	simm.s32 @!p1 $0x0  }
0x14: {  	s2 =	sld [smem:$0x3F8F];
	s0 =	simm.s32 @p1 $0x1  }
0x15: {  	[smem:$0x3FAC] =	sst s0;
	s0 =	simm.s32 @!p2 $0x0  }
0x16: {  	s3 =	sld [smem:$0x3FDB];
	s0 =	simm.s32 @p2 $0x1  }
0x17: {  	s4 =	simm.s32 $0x1BF5;
	[smem:$0x3FAE] =	sst s0  }
0x18: {  	s0 =	sld [smem:$0x3F91];
	_ =	swait.ge [sflag:s4], $0x0  }
0x19: {  	s7 =	sld [smem:$0x3F92]  }
0x1a: {  	s8 =	sadd.s32 $0xFFFFE003, lr  }
0x1b: {  	s9 =	sadd.s32 $0xFFFFFEF7, lr;
	s5 =	simm.s32 $0xFFFFFFFF;
	p2 =	slt.u32 s8, $0xFFFFF086  }
0x1c: {  	p1 =	slt.u32 s9, $0xF7A;
	s5 =	simm.s32 @!p2 $0x0  }
0x1d: {  	s5 =	simm.s32 @p1 $0x1;
	p0 =	seq.s32 s7, s2  }
0x1e: {  	s7 =	smul.u32 @!p0 $0xF7A, s2;
	p2 =	seq.s32 @!p0 s5, $0x0  }
0x1f: {  	s9 =	smul.u32 $0xF7A, s1;
	s8 =	simm.s32 @!p0 $0x1BF5;
	p2 =	por !p2, p0  }
0x20: {  	[sflag:s8] =	ssyncset.s32 @!p0 $0xFFFFF086;
	s6 =	sadd.s32 @!p0 s3, s7;
	s7 =	simm.s32 @!p0 $0x108  }
0x21: {  	s3 =	sadd.s32 s3, s9;
	s6 =	sadd.s32 @!p0 $0x88, s6;
	s7 =	simm.s32 @p2 $0x1082  }
0x22: {  	[simem:s7], [sflag:s8] =	dma.local @!p0 [hbm:s6], $0xF7A  }
0x23: {  	s9 =	sor.u32 $0xD0000000, s2;
	s6 =	simm.s32 $0x108;
	_ =	swait.ge @!p0 [sflag:s8], $0x0  }
0x24: {  	s3 =	sadd.s32 $0x88, s3;
	s6 =	simm.s32 @!p1 $0x1082;
	[sflag:s4] =	ssyncset.s32 $0xFFFFF086  }
0x25: {  	[simem:s6], [sflag:s4] =	dma.local [hbm:s3], $0xF7A  }
0x26: {  	[smem:$0x3F92] =	sst s1;
	(tag) =	ssettag s2;
	_ =	strace s9  }
0x27: {  	s1 =	sld [smem:$0x3FA2]  }
0x28: {  	s2 =	sld [smem:$0x3FA3]  }
0x29: {  	s4 =	sld [smem:$0x3FA5]  }
0x2a: {  	p0 =	seq.s32 s5, $0x0;
	s5 =	sld [smem:$0x3FA6]  }
0x2b: {  	s6 =	sld [smem:$0x3FA7]  }
0x2c: {  	s7 =	sld [smem:$0x3FA8]  }
0x2d: {  	s3 =	simm.s32 $0x108;
	s8 =	sld [smem:$0x3FA9]  }
0x2e: {  	s3 =	simm.s32 @!p0 $0x1082;
	s9 =	sld [smem:$0x3FAA]  }
0x2f: {  	lr =	sadd.s32 s0, s3;
	s0 =	sld [smem:$0x3FA1]  }
0x30: {  	s3 =	sld [smem:$0x3FA4]  }
0x31: {  	[smem:$0x3FAD] =	sst s10  }
0x32: {  	s10 =	sld [smem:$0x3FAB];
	_ =	sdelay $0x3  }
0x33: {  	p0 =	seq.s32 s10, $0x1;
	s10 =	sld [smem:$0x3FAD];
	_ =	sdelay $0x3  }
0x34: {  	[smem:$0x3FAD] =	sst s10  }
0x35: {  	s10 =	sld [smem:$0x3FAC];
	_ =	sdelay $0x3  }
0x36: {  	p1 =	seq.s32 s10, $0x1;
	s10 =	sld [smem:$0x3FAD];
	_ =	sdelay $0x3  }
0x37: {  	[smem:$0x3FAD] =	sst s10  }
0x38: {  	s10 =	sld [smem:$0x3FAE]  }
0x39: {  	_ = 	snop;
	(pc) =	sbr.ind lr, $3  }
0x3a: {  	_ = 	snop  }
0x3b: {  	_ = 	snop  }
0x3c: {  	p2 =	seq.s32 s10, $0x1;
	s10 =	sld [smem:$0x3FAD]  }
0x3d: {  	_ =	shalt  }
0x3e: {  	_ =	shalt  }
0x3f: {  	_ =	shalt  }
0x40: {  	_ =	shalt  }
0x41: {  	_ =	shalt  }
0x42: {  	_ =	shalt  }
0x43: {  	_ =	shalt  }
0x44: {  	_ =	shalt  }
0x45: {  	_ =	shalt  }
0x46: {  	_ =	shalt  }
0x47: {  	_ =	shalt  }
0x48: {  	_ =	shalt  }
0x49: {  	_ =	shalt  }
0x4a: {  	_ =	shalt  }
0x4b: {  	_ =	shalt  }
0x4c: {  	_ =	shalt  }
0x4d: {  	_ =	shalt  }
0x4e: {  	_ =	shalt  }
0x4f: {  	_ =	shalt  }
0x50: {  	_ =	shalt  }
0x51: {  	_ =	shalt  }
0x52: {  	_ =	shalt  }
0x53: {  	_ =	shalt  }
0x54: {  	_ =	shalt  }
0x55: {  	_ =	shalt  }
0x56: {  	_ =	shalt  }
0x57: {  	_ =	shalt  }
0x58: {  	_ =	shalt  }
0x59: {  	_ =	shalt  }
0x5a: {  	_ =	shalt  }
0x5b: {  	_ =	shalt  }
0x5c: {  	_ =	shalt  }
0x5d: {  	_ =	shalt  }
0x5e: {  	_ =	shalt  }
0x5f: {  	_ =	shalt  }
0x60: {  	_ =	shalt  }
0x61: {  	_ =	shalt  }
0x62: {  	_ =	shalt  }
0x63: {  	_ =	shalt  }
0x64: {  	_ =	shalt  }
0x65: {  	_ =	shalt  }
0x66: {  	_ =	shalt  }
0x67: {  	_ =	shalt  }
0x68: {  	_ =	shalt  }
0x69: {  	_ =	shalt  }
0x6a: {  	_ =	shalt  }
0x6b: {  	_ =	shalt  }
0x6c: {  	_ =	shalt  }
0x6d: {  	_ =	shalt  }
0x6e: {  	_ =	shalt  }
0x6f: {  	_ =	shalt  }
0x70: {  	_ =	shalt  }
0x71: {  	_ =	shalt  }
0x72: {  	_ =	shalt  }
0x73: {  	_ =	shalt  }
0x74: {  	_ =	shalt  }
0x75: {  	_ =	shalt  }
0x76: {  	_ =	shalt  }
0x77: {  	_ =	shalt  }
0x78: {  	_ =	shalt  }
0x79: {  	_ =	shalt  }
0x7a: {  	_ =	shalt  }
0x7b: {  	_ =	shalt  }
0x7c: {  	_ =	shalt  }
0x7d: {  	_ =	shalt  }
0x7e: {  	_ =	shalt  }
0x7f: {  	_ =	shalt  }
0x80: {  	_ =	shalt  }
0x81: {  	_ =	shalt  }
0x82: {  	_ =	shalt  }
0x83: {  	_ =	shalt  }
0x84: {  	_ =	shalt  }
0x85: {  	_ =	shalt  }
0x86: {  	_ =	shalt  }
0x87: {  	_ =	shalt  }
.Lfunc_end0:
.L_simem_size_0:
called_computation.5_lowered:
.L_overlay_start_0:
0x88: {  	s2 =	sld [smem:$0x3FD9]  }
0x89: {  	s3 =	sld [smem:$0x3FFE];
	_ =	sdelay $0x1  }
0x8a: {  	s1 =	srdreg.scid  }
0x8b: {  	s0 =	sand.u32 $0x1, s1  }
0x8c: {  	s14 =	sshll.u32 s0, $0xA;
	s2 =	sadd.s32 s3, s2  }
0x8d: {  	s2 =	sadd.s32 s2, s14  }
0x8e: {  	[smem:$0x3FB9] =	sst s2  }
0x8f: {  	_ = 	snop  }
0x90: {  	s2 =	sld [smem:$0x3FD0];
	_ =	sdelay $0x2  }
0x91: {  	s15 =	simm.s32 $0xA;
	s4 =	simm.s32 $0x10  }
0x92: {  	[smem:s4], [sflag:s15] =	dma.local [hbm:s2], $0x1  }
0x93: {  	_ =	swait.eq [sflag:s15], $0x1  }
0x94: {  	s16 =	sld [smem:$0x10]  }
0x95: {  	s17 =	sld [smem:$0x11]  }
0x96: {  	s5 =	sld [smem:$0x12];
	[sflag:s15] =	ssyncset.done $0x0  }
0x97: {  	s6 =	sld [smem:$0x13];
	[sflag:s15] =	ssyncadd.s32 $0xFFFFFFFF  }
0x98: {  	s18 =	sld [smem:$0x14];
	(tm) =	ssettm $0x1  }
0x99: {  	s7 =	sld [smem:$0x3FFB];
	_ =	sdelay $0x3  }
0x9a: {  	_ =	strace s7  }
0x9b: {  	s7 =	sld [smem:$0x3FFC];
	_ =	sdelay $0x3  }
0x9c: {  	_ =	strace s7  }
0x9d: {  	s7 =	sld [smem:$0x3FFD];
	_ =	sdelay $0x3  }
0x9e: {  	_ =	strace s7  }
0x9f: {  	_ =	strace $0x8FFFFFFF  }
0xa0: {  	s19 =	sld [smem:$0x3FDB];
	_ =	sdelay $0x1  }
0xa1: {  	s8 =	simm.s32 $_scs_section_size  }
0xa2: {  	s9 =	simm.s32 $_size__tile_overlayer_lowered;
	s10 =	simm.s32 $_tile_overlayer_lowered  }
0xa3: {  	s22 =	simm.s32 $0x1BFF;
	s21 =	sshll.u32 s10, $0x1;
	s7 =	sadd.s32 s8, s19  }
0xa4: {  	s11 =	simm.s32 $0x0;
	s20 =	sshll.u32 s9, $0x1;
	s9 =	sadd.s32 s21, s7  }
0xa5: {  	[timem:s11], [sflag:s22] =	dma.local [hbm:s9], s20  }
0xa6: {  	_ =	swait.ge [sflag:s22], s20  }
0xa7: {  	s8 =	ssub.s32 $0x0, s20;
	[sflag:s22] =	ssyncset.done $0x0  }
0xa8: {  	[sflag:s22] =	ssyncadd.s32 s8;
	_ =	sdelay $0x1  }
0xa9: {  	s23 =	simm.s32 $0x1B8B  }
0xaa: {  	_ =	swait.ge [sflag:s23], $0x1  }
0xab: {  	[sflag:s23] =	ssyncset.done $0x0  }
0xac: {  	s25 =	simm.s32 $0x1B8E;
	s24 =	sld [smem:$0x3FFE];
	[sflag:s23] =	ssyncadd.s32 $0xFFFFFFFF  }
0xad: {  	s26 =	simm.s32 $execute0_lowered;
	[smem:$0x3FD2] =	sst s25  }
0xae: {  	s9 =	sshll.u32 s26, $0x1;
	_ =	strace $0x8000004F;
	[dreg:$0x1] =	wrdreg $0xFFFFFFFF  }
0xaf: {  	s28 =	simm.s32 $_size_execute0_lowered;
	s7 =	sadd.s32 s7, s9;
	[dreg:$0x0] =	wrdreg $0x0  }
0xb0: {  	s9 =	sshll.u32 s28, $0x1;
	[dreg:$0x2] =	wrdreg s7  }
0xb1: {  	[dreg:$0x3] =	wrdreg s9  }
0xb2: {  	[dreg:$0x4] =	wrdreg $0xC0  }
0xb3: {  	_ =	task [dreg:s11], $0x5FFFF  }
0xb4: {  	[dreg:$0x1] =	wrdreg $0xFFFFFFFF  }
0xb5: {  	[dreg:$0x0] =	wrdreg $0x60  }
0xb6: {  	[dreg:$0x2] =	wrdreg s6  }
0xb7: {  	[dreg:$0x3] =	wrdreg s18  }
0xb8: {  	[dreg:$0x4] =	wrdreg s16  }
0xb9: {  	[dreg:$0x5] =	wrdreg s24  }
0xba: {  	[dreg:$0x6] =	wrdreg s17  }
0xbb: {  	[dreg:$0x7] =	wrdreg s5  }
0xbc: {  	[dreg:$0x8] =	wrdreg $0x50000  }
0xbd: {  	[dreg:$0x9] =	wrdreg $0x9  }
0xbe: {  	_ =	task.clear_ibuf [dreg:s11], $0xAFFFF;
	_ =	strace $0x9000004F  }
0xbf: {  	s29 =	simm.s32 $0x9;
	_ =	strace $0x80000051  }
0xc0: {  	_ =	swait.ge [sflag:s29], $0x1  }
0xc1: {  	[sflag:s29] =	ssyncadd.s32 $0xFFFFFFFF  }
0xc2: {  	_ =	strace $0x90000051  }
0xc3: {  	_ =	sfence  }
0xc4: {  	s30 =	sld [smem:$0x0];
	_ =	sdelay $0x2  }
0xc5: {  	s31 =	sshll.u32 s1, $0xD;
	s1 =	sshrl.u32 s1, $0x2  }
0xc6: {  	s3 =	sand.u32 $0x4000, s31;
	s1 =	sadd.s32 s1, s30  }
0xc7: {  	s0 =	sor.u32 s3, s0;
	s1 =	sshll.u32 s1, $0x11  }
0xc8: {  	s0 =	sor.u32 s1, s0  }
0xc9: {  	s0 =	sadd.s32 $0x8F2B, s0  }
0xca: {  	[sflag:s0] =	ssyncadd.remote.s32 $0x1  }
0xcb: {  	_ =	sfence.sel $0xFFFF  }
0xcc: {  	[dreg:$0x0] =	wrdreg $0xFFFFFFFF;
	(pc) =	sbr.abs _section_cstart, $3  }
0xcd: {  	[dreg:$0x1] =	wrdreg $0xFFFFFFFF  }
0xce: {  	_ =	task.clear_ibuf [dreg:s11], $0x2FFFF;
	_ =	strace $0x9FFFFFFF  }
0xcf: {  	(tm) =	ssettm $0x7FFFFFFF  }
tec
execute0_lowered:
.L_overlay_start_1:
0x0: {  	(tag) =	ssettag $0x1  }
0x1: {  	s0 =	rddreg [dreg:$0x0]  }
0x2: {  	s1 =	rddreg [dreg:$0x1]  }
0x3: {  	s3 =	rddreg [dreg:$0x2]  }
0x4: {  	s2 =	rddreg [dreg:$0x3]  }
0x5: {  	s6 =	rddreg [dreg:$0x4]  }
0x6: {  	s4 =	rddreg [dreg:$0x5]  }
0x7: {  	s5 =	rddreg [dreg:$0x6];
	s7 =	srdreg.scid  }
0x8: {  	s13 =	stileid.u32;
	s20 =	simm.s32 $0x1;
	s21 =	simm.s32 $0x400  }
0x9: {  	s22 =	simm.s32 $0x1000;
	s23 =	simm.s32 $0x800;
	s12 =	smul.u32 $0x10500, s13  }
0xa: {  	s9 =	sand.u32 $0x1, s7;
	s7 =	simm.s32 $0x0;
	s14 =	smul.u32 $0x10480, s13  }
0xb: {  	s8 =	sadd.s32 $0x2B1800, s2;
	s30 =	sshll.u32 s13, $0x6;
	s15 =	smul.u32 $0x41200, s13  }
0xc: {  	p0 =	seq.s32 s13, $0xF;
	s10 =	ssub.s32 $0x2, s9;
	[smem:$0x7FF] =	sst s7  }
0xd: {  	s9 =	sshll.u32 s9, $0x3;
	s11 =	sshrl.u32 s10, $0x1;
	_ =	strace $0x80000050  }
0xe: {  	s18 =	sadd.s32 s12, s5;
	s29 =	sshrl.u32 s12, $0x3;
	s12 =	smul.u32 $0x3400, s13  }
0xf: {  	s13 =	sshrl.u32 s14, $0x3;
	s31 =	sshrl.u32 s15, $0x2;
	s24 =	sadd.s32 s14, s5  }
0x10: {  	s14 =	sadd.s32 $0xF4380, s5;
	s28 =	ssub.s32 s10, s11;
	s10 =	sadd.s32 s6, s29  }
0x11: {  	s11 =	sor.u32 $0x1C01, s30;
	s15 =	sadd.s32 s31, s5;
	s2 =	smax.u32 s28, $0x1  }
0x12: {  	s16 =	sadd.s32 $0x20900, s13;
	[dreg:$0x8] =	wrdreg s2;
	s2 =	smov.u32 s15  }
0x13: {  	v1 =	vlaneseq.u32;
	s17 =	sadd.s32 $0x41200, s13;
	s24 =	smov.u32 @p0 s14;
	s2 =	smov.u32 @p0 s14  }
0x14: {  	v0 =	vmul.u32 $0x10, v1;
	v1 =	vor.u32 $0x10480, v1;
	s19 =	sshrl.u32 s18, $0x3;
	s24 =	sshrl.u32 s24, $0x3;
	s25 =	sshrl.u32 s2, $0x3  }
.LBB2_1:
0x15: {  	s26 =	simm.s32 $0x0  }
.LBB2_2:
0x16: {  	[spmem:s19], [sflag:s11] =	dma.local [hbm:s10], $0x20A0  }
0x17: {  	s28 =	sadd.s32 s9, s26;
	_ =	swait.ge [sflag:s20], $0x20A0  }
0x18: {  	s2 =	smul.u32 $0x186A0, s28;
	[sflag:s20] =	ssyncset.done $0x0  }
0x19: {  	s30 =	simm.s32 $0x0;
	[sflag:s20] =	ssyncadd.s32 $0xFFFFDF60  }
0x1a: {  	s31 =	simm.s32 $0x0;
	s29 =	sadd.s32 s0, s2;
	[bflag:$0x0] =	sbarrier.arrive $0xFFFF  }
.LBB2_3:
0x1b: {  	s2 =	sshll.u32 s31, $0xA  }
0x1c: {  	s2 =	sadd.s32 s12, s2  }
0x1d: {  	s2 =	sshrl.u32 s2, $0x3  }
0x1e: {  	s6 =	sadd.s32 s1, s2  }
0x1f: {  	[tilespmem:s30], [sflag:$0x1] =	stream.linear.gather [hbm4b:s6+s30], $0x400, $0x38;
	[tilespmem:$0x15500] =	vst v63  }
0x20: {  	_ =	swait.ge [sflag:s20], $0x400  }
0x21: {  	[sflag:s20] =	ssyncset.done $0x0  }
0x22: {  	s18 =	sadd.s32 s3, s2;
	[sflag:s20] =	ssyncadd.s32 $0xFFFFFC00  }
0x23: {  	[tilespmem:s21], [sflag:$0x1] =	stream.linear.gather [hbm4b:s18+s30], $0x400, $0x38;
	[tilespmem:$0x15500] =	vst v63  }
0x24: {  	_ =	swait.ge [sflag:s20], $0x400  }
0x25: {  	[sflag:s20] =	ssyncset.done $0x0  }
0x26: {  	s18 =	sadd.s32 s8, s2;
	s2 =	simm.s32 $0xC00;
	[sflag:s20] =	ssyncadd.s32 $0xFFFFFC00  }
0x27: {  	[tilespmem:s2], [sflag:$0x1] =	stream.linear.gather [hbm4b:s18+s30], $0x400, $0x38;
	[tilespmem:$0x15500] =	vst v63  }
0x28: {  	v2 =	vmov s30;
	_ =	swait.ge [sflag:s20], $0x400  }
0x29: {  	v2 =	vshll.u32 v2, $0x4;
	[sflag:s20] =	ssyncset.done $0x0  }
0x2a: {  	v2 =	vor.u32 v0, v2;
	[sflag:s20] =	ssyncadd.s32 $0xFFFFFC00  }
0x2b: {  	[tilespmem:s22], [sflag:$0x1] =	stream.indirect.gather [hbm4b:s29+s21], $0x10, s30, s21, $0xb8;
	[tilespmem:$0x15500] =	vst v63  }
0x2c: {  	_ =	swait.ge [sflag:s20], $0x4000  }
0x2d: {  	[sflag:s20] =	ssyncset.done $0x0  }
0x2e: {  	[sflag:s20] =	ssyncadd.s32 $0xFFFFC000  }
0x2f: {  	v3 =	vld.idx.msk [tilespmem:v2+s22+$0x0], $0xffff  }
0x30: {  	v5 =	vld [tilespmem:s2+$0x0];
	_ =	sdelay $0x2  }
0x31: {  	v4 =	vor.u32 $0x1, v2;
	_ =	sdelay $0x1  }
0x32: {  	v3 =	vmul.f32 v3, v5;
	_ =	sdelay $0x1  }
0x33: {  	[tilespmem:v2+s22+$0x0] =	vst.idx.msk $0xffff, v3  }
0x34: {  	v3 =	vld.idx.msk [tilespmem:v4+s22+$0x0], $0xffff;
	_ =	sdelay $0x2  }
0x35: {  	v6 =	vor.u32 $0x2, v2;
	_ =	sdelay $0x1  }
0x36: {  	v3 =	vmul.f32 v3, v5;
	_ =	sdelay $0x1  }
0x37: {  	[tilespmem:v4+s22+$0x0] =	vst.idx.msk $0xffff, v3  }
0x38: {  	v3 =	vld.idx.msk [tilespmem:v6+s22+$0x0], $0xffff;
	_ =	sdelay $0x2  }
0x39: {  	v4 =	vor.u32 $0x3, v2;
	_ =	sdelay $0x1  }
0x3a: {  	v3 =	vmul.f32 v3, v5;
	_ =	sdelay $0x1  }
0x3b: {  	[tilespmem:v6+s22+$0x0] =	vst.idx.msk $0xffff, v3  }
0x3c: {  	v3 =	vld.idx.msk [tilespmem:v4+s22+$0x0], $0xffff;
	_ =	sdelay $0x2  }
0x3d: {  	v6 =	vor.u32 $0x4, v2;
	_ =	sdelay $0x1  }
0x3e: {  	v3 =	vmul.f32 v3, v5;
	_ =	sdelay $0x1  }
0x3f: {  	[tilespmem:v4+s22+$0x0] =	vst.idx.msk $0xffff, v3  }
0x40: {  	v3 =	vld.idx.msk [tilespmem:v6+s22+$0x0], $0xffff;
	_ =	sdelay $0x2  }
0x41: {  	v4 =	vor.u32 $0x5, v2;
	_ =	sdelay $0x1  }
0x42: {  	v3 =	vmul.f32 v3, v5;
	_ =	sdelay $0x1  }
0x43: {  	[tilespmem:v6+s22+$0x0] =	vst.idx.msk $0xffff, v3  }
0x44: {  	v3 =	vld.idx.msk [tilespmem:v4+s22+$0x0], $0xffff;
	_ =	sdelay $0x2  }
0x45: {  	v6 =	vor.u32 $0x6, v2;
	_ =	sdelay $0x1  }
0x46: {  	v3 =	vmul.f32 v3, v5;
	_ =	sdelay $0x1  }
0x47: {  	[tilespmem:v4+s22+$0x0] =	vst.idx.msk $0xffff, v3  }
0x48: {  	v3 =	vld.idx.msk [tilespmem:v6+s22+$0x0], $0xffff;
	_ =	sdelay $0x2  }
0x49: {  	v4 =	vor.u32 $0x7, v2;
	_ =	sdelay $0x1  }
0x4a: {  	v3 =	vmul.f32 v3, v5;
	_ =	sdelay $0x1  }
0x4b: {  	[tilespmem:v6+s22+$0x0] =	vst.idx.msk $0xffff, v3  }
0x4c: {  	v3 =	vld.idx.msk [tilespmem:v4+s22+$0x0], $0xffff;
	_ =	sdelay $0x2  }
0x4d: {  	v6 =	vor.u32 $0x8, v2;
	_ =	sdelay $0x1  }
0x4e: {  	v3 =	vmul.f32 v3, v5;
	_ =	sdelay $0x1  }
0x4f: {  	[tilespmem:v4+s22+$0x0] =	vst.idx.msk $0xffff, v3  }
0x50: {  	v3 =	vld.idx.msk [tilespmem:v6+s22+$0x0], $0xffff;
	_ =	sdelay $0x2  }
0x51: {  	v4 =	vor.u32 $0x9, v2;
	_ =	sdelay $0x1  }
0x52: {  	v3 =	vmul.f32 v3, v5;
	_ =	sdelay $0x1  }
0x53: {  	[tilespmem:v6+s22+$0x0] =	vst.idx.msk $0xffff, v3  }
0x54: {  	v3 =	vld.idx.msk [tilespmem:v4+s22+$0x0], $0xffff;
	_ =	sdelay $0x2  }
0x55: {  	v6 =	vor.u32 $0xA, v2;
	_ =	sdelay $0x1  }
0x56: {  	v3 =	vmul.f32 v3, v5;
	_ =	sdelay $0x1  }
0x57: {  	[tilespmem:v4+s22+$0x0] =	vst.idx.msk $0xffff, v3  }
0x58: {  	v3 =	vld.idx.msk [tilespmem:v6+s22+$0x0], $0xffff;
	_ =	sdelay $0x2  }
0x59: {  	v4 =	vor.u32 $0xB, v2;
	_ =	sdelay $0x1  }
0x5a: {  	v3 =	vmul.f32 v3, v5;
	_ =	sdelay $0x1  }
0x5b: {  	[tilespmem:v6+s22+$0x0] =	vst.idx.msk $0xffff, v3  }
0x5c: {  	v3 =	vld.idx.msk [tilespmem:v4+s22+$0x0], $0xffff;
	_ =	sdelay $0x2  }
0x5d: {  	v6 =	vor.u32 $0xC, v2;
	_ =	sdelay $0x1  }
0x5e: {  	v3 =	vmul.f32 v3, v5;
	_ =	sdelay $0x1  }
0x5f: {  	[tilespmem:v4+s22+$0x0] =	vst.idx.msk $0xffff, v3  }
0x60: {  	v3 =	vld.idx.msk [tilespmem:v6+s22+$0x0], $0xffff;
	_ =	sdelay $0x2  }
0x61: {  	v4 =	vor.u32 $0xD, v2;
	_ =	sdelay $0x1  }
0x62: {  	v3 =	vmul.f32 v3, v5;
	_ =	sdelay $0x1  }
0x63: {  	[tilespmem:v6+s22+$0x0] =	vst.idx.msk $0xffff, v3  }
0x64: {  	v3 =	vld.idx.msk [tilespmem:v4+s22+$0x0], $0xffff;
	_ =	sdelay $0x2  }
0x65: {  	v6 =	vor.u32 $0xE, v2;
	_ =	sdelay $0x1  }
0x66: {  	v3 =	vmul.f32 v3, v5;
	_ =	sdelay $0x1  }
0x67: {  	[tilespmem:v4+s22+$0x0] =	vst.idx.msk $0xffff, v3  }
0x68: {  	v3 =	vld.idx.msk [tilespmem:v6+s22+$0x0], $0xffff;
	_ =	sdelay $0x2  }
0x69: {  	v4 =	vor.u32 $0xF, v2;
	_ =	sdelay $0x1  }
0x6a: {  	v2 =	vmul.f32 v3, v5;
	_ =	sdelay $0x1  }
0x6b: {  	[tilespmem:v6+s22+$0x0] =	vst.idx.msk $0xffff, v2  }
0x6c: {  	s18 =	simm.s32 $0x10;
	v3 =	vld.idx.msk [tilespmem:v4+s22+$0x0], $0xffff  }
0x6d: {  	v2 =	vmov s18  }
0x6e: {  	v2 =	vshll.u32 v2, $0x4  }
0x6f: {  	v2 =	vor.u32 v0, v2;
	_ =	sdelay $0x1  }
0x70: {  	s6 =	simm.s32 $0x20;
	v3 =	vmul.f32 v3, v5  }
.LBB2_4:
0x71: {  	p1 =	sne.s32 s6, $0x3F0  }
0x72: {  	s2 =	sadd.s32 $0x10, s2;
	s18 =	smov.u32 s6;
	s6 =	sadd.s32 $0x10, s6;
	[tilespmem:v4+s22+$0x0] =	vst.idx.msk $0xffff, v3  }
0x73: {  	v4 =	vld.idx.msk [tilespmem:v2+s22+$0x0], $0xffff  }
0x74: {  	v3 =	vld [tilespmem:s2+$0x0];
	_ =	sdelay $0x2  }
0x75: {  	v5 =	vor.u32 $0x1, v2;
	_ =	sdelay $0x1  }
0x76: {  	v4 =	vmul.f32 v4, v3;
	_ =	sdelay $0x1  }
0x77: {  	[tilespmem:v2+s22+$0x0] =	vst.idx.msk $0xffff, v4  }
0x78: {  	v4 =	vld.idx.msk [tilespmem:v5+s22+$0x0], $0xffff;
	_ =	sdelay $0x3  }
0x79: {  	v6 =	vor.u32 $0x2, v2;
	_ =	sdelay $0x1  }
0x7a: {  	v4 =	vmul.f32 v4, v3;
	_ =	sdelay $0x1  }
0x7b: {  	[tilespmem:v5+s22+$0x0] =	vst.idx.msk $0xffff, v4  }
0x7c: {  	v4 =	vld.idx.msk [tilespmem:v6+s22+$0x0], $0xffff;
	_ =	sdelay $0x3  }
0x7d: {  	v5 =	vor.u32 $0x3, v2;
	_ =	sdelay $0x1  }
0x7e: {  	v4 =	vmul.f32 v4, v3;
	_ =	sdelay $0x1  }
0x7f: {  	[tilespmem:v6+s22+$0x0] =	vst.idx.msk $0xffff, v4  }
0x80: {  	v4 =	vld.idx.msk [tilespmem:v5+s22+$0x0], $0xffff;
	_ =	sdelay $0x3  }
0x81: {  	v6 =	vor.u32 $0x4, v2;
	_ =	sdelay $0x1  }
0x82: {  	v4 =	vmul.f32 v4, v3;
	_ =	sdelay $0x1  }
0x83: {  	[tilespmem:v5+s22+$0x0] =	vst.idx.msk $0xffff, v4  }
0x84: {  	v4 =	vld.idx.msk [tilespmem:v6+s22+$0x0], $0xffff;
	_ =	sdelay $0x3  }
0x85: {  	v5 =	vor.u32 $0x5, v2;
	_ =	sdelay $0x1  }
0x86: {  	v4 =	vmul.f32 v4, v3;
	_ =	sdelay $0x1  }
0x87: {  	[tilespmem:v6+s22+$0x0] =	vst.idx.msk $0xffff, v4  }
0x88: {  	v4 =	vld.idx.msk [tilespmem:v5+s22+$0x0], $0xffff;
	_ =	sdelay $0x3  }
0x89: {  	v6 =	vor.u32 $0x6, v2;
	_ =	sdelay $0x1  }
0x8a: {  	v4 =	vmul.f32 v4, v3;
	_ =	sdelay $0x1  }
0x8b: {  	[tilespmem:v5+s22+$0x0] =	vst.idx.msk $0xffff, v4  }
0x8c: {  	v4 =	vld.idx.msk [tilespmem:v6+s22+$0x0], $0xffff;
	_ =	sdelay $0x3  }
0x8d: {  	v5 =	vor.u32 $0x7, v2;
	_ =	sdelay $0x1  }
0x8e: {  	v4 =	vmul.f32 v4, v3;
	_ =	sdelay $0x1  }
0x8f: {  	[tilespmem:v6+s22+$0x0] =	vst.idx.msk $0xffff, v4  }
0x90: {  	v4 =	vld.idx.msk [tilespmem:v5+s22+$0x0], $0xffff;
	_ =	sdelay $0x3  }
0x91: {  	v6 =	vor.u32 $0x8, v2;
	_ =	sdelay $0x1  }
0x92: {  	v4 =	vmul.f32 v4, v3;
	_ =	sdelay $0x1  }
0x93: {  	[tilespmem:v5+s22+$0x0] =	vst.idx.msk $0xffff, v4  }
0x94: {  	v4 =	vld.idx.msk [tilespmem:v6+s22+$0x0], $0xffff;
	_ =	sdelay $0x3  }
0x95: {  	v5 =	vor.u32 $0x9, v2;
	_ =	sdelay $0x1  }
0x96: {  	v4 =	vmul.f32 v4, v3;
	_ =	sdelay $0x1  }
0x97: {  	[tilespmem:v6+s22+$0x0] =	vst.idx.msk $0xffff, v4  }
0x98: {  	v4 =	vld.idx.msk [tilespmem:v5+s22+$0x0], $0xffff;
	_ =	sdelay $0x3  }
0x99: {  	v6 =	vor.u32 $0xA, v2;
	_ =	sdelay $0x1  }
0x9a: {  	v4 =	vmul.f32 v4, v3;
	_ =	sdelay $0x1  }
0x9b: {  	[tilespmem:v5+s22+$0x0] =	vst.idx.msk $0xffff, v4  }
0x9c: {  	v4 =	vld.idx.msk [tilespmem:v6+s22+$0x0], $0xffff;
	_ =	sdelay $0x3  }
0x9d: {  	v5 =	vor.u32 $0xB, v2;
	_ =	sdelay $0x1  }
0x9e: {  	v4 =	vmul.f32 v4, v3;
	_ =	sdelay $0x1  }
0x9f: {  	[tilespmem:v6+s22+$0x0] =	vst.idx.msk $0xffff, v4  }
0xa0: {  	v4 =	vld.idx.msk [tilespmem:v5+s22+$0x0], $0xffff;
	_ =	sdelay $0x3  }
0xa1: {  	v6 =	vor.u32 $0xC, v2;
	_ =	sdelay $0x1  }
0xa2: {  	v4 =	vmul.f32 v4, v3;
	_ =	sdelay $0x1  }
0xa3: {  	[tilespmem:v5+s22+$0x0] =	vst.idx.msk $0xffff, v4  }
0xa4: {  	v4 =	vld.idx.msk [tilespmem:v6+s22+$0x0], $0xffff;
	_ =	sdelay $0x3  }
0xa5: {  	v5 =	vor.u32 $0xD, v2;
	_ =	sdelay $0x1  }
0xa6: {  	v4 =	vmul.f32 v4, v3;
	_ =	sdelay $0x1  }
0xa7: {  	[tilespmem:v6+s22+$0x0] =	vst.idx.msk $0xffff, v4  }
0xa8: {  	v4 =	vld.idx.msk [tilespmem:v5+s22+$0x0], $0xffff;
	_ =	sdelay $0x3  }
0xa9: {  	v6 =	vor.u32 $0xE, v2;
	_ =	sdelay $0x1  }
0xaa: {  	v4 =	vmul.f32 v4, v3;
	_ =	sdelay $0x1  }
0xab: {  	[tilespmem:v5+s22+$0x0] =	vst.idx.msk $0xffff, v4  }
0xac: {  	v5 =	vld.idx.msk [tilespmem:v6+s22+$0x0], $0xffff;
	_ =	sdelay $0x3  }
0xad: {  	v4 =	vor.u32 $0xF, v2;
	_ =	sdelay $0x1  }
0xae: {  	v2 =	vmul.f32 v5, v3;
	_ =	sdelay $0x1  }
0xaf: {  	[tilespmem:v6+s22+$0x0] =	vst.idx.msk $0xffff, v2  }
0xb0: {  	v5 =	vld.idx.msk [tilespmem:v4+s22+$0x0], $0xffff;
	_ =	sdelay $0x1  }
.Ltmp0:
0xb1: {  	v2 =	vmov s18;
	(pc) =	sbr.rel @p1 .LBB2_4-.Ltmp0, $3  }
0xb2: {  	v2 =	vshll.u32 v2, $0x4  }
0xb3: {  	v2 =	vor.u32 v0, v2;
	_ =	sdelay $0x1  }
0xb4: {  	v3 =	vmul.f32 v5, v3  }
0xb5: {  	_ =	sdelay $0x3  }
0xb6: {  	[tilespmem:v4+s22+$0x0] =	vst.idx.msk $0xffff, v3  }
0xb7: {  	s2 =	sadd.s32 $0x10, s2;
	v3 =	vld.idx.msk [tilespmem:v2+s22+$0x0], $0xffff  }
0xb8: {  	v4 =	vld [tilespmem:s2+$0x0];
	_ =	sdelay $0x2  }
0xb9: {  	v5 =	vor.u32 $0x1, v2;
	_ =	sdelay $0x1  }
0xba: {  	v3 =	vmul.f32 v3, v4;
	_ =	sdelay $0x1  }
0xbb: {  	[tilespmem:v2+s22+$0x0] =	vst.idx.msk $0xffff, v3  }
0xbc: {  	v3 =	vld.idx.msk [tilespmem:v5+s22+$0x0], $0xffff;
	_ =	sdelay $0x2  }
0xbd: {  	v6 =	vor.u32 $0x2, v2;
	_ =	sdelay $0x1  }
0xbe: {  	v3 =	vmul.f32 v3, v4;
	_ =	sdelay $0x1  }
0xbf: {  	[tilespmem:v5+s22+$0x0] =	vst.idx.msk $0xffff, v3  }
0xc0: {  	v3 =	vld.idx.msk [tilespmem:v6+s22+$0x0], $0xffff;
	_ =	sdelay $0x2  }
0xc1: {  	v52 =	vor.u32 $0x3, v2;
	_ =	sdelay $0x1  }
0xc2: {  	v3 =	vmul.f32 v3, v4;
	_ =	sdelay $0x1  }
0xc3: {  	[tilespmem:v6+s22+$0x0] =	vst.idx.msk $0xffff, v3  }
0xc4: {  	v3 =	vld.idx.msk [tilespmem:v52+s22+$0x0], $0xffff;
	_ =	sdelay $0x2  }
0xc5: {  	v53 =	vor.u32 $0x4, v2;
	_ =	sdelay $0x1  }
0xc6: {  	v3 =	vmul.f32 v3, v4;
	_ =	sdelay $0x1  }
0xc7: {  	[tilespmem:v52+s22+$0x0] =	vst.idx.msk $0xffff, v3  }
0xc8: {  	v3 =	vld.idx.msk [tilespmem:v53+s22+$0x0], $0xffff;
	_ =	sdelay $0x2  }
0xc9: {  	v54 =	vor.u32 $0x5, v2;
	_ =	sdelay $0x1  }
0xca: {  	v3 =	vmul.f32 v3, v4;
	_ =	sdelay $0x1  }
0xcb: {  	[tilespmem:v53+s22+$0x0] =	vst.idx.msk $0xffff, v3  }
0xcc: {  	v3 =	vld.idx.msk [tilespmem:v54+s22+$0x0], $0xffff;
	_ =	sdelay $0x2  }
0xcd: {  	v55 =	vor.u32 $0x6, v2;
	_ =	sdelay $0x1  }
0xce: {  	v3 =	vmul.f32 v3, v4;
	_ =	sdelay $0x1  }
0xcf: {  	[tilespmem:v54+s22+$0x0] =	vst.idx.msk $0xffff, v3  }
0xd0: {  	v3 =	vld.idx.msk [tilespmem:v55+s22+$0x0], $0xffff;
	_ =	sdelay $0x2  }
0xd1: {  	v56 =	vor.u32 $0x7, v2;
	_ =	sdelay $0x1  }
0xd2: {  	v3 =	vmul.f32 v3, v4;
	_ =	sdelay $0x1  }
0xd3: {  	[tilespmem:v55+s22+$0x0] =	vst.idx.msk $0xffff, v3  }
0xd4: {  	v3 =	vld.idx.msk [tilespmem:v56+s22+$0x0], $0xffff;
	_ =	sdelay $0x2  }
0xd5: {  	v57 =	vor.u32 $0x8, v2;
	_ =	sdelay $0x1  }
0xd6: {  	v3 =	vmul.f32 v3, v4;
	_ =	sdelay $0x1  }
0xd7: {  	[tilespmem:v56+s22+$0x0] =	vst.idx.msk $0xffff, v3  }
0xd8: {  	v3 =	vld.idx.msk [tilespmem:v57+s22+$0x0], $0xffff;
	_ =	sdelay $0x2  }
0xd9: {  	v58 =	vor.u32 $0x9, v2;
	_ =	sdelay $0x1  }
0xda: {  	v3 =	vmul.f32 v3, v4;
	_ =	sdelay $0x1  }
0xdb: {  	[tilespmem:v57+s22+$0x0] =	vst.idx.msk $0xffff, v3  }
0xdc: {  	v3 =	vld.idx.msk [tilespmem:v58+s22+$0x0], $0xffff;
	_ =	sdelay $0x2  }
0xdd: {  	v59 =	vor.u32 $0xA, v2;
	_ =	sdelay $0x1  }
0xde: {  	v3 =	vmul.f32 v3, v4;
	_ =	sdelay $0x1  }
0xdf: {  	[tilespmem:v58+s22+$0x0] =	vst.idx.msk $0xffff, v3  }
0xe0: {  	v3 =	vld.idx.msk [tilespmem:v59+s22+$0x0], $0xffff;
	_ =	sdelay $0x2  }
0xe1: {  	v60 =	vor.u32 $0xB, v2;
	_ =	sdelay $0x1  }
0xe2: {  	v3 =	vmul.f32 v3, v4;
	_ =	sdelay $0x1  }
0xe3: {  	[tilespmem:v59+s22+$0x0] =	vst.idx.msk $0xffff, v3  }
0xe4: {  	v3 =	vld.idx.msk [tilespmem:v60+s22+$0x0], $0xffff;
	_ =	sdelay $0x2  }
0xe5: {  	v61 =	vor.u32 $0xC, v2;
	_ =	sdelay $0x1  }
0xe6: {  	v3 =	vmul.f32 v3, v4;
	_ =	sdelay $0x1  }
0xe7: {  	[tilespmem:v60+s22+$0x0] =	vst.idx.msk $0xffff, v3  }
0xe8: {  	v3 =	vld.idx.msk [tilespmem:v61+s22+$0x0], $0xffff;
	_ =	sdelay $0x2  }
0xe9: {  	v62 =	vor.u32 $0xD, v2;
	_ =	sdelay $0x1  }
0xea: {  	v3 =	vmul.f32 v3, v4;
	_ =	sdelay $0x1  }
0xeb: {  	[tilespmem:v61+s22+$0x0] =	vst.idx.msk $0xffff, v3  }
0xec: {  	v3 =	vld.idx.msk [tilespmem:v62+s22+$0x0], $0xffff;
	_ =	sdelay $0x2  }
0xed: {  	v63 =	vor.u32 $0xE, v2;
	_ =	sdelay $0x1  }
0xee: {  	v3 =	vmul.f32 v3, v4;
	_ =	sdelay $0x1  }
0xef: {  	[tilespmem:v62+s22+$0x0] =	vst.idx.msk $0xffff, v3  }
0xf0: {  	v3 =	vld.idx.msk [tilespmem:v63+s22+$0x0], $0xffff;
	_ =	sdelay $0x2  }
0xf1: {  	v2 =	vor.u32 $0xF, v2;
	_ =	sdelay $0x1  }
0xf2: {  	v3 =	vmul.f32 v3, v4;
	_ =	sdelay $0x1  }
0xf3: {  	[tilespmem:v63+s22+$0x0] =	vst.idx.msk $0xffff, v3  }
0xf4: {  	v3 =	vld.idx.msk [tilespmem:v2+s22+$0x0], $0xffff;
	_ =	sdelay $0x4  }
0xf5: {  	v3 =	vmul.f32 v3, v4;
	_ =	sdelay $0x1  }
0xf6: {  	s2 =	simm.s32 $0x0;
	[tilespmem:v2+s22+$0x0] =	vst.idx.msk $0xffff, v3  }
0xf7: {  	v2 =	vld [tilespmem:s2+$0x400]  }
0xf8: {  	s6 =	simm.s32 $0x40  }
.LBB2_6:
0xf9: {  	p1 =	sne.s32 s6, $0xFC0  }
.Ltmp1:
0xfa: {  	_ = 	snop;
	(pc) =	sbr.rel @p1 .LBB2_6-.Ltmp1, $4  }
0xfb: {  	_ = 	snop  }
0xfc: {  	s18 =	sshra.s32 s6, $0x2;
	s6 =	sadd.s32 $0x40, s6;
	vm0 =	vlt.u32 v2, $0x10480  }
0xfd: {  	v3 =	vsel vm0, v2, v1;
	v2 =	vld [tilespmem:s18+$0x400]  }
0xfe: {  	[tilespmem:s2+$0x800] =	vst v3;
	s2 =	smov.u32 s18  }
0xff: {  	_ =	sdelay $0x2  }
0x100: {  	s31 =	sadd.s32 $0x1, s31;
	vm0 =	vlt.u32 v2, $0x10480  }
0x101: {  	p1 =	sne.s32 s31, $0xD;
	v2 =	vsel vm0, v2, v1  }
.Ltmp2:
0x102: {  	[tilespmem:s2+$0x800] =	vst v2;
	(pc) =	sbr.rel @p1 .LBB2_3-.Ltmp2, $4  }
0x103: {  	[spmem:s5] =	stream.indirect.scatter.add.f32 [tilespmem:s22], [sflag:$0x1], $0x10, s23, s21, $0xb8;
	[tilespmem:$0x15500] =	vst v63  }
0x104: {  	_ =	swait.ge [sflag:s20], $0x4000  }
0x105: {  	[sflag:s20] =	ssyncset.done $0x0  }
0x106: {  	[sflag:s20] =	ssyncadd.s32 $0xFFFFC000  }
0x107: {  	s2 =	smul.u32 $0x61A80, s28;
	_ =	sdelay $0x1  }
0x108: {  	s26 =	sadd.s32 $0x1, s26;
	s2 =	sadd.s32 s4, s2  }
0x109: {  	[bflag:$0x0] =	sbarrier.arrive $0xFFFF;
	p1 =	sne.s32 s26, $0x8;
	s2 =	sadd.s32 s13, s2  }
0x10a: {  	[hbm:s2], [sflag:s11] =	dma.local [spmem:s24], $0x2090  }
.Ltmp3:
0x10b: {  	_ =	swait.ge [sflag:s20], $0x2090;
	(pc) =	sbr.rel @p1 .LBB2_2-.Ltmp3, $4  }
0x10c: {  	[sflag:s20] =	ssyncset.done $0x0  }
0x10d: {  	[sflag:s20] =	ssyncadd.s32 $0xFFFFDF70  }
0x10e: {  	[bflag:$0x0] =	sbarrier.arrive $0xFFFF  }
0x10f: {  	s28 =	simm.s32 $0x0  }
.LBB2_9:
0x110: {  	[spmem:s19], [sflag:s11] =	dma.local [hbm:s10], $0x20A0  }
0x111: {  	s26 =	sadd.s32 s9, s28;
	_ =	swait.ge [sflag:s20], $0x20A0  }
0x112: {  	s2 =	smul.u32 $0x186A0, s26;
	[sflag:s20] =	ssyncset.done $0x0  }
0x113: {  	[sflag:s20] =	ssyncadd.s32 $0xFFFFDF60  }
0x114: {  	s30 =	simm.s32 $0x0;
	s29 =	sadd.s32 s0, s2;
	[bflag:$0x0] =	sbarrier.arrive $0xFFFF  }
.LBB2_10:
0x115: {  	s2 =	sshll.u32 s30, $0xA  }
0x116: {  	s2 =	sadd.s32 s12, s2  }
0x117: {  	s2 =	sshrl.u32 s2, $0x3  }
0x118: {  	s18 =	simm.s32 $0x0;
	s6 =	sadd.s32 s1, s2  }
0x119: {  	[tilespmem:s18], [sflag:$0x1] =	stream.linear.gather [hbm4b:s6+s18], $0x400, $0x38;
	[tilespmem:$0x15500] =	vst v63  }
0x11a: {  	_ =	swait.ge [sflag:s20], $0x400  }
0x11b: {  	[sflag:s20] =	ssyncset.done $0x0  }
0x11c: {  	s6 =	sadd.s32 s3, s2;
	[sflag:s20] =	ssyncadd.s32 $0xFFFFFC00  }
0x11d: {  	[tilespmem:s21], [sflag:$0x1] =	stream.linear.gather [hbm4b:s6+s18], $0x400, $0x38;
	[tilespmem:$0x15500] =	vst v63  }
0x11e: {  	_ =	swait.ge [sflag:s20], $0x400  }
0x11f: {  	[sflag:s20] =	ssyncset.done $0x0  }
0x120: {  	s31 =	simm.s32 $0xC00;
	s2 =	sadd.s32 s8, s2;
	[sflag:s20] =	ssyncadd.s32 $0xFFFFFC00  }
0x121: {  	[tilespmem:s31], [sflag:$0x1] =	stream.linear.gather [hbm4b:s2+s18], $0x400, $0x38;
	[tilespmem:$0x15500] =	vst v63  }
0x122: {  	v2 =	vmov s18;
	_ =	swait.ge [sflag:s20], $0x400  }
0x123: {  	v2 =	vshll.u32 v2, $0x4;
	[sflag:s20] =	ssyncset.done $0x0  }
0x124: {  	v2 =	vor.u32 v0, v2;
	[sflag:s20] =	ssyncadd.s32 $0xFFFFFC00  }
0x125: {  	[tilespmem:s22], [sflag:$0x1] =	stream.indirect.gather [hbm4b:s29+s21], $0x10, s18, s21, $0xb8;
	[tilespmem:$0x15500] =	vst v63  }
0x126: {  	_ =	swait.ge [sflag:s20], $0x4000  }
0x127: {  	[sflag:s20] =	ssyncset.done $0x0  }
0x128: {  	[sflag:s20] =	ssyncadd.s32 $0xFFFFC000  }
0x129: {  	v3 =	vld.idx.msk [tilespmem:v2+s22+$0x0], $0xffff  }
0x12a: {  	v5 =	vld [tilespmem:s31+$0x0];
	_ =	sdelay $0x2  }
0x12b: {  	v4 =	vor.u32 $0x1, v2;
	_ =	sdelay $0x1  }
0x12c: {  	v3 =	vmul.f32 v3, v5;
	_ =	sdelay $0x1  }
0x12d: {  	[tilespmem:v2+s22+$0x0] =	vst.idx.msk $0xffff, v3  }
0x12e: {  	v3 =	vld.idx.msk [tilespmem:v4+s22+$0x0], $0xffff;
	_ =	sdelay $0x2  }
0x12f: {  	v6 =	vor.u32 $0x2, v2;
	_ =	sdelay $0x1  }
0x130: {  	v3 =	vmul.f32 v3, v5;
	_ =	sdelay $0x1  }
0x131: {  	[tilespmem:v4+s22+$0x0] =	vst.idx.msk $0xffff, v3  }
0x132: {  	v3 =	vld.idx.msk [tilespmem:v6+s22+$0x0], $0xffff;
	_ =	sdelay $0x2  }
0x133: {  	v4 =	vor.u32 $0x3, v2;
	_ =	sdelay $0x1  }
0x134: {  	v3 =	vmul.f32 v3, v5;
	_ =	sdelay $0x1  }
0x135: {  	[tilespmem:v6+s22+$0x0] =	vst.idx.msk $0xffff, v3  }
0x136: {  	v3 =	vld.idx.msk [tilespmem:v4+s22+$0x0], $0xffff;
	_ =	sdelay $0x2  }
0x137: {  	v6 =	vor.u32 $0x4, v2;
	_ =	sdelay $0x1  }
0x138: {  	v3 =	vmul.f32 v3, v5;
	_ =	sdelay $0x1  }
0x139: {  	[tilespmem:v4+s22+$0x0] =	vst.idx.msk $0xffff, v3  }
0x13a: {  	v3 =	vld.idx.msk [tilespmem:v6+s22+$0x0], $0xffff;
	_ =	sdelay $0x2  }
0x13b: {  	v4 =	vor.u32 $0x5, v2;
	_ =	sdelay $0x1  }
0x13c: {  	v3 =	vmul.f32 v3, v5;
	_ =	sdelay $0x1  }
0x13d: {  	[tilespmem:v6+s22+$0x0] =	vst.idx.msk $0xffff, v3  }
0x13e: {  	v3 =	vld.idx.msk [tilespmem:v4+s22+$0x0], $0xffff;
	_ =	sdelay $0x2  }
0x13f: {  	v6 =	vor.u32 $0x6, v2;
	_ =	sdelay $0x1  }
0x140: {  	v3 =	vmul.f32 v3, v5;
	_ =	sdelay $0x1  }
0x141: {  	[tilespmem:v4+s22+$0x0] =	vst.idx.msk $0xffff, v3  }
0x142: {  	v3 =	vld.idx.msk [tilespmem:v6+s22+$0x0], $0xffff;
	_ =	sdelay $0x2  }
0x143: {  	v4 =	vor.u32 $0x7, v2;
	_ =	sdelay $0x1  }
0x144: {  	v3 =	vmul.f32 v3, v5;
	_ =	sdelay $0x1  }
0x145: {  	[tilespmem:v6+s22+$0x0] =	vst.idx.msk $0xffff, v3  }
0x146: {  	v3 =	vld.idx.msk [tilespmem:v4+s22+$0x0], $0xffff;
	_ =	sdelay $0x2  }
0x147: {  	v6 =	vor.u32 $0x8, v2;
	_ =	sdelay $0x1  }
0x148: {  	v3 =	vmul.f32 v3, v5;
	_ =	sdelay $0x1  }
0x149: {  	[tilespmem:v4+s22+$0x0] =	vst.idx.msk $0xffff, v3  }
0x14a: {  	v3 =	vld.idx.msk [tilespmem:v6+s22+$0x0], $0xffff;
	_ =	sdelay $0x2  }
0x14b: {  	v4 =	vor.u32 $0x9, v2;
	_ =	sdelay $0x1  }
0x14c: {  	v3 =	vmul.f32 v3, v5;
	_ =	sdelay $0x1  }
0x14d: {  	[tilespmem:v6+s22+$0x0] =	vst.idx.msk $0xffff, v3  }
0x14e: {  	v3 =	vld.idx.msk [tilespmem:v4+s22+$0x0], $0xffff;
	_ =	sdelay $0x2  }
0x14f: {  	v6 =	vor.u32 $0xA, v2;
	_ =	sdelay $0x1  }
0x150: {  	v3 =	vmul.f32 v3, v5;
	_ =	sdelay $0x1  }
0x151: {  	[tilespmem:v4+s22+$0x0] =	vst.idx.msk $0xffff, v3  }
0x152: {  	v3 =	vld.idx.msk [tilespmem:v6+s22+$0x0], $0xffff;
	_ =	sdelay $0x2  }
0x153: {  	v4 =	vor.u32 $0xB, v2;
	_ =	sdelay $0x1  }
0x154: {  	v3 =	vmul.f32 v3, v5;
	_ =	sdelay $0x1  }
0x155: {  	[tilespmem:v6+s22+$0x0] =	vst.idx.msk $0xffff, v3  }
0x156: {  	v3 =	vld.idx.msk [tilespmem:v4+s22+$0x0], $0xffff;
	_ =	sdelay $0x2  }
0x157: {  	v6 =	vor.u32 $0xC, v2;
	_ =	sdelay $0x1  }
0x158: {  	v3 =	vmul.f32 v3, v5;
	_ =	sdelay $0x1  }
0x159: {  	[tilespmem:v4+s22+$0x0] =	vst.idx.msk $0xffff, v3  }
0x15a: {  	v3 =	vld.idx.msk [tilespmem:v6+s22+$0x0], $0xffff;
	_ =	sdelay $0x2  }
0x15b: {  	v4 =	vor.u32 $0xD, v2;
	_ =	sdelay $0x1  }
0x15c: {  	v3 =	vmul.f32 v3, v5;
	_ =	sdelay $0x1  }
0x15d: {  	[tilespmem:v6+s22+$0x0] =	vst.idx.msk $0xffff, v3  }
0x15e: {  	v3 =	vld.idx.msk [tilespmem:v4+s22+$0x0], $0xffff;
	_ =	sdelay $0x2  }
0x15f: {  	v6 =	vor.u32 $0xE, v2;
	_ =	sdelay $0x1  }
0x160: {  	v3 =	vmul.f32 v3, v5;
	_ =	sdelay $0x1  }
0x161: {  	[tilespmem:v4+s22+$0x0] =	vst.idx.msk $0xffff, v3  }
0x162: {  	v3 =	vld.idx.msk [tilespmem:v6+s22+$0x0], $0xffff;
	_ =	sdelay $0x2  }
0x163: {  	v4 =	vor.u32 $0xF, v2;
	_ =	sdelay $0x1  }
0x164: {  	v2 =	vmul.f32 v3, v5;
	_ =	sdelay $0x1  }
0x165: {  	[tilespmem:v6+s22+$0x0] =	vst.idx.msk $0xffff, v2  }
0x166: {  	s18 =	simm.s32 $0x10;
	v3 =	vld.idx.msk [tilespmem:v4+s22+$0x0], $0xffff  }
0x167: {  	v2 =	vmov s18  }
0x168: {  	v2 =	vshll.u32 v2, $0x4  }
0x169: {  	v2 =	vor.u32 v0, v2;
	_ =	sdelay $0x1  }
0x16a: {  	s2 =	simm.s32 $0x20;
	v3 =	vmul.f32 v3, v5  }
.LBB2_11:
0x16b: {  	p1 =	sne.s32 s2, $0x3F0  }
0x16c: {  	s31 =	sadd.s32 $0x10, s31;
	s6 =	smov.u32 s2;
	s2 =	sadd.s32 $0x10, s2;
	[tilespmem:v4+s22+$0x0] =	vst.idx.msk $0xffff, v3  }
0x16d: {  	v4 =	vld.idx.msk [tilespmem:v2+s22+$0x0], $0xffff  }
0x16e: {  	v3 =	vld [tilespmem:s31+$0x0];
	_ =	sdelay $0x2  }
0x16f: {  	v5 =	vor.u32 $0x1, v2;
	_ =	sdelay $0x1  }
0x170: {  	v4 =	vmul.f32 v4, v3;
	_ =	sdelay $0x1  }
0x171: {  	[tilespmem:v2+s22+$0x0] =	vst.idx.msk $0xffff, v4  }
0x172: {  	v4 =	vld.idx.msk [tilespmem:v5+s22+$0x0], $0xffff;
	_ =	sdelay $0x3  }
0x173: {  	v6 =	vor.u32 $0x2, v2;
	_ =	sdelay $0x1  }
0x174: {  	v4 =	vmul.f32 v4, v3;
	_ =	sdelay $0x1  }
0x175: {  	[tilespmem:v5+s22+$0x0] =	vst.idx.msk $0xffff, v4  }
0x176: {  	v4 =	vld.idx.msk [tilespmem:v6+s22+$0x0], $0xffff;
	_ =	sdelay $0x3  }
0x177: {  	v5 =	vor.u32 $0x3, v2;
	_ =	sdelay $0x1  }
0x178: {  	v4 =	vmul.f32 v4, v3;
	_ =	sdelay $0x1  }
0x179: {  	[tilespmem:v6+s22+$0x0] =	vst.idx.msk $0xffff, v4  }
0x17a: {  	v4 =	vld.idx.msk [tilespmem:v5+s22+$0x0], $0xffff;
	_ =	sdelay $0x3  }
0x17b: {  	v6 =	vor.u32 $0x4, v2;
	_ =	sdelay $0x1  }
0x17c: {  	v4 =	vmul.f32 v4, v3;
	_ =	sdelay $0x1  }
0x17d: {  	[tilespmem:v5+s22+$0x0] =	vst.idx.msk $0xffff, v4  }
0x17e: {  	v4 =	vld.idx.msk [tilespmem:v6+s22+$0x0], $0xffff;
	_ =	sdelay $0x3  }
0x17f: {  	v5 =	vor.u32 $0x5, v2;
	_ =	sdelay $0x1  }
0x180: {  	v4 =	vmul.f32 v4, v3;
	_ =	sdelay $0x1  }
0x181: {  	[tilespmem:v6+s22+$0x0] =	vst.idx.msk $0xffff, v4  }
0x182: {  	v4 =	vld.idx.msk [tilespmem:v5+s22+$0x0], $0xffff;
	_ =	sdelay $0x3  }
0x183: {  	v6 =	vor.u32 $0x6, v2;
	_ =	sdelay $0x1  }
0x184: {  	v4 =	vmul.f32 v4, v3;
	_ =	sdelay $0x1  }
0x185: {  	[tilespmem:v5+s22+$0x0] =	vst.idx.msk $0xffff, v4  }
0x186: {  	v4 =	vld.idx.msk [tilespmem:v6+s22+$0x0], $0xffff;
	_ =	sdelay $0x3  }
0x187: {  	v5 =	vor.u32 $0x7, v2;
	_ =	sdelay $0x1  }
0x188: {  	v4 =	vmul.f32 v4, v3;
	_ =	sdelay $0x1  }
0x189: {  	[tilespmem:v6+s22+$0x0] =	vst.idx.msk $0xffff, v4  }
0x18a: {  	v4 =	vld.idx.msk [tilespmem:v5+s22+$0x0], $0xffff;
	_ =	sdelay $0x3  }
0x18b: {  	v6 =	vor.u32 $0x8, v2;
	_ =	sdelay $0x1  }
0x18c: {  	v4 =	vmul.f32 v4, v3;
	_ =	sdelay $0x1  }
0x18d: {  	[tilespmem:v5+s22+$0x0] =	vst.idx.msk $0xffff, v4  }
0x18e: {  	v4 =	vld.idx.msk [tilespmem:v6+s22+$0x0], $0xffff;
	_ =	sdelay $0x3  }
0x18f: {  	v5 =	vor.u32 $0x9, v2;
	_ =	sdelay $0x1  }
0x190: {  	v4 =	vmul.f32 v4, v3;
	_ =	sdelay $0x1  }
0x191: {  	[tilespmem:v6+s22+$0x0] =	vst.idx.msk $0xffff, v4  }
0x192: {  	v4 =	vld.idx.msk [tilespmem:v5+s22+$0x0], $0xffff;
	_ =	sdelay $0x3  }
0x193: {  	v6 =	vor.u32 $0xA, v2;
	_ =	sdelay $0x1  }
0x194: {  	v4 =	vmul.f32 v4, v3;
	_ =	sdelay $0x1  }
0x195: {  	[tilespmem:v5+s22+$0x0] =	vst.idx.msk $0xffff, v4  }
0x196: {  	v4 =	vld.idx.msk [tilespmem:v6+s22+$0x0], $0xffff;
	_ =	sdelay $0x3  }
0x197: {  	v5 =	vor.u32 $0xB, v2;
	_ =	sdelay $0x1  }
0x198: {  	v4 =	vmul.f32 v4, v3;
	_ =	sdelay $0x1  }
0x199: {  	[tilespmem:v6+s22+$0x0] =	vst.idx.msk $0xffff, v4  }
0x19a: {  	v4 =	vld.idx.msk [tilespmem:v5+s22+$0x0], $0xffff;
	_ =	sdelay $0x3  }
0x19b: {  	v6 =	vor.u32 $0xC, v2;
	_ =	sdelay $0x1  }
0x19c: {  	v4 =	vmul.f32 v4, v3;
	_ =	sdelay $0x1  }
0x19d: {  	[tilespmem:v5+s22+$0x0] =	vst.idx.msk $0xffff, v4  }
0x19e: {  	v4 =	vld.idx.msk [tilespmem:v6+s22+$0x0], $0xffff;
	_ =	sdelay $0x3  }
0x19f: {  	v5 =	vor.u32 $0xD, v2;
	_ =	sdelay $0x1  }
0x1a0: {  	v4 =	vmul.f32 v4, v3;
	_ =	sdelay $0x1  }
0x1a1: {  	[tilespmem:v6+s22+$0x0] =	vst.idx.msk $0xffff, v4  }
0x1a2: {  	v4 =	vld.idx.msk [tilespmem:v5+s22+$0x0], $0xffff;
	_ =	sdelay $0x3  }
0x1a3: {  	v6 =	vor.u32 $0xE, v2;
	_ =	sdelay $0x1  }
0x1a4: {  	v4 =	vmul.f32 v4, v3;
	_ =	sdelay $0x1  }
0x1a5: {  	[tilespmem:v5+s22+$0x0] =	vst.idx.msk $0xffff, v4  }
0x1a6: {  	v5 =	vld.idx.msk [tilespmem:v6+s22+$0x0], $0xffff;
	_ =	sdelay $0x3  }
0x1a7: {  	v4 =	vor.u32 $0xF, v2;
	_ =	sdelay $0x1  }
0x1a8: {  	v2 =	vmul.f32 v5, v3;
	_ =	sdelay $0x1  }
0x1a9: {  	[tilespmem:v6+s22+$0x0] =	vst.idx.msk $0xffff, v2  }
0x1aa: {  	v5 =	vld.idx.msk [tilespmem:v4+s22+$0x0], $0xffff;
	_ =	sdelay $0x1  }
.Ltmp4:
0x1ab: {  	v2 =	vmov s6;
	(pc) =	sbr.rel @p1 .LBB2_11-.Ltmp4, $3  }
0x1ac: {  	v2 =	vshll.u32 v2, $0x4  }
0x1ad: {  	v2 =	vor.u32 v0, v2;
	_ =	sdelay $0x1  }
0x1ae: {  	v3 =	vmul.f32 v5, v3  }
0x1af: {  	_ =	sdelay $0x3  }
0x1b0: {  	[tilespmem:v4+s22+$0x0] =	vst.idx.msk $0xffff, v3  }
0x1b1: {  	s2 =	sadd.s32 $0x10, s31;
	v3 =	vld.idx.msk [tilespmem:v2+s22+$0x0], $0xffff  }
0x1b2: {  	v4 =	vld [tilespmem:s2+$0x0];
	_ =	sdelay $0x2  }
0x1b3: {  	v5 =	vor.u32 $0x1, v2;
	_ =	sdelay $0x1  }
0x1b4: {  	v3 =	vmul.f32 v3, v4;
	_ =	sdelay $0x1  }
0x1b5: {  	[tilespmem:v2+s22+$0x0] =	vst.idx.msk $0xffff, v3  }
0x1b6: {  	v3 =	vld.idx.msk [tilespmem:v5+s22+$0x0], $0xffff;
	_ =	sdelay $0x2  }
0x1b7: {  	v6 =	vor.u32 $0x2, v2;
	_ =	sdelay $0x1  }
0x1b8: {  	v3 =	vmul.f32 v3, v4;
	_ =	sdelay $0x1  }
0x1b9: {  	[tilespmem:v5+s22+$0x0] =	vst.idx.msk $0xffff, v3  }
0x1ba: {  	v3 =	vld.idx.msk [tilespmem:v6+s22+$0x0], $0xffff;
	_ =	sdelay $0x2  }
0x1bb: {  	v52 =	vor.u32 $0x3, v2;
	_ =	sdelay $0x1  }
0x1bc: {  	v3 =	vmul.f32 v3, v4;
	_ =	sdelay $0x1  }
0x1bd: {  	[tilespmem:v6+s22+$0x0] =	vst.idx.msk $0xffff, v3  }
0x1be: {  	v3 =	vld.idx.msk [tilespmem:v52+s22+$0x0], $0xffff;
	_ =	sdelay $0x2  }
0x1bf: {  	v53 =	vor.u32 $0x4, v2;
	_ =	sdelay $0x1  }
0x1c0: {  	v3 =	vmul.f32 v3, v4;
	_ =	sdelay $0x1  }
0x1c1: {  	[tilespmem:v52+s22+$0x0] =	vst.idx.msk $0xffff, v3  }
0x1c2: {  	v3 =	vld.idx.msk [tilespmem:v53+s22+$0x0], $0xffff;
	_ =	sdelay $0x2  }
0x1c3: {  	v54 =	vor.u32 $0x5, v2;
	_ =	sdelay $0x1  }
0x1c4: {  	v3 =	vmul.f32 v3, v4;
	_ =	sdelay $0x1  }
0x1c5: {  	[tilespmem:v53+s22+$0x0] =	vst.idx.msk $0xffff, v3  }
0x1c6: {  	v3 =	vld.idx.msk [tilespmem:v54+s22+$0x0], $0xffff;
	_ =	sdelay $0x2  }
0x1c7: {  	v55 =	vor.u32 $0x6, v2;
	_ =	sdelay $0x1  }
0x1c8: {  	v3 =	vmul.f32 v3, v4;
	_ =	sdelay $0x1  }
0x1c9: {  	[tilespmem:v54+s22+$0x0] =	vst.idx.msk $0xffff, v3  }
0x1ca: {  	v3 =	vld.idx.msk [tilespmem:v55+s22+$0x0], $0xffff;
	_ =	sdelay $0x2  }
0x1cb: {  	v56 =	vor.u32 $0x7, v2;
	_ =	sdelay $0x1  }
0x1cc: {  	v3 =	vmul.f32 v3, v4;
	_ =	sdelay $0x1  }
0x1cd: {  	[tilespmem:v55+s22+$0x0] =	vst.idx.msk $0xffff, v3  }
0x1ce: {  	v3 =	vld.idx.msk [tilespmem:v56+s22+$0x0], $0xffff;
	_ =	sdelay $0x2  }
0x1cf: {  	v57 =	vor.u32 $0x8, v2;
	_ =	sdelay $0x1  }
0x1d0: {  	v3 =	vmul.f32 v3, v4;
	_ =	sdelay $0x1  }
0x1d1: {  	[tilespmem:v56+s22+$0x0] =	vst.idx.msk $0xffff, v3  }
0x1d2: {  	v3 =	vld.idx.msk [tilespmem:v57+s22+$0x0], $0xffff;
	_ =	sdelay $0x2  }
0x1d3: {  	v58 =	vor.u32 $0x9, v2;
	_ =	sdelay $0x1  }
0x1d4: {  	v3 =	vmul.f32 v3, v4;
	_ =	sdelay $0x1  }
0x1d5: {  	[tilespmem:v57+s22+$0x0] =	vst.idx.msk $0xffff, v3  }
0x1d6: {  	v3 =	vld.idx.msk [tilespmem:v58+s22+$0x0], $0xffff;
	_ =	sdelay $0x2  }
0x1d7: {  	v59 =	vor.u32 $0xA, v2;
	_ =	sdelay $0x1  }
0x1d8: {  	v3 =	vmul.f32 v3, v4;
	_ =	sdelay $0x1  }
0x1d9: {  	[tilespmem:v58+s22+$0x0] =	vst.idx.msk $0xffff, v3  }
0x1da: {  	v3 =	vld.idx.msk [tilespmem:v59+s22+$0x0], $0xffff;
	_ =	sdelay $0x2  }
0x1db: {  	v60 =	vor.u32 $0xB, v2;
	_ =	sdelay $0x1  }
0x1dc: {  	v3 =	vmul.f32 v3, v4;
	_ =	sdelay $0x1  }
0x1dd: {  	[tilespmem:v59+s22+$0x0] =	vst.idx.msk $0xffff, v3  }
0x1de: {  	v3 =	vld.idx.msk [tilespmem:v60+s22+$0x0], $0xffff;
	_ =	sdelay $0x2  }
0x1df: {  	v61 =	vor.u32 $0xC, v2;
	_ =	sdelay $0x1  }
0x1e0: {  	v3 =	vmul.f32 v3, v4;
	_ =	sdelay $0x1  }
0x1e1: {  	[tilespmem:v60+s22+$0x0] =	vst.idx.msk $0xffff, v3  }
0x1e2: {  	v3 =	vld.idx.msk [tilespmem:v61+s22+$0x0], $0xffff;
	_ =	sdelay $0x2  }
0x1e3: {  	v62 =	vor.u32 $0xD, v2;
	_ =	sdelay $0x1  }
0x1e4: {  	v3 =	vmul.f32 v3, v4;
	_ =	sdelay $0x1  }
0x1e5: {  	[tilespmem:v61+s22+$0x0] =	vst.idx.msk $0xffff, v3  }
0x1e6: {  	v3 =	vld.idx.msk [tilespmem:v62+s22+$0x0], $0xffff;
	_ =	sdelay $0x2  }
0x1e7: {  	v63 =	vor.u32 $0xE, v2;
	_ =	sdelay $0x1  }
0x1e8: {  	v3 =	vmul.f32 v3, v4;
	_ =	sdelay $0x1  }
0x1e9: {  	[tilespmem:v62+s22+$0x0] =	vst.idx.msk $0xffff, v3  }
0x1ea: {  	v3 =	vld.idx.msk [tilespmem:v63+s22+$0x0], $0xffff;
	_ =	sdelay $0x2  }
0x1eb: {  	v2 =	vor.u32 $0xF, v2;
	_ =	sdelay $0x1  }
0x1ec: {  	v3 =	vmul.f32 v3, v4;
	_ =	sdelay $0x1  }
0x1ed: {  	[tilespmem:v63+s22+$0x0] =	vst.idx.msk $0xffff, v3  }
0x1ee: {  	v3 =	vld.idx.msk [tilespmem:v2+s22+$0x0], $0xffff;
	_ =	sdelay $0x4  }
0x1ef: {  	v3 =	vmul.f32 v3, v4;
	_ =	sdelay $0x1  }
0x1f0: {  	s2 =	simm.s32 $0x0;
	[tilespmem:v2+s22+$0x0] =	vst.idx.msk $0xffff, v3  }
0x1f1: {  	s6 =	simm.s32 $0x40;
	v2 =	vld [tilespmem:s2+$0x400]  }
.LBB2_13:
0x1f2: {  	_ =	sdelay $0x1  }
0x1f3: {  	p1 =	sne.s32 s6, $0xFC0  }
.Ltmp5:
0x1f4: {  	_ = 	snop;
	(pc) =	sbr.rel @p1 .LBB2_13-.Ltmp5, $4  }
0x1f5: {  	v3 =	vadd.s32 $0xFFFEFB80, v2  }
0x1f6: {  	vm0 =	vlt.u32 v3, $0x10480  }
0x1f7: {  	s18 =	sshra.s32 s6, $0x2;
	v3 =	vsel vm0, v3, v1  }
0x1f8: {  	s6 =	sadd.s32 $0x40, s6;
	v2 =	vld [tilespmem:s18+$0x400];
	[tilespmem:s2+$0x800] =	vst v3;
	s2 =	smov.u32 s18  }
0x1f9: {  	_ =	sdelay $0x3  }
0x1fa: {  	v2 =	vadd.s32 $0xFFFEFB80, v2  }
0x1fb: {  	s30 =	sadd.s32 $0x1, s30;
	vm0 =	vlt.u32 v2, $0x10480  }
0x1fc: {  	p1 =	sne.s32 s30, $0xD;
	v2 =	vsel vm0, v2, v1  }
.Ltmp6:
0x1fd: {  	[tilespmem:s2+$0x800] =	vst v2;
	(pc) =	sbr.rel @p1 .LBB2_10-.Ltmp6, $4  }
0x1fe: {  	[spmem:s5] =	stream.indirect.scatter.add.f32 [tilespmem:s22], [sflag:$0x1], $0x10, s23, s21, $0xb8;
	[tilespmem:$0x15500] =	vst v63  }
0x1ff: {  	_ =	swait.ge [sflag:s20], $0x4000  }
0x200: {  	[sflag:s20] =	ssyncset.done $0x0  }
0x201: {  	[sflag:s20] =	ssyncadd.s32 $0xFFFFC000  }
0x202: {  	s2 =	smul.u32 $0x61A80, s26;
	_ =	sdelay $0x1  }
0x203: {  	s28 =	sadd.s32 $0x1, s28;
	s2 =	sadd.s32 s4, s2  }
0x204: {  	[bflag:$0x0] =	sbarrier.arrive $0xFFFF;
	p1 =	sne.s32 s28, $0x8;
	s2 =	sadd.s32 s16, s2  }
0x205: {  	[hbm:s2], [sflag:s11] =	dma.local [spmem:s25], $0x2090  }
.Ltmp7:
0x206: {  	_ =	swait.ge [sflag:s20], $0x2090;
	(pc) =	sbr.rel @p1 .LBB2_9-.Ltmp7, $4  }
0x207: {  	[sflag:s20] =	ssyncset.done $0x0  }
0x208: {  	[sflag:s20] =	ssyncadd.s32 $0xFFFFDF70  }
0x209: {  	[bflag:$0x0] =	sbarrier.arrive $0xFFFF  }
0x20a: {  	s26 =	simm.s32 $0x0  }
.LBB2_16:
0x20b: {  	[spmem:s19], [sflag:s11] =	dma.local [hbm:s10], $0x20A0  }
0x20c: {  	s28 =	sadd.s32 s9, s26;
	_ =	swait.ge [sflag:s20], $0x20A0  }
0x20d: {  	s2 =	smul.u32 $0x186A0, s28;
	[sflag:s20] =	ssyncset.done $0x0  }
0x20e: {  	[sflag:s20] =	ssyncadd.s32 $0xFFFFDF60  }
0x20f: {  	s30 =	simm.s32 $0x0;
	s29 =	sadd.s32 s0, s2;
	[bflag:$0x0] =	sbarrier.arrive $0xFFFF  }
.LBB2_17:
0x210: {  	s2 =	sshll.u32 s30, $0xA  }
0x211: {  	s2 =	sadd.s32 s12, s2  }
0x212: {  	s2 =	sshrl.u32 s2, $0x3  }
0x213: {  	s18 =	simm.s32 $0x0;
	s6 =	sadd.s32 s1, s2  }
0x214: {  	[tilespmem:s18], [sflag:$0x1] =	stream.linear.gather [hbm4b:s6+s18], $0x400, $0x38;
	[tilespmem:$0x15500] =	vst v63  }
0x215: {  	_ =	swait.ge [sflag:s20], $0x400  }
0x216: {  	[sflag:s20] =	ssyncset.done $0x0  }
0x217: {  	s6 =	sadd.s32 s3, s2;
	[sflag:s20] =	ssyncadd.s32 $0xFFFFFC00  }
0x218: {  	[tilespmem:s21], [sflag:$0x1] =	stream.linear.gather [hbm4b:s6+s18], $0x400, $0x38;
	[tilespmem:$0x15500] =	vst v63  }
0x219: {  	_ =	swait.ge [sflag:s20], $0x400  }
0x21a: {  	[sflag:s20] =	ssyncset.done $0x0  }
0x21b: {  	s31 =	simm.s32 $0xC00;
	s2 =	sadd.s32 s8, s2;
	[sflag:s20] =	ssyncadd.s32 $0xFFFFFC00  }
0x21c: {  	[tilespmem:s31], [sflag:$0x1] =	stream.linear.gather [hbm4b:s2+s18], $0x400, $0x38;
	[tilespmem:$0x15500] =	vst v63  }
0x21d: {  	v2 =	vmov s18;
	_ =	swait.ge [sflag:s20], $0x400  }
0x21e: {  	v2 =	vshll.u32 v2, $0x4;
	[sflag:s20] =	ssyncset.done $0x0  }
0x21f: {  	v2 =	vor.u32 v0, v2;
	[sflag:s20] =	ssyncadd.s32 $0xFFFFFC00  }
0x220: {  	[tilespmem:s22], [sflag:$0x1] =	stream.indirect.gather [hbm4b:s29+s21], $0x10, s18, s21, $0xb8;
	[tilespmem:$0x15500] =	vst v63  }
0x221: {  	_ =	swait.ge [sflag:s20], $0x4000  }
0x222: {  	[sflag:s20] =	ssyncset.done $0x0  }
0x223: {  	[sflag:s20] =	ssyncadd.s32 $0xFFFFC000  }
0x224: {  	v3 =	vld.idx.msk [tilespmem:v2+s22+$0x0], $0xffff  }
0x225: {  	v5 =	vld [tilespmem:s31+$0x0];
	_ =	sdelay $0x2  }
0x226: {  	v4 =	vor.u32 $0x1, v2;
	_ =	sdelay $0x1  }
0x227: {  	v3 =	vmul.f32 v3, v5;
	_ =	sdelay $0x1  }
0x228: {  	[tilespmem:v2+s22+$0x0] =	vst.idx.msk $0xffff, v3  }
0x229: {  	v3 =	vld.idx.msk [tilespmem:v4+s22+$0x0], $0xffff;
	_ =	sdelay $0x2  }
0x22a: {  	v6 =	vor.u32 $0x2, v2;
	_ =	sdelay $0x1  }
0x22b: {  	v3 =	vmul.f32 v3, v5;
	_ =	sdelay $0x1  }
0x22c: {  	[tilespmem:v4+s22+$0x0] =	vst.idx.msk $0xffff, v3  }
0x22d: {  	v3 =	vld.idx.msk [tilespmem:v6+s22+$0x0], $0xffff;
	_ =	sdelay $0x2  }
0x22e: {  	v4 =	vor.u32 $0x3, v2;
	_ =	sdelay $0x1  }
0x22f: {  	v3 =	vmul.f32 v3, v5;
	_ =	sdelay $0x1  }
0x230: {  	[tilespmem:v6+s22+$0x0] =	vst.idx.msk $0xffff, v3  }
0x231: {  	v3 =	vld.idx.msk [tilespmem:v4+s22+$0x0], $0xffff;
	_ =	sdelay $0x2  }
0x232: {  	v6 =	vor.u32 $0x4, v2;
	_ =	sdelay $0x1  }
0x233: {  	v3 =	vmul.f32 v3, v5;
	_ =	sdelay $0x1  }
0x234: {  	[tilespmem:v4+s22+$0x0] =	vst.idx.msk $0xffff, v3  }
0x235: {  	v3 =	vld.idx.msk [tilespmem:v6+s22+$0x0], $0xffff;
	_ =	sdelay $0x2  }
0x236: {  	v4 =	vor.u32 $0x5, v2;
	_ =	sdelay $0x1  }
0x237: {  	v3 =	vmul.f32 v3, v5;
	_ =	sdelay $0x1  }
0x238: {  	[tilespmem:v6+s22+$0x0] =	vst.idx.msk $0xffff, v3  }
0x239: {  	v3 =	vld.idx.msk [tilespmem:v4+s22+$0x0], $0xffff;
	_ =	sdelay $0x2  }
0x23a: {  	v6 =	vor.u32 $0x6, v2;
	_ =	sdelay $0x1  }
0x23b: {  	v3 =	vmul.f32 v3, v5;
	_ =	sdelay $0x1  }
0x23c: {  	[tilespmem:v4+s22+$0x0] =	vst.idx.msk $0xffff, v3  }
0x23d: {  	v3 =	vld.idx.msk [tilespmem:v6+s22+$0x0], $0xffff;
	_ =	sdelay $0x2  }
0x23e: {  	v4 =	vor.u32 $0x7, v2;
	_ =	sdelay $0x1  }
0x23f: {  	v3 =	vmul.f32 v3, v5;
	_ =	sdelay $0x1  }
0x240: {  	[tilespmem:v6+s22+$0x0] =	vst.idx.msk $0xffff, v3  }
0x241: {  	v3 =	vld.idx.msk [tilespmem:v4+s22+$0x0], $0xffff;
	_ =	sdelay $0x2  }
0x242: {  	v6 =	vor.u32 $0x8, v2;
	_ =	sdelay $0x1  }
0x243: {  	v3 =	vmul.f32 v3, v5;
	_ =	sdelay $0x1  }
0x244: {  	[tilespmem:v4+s22+$0x0] =	vst.idx.msk $0xffff, v3  }
0x245: {  	v3 =	vld.idx.msk [tilespmem:v6+s22+$0x0], $0xffff;
	_ =	sdelay $0x2  }
0x246: {  	v4 =	vor.u32 $0x9, v2;
	_ =	sdelay $0x1  }
0x247: {  	v3 =	vmul.f32 v3, v5;
	_ =	sdelay $0x1  }
0x248: {  	[tilespmem:v6+s22+$0x0] =	vst.idx.msk $0xffff, v3  }
0x249: {  	v3 =	vld.idx.msk [tilespmem:v4+s22+$0x0], $0xffff;
	_ =	sdelay $0x2  }
0x24a: {  	v6 =	vor.u32 $0xA, v2;
	_ =	sdelay $0x1  }
0x24b: {  	v3 =	vmul.f32 v3, v5;
	_ =	sdelay $0x1  }
0x24c: {  	[tilespmem:v4+s22+$0x0] =	vst.idx.msk $0xffff, v3  }
0x24d: {  	v3 =	vld.idx.msk [tilespmem:v6+s22+$0x0], $0xffff;
	_ =	sdelay $0x2  }
0x24e: {  	v4 =	vor.u32 $0xB, v2;
	_ =	sdelay $0x1  }
0x24f: {  	v3 =	vmul.f32 v3, v5;
	_ =	sdelay $0x1  }
0x250: {  	[tilespmem:v6+s22+$0x0] =	vst.idx.msk $0xffff, v3  }
0x251: {  	v3 =	vld.idx.msk [tilespmem:v4+s22+$0x0], $0xffff;
	_ =	sdelay $0x2  }
0x252: {  	v6 =	vor.u32 $0xC, v2;
	_ =	sdelay $0x1  }
0x253: {  	v3 =	vmul.f32 v3, v5;
	_ =	sdelay $0x1  }
0x254: {  	[tilespmem:v4+s22+$0x0] =	vst.idx.msk $0xffff, v3  }
0x255: {  	v3 =	vld.idx.msk [tilespmem:v6+s22+$0x0], $0xffff;
	_ =	sdelay $0x2  }
0x256: {  	v4 =	vor.u32 $0xD, v2;
	_ =	sdelay $0x1  }
0x257: {  	v3 =	vmul.f32 v3, v5;
	_ =	sdelay $0x1  }
0x258: {  	[tilespmem:v6+s22+$0x0] =	vst.idx.msk $0xffff, v3  }
0x259: {  	v3 =	vld.idx.msk [tilespmem:v4+s22+$0x0], $0xffff;
	_ =	sdelay $0x2  }
0x25a: {  	v6 =	vor.u32 $0xE, v2;
	_ =	sdelay $0x1  }
0x25b: {  	v3 =	vmul.f32 v3, v5;
	_ =	sdelay $0x1  }
0x25c: {  	[tilespmem:v4+s22+$0x0] =	vst.idx.msk $0xffff, v3  }
0x25d: {  	v3 =	vld.idx.msk [tilespmem:v6+s22+$0x0], $0xffff;
	_ =	sdelay $0x2  }
0x25e: {  	v4 =	vor.u32 $0xF, v2;
	_ =	sdelay $0x1  }
0x25f: {  	v2 =	vmul.f32 v3, v5;
	_ =	sdelay $0x1  }
0x260: {  	[tilespmem:v6+s22+$0x0] =	vst.idx.msk $0xffff, v2  }
0x261: {  	s18 =	simm.s32 $0x10;
	v3 =	vld.idx.msk [tilespmem:v4+s22+$0x0], $0xffff  }
0x262: {  	v2 =	vmov s18  }
0x263: {  	v2 =	vshll.u32 v2, $0x4  }
0x264: {  	v2 =	vor.u32 v0, v2;
	_ =	sdelay $0x1  }
0x265: {  	s2 =	simm.s32 $0x20;
	v3 =	vmul.f32 v3, v5  }
.LBB2_18:
0x266: {  	p1 =	sne.s32 s2, $0x3F0  }
0x267: {  	s31 =	sadd.s32 $0x10, s31;
	s6 =	smov.u32 s2;
	s2 =	sadd.s32 $0x10, s2;
	[tilespmem:v4+s22+$0x0] =	vst.idx.msk $0xffff, v3  }
0x268: {  	v4 =	vld.idx.msk [tilespmem:v2+s22+$0x0], $0xffff  }
0x269: {  	v3 =	vld [tilespmem:s31+$0x0];
	_ =	sdelay $0x2  }
0x26a: {  	v5 =	vor.u32 $0x1, v2;
	_ =	sdelay $0x1  }
0x26b: {  	v4 =	vmul.f32 v4, v3;
	_ =	sdelay $0x1  }
0x26c: {  	[tilespmem:v2+s22+$0x0] =	vst.idx.msk $0xffff, v4  }
0x26d: {  	v4 =	vld.idx.msk [tilespmem:v5+s22+$0x0], $0xffff;
	_ =	sdelay $0x3  }
0x26e: {  	v6 =	vor.u32 $0x2, v2;
	_ =	sdelay $0x1  }
0x26f: {  	v4 =	vmul.f32 v4, v3;
	_ =	sdelay $0x1  }
0x270: {  	[tilespmem:v5+s22+$0x0] =	vst.idx.msk $0xffff, v4  }
0x271: {  	v4 =	vld.idx.msk [tilespmem:v6+s22+$0x0], $0xffff;
	_ =	sdelay $0x3  }
0x272: {  	v5 =	vor.u32 $0x3, v2;
	_ =	sdelay $0x1  }
0x273: {  	v4 =	vmul.f32 v4, v3;
	_ =	sdelay $0x1  }
0x274: {  	[tilespmem:v6+s22+$0x0] =	vst.idx.msk $0xffff, v4  }
0x275: {  	v4 =	vld.idx.msk [tilespmem:v5+s22+$0x0], $0xffff;
	_ =	sdelay $0x3  }
0x276: {  	v6 =	vor.u32 $0x4, v2;
	_ =	sdelay $0x1  }
0x277: {  	v4 =	vmul.f32 v4, v3;
	_ =	sdelay $0x1  }
0x278: {  	[tilespmem:v5+s22+$0x0] =	vst.idx.msk $0xffff, v4  }
0x279: {  	v4 =	vld.idx.msk [tilespmem:v6+s22+$0x0], $0xffff;
	_ =	sdelay $0x3  }
0x27a: {  	v5 =	vor.u32 $0x5, v2;
	_ =	sdelay $0x1  }
0x27b: {  	v4 =	vmul.f32 v4, v3;
	_ =	sdelay $0x1  }
0x27c: {  	[tilespmem:v6+s22+$0x0] =	vst.idx.msk $0xffff, v4  }
0x27d: {  	v4 =	vld.idx.msk [tilespmem:v5+s22+$0x0], $0xffff;
	_ =	sdelay $0x3  }
0x27e: {  	v6 =	vor.u32 $0x6, v2;
	_ =	sdelay $0x1  }
0x27f: {  	v4 =	vmul.f32 v4, v3;
	_ =	sdelay $0x1  }
0x280: {  	[tilespmem:v5+s22+$0x0] =	vst.idx.msk $0xffff, v4  }
0x281: {  	v4 =	vld.idx.msk [tilespmem:v6+s22+$0x0], $0xffff;
	_ =	sdelay $0x3  }
0x282: {  	v5 =	vor.u32 $0x7, v2;
	_ =	sdelay $0x1  }
0x283: {  	v4 =	vmul.f32 v4, v3;
	_ =	sdelay $0x1  }
0x284: {  	[tilespmem:v6+s22+$0x0] =	vst.idx.msk $0xffff, v4  }
0x285: {  	v4 =	vld.idx.msk [tilespmem:v5+s22+$0x0], $0xffff;
	_ =	sdelay $0x3  }
0x286: {  	v6 =	vor.u32 $0x8, v2;
	_ =	sdelay $0x1  }
0x287: {  	v4 =	vmul.f32 v4, v3;
	_ =	sdelay $0x1  }
0x288: {  	[tilespmem:v5+s22+$0x0] =	vst.idx.msk $0xffff, v4  }
0x289: {  	v4 =	vld.idx.msk [tilespmem:v6+s22+$0x0], $0xffff;
	_ =	sdelay $0x3  }
0x28a: {  	v5 =	vor.u32 $0x9, v2;
	_ =	sdelay $0x1  }
0x28b: {  	v4 =	vmul.f32 v4, v3;
	_ =	sdelay $0x1  }
0x28c: {  	[tilespmem:v6+s22+$0x0] =	vst.idx.msk $0xffff, v4  }
0x28d: {  	v4 =	vld.idx.msk [tilespmem:v5+s22+$0x0], $0xffff;
	_ =	sdelay $0x3  }
0x28e: {  	v6 =	vor.u32 $0xA, v2;
	_ =	sdelay $0x1  }
0x28f: {  	v4 =	vmul.f32 v4, v3;
	_ =	sdelay $0x1  }
0x290: {  	[tilespmem:v5+s22+$0x0] =	vst.idx.msk $0xffff, v4  }
0x291: {  	v4 =	vld.idx.msk [tilespmem:v6+s22+$0x0], $0xffff;
	_ =	sdelay $0x3  }
0x292: {  	v5 =	vor.u32 $0xB, v2;
	_ =	sdelay $0x1  }
0x293: {  	v4 =	vmul.f32 v4, v3;
	_ =	sdelay $0x1  }
0x294: {  	[tilespmem:v6+s22+$0x0] =	vst.idx.msk $0xffff, v4  }
0x295: {  	v4 =	vld.idx.msk [tilespmem:v5+s22+$0x0], $0xffff;
	_ =	sdelay $0x3  }
0x296: {  	v6 =	vor.u32 $0xC, v2;
	_ =	sdelay $0x1  }
0x297: {  	v4 =	vmul.f32 v4, v3;
	_ =	sdelay $0x1  }
0x298: {  	[tilespmem:v5+s22+$0x0] =	vst.idx.msk $0xffff, v4  }
0x299: {  	v4 =	vld.idx.msk [tilespmem:v6+s22+$0x0], $0xffff;
	_ =	sdelay $0x3  }
0x29a: {  	v5 =	vor.u32 $0xD, v2;
	_ =	sdelay $0x1  }
0x29b: {  	v4 =	vmul.f32 v4, v3;
	_ =	sdelay $0x1  }
0x29c: {  	[tilespmem:v6+s22+$0x0] =	vst.idx.msk $0xffff, v4  }
0x29d: {  	v4 =	vld.idx.msk [tilespmem:v5+s22+$0x0], $0xffff;
	_ =	sdelay $0x3  }
0x29e: {  	v6 =	vor.u32 $0xE, v2;
	_ =	sdelay $0x1  }
0x29f: {  	v4 =	vmul.f32 v4, v3;
	_ =	sdelay $0x1  }
0x2a0: {  	[tilespmem:v5+s22+$0x0] =	vst.idx.msk $0xffff, v4  }
0x2a1: {  	v5 =	vld.idx.msk [tilespmem:v6+s22+$0x0], $0xffff;
	_ =	sdelay $0x3  }
0x2a2: {  	v4 =	vor.u32 $0xF, v2;
	_ =	sdelay $0x1  }
0x2a3: {  	v2 =	vmul.f32 v5, v3;
	_ =	sdelay $0x1  }
0x2a4: {  	[tilespmem:v6+s22+$0x0] =	vst.idx.msk $0xffff, v2  }
0x2a5: {  	v5 =	vld.idx.msk [tilespmem:v4+s22+$0x0], $0xffff;
	_ =	sdelay $0x1  }
.Ltmp8:
0x2a6: {  	v2 =	vmov s6;
	(pc) =	sbr.rel @p1 .LBB2_18-.Ltmp8, $3  }
0x2a7: {  	v2 =	vshll.u32 v2, $0x4  }
0x2a8: {  	v2 =	vor.u32 v0, v2;
	_ =	sdelay $0x1  }
0x2a9: {  	v3 =	vmul.f32 v5, v3  }
0x2aa: {  	_ =	sdelay $0x3  }
0x2ab: {  	[tilespmem:v4+s22+$0x0] =	vst.idx.msk $0xffff, v3  }
0x2ac: {  	s2 =	sadd.s32 $0x10, s31;
	v3 =	vld.idx.msk [tilespmem:v2+s22+$0x0], $0xffff  }
0x2ad: {  	v4 =	vld [tilespmem:s2+$0x0];
	_ =	sdelay $0x2  }
0x2ae: {  	v5 =	vor.u32 $0x1, v2;
	_ =	sdelay $0x1  }
0x2af: {  	v3 =	vmul.f32 v3, v4;
	_ =	sdelay $0x1  }
0x2b0: {  	[tilespmem:v2+s22+$0x0] =	vst.idx.msk $0xffff, v3  }
0x2b1: {  	v3 =	vld.idx.msk [tilespmem:v5+s22+$0x0], $0xffff;
	_ =	sdelay $0x2  }
0x2b2: {  	v6 =	vor.u32 $0x2, v2;
	_ =	sdelay $0x1  }
0x2b3: {  	v3 =	vmul.f32 v3, v4;
	_ =	sdelay $0x1  }
0x2b4: {  	[tilespmem:v5+s22+$0x0] =	vst.idx.msk $0xffff, v3  }
0x2b5: {  	v3 =	vld.idx.msk [tilespmem:v6+s22+$0x0], $0xffff;
	_ =	sdelay $0x2  }
0x2b6: {  	v52 =	vor.u32 $0x3, v2;
	_ =	sdelay $0x1  }
0x2b7: {  	v3 =	vmul.f32 v3, v4;
	_ =	sdelay $0x1  }
0x2b8: {  	[tilespmem:v6+s22+$0x0] =	vst.idx.msk $0xffff, v3  }
0x2b9: {  	v3 =	vld.idx.msk [tilespmem:v52+s22+$0x0], $0xffff;
	_ =	sdelay $0x2  }
0x2ba: {  	v53 =	vor.u32 $0x4, v2;
	_ =	sdelay $0x1  }
0x2bb: {  	v3 =	vmul.f32 v3, v4;
	_ =	sdelay $0x1  }
0x2bc: {  	[tilespmem:v52+s22+$0x0] =	vst.idx.msk $0xffff, v3  }
0x2bd: {  	v3 =	vld.idx.msk [tilespmem:v53+s22+$0x0], $0xffff;
	_ =	sdelay $0x2  }
0x2be: {  	v54 =	vor.u32 $0x5, v2;
	_ =	sdelay $0x1  }
0x2bf: {  	v3 =	vmul.f32 v3, v4;
	_ =	sdelay $0x1  }
0x2c0: {  	[tilespmem:v53+s22+$0x0] =	vst.idx.msk $0xffff, v3  }
0x2c1: {  	v3 =	vld.idx.msk [tilespmem:v54+s22+$0x0], $0xffff;
	_ =	sdelay $0x2  }
0x2c2: {  	v55 =	vor.u32 $0x6, v2;
	_ =	sdelay $0x1  }
0x2c3: {  	v3 =	vmul.f32 v3, v4;
	_ =	sdelay $0x1  }
0x2c4: {  	[tilespmem:v54+s22+$0x0] =	vst.idx.msk $0xffff, v3  }
0x2c5: {  	v3 =	vld.idx.msk [tilespmem:v55+s22+$0x0], $0xffff;
	_ =	sdelay $0x2  }
0x2c6: {  	v56 =	vor.u32 $0x7, v2;
	_ =	sdelay $0x1  }
0x2c7: {  	v3 =	vmul.f32 v3, v4;
	_ =	sdelay $0x1  }
0x2c8: {  	[tilespmem:v55+s22+$0x0] =	vst.idx.msk $0xffff, v3  }
0x2c9: {  	v3 =	vld.idx.msk [tilespmem:v56+s22+$0x0], $0xffff;
	_ =	sdelay $0x2  }
0x2ca: {  	v57 =	vor.u32 $0x8, v2;
	_ =	sdelay $0x1  }
0x2cb: {  	v3 =	vmul.f32 v3, v4;
	_ =	sdelay $0x1  }
0x2cc: {  	[tilespmem:v56+s22+$0x0] =	vst.idx.msk $0xffff, v3  }
0x2cd: {  	v3 =	vld.idx.msk [tilespmem:v57+s22+$0x0], $0xffff;
	_ =	sdelay $0x2  }
0x2ce: {  	v58 =	vor.u32 $0x9, v2;
	_ =	sdelay $0x1  }
0x2cf: {  	v3 =	vmul.f32 v3, v4;
	_ =	sdelay $0x1  }
0x2d0: {  	[tilespmem:v57+s22+$0x0] =	vst.idx.msk $0xffff, v3  }
0x2d1: {  	v3 =	vld.idx.msk [tilespmem:v58+s22+$0x0], $0xffff;
	_ =	sdelay $0x2  }
0x2d2: {  	v59 =	vor.u32 $0xA, v2;
	_ =	sdelay $0x1  }
0x2d3: {  	v3 =	vmul.f32 v3, v4;
	_ =	sdelay $0x1  }
0x2d4: {  	[tilespmem:v58+s22+$0x0] =	vst.idx.msk $0xffff, v3  }
0x2d5: {  	v3 =	vld.idx.msk [tilespmem:v59+s22+$0x0], $0xffff;
	_ =	sdelay $0x2  }
0x2d6: {  	v60 =	vor.u32 $0xB, v2;
	_ =	sdelay $0x1  }
0x2d7: {  	v3 =	vmul.f32 v3, v4;
	_ =	sdelay $0x1  }
0x2d8: {  	[tilespmem:v59+s22+$0x0] =	vst.idx.msk $0xffff, v3  }
0x2d9: {  	v3 =	vld.idx.msk [tilespmem:v60+s22+$0x0], $0xffff;
	_ =	sdelay $0x2  }
0x2da: {  	v61 =	vor.u32 $0xC, v2;
	_ =	sdelay $0x1  }
0x2db: {  	v3 =	vmul.f32 v3, v4;
	_ =	sdelay $0x1  }
0x2dc: {  	[tilespmem:v60+s22+$0x0] =	vst.idx.msk $0xffff, v3  }
0x2dd: {  	v3 =	vld.idx.msk [tilespmem:v61+s22+$0x0], $0xffff;
	_ =	sdelay $0x2  }
0x2de: {  	v62 =	vor.u32 $0xD, v2;
	_ =	sdelay $0x1  }
0x2df: {  	v3 =	vmul.f32 v3, v4;
	_ =	sdelay $0x1  }
0x2e0: {  	[tilespmem:v61+s22+$0x0] =	vst.idx.msk $0xffff, v3  }
0x2e1: {  	v3 =	vld.idx.msk [tilespmem:v62+s22+$0x0], $0xffff;
	_ =	sdelay $0x2  }
0x2e2: {  	v63 =	vor.u32 $0xE, v2;
	_ =	sdelay $0x1  }
0x2e3: {  	v3 =	vmul.f32 v3, v4;
	_ =	sdelay $0x1  }
0x2e4: {  	[tilespmem:v62+s22+$0x0] =	vst.idx.msk $0xffff, v3  }
0x2e5: {  	v3 =	vld.idx.msk [tilespmem:v63+s22+$0x0], $0xffff;
	_ =	sdelay $0x2  }
0x2e6: {  	v2 =	vor.u32 $0xF, v2;
	_ =	sdelay $0x1  }
0x2e7: {  	v3 =	vmul.f32 v3, v4;
	_ =	sdelay $0x1  }
0x2e8: {  	[tilespmem:v63+s22+$0x0] =	vst.idx.msk $0xffff, v3  }
0x2e9: {  	v3 =	vld.idx.msk [tilespmem:v2+s22+$0x0], $0xffff;
	_ =	sdelay $0x4  }
0x2ea: {  	v3 =	vmul.f32 v3, v4;
	_ =	sdelay $0x1  }
0x2eb: {  	s2 =	simm.s32 $0x0;
	[tilespmem:v2+s22+$0x0] =	vst.idx.msk $0xffff, v3  }
0x2ec: {  	s6 =	simm.s32 $0x40;
	v2 =	vld [tilespmem:s2+$0x400]  }
.LBB2_20:
0x2ed: {  	_ =	sdelay $0x1  }
0x2ee: {  	p1 =	sne.s32 s6, $0xFC0  }
.Ltmp9:
0x2ef: {  	_ = 	snop;
	(pc) =	sbr.rel @p1 .LBB2_20-.Ltmp9, $4  }
0x2f0: {  	v3 =	vadd.s32 $0xFFFDF700, v2  }
0x2f1: {  	vm0 =	vlt.u32 v3, $0x10480  }
0x2f2: {  	s18 =	sshra.s32 s6, $0x2;
	v3 =	vsel vm0, v3, v1  }
0x2f3: {  	s6 =	sadd.s32 $0x40, s6;
	v2 =	vld [tilespmem:s18+$0x400];
	[tilespmem:s2+$0x800] =	vst v3;
	s2 =	smov.u32 s18  }
0x2f4: {  	_ =	sdelay $0x3  }
0x2f5: {  	v2 =	vadd.s32 $0xFFFDF700, v2  }
0x2f6: {  	s30 =	sadd.s32 $0x1, s30;
	vm0 =	vlt.u32 v2, $0x10480  }
0x2f7: {  	p1 =	sne.s32 s30, $0xD;
	v2 =	vsel vm0, v2, v1  }
.Ltmp10:
0x2f8: {  	[tilespmem:s2+$0x800] =	vst v2;
	(pc) =	sbr.rel @p1 .LBB2_17-.Ltmp10, $4  }
0x2f9: {  	[spmem:s5] =	stream.indirect.scatter.add.f32 [tilespmem:s22], [sflag:$0x1], $0x10, s23, s21, $0xb8;
	[tilespmem:$0x15500] =	vst v63  }
0x2fa: {  	_ =	swait.ge [sflag:s20], $0x4000  }
0x2fb: {  	[sflag:s20] =	ssyncset.done $0x0  }
0x2fc: {  	[sflag:s20] =	ssyncadd.s32 $0xFFFFC000  }
0x2fd: {  	s2 =	smul.u32 $0x61A80, s28;
	_ =	sdelay $0x1  }
0x2fe: {  	s2 =	sadd.s32 s4, s2  }
0x2ff: {  	[bflag:$0x0] =	sbarrier.arrive $0xFFFF;
	s18 =	sshrl.u32 @p0 s14, $0x3;
	s6 =	sadd.s32 @p0 $0x5FA70, s2  }
0x300: {  	[hbm:s6], [sflag:s11] =	dma.local @p0 [spmem:s18], $0x2010  }
0x301: {  	s6 =	simm.s32 @p0 $0x1  }
0x302: {  	_ =	swait.ge @p0 [sflag:s6], $0x2010  }
0x303: {  	s26 =	sadd.s32 $0x1, s26;
	[sflag:s6] =	ssyncset.done @p0 $0x0  }
0x304: {  	s2 =	sadd.s32 @!p0 s17, s2;
	[sflag:s6] =	ssyncadd.s32 @p0 $0xFFFFDFF0;
	s6 =	sshrl.u32 @!p0 s15, $0x3  }
0x305: {  	[hbm:s2], [sflag:s11] =	dma.local @!p0 [spmem:s6], $0x2090  }
0x306: {  	p1 =	sne.s32 s26, $0x8;
	s2 =	simm.s32 @!p0 $0x1  }
.Ltmp11:
0x307: {  	_ =	swait.ge @!p0 [sflag:s2], $0x2090;
	(pc) =	sbr.rel @p1 .LBB2_16-.Ltmp11, $3  }
0x308: {  	[sflag:s2] =	ssyncset.done @!p0 $0x0  }
0x309: {  	[sflag:s2] =	ssyncadd.s32 @!p0 $0xFFFFDF70  }
0x30a: {  	[bflag:$0x0] =	sbarrier.arrive $0xFFFF;
	_ =	sdelay $0x1  }
0x30b: {  	s7 =	sadd.s32 $0x1, s7;
	s2 =	rddreg [dreg:$0x8]  }
0x30c: {  	p1 =	sne.s32 s7, s2  }
.Ltmp12:
0x30d: {  	_ = 	snop;
	(pc) =	sbr.rel @p1 .LBB2_1-.Ltmp12, $1  }
0x30e: {  	_ =	sdelay $0x3  }
0x30f: {  	_ =	sfence.sel $0x180000  }
0x310: {  	[bflag:$0x0] =	sbarrier.arrive $0xFFFF  }
0x311: {  	_ =	strace $0x90000050  }
0x312: {  	s0 =	stileid.u32;
	[bflag:$0x2] =	sbarrier.arrive $0xFFFF  }
0x313: {  	p0 =	sne.s32 s0, $0x0;
	s0 =	rddreg [dreg:$0x7]  }
0x314: {  	s0 =	sadd.s32 @!p0 $0x100000, s0  }
0x315: {  	[sflag:s0] =	ssyncadd.tile.s32 @!p0 $0x1;
	_ =	shalt  }
.Lfunc_end2:
_tile_overlayer_lowered:
.L_overlay_start_2:
0x316: {  	(tag) =	ssettag $0x2  }
0x317: {  	s0 =	rddreg [dreg:$0x0];
	s2 =	stileid.u32  }
0x318: {  	s1 =	rddreg [dreg:$0x1];
	p0 =	sne.s32 s2, $0x0  }
0x319: {  	s3 =	rddreg [dreg:$0x2];
	[bflag:$0x3] =	sbarrier.arrive $0xFFFF;
	s2 =	simm.s32 @!p0 $0x1C01  }
0x31a: {  	[timem:s3], [sflag:s2] =	dma.local @!p0 [hbm:s0], s1  }
0x31b: {  	s0 =	simm.s32 @!p0 $0x1  }
0x31c: {  	_ =	swait.ge @!p0 [sflag:s0], s1  }
0x31d: {  	s1 =	ssub.s32 @!p0 $0x0, s1;
	[sflag:s0] =	ssyncset.done @!p0 $0x0  }
0x31e: {  	[sflag:s0] =	ssyncadd.s32 @!p0 s1  }
0x31f: {  	[bflag:$0x3] =	sbarrier.arrive $0xFFFF  }
0x320: {  	_ =	shalt  }

// kernel: kernel.8.cloned.1.call-start
scs
__scs_entry_jumppad:
0x0: {  	(pc) =	sbr.rel $0x88, $3  }
0x1: {  	(tag) =	ssettag $0x0;
	lr =	simm.s32 $0x1  }
0x2: {  	[smem:$0x3F92] =	sst lr;
	_ =	strace $0xD0000000  }
0x3: {  	_ = 	snop  }
0x4: {  	_ = 	snop  }
0x5: {  	_ = 	snop  }
0x6: {  	_ = 	snop  }
0x7: {  	_ = 	snop  }
__scs_overlays_trampoline_lowered:
0x8: {  	[smem:$0x3FA1] =	sst s0  }
0x9: {  	[smem:$0x3FA2] =	sst s1  }
0xa: {  	[smem:$0x3FA3] =	sst s2  }
0xb: {  	[smem:$0x3FA4] =	sst s3  }
0xc: {  	[smem:$0x3FA5] =	sst s4  }
0xd: {  	[smem:$0x3FA6] =	sst s5  }
0xe: {  	[smem:$0x3FA7] =	sst s6  }
0xf: {  	[smem:$0x3FA8] =	sst s7  }
0x10: {  	[smem:$0x3FA9] =	sst s8  }
0x11: {  	[smem:$0x3FAA] =	sst s9;
	s0 =	simm.s32 @!p0 $0x0  }
0x12: {  	s1 =	sld [smem:$0x3F90];
	s0 =	simm.s32 @p0 $0x1  }
0x13: {  	[smem:$0x3FAB] =	sst s0;
	s0 =	simm.s32 @!p1 $0x0  }
0x14: {  	s2 =	sld [smem:$0x3F8F];
	s0 =	simm.s32 @p1 $0x1  }
0x15: {  	[smem:$0x3FAC] =	sst s0;
	s0 =	simm.s32 @!p2 $0x0  }
0x16: {  	s3 =	sld [smem:$0x3FDB];
	s0 =	simm.s32 @p2 $0x1  }
0x17: {  	s4 =	simm.s32 $0x1BF5;
	[smem:$0x3FAE] =	sst s0  }
0x18: {  	s0 =	sld [smem:$0x3F91];
	_ =	swait.ge [sflag:s4], $0x0  }
0x19: {  	s7 =	sld [smem:$0x3F92]  }
0x1a: {  	s8 =	sadd.s32 $0xFFFFE003, lr  }
0x1b: {  	s9 =	sadd.s32 $0xFFFFFEF7, lr;
	s5 =	simm.s32 $0xFFFFFFFF;
	p2 =	slt.u32 s8, $0xFFFFF086  }
0x1c: {  	p1 =	slt.u32 s9, $0xF7A;
	s5 =	simm.s32 @!p2 $0x0  }
0x1d: {  	s5 =	simm.s32 @p1 $0x1;
	p0 =	seq.s32 s7, s2  }
0x1e: {  	s7 =	smul.u32 @!p0 $0xF7A, s2;
	p2 =	seq.s32 @!p0 s5, $0x0  }
0x1f: {  	s9 =	smul.u32 $0xF7A, s1;
	s8 =	simm.s32 @!p0 $0x1BF5;
	p2 =	por !p2, p0  }
0x20: {  	[sflag:s8] =	ssyncset.s32 @!p0 $0xFFFFF086;
	s6 =	sadd.s32 @!p0 s3, s7;
	s7 =	simm.s32 @!p0 $0x108  }
0x21: {  	s3 =	sadd.s32 s3, s9;
	s6 =	sadd.s32 @!p0 $0x88, s6;
	s7 =	simm.s32 @p2 $0x1082  }
0x22: {  	[simem:s7], [sflag:s8] =	dma.local @!p0 [hbm:s6], $0xF7A  }
0x23: {  	s9 =	sor.u32 $0xD0000000, s2;
	s6 =	simm.s32 $0x108;
	_ =	swait.ge @!p0 [sflag:s8], $0x0  }
0x24: {  	s3 =	sadd.s32 $0x88, s3;
	s6 =	simm.s32 @!p1 $0x1082;
	[sflag:s4] =	ssyncset.s32 $0xFFFFF086  }
0x25: {  	[simem:s6], [sflag:s4] =	dma.local [hbm:s3], $0xF7A  }
0x26: {  	[smem:$0x3F92] =	sst s1;
	(tag) =	ssettag s2;
	_ =	strace s9  }
0x27: {  	s1 =	sld [smem:$0x3FA2]  }
0x28: {  	s2 =	sld [smem:$0x3FA3]  }
0x29: {  	s4 =	sld [smem:$0x3FA5]  }
0x2a: {  	p0 =	seq.s32 s5, $0x0;
	s5 =	sld [smem:$0x3FA6]  }
0x2b: {  	s6 =	sld [smem:$0x3FA7]  }
0x2c: {  	s7 =	sld [smem:$0x3FA8]  }
0x2d: {  	s3 =	simm.s32 $0x108;
	s8 =	sld [smem:$0x3FA9]  }
0x2e: {  	s3 =	simm.s32 @!p0 $0x1082;
	s9 =	sld [smem:$0x3FAA]  }
0x2f: {  	lr =	sadd.s32 s0, s3;
	s0 =	sld [smem:$0x3FA1]  }
0x30: {  	s3 =	sld [smem:$0x3FA4]  }
0x31: {  	[smem:$0x3FAD] =	sst s10  }
0x32: {  	s10 =	sld [smem:$0x3FAB];
	_ =	sdelay $0x3  }
0x33: {  	p0 =	seq.s32 s10, $0x1;
	s10 =	sld [smem:$0x3FAD];
	_ =	sdelay $0x3  }
0x34: {  	[smem:$0x3FAD] =	sst s10  }
0x35: {  	s10 =	sld [smem:$0x3FAC];
	_ =	sdelay $0x3  }
0x36: {  	p1 =	seq.s32 s10, $0x1;
	s10 =	sld [smem:$0x3FAD];
	_ =	sdelay $0x3  }
0x37: {  	[smem:$0x3FAD] =	sst s10  }
0x38: {  	s10 =	sld [smem:$0x3FAE]  }
0x39: {  	_ = 	snop;
	(pc) =	sbr.ind lr, $3  }
0x3a: {  	_ = 	snop  }
0x3b: {  	_ = 	snop  }
0x3c: {  	p2 =	seq.s32 s10, $0x1;
	s10 =	sld [smem:$0x3FAD]  }
0x3d: {  	_ =	shalt  }
0x3e: {  	_ =	shalt  }
0x3f: {  	_ =	shalt  }
0x40: {  	_ =	shalt  }
0x41: {  	_ =	shalt  }
0x42: {  	_ =	shalt  }
0x43: {  	_ =	shalt  }
0x44: {  	_ =	shalt  }
0x45: {  	_ =	shalt  }
0x46: {  	_ =	shalt  }
0x47: {  	_ =	shalt  }
0x48: {  	_ =	shalt  }
0x49: {  	_ =	shalt  }
0x4a: {  	_ =	shalt  }
0x4b: {  	_ =	shalt  }
0x4c: {  	_ =	shalt  }
0x4d: {  	_ =	shalt  }
0x4e: {  	_ =	shalt  }
0x4f: {  	_ =	shalt  }
0x50: {  	_ =	shalt  }
0x51: {  	_ =	shalt  }
0x52: {  	_ =	shalt  }
0x53: {  	_ =	shalt  }
0x54: {  	_ =	shalt  }
0x55: {  	_ =	shalt  }
0x56: {  	_ =	shalt  }
0x57: {  	_ =	shalt  }
0x58: {  	_ =	shalt  }
0x59: {  	_ =	shalt  }
0x5a: {  	_ =	shalt  }
0x5b: {  	_ =	shalt  }
0x5c: {  	_ =	shalt  }
0x5d: {  	_ =	shalt  }
0x5e: {  	_ =	shalt  }
0x5f: {  	_ =	shalt  }
0x60: {  	_ =	shalt  }
0x61: {  	_ =	shalt  }
0x62: {  	_ =	shalt  }
0x63: {  	_ =	shalt  }
0x64: {  	_ =	shalt  }
0x65: {  	_ =	shalt  }
0x66: {  	_ =	shalt  }
0x67: {  	_ =	shalt  }
0x68: {  	_ =	shalt  }
0x69: {  	_ =	shalt  }
0x6a: {  	_ =	shalt  }
0x6b: {  	_ =	shalt  }
0x6c: {  	_ =	shalt  }
0x6d: {  	_ =	shalt  }
0x6e: {  	_ =	shalt  }
0x6f: {  	_ =	shalt  }
0x70: {  	_ =	shalt  }
0x71: {  	_ =	shalt  }
0x72: {  	_ =	shalt  }
0x73: {  	_ =	shalt  }
0x74: {  	_ =	shalt  }
0x75: {  	_ =	shalt  }
0x76: {  	_ =	shalt  }
0x77: {  	_ =	shalt  }
0x78: {  	_ =	shalt  }
0x79: {  	_ =	shalt  }
0x7a: {  	_ =	shalt  }
0x7b: {  	_ =	shalt  }
0x7c: {  	_ =	shalt  }
0x7d: {  	_ =	shalt  }
0x7e: {  	_ =	shalt  }
0x7f: {  	_ =	shalt  }
0x80: {  	_ =	shalt  }
0x81: {  	_ =	shalt  }
0x82: {  	_ =	shalt  }
0x83: {  	_ =	shalt  }
0x84: {  	_ =	shalt  }
0x85: {  	_ =	shalt  }
0x86: {  	_ =	shalt  }
0x87: {  	_ =	shalt  }
.Lfunc_end0:
.L_simem_size_0:
called_computation.3_lowered:
.L_overlay_start_0:
0x88: {  	s2 =	sld [smem:$0x3FD9]  }
0x89: {  	s3 =	sld [smem:$0x3FFE];
	_ =	sdelay $0x1  }
0x8a: {  	s1 =	srdreg.scid  }
0x8b: {  	s0 =	sand.u32 $0x1, s1  }
0x8c: {  	s14 =	sshll.u32 s0, $0xA;
	s2 =	sadd.s32 s3, s2  }
0x8d: {  	s2 =	sadd.s32 s2, s14  }
0x8e: {  	[smem:$0x3FB9] =	sst s2  }
0x8f: {  	_ = 	snop  }
0x90: {  	s2 =	sld [smem:$0x3FD0];
	_ =	sdelay $0x2  }
0x91: {  	s15 =	simm.s32 $0xA;
	s4 =	simm.s32 $0x10  }
0x92: {  	[smem:s4], [sflag:s15] =	dma.local [hbm:s2], $0x1  }
0x93: {  	_ =	swait.eq [sflag:s15], $0x1  }
0x94: {  	[sflag:s15] =	ssyncset.done $0x0  }
0x95: {  	s16 =	sld [smem:$0x11];
	[sflag:s15] =	ssyncadd.s32 $0xFFFFFFFF  }
0x96: {  	s17 =	sld [smem:$0x12];
	(tm) =	ssettm $0x1  }
0x97: {  	s18 =	sld [smem:$0x3FFB];
	_ =	sdelay $0x3  }
0x98: {  	_ =	strace s18  }
0x99: {  	s4 =	sld [smem:$0x3FFC];
	_ =	sdelay $0x3  }
0x9a: {  	_ =	strace s4  }
0x9b: {  	s4 =	sld [smem:$0x3FFD];
	_ =	sdelay $0x3  }
0x9c: {  	_ =	strace s4  }
0x9d: {  	_ =	strace $0x8FFFFFFF  }
0x9e: {  	s19 =	sld [smem:$0x3FDB];
	_ =	sdelay $0x1  }
0x9f: {  	s5 =	simm.s32 $_scs_section_size  }
0xa0: {  	s6 =	simm.s32 $_size__tile_overlayer_lowered;
	s7 =	simm.s32 $_tile_overlayer_lowered  }
0xa1: {  	s22 =	simm.s32 $0x1BFF;
	s21 =	sshll.u32 s7, $0x1;
	s4 =	sadd.s32 s5, s19  }
0xa2: {  	s8 =	simm.s32 $0x0;
	s20 =	sshll.u32 s6, $0x1;
	s6 =	sadd.s32 s21, s4  }
0xa3: {  	[timem:s8], [sflag:s22] =	dma.local [hbm:s6], s20  }
0xa4: {  	_ =	swait.ge [sflag:s22], s20  }
0xa5: {  	s5 =	ssub.s32 $0x0, s20;
	[sflag:s22] =	ssyncset.done $0x0  }
0xa6: {  	[sflag:s22] =	ssyncadd.s32 s5;
	_ =	sdelay $0x1  }
0xa7: {  	s23 =	simm.s32 $0x1B8B  }
0xa8: {  	_ =	swait.ge [sflag:s23], $0x1  }
0xa9: {  	[sflag:s23] =	ssyncset.done $0x0  }
0xaa: {  	s25 =	simm.s32 $0x1B8E;
	s24 =	sld [smem:$0x3FFE];
	[sflag:s23] =	ssyncadd.s32 $0xFFFFFFFF  }
0xab: {  	s26 =	simm.s32 $execute0_lowered;
	[smem:$0x3FD2] =	sst s25  }
0xac: {  	s6 =	sshll.u32 s26, $0x1;
	_ =	strace $0x80000046;
	[dreg:$0x1] =	wrdreg $0xFFFFFFFF  }
0xad: {  	s28 =	simm.s32 $_size_execute0_lowered;
	s4 =	sadd.s32 s4, s6;
	[dreg:$0x0] =	wrdreg $0x0  }
0xae: {  	s6 =	sshll.u32 s28, $0x1;
	[dreg:$0x2] =	wrdreg s4  }
0xaf: {  	[dreg:$0x3] =	wrdreg s6  }
0xb0: {  	[dreg:$0x4] =	wrdreg $0xC0  }
0xb1: {  	_ =	task [dreg:s8], $0x5FFFF  }
0xb2: {  	[dreg:$0x1] =	wrdreg $0xFFFFFFFF  }
0xb3: {  	[dreg:$0x0] =	wrdreg $0x60  }
0xb4: {  	[dreg:$0x2] =	wrdreg s17  }
0xb5: {  	[dreg:$0x3] =	wrdreg s24  }
0xb6: {  	[dreg:$0x4] =	wrdreg s16  }
0xb7: {  	[dreg:$0x5] =	wrdreg $0x4C000  }
0xb8: {  	[dreg:$0x6] =	wrdreg $0x9  }
0xb9: {  	_ =	task.clear_ibuf [dreg:s8], $0x7FFFF;
	_ =	strace $0x90000046  }
0xba: {  	s29 =	simm.s32 $0x9;
	_ =	strace $0x80000048  }
0xbb: {  	_ =	swait.ge [sflag:s29], $0x1  }
0xbc: {  	[sflag:s29] =	ssyncadd.s32 $0xFFFFFFFF  }
0xbd: {  	_ =	strace $0x90000048  }
0xbe: {  	_ =	sfence  }
0xbf: {  	s30 =	sld [smem:$0x0];
	_ =	sdelay $0x2  }
0xc0: {  	s31 =	sshll.u32 s1, $0xD;
	s1 =	sshrl.u32 s1, $0x2  }
0xc1: {  	s3 =	sand.u32 $0x4000, s31;
	s1 =	sadd.s32 s1, s30  }
0xc2: {  	s0 =	sor.u32 s3, s0;
	s1 =	sshll.u32 s1, $0x11  }
0xc3: {  	s0 =	sor.u32 s1, s0  }
0xc4: {  	s0 =	sadd.s32 $0x8F2B, s0  }
0xc5: {  	[sflag:s0] =	ssyncadd.remote.s32 $0x1  }
0xc6: {  	_ =	sfence.sel $0xFFFF  }
0xc7: {  	[dreg:$0x0] =	wrdreg $0xFFFFFFFF;
	(pc) =	sbr.abs _section_cstart, $3  }
0xc8: {  	[dreg:$0x1] =	wrdreg $0xFFFFFFFF  }
0xc9: {  	_ =	task.clear_ibuf [dreg:s8], $0x2FFFF;
	_ =	strace $0x9FFFFFFF  }
0xca: {  	(tm) =	ssettm $0x7FFFFFFF  }
0xcb: {  	_ =	shalt  }
tec
execute0_lowered:
.L_overlay_start_1:
0x0: {  	(tag) =	ssettag $0x1  }
0x1: {  	s1 =	rddreg [dreg:$0x0]  }
0x2: {  	s9 =	rddreg [dreg:$0x1]  }
0x3: {  	s16 =	rddreg [dreg:$0x2]  }
0x4: {  	s3 =	rddreg [dreg:$0x3]  }
0x5: {  	s0 =	rddreg [dreg:$0x4];
	s4 =	simm.s32 $0x0;
	s2 =	stileid.u32  }
0x6: {  	s6 =	srdreg.scid;
	s19 =	simm.s32 $0x1;
	s20 =	simm.s32 $0x400  }
0x7: {  	s21 =	simm.s32 $0xC00;
	[smem:$0x7FF] =	sst s4;
	s10 =	smul.u32 $0xC380, s2  }
0x8: {  	s5 =	sadd.s32 $0xE0400, s9;
	s13 =	sand.u32 $0x1, s6;
	s6 =	sadd.s32 $0xF9400, s9  }
0x9: {  	s8 =	sadd.s32 $0xC7400, s9;
	s31 =	sshll.u32 s2, $0x6;
	s15 =	sadd.s32 $0xB7480, s3  }
0xa: {  	_ =	strace $0x80000047;
	s11 =	ssub.s32 $0x2, s13;
	s30 =	sshll.u32 s13, $0x4  }
0xb: {  	p3 =	seq.s32 s13, $0x1;
	s7 =	sshrl.u32 s10, $0x3;
	s29 =	sshrl.u32 s11, $0x1  }
0xc: {  	s14 =	sor.u32 s2, s30;
	p1 =	seq.s32 @p3 s2, $0xF;
	p4 =	seq.s32 @!p3 s2, $0xF  }
0xd: {  	s12 =	sadd.s32 s7, s9;
	s17 =	ssub.s32 s11, s29;
	s9 =	sadd.s32 s10, s3  }
0xe: {  	s11 =	sor.u32 $0x1C01, s31;
	s13 =	sadd.s32 s16, s7;
	p0 =	por !p1, !p3  }
0xf: {  	p1 =	por p1, !p3;
	p2 =	por !p4, p3;
	p3 =	por p4, p3  }
0x10: {  	v0 =	vlaneseq.u32;
	s10 =	sadd.s32 $0x112400, s12;
	s12 =	smul.u32 $0x6400, s14;
	s14 =	sadd.s32 $0x16E90, s16  }
0x11: {  	v0 =	vmul.u32 $0x10, v0;
	s16 =	sadd.s32 $0x186A0, s16;
	s17 =	smax.u32 s17, $0x1;
	s18 =	sshrl.u32 s9, $0x3  }
.LBB2_1:
0x12: {  	[spmem:s18], [sflag:s11] =	dma.local [hbm:s10], $0x1870  }
0x13: {  	_ =	swait.ge [sflag:s19], $0x1870  }
0x14: {  	[sflag:s19] =	ssyncset.done $0x0  }
0x15: {  	[sflag:s19] =	ssyncadd.s32 $0xFFFFE790  }
0x16: {  	s22 =	simm.s32 $0x0;
	[bflag:$0x0] =	sbarrier.arrive $0xFFFF  }
.LBB2_2:
0x17: {  	s23 =	sshll.u32 s22, $0xA  }
0x18: {  	s23 =	sadd.s32 s12, s23  }
0x19: {  	s23 =	sshrl.u32 s23, $0x3  }
0x1a: {  	s25 =	simm.s32 $0x0;
	s24 =	sadd.s32 s5, s23  }
0x1b: {  	[tilespmem:s25], [sflag:$0x1] =	stream.linear.gather [hbm4b:s24+s25], $0x400, $0x38;
	[tilespmem:$0x10F80] =	vst v63  }
0x1c: {  	_ =	swait.ge [sflag:s19], $0x400  }
0x1d: {  	[sflag:s19] =	ssyncset.done $0x0  }
0x1e: {  	s29 =	sadd.s32 s6, s23;
	[sflag:s19] =	ssyncadd.s32 $0xFFFFFC00  }
0x1f: {  	[tilespmem:s20], [sflag:$0x1] =	stream.linear.gather [hbm4b:s29+s25], $0x400, $0x38;
	[tilespmem:$0x10F80] =	vst v63  }
0x20: {  	_ =	swait.ge [sflag:s19], $0x400  }
0x21: {  	[sflag:s19] =	ssyncset.done $0x0  }
0x22: {  	s30 =	sadd.s32 s8, s23;
	s23 =	simm.s32 $0x800;
	[sflag:s19] =	ssyncadd.s32 $0xFFFFFC00  }
0x23: {  	[tilespmem:s23], [sflag:$0x1] =	stream.linear.gather [hbm4b:s30+s25], $0x400, $0x38;
	[tilespmem:$0x10F80] =	vst v63  }
0x24: {  	v1 =	vmov s25;
	_ =	swait.ge [sflag:s19], $0x400  }
0x25: {  	v1 =	vshll.u32 v1, $0x4;
	[sflag:s19] =	ssyncset.done $0x0  }
0x26: {  	v1 =	vor.u32 v0, v1;
	[sflag:s19] =	ssyncadd.s32 $0xFFFFFC00  }
0x27: {  	[tilespmem:s21], [sflag:$0x1] =	stream.indirect.gather [hbm4b:s1+s20], $0x10, s25, s20, $0xb8;
	[tilespmem:$0x10F80] =	vst v63  }
0x28: {  	_ =	swait.ge [sflag:s19], $0x4000  }
0x29: {  	[sflag:s19] =	ssyncset.done $0x0  }
0x2a: {  	[sflag:s19] =	ssyncadd.s32 $0xFFFFC000  }
0x2b: {  	v2 =	vld.idx.msk [tilespmem:v1+s21+$0x0], $0xffff  }
0x2c: {  	v4 =	vld [tilespmem:s23+$0x0];
	_ =	sdelay $0x2  }
0x2d: {  	v3 =	vor.u32 $0x1, v1;
	_ =	sdelay $0x1  }
0x2e: {  	v2 =	vmul.f32 v2, v4;
	_ =	sdelay $0x1  }
0x2f: {  	[tilespmem:v1+s21+$0x0] =	vst.idx.msk $0xffff, v2  }
0x30: {  	v2 =	vld.idx.msk [tilespmem:v3+s21+$0x0], $0xffff;
	_ =	sdelay $0x2  }
0x31: {  	v5 =	vor.u32 $0x2, v1;
	_ =	sdelay $0x1  }
0x32: {  	v2 =	vmul.f32 v2, v4;
	_ =	sdelay $0x1  }
0x33: {  	[tilespmem:v3+s21+$0x0] =	vst.idx.msk $0xffff, v2  }
0x34: {  	v2 =	vld.idx.msk [tilespmem:v5+s21+$0x0], $0xffff;
	_ =	sdelay $0x2  }
0x35: {  	v3 =	vor.u32 $0x3, v1;
	_ =	sdelay $0x1  }
0x36: {  	v2 =	vmul.f32 v2, v4;
	_ =	sdelay $0x1  }
0x37: {  	[tilespmem:v5+s21+$0x0] =	vst.idx.msk $0xffff, v2  }
0x38: {  	v2 =	vld.idx.msk [tilespmem:v3+s21+$0x0], $0xffff;
	_ =	sdelay $0x2  }
0x39: {  	v5 =	vor.u32 $0x4, v1;
	_ =	sdelay $0x1  }
0x3a: {  	v2 =	vmul.f32 v2, v4;
	_ =	sdelay $0x1  }
0x3b: {  	[tilespmem:v3+s21+$0x0] =	vst.idx.msk $0xffff, v2  }
0x3c: {  	v2 =	vld.idx.msk [tilespmem:v5+s21+$0x0], $0xffff;
	_ =	sdelay $0x2  }
0x3d: {  	v3 =	vor.u32 $0x5, v1;
	_ =	sdelay $0x1  }
0x3e: {  	v2 =	vmul.f32 v2, v4;
	_ =	sdelay $0x1  }
0x3f: {  	[tilespmem:v5+s21+$0x0] =	vst.idx.msk $0xffff, v2  }
0x40: {  	v2 =	vld.idx.msk [tilespmem:v3+s21+$0x0], $0xffff;
	_ =	sdelay $0x2  }
0x41: {  	v5 =	vor.u32 $0x6, v1;
	_ =	sdelay $0x1  }
0x42: {  	v2 =	vmul.f32 v2, v4;
	_ =	sdelay $0x1  }
0x43: {  	[tilespmem:v3+s21+$0x0] =	vst.idx.msk $0xffff, v2  }
0x44: {  	v2 =	vld.idx.msk [tilespmem:v5+s21+$0x0], $0xffff;
	_ =	sdelay $0x2  }
0x45: {  	v3 =	vor.u32 $0x7, v1;
	_ =	sdelay $0x1  }
0x46: {  	v2 =	vmul.f32 v2, v4;
	_ =	sdelay $0x1  }
0x47: {  	[tilespmem:v5+s21+$0x0] =	vst.idx.msk $0xffff, v2  }
0x48: {  	v2 =	vld.idx.msk [tilespmem:v3+s21+$0x0], $0xffff;
	_ =	sdelay $0x2  }
0x49: {  	v5 =	vor.u32 $0x8, v1;
	_ =	sdelay $0x1  }
0x4a: {  	v2 =	vmul.f32 v2, v4;
	_ =	sdelay $0x1  }
0x4b: {  	[tilespmem:v3+s21+$0x0] =	vst.idx.msk $0xffff, v2  }
0x4c: {  	v2 =	vld.idx.msk [tilespmem:v5+s21+$0x0], $0xffff;
	_ =	sdelay $0x2  }
0x4d: {  	v3 =	vor.u32 $0x9, v1;
	_ =	sdelay $0x1  }
0x4e: {  	v2 =	vmul.f32 v2, v4;
	_ =	sdelay $0x1  }
0x4f: {  	[tilespmem:v5+s21+$0x0] =	vst.idx.msk $0xffff, v2  }
0x50: {  	v2 =	vld.idx.msk [tilespmem:v3+s21+$0x0], $0xffff;
	_ =	sdelay $0x2  }
0x51: {  	v5 =	vor.u32 $0xA, v1;
	_ =	sdelay $0x1  }
0x52: {  	v2 =	vmul.f32 v2, v4;
	_ =	sdelay $0x1  }
0x53: {  	[tilespmem:v3+s21+$0x0] =	vst.idx.msk $0xffff, v2  }
0x54: {  	v2 =	vld.idx.msk [tilespmem:v5+s21+$0x0], $0xffff;
	_ =	sdelay $0x2  }
0x55: {  	v3 =	vor.u32 $0xB, v1;
	_ =	sdelay $0x1  }
0x56: {  	v2 =	vmul.f32 v2, v4;
	_ =	sdelay $0x1  }
0x57: {  	[tilespmem:v5+s21+$0x0] =	vst.idx.msk $0xffff, v2  }
0x58: {  	v2 =	vld.idx.msk [tilespmem:v3+s21+$0x0], $0xffff;
	_ =	sdelay $0x2  }
0x59: {  	v5 =	vor.u32 $0xC, v1;
	_ =	sdelay $0x1  }
0x5a: {  	v2 =	vmul.f32 v2, v4;
	_ =	sdelay $0x1  }
0x5b: {  	[tilespmem:v3+s21+$0x0] =	vst.idx.msk $0xffff, v2  }
0x5c: {  	v2 =	vld.idx.msk [tilespmem:v5+s21+$0x0], $0xffff;
	_ =	sdelay $0x2  }
0x5d: {  	v3 =	vor.u32 $0xD, v1;
	_ =	sdelay $0x1  }
0x5e: {  	v2 =	vmul.f32 v2, v4;
	_ =	sdelay $0x1  }
0x5f: {  	[tilespmem:v5+s21+$0x0] =	vst.idx.msk $0xffff, v2  }
0x60: {  	v2 =	vld.idx.msk [tilespmem:v3+s21+$0x0], $0xffff;
	_ =	sdelay $0x2  }
0x61: {  	v5 =	vor.u32 $0xE, v1;
	_ =	sdelay $0x1  }
0x62: {  	v2 =	vmul.f32 v2, v4;
	_ =	sdelay $0x1  }
0x63: {  	[tilespmem:v3+s21+$0x0] =	vst.idx.msk $0xffff, v2  }
0x64: {  	v2 =	vld.idx.msk [tilespmem:v5+s21+$0x0], $0xffff;
	_ =	sdelay $0x2  }
0x65: {  	v3 =	vor.u32 $0xF, v1;
	_ =	sdelay $0x1  }
0x66: {  	v1 =	vmul.f32 v2, v4;
	_ =	sdelay $0x1  }
0x67: {  	[tilespmem:v5+s21+$0x0] =	vst.idx.msk $0xffff, v1  }
0x68: {  	s31 =	simm.s32 $0x10;
	v2 =	vld.idx.msk [tilespmem:v3+s21+$0x0], $0xffff  }
0x69: {  	v1 =	vmov s31  }
0x6a: {  	v1 =	vshll.u32 v1, $0x4  }
0x6b: {  	v1 =	vor.u32 v0, v1;
	_ =	sdelay $0x1  }
0x6c: {  	s24 =	simm.s32 $0x20;
	v2 =	vmul.f32 v2, v4  }
.LBB2_3:
0x6d: {  	p4 =	sne.s32 s24, $0x3F0  }
0x6e: {  	s23 =	sadd.s32 $0x10, s23;
	s25 =	smov.u32 s24;
	s24 =	sadd.s32 $0x10, s24;
	[tilespmem:v3+s21+$0x0] =	vst.idx.msk $0xffff, v2  }
0x6f: {  	v3 =	vld.idx.msk [tilespmem:v1+s21+$0x0], $0xffff  }
0x70: {  	v2 =	vld [tilespmem:s23+$0x0];
	_ =	sdelay $0x2  }
0x71: {  	v4 =	vor.u32 $0x1, v1;
	_ =	sdelay $0x1  }
0x72: {  	v3 =	vmul.f32 v3, v2;
	_ =	sdelay $0x1  }
0x73: {  	[tilespmem:v1+s21+$0x0] =	vst.idx.msk $0xffff, v3  }
0x74: {  	v3 =	vld.idx.msk [tilespmem:v4+s21+$0x0], $0xffff;
	_ =	sdelay $0x3  }
0x75: {  	v5 =	vor.u32 $0x2, v1;
	_ =	sdelay $0x1  }
0x76: {  	v3 =	vmul.f32 v3, v2;
	_ =	sdelay $0x1  }
0x77: {  	[tilespmem:v4+s21+$0x0] =	vst.idx.msk $0xffff, v3  }
0x78: {  	v3 =	vld.idx.msk [tilespmem:v5+s21+$0x0], $0xffff;
	_ =	sdelay $0x3  }
0x79: {  	v4 =	vor.u32 $0x3, v1;
	_ =	sdelay $0x1  }
0x7a: {  	v3 =	vmul.f32 v3, v2;
	_ =	sdelay $0x1  }
0x7b: {  	[tilespmem:v5+s21+$0x0] =	vst.idx.msk $0xffff, v3  }
0x7c: {  	v3 =	vld.idx.msk [tilespmem:v4+s21+$0x0], $0xffff;
	_ =	sdelay $0x3  }
0x7d: {  	v5 =	vor.u32 $0x4, v1;
	_ =	sdelay $0x1  }
0x7e: {  	v3 =	vmul.f32 v3, v2;
	_ =	sdelay $0x1  }
0x7f: {  	[tilespmem:v4+s21+$0x0] =	vst.idx.msk $0xffff, v3  }
0x80: {  	v3 =	vld.idx.msk [tilespmem:v5+s21+$0x0], $0xffff;
	_ =	sdelay $0x3  }
0x81: {  	v4 =	vor.u32 $0x5, v1;
	_ =	sdelay $0x1  }
0x82: {  	v3 =	vmul.f32 v3, v2;
	_ =	sdelay $0x1  }
0x83: {  	[tilespmem:v5+s21+$0x0] =	vst.idx.msk $0xffff, v3  }
0x84: {  	v3 =	vld.idx.msk [tilespmem:v4+s21+$0x0], $0xffff;
	_ =	sdelay $0x3  }
0x85: {  	v5 =	vor.u32 $0x6, v1;
	_ =	sdelay $0x1  }
0x86: {  	v3 =	vmul.f32 v3, v2;
	_ =	sdelay $0x1  }
0x87: {  	[tilespmem:v4+s21+$0x0] =	vst.idx.msk $0xffff, v3  }
0x88: {  	v3 =	vld.idx.msk [tilespmem:v5+s21+$0x0], $0xffff;
	_ =	sdelay $0x3  }
0x89: {  	v4 =	vor.u32 $0x7, v1;
	_ =	sdelay $0x1  }
0x8a: {  	v3 =	vmul.f32 v3, v2;
	_ =	sdelay $0x1  }
0x8b: {  	[tilespmem:v5+s21+$0x0] =	vst.idx.msk $0xffff, v3  }
0x8c: {  	v3 =	vld.idx.msk [tilespmem:v4+s21+$0x0], $0xffff;
	_ =	sdelay $0x3  }
0x8d: {  	v5 =	vor.u32 $0x8, v1;
	_ =	sdelay $0x1  }
0x8e: {  	v3 =	vmul.f32 v3, v2;
	_ =	sdelay $0x1  }
0x8f: {  	[tilespmem:v4+s21+$0x0] =	vst.idx.msk $0xffff, v3  }
0x90: {  	v3 =	vld.idx.msk [tilespmem:v5+s21+$0x0], $0xffff;
	_ =	sdelay $0x3  }
0x91: {  	v4 =	vor.u32 $0x9, v1;
	_ =	sdelay $0x1  }
0x92: {  	v3 =	vmul.f32 v3, v2;
	_ =	sdelay $0x1  }
0x93: {  	[tilespmem:v5+s21+$0x0] =	vst.idx.msk $0xffff, v3  }
0x94: {  	v3 =	vld.idx.msk [tilespmem:v4+s21+$0x0], $0xffff;
	_ =	sdelay $0x3  }
0x95: {  	v5 =	vor.u32 $0xA, v1;
	_ =	sdelay $0x1  }
0x96: {  	v3 =	vmul.f32 v3, v2;
	_ =	sdelay $0x1  }
0x97: {  	[tilespmem:v4+s21+$0x0] =	vst.idx.msk $0xffff, v3  }
0x98: {  	v3 =	vld.idx.msk [tilespmem:v5+s21+$0x0], $0xffff;
	_ =	sdelay $0x3  }
0x99: {  	v4 =	vor.u32 $0xB, v1;
	_ =	sdelay $0x1  }
0x9a: {  	v3 =	vmul.f32 v3, v2;
	_ =	sdelay $0x1  }
0x9b: {  	[tilespmem:v5+s21+$0x0] =	vst.idx.msk $0xffff, v3  }
0x9c: {  	v3 =	vld.idx.msk [tilespmem:v4+s21+$0x0], $0xffff;
	_ =	sdelay $0x3  }
0x9d: {  	v5 =	vor.u32 $0xC, v1;
	_ =	sdelay $0x1  }
0x9e: {  	v3 =	vmul.f32 v3, v2;
	_ =	sdelay $0x1  }
0x9f: {  	[tilespmem:v4+s21+$0x0] =	vst.idx.msk $0xffff, v3  }
0xa0: {  	v3 =	vld.idx.msk [tilespmem:v5+s21+$0x0], $0xffff;
	_ =	sdelay $0x3  }
0xa1: {  	v4 =	vor.u32 $0xD, v1;
	_ =	sdelay $0x1  }
0xa2: {  	v3 =	vmul.f32 v3, v2;
	_ =	sdelay $0x1  }
0xa3: {  	[tilespmem:v5+s21+$0x0] =	vst.idx.msk $0xffff, v3  }
0xa4: {  	v3 =	vld.idx.msk [tilespmem:v4+s21+$0x0], $0xffff;
	_ =	sdelay $0x3  }
0xa5: {  	v5 =	vor.u32 $0xE, v1;
	_ =	sdelay $0x1  }
0xa6: {  	v3 =	vmul.f32 v3, v2;
	_ =	sdelay $0x1  }
0xa7: {  	[tilespmem:v4+s21+$0x0] =	vst.idx.msk $0xffff, v3  }
0xa8: {  	v4 =	vld.idx.msk [tilespmem:v5+s21+$0x0], $0xffff;
	_ =	sdelay $0x3  }
0xa9: {  	v3 =	vor.u32 $0xF, v1;
	_ =	sdelay $0x1  }
0xaa: {  	v1 =	vmul.f32 v4, v2;
	_ =	sdelay $0x1  }
0xab: {  	[tilespmem:v5+s21+$0x0] =	vst.idx.msk $0xffff, v1  }
0xac: {  	v4 =	vld.idx.msk [tilespmem:v3+s21+$0x0], $0xffff;
	_ =	sdelay $0x1  }
.Ltmp0:
0xad: {  	v1 =	vmov s25;
	(pc) =	sbr.rel @p4 .LBB2_3-.Ltmp0, $3  }
0xae: {  	v1 =	vshll.u32 v1, $0x4  }
0xaf: {  	v1 =	vor.u32 v0, v1;
	_ =	sdelay $0x1  }
0xb0: {  	v2 =	vmul.f32 v4, v2  }
0xb1: {  	_ =	sdelay $0x3  }
0xb2: {  	[tilespmem:v3+s21+$0x0] =	vst.idx.msk $0xffff, v2  }
0xb3: {  	s23 =	sadd.s32 $0x10, s23;
	v2 =	vld.idx.msk [tilespmem:v1+s21+$0x0], $0xffff  }
0xb4: {  	v3 =	vld [tilespmem:s23+$0x0];
	_ =	sdelay $0x2  }
0xb5: {  	v4 =	vor.u32 $0x1, v1;
	_ =	sdelay $0x1  }
0xb6: {  	v2 =	vmul.f32 v2, v3;
	_ =	sdelay $0x1  }
0xb7: {  	[tilespmem:v1+s21+$0x0] =	vst.idx.msk $0xffff, v2  }
0xb8: {  	v2 =	vld.idx.msk [tilespmem:v4+s21+$0x0], $0xffff;
	_ =	sdelay $0x2  }
0xb9: {  	v5 =	vor.u32 $0x2, v1;
	_ =	sdelay $0x1  }
0xba: {  	v2 =	vmul.f32 v2, v3;
	_ =	sdelay $0x1  }
0xbb: {  	[tilespmem:v4+s21+$0x0] =	vst.idx.msk $0xffff, v2  }
0xbc: {  	v2 =	vld.idx.msk [tilespmem:v5+s21+$0x0], $0xffff;
	_ =	sdelay $0x2  }
0xbd: {  	v52 =	vor.u32 $0x3, v1;
	_ =	sdelay $0x1  }
0xbe: {  	v2 =	vmul.f32 v2, v3;
	_ =	sdelay $0x1  }
0xbf: {  	[tilespmem:v5+s21+$0x0] =	vst.idx.msk $0xffff, v2  }
0xc0: {  	v2 =	vld.idx.msk [tilespmem:v52+s21+$0x0], $0xffff;
	_ =	sdelay $0x2  }
0xc1: {  	v53 =	vor.u32 $0x4, v1;
	_ =	sdelay $0x1  }
0xc2: {  	v2 =	vmul.f32 v2, v3;
	_ =	sdelay $0x1  }
0xc3: {  	[tilespmem:v52+s21+$0x0] =	vst.idx.msk $0xffff, v2  }
0xc4: {  	v2 =	vld.idx.msk [tilespmem:v53+s21+$0x0], $0xffff;
	_ =	sdelay $0x2  }
0xc5: {  	v54 =	vor.u32 $0x5, v1;
	_ =	sdelay $0x1  }
0xc6: {  	v2 =	vmul.f32 v2, v3;
	_ =	sdelay $0x1  }
0xc7: {  	[tilespmem:v53+s21+$0x0] =	vst.idx.msk $0xffff, v2  }
0xc8: {  	v2 =	vld.idx.msk [tilespmem:v54+s21+$0x0], $0xffff;
	_ =	sdelay $0x2  }
0xc9: {  	v55 =	vor.u32 $0x6, v1;
	_ =	sdelay $0x1  }
0xca: {  	v2 =	vmul.f32 v2, v3;
	_ =	sdelay $0x1  }
0xcb: {  	[tilespmem:v54+s21+$0x0] =	vst.idx.msk $0xffff, v2  }
0xcc: {  	v2 =	vld.idx.msk [tilespmem:v55+s21+$0x0], $0xffff;
	_ =	sdelay $0x2  }
0xcd: {  	v56 =	vor.u32 $0x7, v1;
	_ =	sdelay $0x1  }
0xce: {  	v2 =	vmul.f32 v2, v3;
	_ =	sdelay $0x1  }
0xcf: {  	[tilespmem:v55+s21+$0x0] =	vst.idx.msk $0xffff, v2  }
0xd0: {  	v2 =	vld.idx.msk [tilespmem:v56+s21+$0x0], $0xffff;
	_ =	sdelay $0x2  }
0xd1: {  	v57 =	vor.u32 $0x8, v1;
	_ =	sdelay $0x1  }
0xd2: {  	v2 =	vmul.f32 v2, v3;
	_ =	sdelay $0x1  }
0xd3: {  	[tilespmem:v56+s21+$0x0] =	vst.idx.msk $0xffff, v2  }
0xd4: {  	v2 =	vld.idx.msk [tilespmem:v57+s21+$0x0], $0xffff;
	_ =	sdelay $0x2  }
0xd5: {  	v58 =	vor.u32 $0x9, v1;
	_ =	sdelay $0x1  }
0xd6: {  	v2 =	vmul.f32 v2, v3;
	_ =	sdelay $0x1  }
0xd7: {  	[tilespmem:v57+s21+$0x0] =	vst.idx.msk $0xffff, v2  }
0xd8: {  	v2 =	vld.idx.msk [tilespmem:v58+s21+$0x0], $0xffff;
	_ =	sdelay $0x2  }
0xd9: {  	v59 =	vor.u32 $0xA, v1;
	_ =	sdelay $0x1  }
0xda: {  	v2 =	vmul.f32 v2, v3;
	_ =	sdelay $0x1  }
0xdb: {  	[tilespmem:v58+s21+$0x0] =	vst.idx.msk $0xffff, v2  }
0xdc: {  	v2 =	vld.idx.msk [tilespmem:v59+s21+$0x0], $0xffff;
	_ =	sdelay $0x2  }
0xdd: {  	v60 =	vor.u32 $0xB, v1;
	_ =	sdelay $0x1  }
0xde: {  	v2 =	vmul.f32 v2, v3;
	_ =	sdelay $0x1  }
0xdf: {  	[tilespmem:v59+s21+$0x0] =	vst.idx.msk $0xffff, v2  }
0xe0: {  	v2 =	vld.idx.msk [tilespmem:v60+s21+$0x0], $0xffff;
	_ =	sdelay $0x2  }
0xe1: {  	v61 =	vor.u32 $0xC, v1;
	_ =	sdelay $0x1  }
0xe2: {  	v2 =	vmul.f32 v2, v3;
	_ =	sdelay $0x1  }
0xe3: {  	[tilespmem:v60+s21+$0x0] =	vst.idx.msk $0xffff, v2  }
0xe4: {  	v2 =	vld.idx.msk [tilespmem:v61+s21+$0x0], $0xffff;
	_ =	sdelay $0x2  }
0xe5: {  	v62 =	vor.u32 $0xD, v1;
	_ =	sdelay $0x1  }
0xe6: {  	v2 =	vmul.f32 v2, v3;
	_ =	sdelay $0x1  }
0xe7: {  	[tilespmem:v61+s21+$0x0] =	vst.idx.msk $0xffff, v2  }
0xe8: {  	v2 =	vld.idx.msk [tilespmem:v62+s21+$0x0], $0xffff;
	_ =	sdelay $0x2  }
0xe9: {  	v63 =	vor.u32 $0xE, v1;
	_ =	sdelay $0x1  }
0xea: {  	v2 =	vmul.f32 v2, v3;
	_ =	sdelay $0x1  }
0xeb: {  	[tilespmem:v62+s21+$0x0] =	vst.idx.msk $0xffff, v2  }
0xec: {  	v2 =	vld.idx.msk [tilespmem:v63+s21+$0x0], $0xffff;
	_ =	sdelay $0x2  }
0xed: {  	v1 =	vor.u32 $0xF, v1;
	_ =	sdelay $0x1  }
0xee: {  	v2 =	vmul.f32 v2, v3;
	_ =	sdelay $0x1  }
0xef: {  	[tilespmem:v63+s21+$0x0] =	vst.idx.msk $0xffff, v2  }
0xf0: {  	v2 =	vld.idx.msk [tilespmem:v1+s21+$0x0], $0xffff;
	_ =	sdelay $0x4  }
0xf1: {  	s22 =	sadd.s32 $0x1, s22;
	v2 =	vmul.f32 v2, v3  }
0xf2: {  	p4 =	sne.s32 s22, $0x19  }
.Ltmp1:
0xf3: {  	[tilespmem:v1+s21+$0x0] =	vst.idx.msk $0xffff, v2;
	(pc) =	sbr.rel @p4 .LBB2_2-.Ltmp1, $4  }
0xf4: {  	[spmem:s3] =	stream.indirect.scatter.add.f32 [tilespmem:s21], [sflag:$0x1], $0x10, s20, s20, $0xb8;
	[tilespmem:$0x10F80] =	vst v63  }
0xf5: {  	_ =	swait.ge [sflag:s19], $0x4000  }
0xf6: {  	[sflag:s19] =	ssyncset.done $0x0  }
0xf7: {  	[sflag:s19] =	ssyncadd.s32 $0xFFFFC000  }
0xf8: {  	[bflag:$0x0] =	sbarrier.arrive $0xFFFF;
	s22 =	sadd.s32 @!p0 $0x16E90, s16;
	s23 =	sshrl.u32 @!p0 s15, $0x3  }
0xf9: {  	[hbm:s22], [sflag:s11] =	dma.local @!p0 [spmem:s23], $0x1810  }
0xfa: {  	s22 =	simm.s32 @!p0 $0x1  }
0xfb: {  	_ =	swait.ge @!p0 [sflag:s22], $0x1810  }
0xfc: {  	[sflag:s22] =	ssyncset.done @!p0 $0x0  }
0xfd: {  	s23 =	sshrl.u32 @!p1 s9, $0x3;
	[sflag:s22] =	ssyncadd.s32 @!p0 $0xFFFFE7F0;
	s22 =	sadd.s32 @!p1 s7, s16  }
0xfe: {  	[hbm:s22], [sflag:s11] =	dma.local @!p1 [spmem:s23], $0x1870  }
0xff: {  	s22 =	simm.s32 @!p1 $0x1  }
0x100: {  	_ =	swait.ge @!p1 [sflag:s22], $0x1870  }
0x101: {  	[sflag:s22] =	ssyncset.done @!p1 $0x0  }
0x102: {  	[sflag:s22] =	ssyncadd.s32 @!p1 $0xFFFFE790;
	s22 =	sshrl.u32 @!p2 s15, $0x3  }
0x103: {  	[hbm:s14], [sflag:s11] =	dma.local @!p2 [spmem:s22], $0x1810  }
0x104: {  	s22 =	simm.s32 @!p2 $0x1  }
0x105: {  	_ =	swait.ge @!p2 [sflag:s22], $0x1810  }
0x106: {  	s4 =	sadd.s32 $0x1, s4;
	[sflag:s22] =	ssyncset.done @!p2 $0x0  }
0x107: {  	p4 =	sne.s32 s4, s17;
	[sflag:s22] =	ssyncadd.s32 @!p2 $0xFFFFE7F0;
	s22 =	sshrl.u32 @!p3 s9, $0x3  }
0x108: {  	[hbm:s13], [sflag:s11] =	dma.local @!p3 [spmem:s22], $0x1870  }
.Ltmp2:
0x109: {  	_ = 	snop;
	(pc) =	sbr.rel @p4 .LBB2_1-.Ltmp2, $4  }
0x10a: {  	s22 =	simm.s32 @!p3 $0x1  }
0x10b: {  	_ =	swait.ge @!p3 [sflag:s22], $0x1870  }
0x10c: {  	[sflag:s22] =	ssyncset.done @!p3 $0x0  }
0x10d: {  	[sflag:s22] =	ssyncadd.s32 @!p3 $0xFFFFE790  }
0x10e: {  	_ =	sfence.sel $0x180000  }
0x10f: {  	[bflag:$0x0] =	sbarrier.arrive $0xFFFF  }
0x110: {  	p0 =	sne.s32 s2, $0x0;
	_ =	strace $0x90000047  }
0x111: {  	s0 =	sadd.s32 @!p0 $0x100000, s0;
	[bflag:$0x2] =	sbarrier.arrive $0xFFFF  }
0x112: {  	[sflag:s0] =	ssyncadd.tile.s32 @!p0 $0x1;
	_ =	shalt  }
.Lfunc_end2:
_tile_overlayer_lowered:
.L_overlay_start_2:
0x113: {  	(tag) =	ssettag $0x2  }
0x114: {  	s0 =	rddreg [dreg:$0x0];
	s2 =	stileid.u32  }
0x115: {  	s1 =	rddreg [dreg:$0x1];
	p0 =	sne.s32 s2, $0x0  }
0x116: {  	s3 =	rddreg [dreg:$0x2];
	[bflag:$0x3] =	sbarrier.arrive $0xFFFF;
	s2 =	simm.s32 @!p0 $0x1C01  }
0x117: {  	[timem:s3], [sflag:s2] =	dma.local @!p0 [hbm:s0], s1  }
0x118: {  	s0 =	simm.s32 @!p0 $0x1  }
0x119: {  	_ =	swait.ge @!p0 [sflag:s0], s1  }
0x11a: {  	s1 =	ssub.s32 @!p0 $0x0, s1;
	[sflag:s0] =	ssyncset.done @!p0 $0x0  }
0x11b: {  	[sflag:s0] =	ssyncadd.s32 @!p0 s1  }
0x11c: {  	[bflag:$0x3] =	sbarrier.arrive $0xFFFF  }
0x11d: {  	_ =	shalt  }

// kernel: sparse-core-data-format-call.1.cloned.1.call-start
scs
called_computation.1_lowered:
.L_overlay_start_0:
0x0: {  	s2 =	sld [smem:$0x3FD9]  }
0x1: {  	s3 =	sld [smem:$0x3FFE];
	_ =	sdelay $0x1  }
0x2: {  	s1 =	srdreg.scid  }
0x3: {  	s0 =	sand.u32 $0x1, s1  }
0x4: {  	s15 =	sshll.u32 s0, $0xA;
	s2 =	sadd.s32 s3, s2  }
0x5: {  	s2 =	sadd.s32 s2, s15  }
0x6: {  	[smem:$0x3FB9] =	sst s2  }
0x7: {  	_ = 	snop  }
0x8: {  	s2 =	sld [smem:$0x3FD0];
	_ =	sdelay $0x2  }
0x9: {  	s16 =	simm.s32 $0xA;
	s4 =	simm.s32 $0x10  }
0xa: {  	[smem:s4], [sflag:s16] =	dma.local [hbm:s2], $0x1  }
0xb: {  	_ =	swait.eq [sflag:s16], $0x1  }
0xc: {  	[sflag:s16] =	ssyncset.done $0x0  }
0xd: {  	[sflag:s16] =	ssyncadd.s32 $0xFFFFFFFF  }
0xe: {  	s17 =	sld [smem:$0x12];
	(tm) =	ssettm $0x1  }
0xf: {  	s18 =	sld [smem:$0x3FFB];
	_ =	sdelay $0x3  }
0x10: {  	_ =	strace s18  }
0x11: {  	s3 =	sld [smem:$0x3FFC];
	_ =	sdelay $0x3  }
0x12: {  	_ =	strace s3  }
0x13: {  	s3 =	sld [smem:$0x3FFD];
	_ =	sdelay $0x3  }
0x14: {  	_ =	strace s3  }
0x15: {  	_ =	strace $0x8FFFFFFF  }
0x16: {  	s19 =	sld [smem:$0x3FDB];
	_ =	sdelay $0x1  }
0x17: {  	s20 =	simm.s32 $_scs_section_size  }
0x18: {  	s5 =	simm.s32 $_size__tile_overlayer_lowered;
	s6 =	simm.s32 $_tile_overlayer_lowered  }
0x19: {  	s23 =	simm.s32 $0x1BFF;
	s22 =	sshll.u32 s6, $0x1;
	s3 =	sadd.s32 s20, s19  }
0x1a: {  	s7 =	simm.s32 $0x0;
	s21 =	sshll.u32 s5, $0x1;
	s5 =	sadd.s32 s22, s3  }
0x1b: {  	[timem:s7], [sflag:s23] =	dma.local [hbm:s5], s21  }
0x1c: {  	_ =	swait.ge [sflag:s23], s21  }
0x1d: {  	s4 =	ssub.s32 $0x0, s21;
	[sflag:s23] =	ssyncset.done $0x0  }
0x1e: {  	[sflag:s23] =	ssyncadd.s32 s4;
	_ =	sdelay $0x1  }
0x1f: {  	s24 =	simm.s32 $0x1B8B  }
0x20: {  	_ =	swait.ge [sflag:s24], $0x1  }
0x21: {  	[sflag:s24] =	ssyncset.done $0x0  }
0x22: {  	s26 =	simm.s32 $0x1B8E;
	s25 =	sld [smem:$0x3FFE];
	[sflag:s24] =	ssyncadd.s32 $0xFFFFFFFF  }
0x23: {  	s27 =	simm.s32 $execute0_lowered;
	[smem:$0x3FD2] =	sst s26  }
0x24: {  	s5 =	sshll.u32 s27, $0x1;
	_ =	strace $0x80000052;
	[dreg:$0x1] =	wrdreg $0xFFFFFFFF  }
0x25: {  	s28 =	simm.s32 $_size_execute0_lowered;
	s3 =	sadd.s32 s3, s5;
	[dreg:$0x0] =	wrdreg $0x0  }
0x26: {  	s5 =	sshll.u32 s28, $0x1;
	[dreg:$0x2] =	wrdreg s3  }
0x27: {  	[dreg:$0x3] =	wrdreg s5  }
0x28: {  	[dreg:$0x4] =	wrdreg $0xC0  }
0x29: {  	_ =	task [dreg:s7], $0x5FFFF  }
0x2a: {  	[dreg:$0x1] =	wrdreg $0xFFFFFFFF  }
0x2b: {  	[dreg:$0x0] =	wrdreg $0x60  }
0x2c: {  	[dreg:$0x2] =	wrdreg s25  }
0x2d: {  	[dreg:$0x3] =	wrdreg s17  }
0x2e: {  	[dreg:$0x4] =	wrdreg $0x9  }
0x2f: {  	_ =	task.clear_ibuf [dreg:s7], $0x5FFFF;
	_ =	strace $0x90000052  }
0x30: {  	s29 =	simm.s32 $0x9;
	_ =	strace $0x80000054  }
0x31: {  	_ =	swait.ge [sflag:s29], $0x1  }
0x32: {  	[sflag:s29] =	ssyncadd.s32 $0xFFFFFFFF  }
0x33: {  	_ =	strace $0x90000054  }
0x34: {  	_ =	sfence  }
0x35: {  	s30 =	sld [smem:$0x0];
	_ =	sdelay $0x2  }
0x36: {  	s31 =	sshll.u32 s1, $0xD;
	s1 =	sshrl.u32 s1, $0x2  }
0x37: {  	s3 =	sand.u32 $0x4000, s31;
	s1 =	sadd.s32 s1, s30  }
0x38: {  	s0 =	sor.u32 s3, s0;
	s1 =	sshll.u32 s1, $0x11  }
0x39: {  	s0 =	sor.u32 s1, s0  }
0x3a: {  	s0 =	sadd.s32 $0x8F2B, s0  }
0x3b: {  	[sflag:s0] =	ssyncadd.remote.s32 $0x1  }
0x3c: {  	_ =	sfence.sel $0xFFFF  }
0x3d: {  	[dreg:$0x0] =	wrdreg $0xFFFFFFFF;
	(pc) =	sbr.abs _section_cstart, $3  }
0x3e: {  	[dreg:$0x1] =	wrdreg $0xFFFFFFFF  }
0x3f: {  	_ =	task.clear_ibuf [dreg:s7], $0x2FFFF;
	_ =	strace $0x9FFFFFFF  }
0x40: {  	(tm) =	ssettm $0x7FFFFFFF  }
0x41: {  	_ =	shalt  }
tec
execute0_lowered:
.L_overlay_start_1:
0x0: {  	(tag) =	ssettag $0x1  }
0x1: {  	s2 =	rddreg [dreg:$0x0]  }
0x2: {  	s1 =	rddreg [dreg:$0x1];
	s3 =	srdreg.scid  }
0x3: {  	s0 =	rddreg [dreg:$0x2];
	_ =	strace $0x80000053;
	s5 =	simm.s32 $0x1  }
0x4: {  	s7 =	simm.s32 $0x2;
	s13 =	simm.s32 $0x0;
	p0 =	por $0x0, $0x0  }
.Ltmp0:
0x5: {  	s8 =	simm.s32 $0x186C00;
	s3 =	sshll.u32 s3, $0x7;
	(pc) =	sbr.rel .LBB1_1-.Ltmp0, $4  }
0x6: {  	s12 =	simm.s32 $0x0;
	s10 =	stileid.u32;
	s3 =	sand.u32 $0x80, s3  }
0x7: {  	s11 =	simm.s32 $0x0;
	s4 =	sadd.s32 $0x2B1800, s2;
	s31 =	ssub.s32 $0x30D00, s3  }
0x8: {  	[sflag:s5] =	ssyncpa.u1 $0x0;
	s2 =	stileid.u32;
	s6 =	sshrl.u32 s31, $0x8  }
0x9: {  	[sflag:s7] =	ssyncpa.u1 $0x0;
	s9 =	smov.u32 s3;
	s7 =	sor.u32 $0x2, s6  }
.LBB1_5:
0xa: {  	s14 =	sadd.s32 $0x100, s9  }
0xb: {  	s12 =	sadd.s32 $0x10, s10;
	s16 =	smov.u32 s10;
	p2 =	sgt.s32 s14, $0x30D3F  }
0xc: {  	s16 =	smov.u32 @p2 s12  }
0xd: {  	s14 =	smov.u32 @p2 s3;
	p2 =	sgt.s32 s16, $0xF  }
0xe: {  	s16 =	smov.u32 @p2 s2;
	p2 =	sne.s32 s11, s7  }
.Ltmp1:
0xf: {  	p1 =	slt.u32 s11, $0x2;
	(pc) =	sbr.rel @!p2 .LBB1_6-.Ltmp1, $4  }
0x10: {  	s15 =	simm.s32 @!p1 $0x2  }
0x11: {  	s13 =	smov.u32 s9;
	p0 =	por !p0, !p0;
	_ =	swait.ge @!p1 [sflag:s15], $0x800  }
0x12: {  	s12 =	smov.u32 s10;
	[sflag:s15] =	ssyncset.done @!p1 $0x0;
	s9 =	smov.u32 s14  }
0x13: {  	s11 =	sadd.s32 $0x1, s11;
	[sflag:s15] =	ssyncadd.s32 @!p1 $0xFFFFF800;
	s10 =	smov.u32 s16  }
.LBB1_1:
0x14: {  	p1 =	sgt.u32 s11, s6  }
0x15: {  	s16 =	smov.u32 s10;
	s18 =	smov.u32 s9;
	p2 =	sgt.s32 @!p1 s10, $0xF  }
0x16: {  	s14 =	sand.u32 @!p1 $0x1FFFFFF, s9;
	s17 =	sshra.s32 @!p1 s10, $0x1F;
	p2 =	por !p2, p1  }
0x17: {  	s19 =	sshra.s32 @!p1 s9, $0x1F;
	s16 =	simm.s32 @p2 $0xF;
	p2 =	sgt.s32 @!p1 s9, $0x30CC0  }
0x18: {  	s15 =	smulhi.u32 @!p1 $0x14F8B59, s14;
	s17 =	sand.u32 @!p1 s17, s10;
	p2 =	por !p2, p1  }
0x19: {  	s16 =	ssub.s32 @!p1 s16, s17;
	s17 =	sand.u32 @!p1 s19, s9;
	s18 =	simm.s32 @p2 $0x30CC0  }
0x1a: {  	s16 =	sadd.s32 @!p1 $0xFFFFFFF1, s16;
	s17 =	ssub.s32 @!p1 s18, s17  }
0x1b: {  	s15 =	sshrl.u32 @!p1 s15, $0xA;
	p2 =	sgt.s32 @!p1 s16, $0x0;
	s18 =	sadd.s32 @!p1 $0xFFFCF340, s17  }
0x1c: {  	s16 =	sshll.u32 @!p1 s16, $0x4;
	s17 =	ssub.s32 @!p1 $0x30D40, s17;
	p3 =	sgt.s32 @!p1 s18, $0x7F  }
0x1d: {  	s16 =	ssub.s32 @!p1 $0x10, s16;
	p2 =	por !p2, p1;
	p3 =	por !p3, p1  }
0x1e: {  	s15 =	smul.u32 @!p1 $0x30D40, s15;
	s16 =	simm.s32 @!p2 $0x0;
	s17 =	simm.s32 @!p3 $0x0  }
0x1f: {  	s18 =	sxor.u32 @!p1 $0xFFFFFFFF, s11;
	s16 =	smul.u32 @!p1 s17, s16  }
0x20: {  	s14 =	ssub.s32 @!p1 s14, s15;
	s17 =	sshll.u32 @!p1 s18, $0xB;
	s18 =	smul.u32 @!p1 $0x30D400, s10  }
0x21: {  	s14 =	sshll.u32 @!p1 s14, $0x4  }
0x22: {  	s17 =	sand.u32 @!p1 $0x800, s17;
	s15 =	sand.u32 @!p1 $0x3FFFFFF0, s16;
	s16 =	sadd.s32 @!p1 s4, s18  }
0x23: {  	s18 =	simm.s32 @!p1 $0x80;
	s14 =	sadd.s32 @!p1 s14, s16;
	s16 =	simm.s32 @!p1 $0x10  }
0x24: {  	[tilespmem:s17], [sflag:$0x1] =	stream.strided.gather @!p1 [hbm4b:s14+s16], s15, s18, s16, $0x38;
	[tilespmem:$0x2020] =	vst v63  }
0x25: {  	p1 =	seq.s32 s11, $0x0  }
0x26: {  	p2 =	sge.u32 @!p1 s11, s7  }
0x27: {  	p1 =	por p1, p2  }
.Ltmp2:
0x28: {  	_ = 	snop;
	(pc) =	sbr.rel @p1 .LBB1_5-.Ltmp2, $1  }
0x29: {  	_ =	sdelay $0x3  }
0x2a: {  	p1 =	sgt.s32 s12, $0xF;
	s14 =	smov.u32 s12  }
0x2b: {  	s15 =	sshra.s32 s12, $0x1F;
	s16 =	smov.u32 s13;
	s17 =	sshra.s32 s13, $0x1F  }
0x2c: {  	s14 =	simm.s32 @!p1 $0xF;
	s15 =	sand.u32 s15, s12;
	p1 =	sgt.s32 s13, $0x30CC0  }
0x2d: {  	s27 =	sand.u32 s17, s13;
	s14 =	ssub.s32 s14, s15;
	s16 =	simm.s32 @!p1 $0x30CC0  }
0x2e: {  	s14 =	sadd.s32 $0xFFFFFFF1, s14;
	s15 =	ssub.s32 s16, s27  }
0x2f: {  	p1 =	sgt.s32 s14, $0x0;
	s16 =	sadd.s32 $0xFFFCF340, s15;
	s14 =	sshll.u32 s14, $0x4  }
0x30: {  	s15 =	ssub.s32 $0x30D40, s15;
	p2 =	sgt.s32 s16, $0x7F;
	s14 =	ssub.s32 $0x10, s14  }
0x31: {  	s15 =	simm.s32 @p2 $0x0;
	s14 =	simm.s32 @p1 $0x0  }
0x32: {  	s14 =	smul.u32 s15, s14;
	_ =	sdelay $0x1  }
0x33: {  	s15 =	simm.s32 $0x1;
	s14 =	sand.u32 $0x3FFFFFF0, s14  }
0x34: {  	s15 =	simm.s32 @!p0 $0x0;
	_ =	swait.ge [sflag:s5], s14  }
0x35: {  	s28 =	sshll.u32 s15, $0xB;
	s14 =	ssub.s32 $0x0, s14;
	[sflag:s5] =	ssyncset.done $0x0  }
0x36: {  	s29 =	sor.u32 $0x40, s28;
	[sflag:s5] =	ssyncadd.s32 s14  }
0x37: {  	v1 =	vld [tilespmem:s29+$0x30]  }
0x38: {  	s30 =	smul.u32 $0x2040, s15;
	v3 =	vld [tilespmem:s29+$0xFFFFFFD0]  }
0x39: {  	v5 =	vld [tilespmem:s29+$0xFFFFFFE0]  }
0x3a: {  	s31 =	sand.u32 $0x1, s11;
	s14 =	sshrl.u32 s30, $0x2;
	v4 =	vld [tilespmem:s29+$0xFFFFFFF0]  }
0x3b: {  	s15 =	smul.u32 $0x2040, s31;
	s14 =	sor.u32 $0x1007, s14;
	v2 =	vld [tilespmem:s29+$0x0]  }
0x3c: {  	v0 =	vld [tilespmem:s29+$0x10];
	[tilespmem:s14+$0x0 ss:$0x81] =	vst.msk $0xffff, v1  }
0x3d: {  	s15 =	sshrl.u32 s15, $0x2;
	[tilespmem:s14+$0xFFFFFFFA ss:$0x81] =	vst.msk $0xffff, v3;
	v3 =	vld [tilespmem:s29+$0x20]  }
0x3e: {  	s16 =	simm.s32 $0x0;
	s17 =	sadd.s32 $0x80, s29;
	s15 =	sor.u32 $0x1000, s15;
	v1 =	vld [tilespmem:s29+$0xFFFFFFC0];
	[tilespmem:s14+$0xFFFFFFFB ss:$0x81] =	vst.msk $0xffff, v5  }
.LBB1_3:
0x3f: {  	v5 =	vld [tilespmem:s17+$0x30];
	s16 =	sadd.s32 $0x8, s16;
	[tilespmem:s14+$0xFFFFFFFC ss:$0x81] =	vst.msk $0xffff, v4  }
0x40: {  	v6 =	vld [tilespmem:s17+$0xFFFFFFD0];
	p1 =	slt.u32 s16, $0x78;
	[tilespmem:s14+$0xFFFFFFFD ss:$0x81] =	vst.msk $0xffff, v2  }
0x41: {  	v7 =	vld [tilespmem:s17+$0xFFFFFFE0];
	[tilespmem:s14+$0xFFFFFFFE ss:$0x81] =	vst.msk $0xffff, v0  }
.Ltmp3:
0x42: {  	v4 =	vld [tilespmem:s17+$0xFFFFFFF0];
	[tilespmem:s14+$0xFFFFFFFF ss:$0x81] =	vst.msk $0xffff, v3;
	(pc) =	sbr.rel @p1 .LBB1_3-.Ltmp3, $4  }
0x43: {  	v2 =	vld [tilespmem:s17+$0x0];
	[tilespmem:s14+$0xFFFFFFF9 ss:$0x81] =	vst.msk $0xffff, v1;
	s14 =	sadd.s32 $0x8, s14  }
0x44: {  	v0 =	vld [tilespmem:s17+$0x10];
	[tilespmem:s14+$0x0 ss:$0x81] =	vst.msk $0xffff, v5  }
0x45: {  	[tilespmem:s14+$0xFFFFFFFA ss:$0x81] =	vst.msk $0xffff, v6;
	v3 =	vld [tilespmem:s17+$0x20]  }
0x46: {  	v1 =	vld [tilespmem:s17+$0xFFFFFFC0];
	[tilespmem:s14+$0xFFFFFFFB ss:$0x81] =	vst.msk $0xffff, v7;
	s17 =	sadd.s32 $0x80, s17  }
0x47: {  	s16 =	sshll.u32 s13, $0x3  }
0x48: {  	s16 =	sand.u32 $0xFFFFFC00, s16  }
0x49: {  	s17 =	sshrl.u32 s16, $0x7  }
0x4a: {  	s17 =	smulhi.u32 $0xA7B7EF, s17;
	_ =	sdelay $0x1  }
0x4b: {  	s12 =	smul.u32 $0x61B00, s12;
	s17 =	sshrl.u32 s17, $0x2  }
0x4c: {  	s27 =	sand.u32 $0x7F, s13;
	s18 =	smul.u32 $0x30D80, s17;
	s28 =	sand.u32 $0xF, s17  }
0x4d: {  	[tilespmem:s14+$0xFFFFFFFC ss:$0x81] =	vst.msk $0xffff, v4;
	s13 =	sor.u32 s27, s16;
	s16 =	smul.u32 $0x61B0, s28  }
.Ltmp4:
0x4e: {  	[tilespmem:s14+$0xFFFFFFFD ss:$0x81] =	vst.msk $0xffff, v2;
	s13 =	ssub.s32 s13, s18;
	(pc) =	sbr.rel .LBB1_5-.Ltmp4, $4  }
0x4f: {  	[tilespmem:s14+$0xFFFFFFFE ss:$0x81] =	vst.msk $0xffff, v0;
	s12 =	sadd.s32 s1, s12;
	s29 =	sand.u32 $0x7, s13  }
0x50: {  	[tilespmem:s14+$0xFFFFFFFF ss:$0x81] =	vst.msk $0xffff, v3;
	s12 =	sadd.s32 s16, s12;
	s13 =	sshrl.u32 s13, $0x3;
	s30 =	sshll.u32 s29, $0x12  }
0x51: {  	[tilespmem:s14+$0xFFFFFFF9 ss:$0x81] =	vst.msk $0xffff, v1;
	s12 =	sadd.s32 s13, s12;
	s31 =	sor.u32 $0x400, s30  }
0x52: {  	[hbm4b:s12+s31] =	stream.strided.scatter [tilespmem:s15], [sflag:$0x2], $0x800, s8, s31, $0x20;
	[tilespmem:$0x2020] =	vst v63  }
.LBB1_6:
0x53: {  	_ =	sfence.sel $0x180000  }
0x54: {  	s1 =	simm.s32 $0x1;
	[bflag:$0x0] =	sbarrier.arrive $0xFFFF  }
0x55: {  	s31 =	simm.s32 $0x2;
	[sflag:s1] =	ssyncpa.u1 $0x1  }
0x56: {  	[sflag:s31] =	ssyncpa.u1 $0x1  }
0x57: {  	p0 =	sne.s32 s2, $0x0;
	_ =	strace $0x90000053  }
0x58: {  	s0 =	sadd.s32 @!p0 $0x100000, s0;
	[bflag:$0x2] =	sbarrier.arrive $0xFFFF  }
0x59: {  	[sflag:s0] =	ssyncadd.tile.s32 @!p0 $0x1;
	_ =	shalt  }
.Lfunc_end1:
_tile_overlayer_lowered:
.L_overlay_start_2:
0x5a: {  	(tag) =	ssettag $0x2  }
0x5b: {  	s0 =	rddreg [dreg:$0x0];
	s2 =	stileid.u32  }
0x5c: {  	s1 =	rddreg [dreg:$0x1];
	p0 =	sne.s32 s2, $0x0  }
0x5d: {  	s3 =	rddreg [dreg:$0x2];
	[bflag:$0x3] =	sbarrier.arrive $0xFFFF;
	s2 =	simm.s32 @!p0 $0x1C01  }
0x5e: {  	[timem:s3], [sflag:s2] =	dma.local @!p0 [hbm:s0], s1  }
0x5f: {  	s0 =	simm.s32 @!p0 $0x1  }
0x60: {  	_ =	swait.ge @!p0 [sflag:s0], s1  }
0x61: {  	s1 =	ssub.s32 @!p0 $0x0, s1;
	[sflag:s0] =	ssyncset.done @!p0 $0x0  }
0x62: {  	[sflag:s0] =	ssyncadd.s32 @!p0 s1  }
0x63: {  	[bflag:$0x3] =	sbarrier.arrive $0xFFFF  }
0x64: {  	_ =	shalt  }

// kernel: sparse-core-data-format-call.2.cloned.1.call-start
scs
called_computation.2_lowered:
.L_overlay_start_0:
0x0: {  	s2 =	sld [smem:$0x3FD9]  }
0x1: {  	s3 =	sld [smem:$0x3FFE];
	_ =	sdelay $0x1  }
0x2: {  	s1 =	srdreg.scid  }
0x3: {  	s0 =	sand.u32 $0x1, s1  }
0x4: {  	s16 =	sshll.u32 s0, $0xA;
	s2 =	sadd.s32 s3, s2  }
0x5: {  	s2 =	sadd.s32 s2, s16  }
0x6: {  	[smem:$0x3FB9] =	sst s2  }
0x7: {  	_ = 	snop  }
0x8: {  	s2 =	sld [smem:$0x3FD0];
	_ =	sdelay $0x2  }
0x9: {  	s17 =	simm.s32 $0xA;
	s4 =	simm.s32 $0x10  }
0xa: {  	[smem:s4], [sflag:s17] =	dma.local [hbm:s2], $0x1  }
0xb: {  	_ =	swait.eq [sflag:s17], $0x1  }
0xc: {  	[sflag:s17] =	ssyncset.done $0x0  }
0xd: {  	s18 =	sld [smem:$0x12];
	[sflag:s17] =	ssyncadd.s32 $0xFFFFFFFF  }
0xe: {  	s19 =	sld [smem:$0x13];
	(tm) =	ssettm $0x1  }
0xf: {  	s20 =	sld [smem:$0x3FFB];
	_ =	sdelay $0x3  }
0x10: {  	_ =	strace s20  }
0x11: {  	s4 =	sld [smem:$0x3FFC];
	_ =	sdelay $0x3  }
0x12: {  	_ =	strace s4  }
0x13: {  	s4 =	sld [smem:$0x3FFD];
	_ =	sdelay $0x3  }
0x14: {  	_ =	strace s4  }
0x15: {  	_ =	strace $0x8FFFFFFF  }
0x16: {  	s21 =	sld [smem:$0x3FDB];
	_ =	sdelay $0x1  }
0x17: {  	s5 =	simm.s32 $_scs_section_size  }
0x18: {  	s6 =	simm.s32 $_size__tile_overlayer_lowered;
	s7 =	simm.s32 $_tile_overlayer_lowered  }
0x19: {  	s24 =	simm.s32 $0x1BFF;
	s23 =	sshll.u32 s7, $0x1;
	s4 =	sadd.s32 s5, s21  }
0x1a: {  	s8 =	simm.s32 $0x0;
	s22 =	sshll.u32 s6, $0x1;
	s6 =	sadd.s32 s23, s4  }
0x1b: {  	[timem:s8], [sflag:s24] =	dma.local [hbm:s6], s22  }
0x1c: {  	_ =	swait.ge [sflag:s24], s22  }
0x1d: {  	s5 =	ssub.s32 $0x0, s22;
	[sflag:s24] =	ssyncset.done $0x0  }
0x1e: {  	[sflag:s24] =	ssyncadd.s32 s5;
	_ =	sdelay $0x1  }
0x1f: {  	s25 =	simm.s32 $0x1B8B  }
0x20: {  	_ =	swait.ge [sflag:s25], $0x1  }
0x21: {  	[sflag:s25] =	ssyncset.done $0x0  }
0x22: {  	s26 =	simm.s32 $0x1B8E;
	[sflag:s25] =	ssyncadd.s32 $0xFFFFFFFF  }
0x23: {  	s27 =	simm.s32 $execute0_lowered;
	[smem:$0x3FD2] =	sst s26  }
0x24: {  	s5 =	sshll.u32 s27, $0x1;
	_ =	strace $0x8000004C;
	[dreg:$0x1] =	wrdreg $0xFFFFFFFF  }
0x25: {  	s28 =	simm.s32 $_size_execute0_lowered;
	s4 =	sadd.s32 s4, s5;
	[dreg:$0x0] =	wrdreg $0x0  }
0x26: {  	s5 =	sshll.u32 s28, $0x1;
	[dreg:$0x2] =	wrdreg s4  }
0x27: {  	[dreg:$0x3] =	wrdreg s5  }
0x28: {  	[dreg:$0x4] =	wrdreg $0xC0  }
0x29: {  	_ =	task [dreg:s8], $0x5FFFF  }
0x2a: {  	[dreg:$0x1] =	wrdreg $0xFFFFFFFF  }
0x2b: {  	[dreg:$0x0] =	wrdreg $0x60  }
0x2c: {  	[dreg:$0x2] =	wrdreg s19  }
0x2d: {  	[dreg:$0x3] =	wrdreg s18  }
0x2e: {  	[dreg:$0x4] =	wrdreg $0x9  }
0x2f: {  	_ =	task.clear_ibuf [dreg:s8], $0x5FFFF;
	_ =	strace $0x9000004C  }
0x30: {  	s29 =	simm.s32 $0x9;
	_ =	strace $0x8000004E  }
0x31: {  	_ =	swait.ge [sflag:s29], $0x1  }
0x32: {  	[sflag:s29] =	ssyncadd.s32 $0xFFFFFFFF  }
0x33: {  	_ =	strace $0x9000004E  }
0x34: {  	_ =	sfence  }
0x35: {  	s30 =	sld [smem:$0x0];
	_ =	sdelay $0x2  }
0x36: {  	s31 =	sshll.u32 s1, $0xD;
	s1 =	sshrl.u32 s1, $0x2  }
0x37: {  	s3 =	sand.u32 $0x4000, s31;
	s1 =	sadd.s32 s1, s30  }
0x38: {  	s0 =	sor.u32 s3, s0;
	s1 =	sshll.u32 s1, $0x11  }
0x39: {  	s0 =	sor.u32 s1, s0  }
0x3a: {  	s0 =	sadd.s32 $0x8F2B, s0  }
0x3b: {  	[sflag:s0] =	ssyncadd.remote.s32 $0x1  }
0x3c: {  	_ =	sfence.sel $0xFFFF  }
0x3d: {  	[dreg:$0x0] =	wrdreg $0xFFFFFFFF;
	(pc) =	sbr.abs _section_cstart, $3  }
0x3e: {  	[dreg:$0x1] =	wrdreg $0xFFFFFFFF  }
0x3f: {  	_ =	task.clear_ibuf [dreg:s8], $0x2FFFF;
	_ =	strace $0x9FFFFFFF  }
0x40: {  	(tm) =	ssettm $0x7FFFFFFF  }
0x41: {  	_ =	shalt  }
tec
execute0_lowered:
.L_overlay_start_1:
0x0: {  	(tag) =	ssettag $0x1  }
0x1: {  	s1 =	rddreg [dreg:$0x0]  }
0x2: {  	s2 =	rddreg [dreg:$0x1]  }
0x3: {  	s3 =	srdreg.scid;
	s0 =	rddreg [dreg:$0x2]  }
0x4: {  	_ =	strace $0x8000004D;
	s5 =	simm.s32 $0x1;
	s6 =	simm.s32 $0x2  }
0x5: {  	s16 =	simm.s32 $0x0;
	p0 =	por $0x0, $0x0;
	s8 =	simm.s32 $0x80  }
0x6: {  	s17 =	simm.s32 $0x0;
	s18 =	simm.s32 $0x0;
	s9 =	simm.s32 $0x0  }
.Ltmp0:
0x7: {  	s10 =	simm.s32 $0x0;
	s3 =	sshll.u32 s3, $0x7;
	(pc) =	sbr.rel .LBB1_1-.Ltmp0, $4  }
0x8: {  	s11 =	simm.s32 $0x0;
	s13 =	simm.s32 $0x0;
	s4 =	sand.u32 $0x80, s3  }
0x9: {  	s14 =	stileid.u32;
	[sflag:s5] =	ssyncpa.u1 $0x0;
	s7 =	ssub.s32 $0xC300, s4  }
0xa: {  	s15 =	simm.s32 $0x0;
	[sflag:s6] =	ssyncpa.u1 $0x0;
	s6 =	sshrl.u32 s7, $0x8  }
0xb: {  	s3 =	stileid.u32;
	s12 =	smov.u32 s4;
	s7 =	sadd.s32 $0x2, s6  }
.LBB1_5:
0xc: {  	p1 =	slt.u32 s15, $0x2  }
0xd: {  	p2 =	sgt.s32 @!p1 s18, $0xF  }
0xe: {  	s19 =	smov.u32 s18;
	s20 =	sshra.s32 @!p1 s18, $0x1F;
	p2 =	por !p2, p1  }
0xf: {  	s18 =	sand.u32 @!p1 s20, s18;
	s19 =	simm.s32 @p2 $0xF  }
0x10: {  	p3 =	sgt.s32 @!p1 s17, $0x70;
	s18 =	ssub.s32 @!p1 s19, s18  }
0x11: {  	p3 =	por !p3, p1;
	s20 =	sshra.s32 @!p1 s17, $0x1F;
	s19 =	sadd.s32 @!p1 $0xFFFFFFF1, s18  }
0x12: {  	s18 =	ssub.s32 @!p1 $0x10, s18;
	p2 =	sgt.s32 @!p1 s19, $0x0;
	s19 =	smov.u32 s17  }
0x13: {  	s17 =	sand.u32 @!p1 s20, s17;
	s19 =	simm.s32 @p3 $0x70;
	p3 =	sgt.s32 @!p1 s16, $0xC2D0  }
0x14: {  	s20 =	smov.u32 s16;
	p2 =	por !p2, p1;
	p3 =	por !p3, p1  }
0x15: {  	s17 =	ssub.s32 @!p1 s19, s17;
	s19 =	sshra.s32 @!p1 s16, $0x1F;
	s18 =	simm.s32 @!p2 $0x0  }
0x16: {  	s20 =	simm.s32 @p3 $0xC2D0;
	s16 =	sand.u32 @!p1 s19, s16;
	s19 =	sadd.s32 @!p1 $0xFFFFFF90, s17  }
0x17: {  	s17 =	ssub.s32 @!p1 $0x80, s17;
	s16 =	ssub.s32 @!p1 s20, s16;
	p2 =	sgt.s32 @!p1 s19, $0xF  }
0x18: {  	s20 =	smov.u32 s13;
	s19 =	sadd.s32 @!p1 $0xFFFF3D30, s16;
	p2 =	por !p2, p1  }
0x19: {  	s16 =	ssub.s32 @!p1 $0xC350, s16;
	p3 =	sgt.s32 @!p1 s19, $0x7F;
	s17 =	simm.s32 @!p2 $0x0  }
0x1a: {  	s19 =	sadd.s32 $0x100, s12;
	p2 =	por !p3, p1;
	s17 =	smul.u32 @!p1 s18, s17  }
0x1b: {  	s18 =	sadd.s32 $0x10, s13;
	s16 =	simm.s32 @!p2 $0x0;
	p2 =	sgt.s32 s19, $0xC34F  }
0x1c: {  	s21 =	smov.u32 s14;
	s20 =	smov.u32 @p2 s18  }
0x1d: {  	s16 =	smul.u32 @!p1 s16, s17;
	s17 =	sadd.s32 $0x10, s14;
	p3 =	sgt.s32 s20, $0xF  }
0x1e: {  	p0 =	por !p0, !p0;
	s22 =	simm.s32 @!p1 $0x2;
	s21 =	smov.u32 @p3 s17  }
0x1f: {  	s19 =	smov.u32 @p2 s4;
	s18 =	smov.u32 s11;
	p2 =	sgt.s32 s21, $0xF  }
0x20: {  	s11 =	smov.u32 s14;
	s21 =	smov.u32 @p2 s3;
	p2 =	sne.s32 s15, s7  }
.Ltmp1:
0x21: {  	s16 =	sand.u32 @!p1 $0x3FFFFFFF, s16;
	s20 =	simm.s32 @p3 $0x0;
	(pc) =	sbr.rel @!p2 .LBB1_6-.Ltmp1, $4  }
0x22: {  	s17 =	smov.u32 s10;
	s10 =	smov.u32 s13;
	_ =	swait.ge @!p1 [sflag:s22], s16  }
0x23: {  	s23 =	ssub.s32 @!p1 $0x0, s16;
	s16 =	smov.u32 s9;
	s9 =	smov.u32 s12  }
0x24: {  	s12 =	smov.u32 s19;
	s13 =	smov.u32 s20;
	[sflag:s22] =	ssyncset.done @!p1 $0x0  }
0x25: {  	s15 =	sadd.s32 $0x1, s15;
	[sflag:s22] =	ssyncadd.s32 @!p1 s23;
	s14 =	smov.u32 s21  }
.LBB1_1:
0x26: {  	p1 =	sgt.u32 s15, s6  }
0x27: {  	s19 =	sshrl.u32 @!p1 s13, $0x3  }
0x28: {  	s20 =	sshll.u32 @!p1 s12, $0x3;
	s19 =	smul.u32 @!p1 $0x61C00, s19  }
0x29: {  	s21 =	sshll.u32 @!p1 s13, $0x7;
	s20 =	sand.u32 @!p1 $0xFFFFFC00, s20  }
0x2a: {  	s19 =	sadd.s32 @!p1 s19, s20;
	s20 =	sand.u32 @!p1 $0x380, s21  }
0x2b: {  	s21 =	sand.u32 @!p1 $0x7F, s12;
	s19 =	sor.u32 @!p1 s20, s19  }
0x2c: {  	s20 =	sor.u32 @!p1 s21, s19  }
0x2d: {  	s21 =	smulhi.u32 @!p1 $0xA79C7B17, s20  }
0x2e: {  	s19 =	smulhi.u32 @!p1 $0xA79C7B17, s19  }
0x2f: {  	s21 =	sshrl.u32 @!p1 s21, $0xF  }
0x30: {  	s19 =	sshrl.u32 @!p1 s19, $0xF;
	s21 =	smul.u32 @!p1 $0xC380, s21  }
0x31: {  	s22 =	sxor.u32 @!p1 $0xFFFFFFFF, s15;
	s23 =	smul.u32 @!p1 $0x18700, s14;
	s19 =	sand.u32 @!p1 $0xF, s19  }
0x32: {  	s22 =	sshll.u32 @!p1 s22, $0xB;
	s19 =	smul.u32 @!p1 $0x1870, s19;
	s20 =	ssub.s32 @!p1 s20, s21  }
0x33: {  	s21 =	sand.u32 @!p1 $0x800, s22;
	s22 =	sadd.s32 @!p1 s1, s23;
	s23 =	sand.u32 @!p1 $0x7, s20  }
0x34: {  	s20 =	sshrl.u32 @!p1 s20, $0x3;
	s19 =	sadd.s32 @!p1 s19, s22;
	s22 =	sshll.u32 @!p1 s23, $0x12  }
0x35: {  	s19 =	sadd.s32 @!p1 s20, s19;
	s20 =	sor.u32 @!p1 $0x400, s22;
	s22 =	simm.s32 @!p1 $0x61C00  }
0x36: {  	[tilespmem:s21], [sflag:$0x1] =	stream.strided.gather @!p1 [hbm4b:s19+s20], $0x800, s22, s20, $0x38;
	[tilespmem:$0x2100] =	vst v63  }
0x37: {  	p1 =	seq.s32 s15, $0x0  }
0x38: {  	p2 =	sge.u32 @!p1 s15, s7  }
0x39: {  	p1 =	por p1, p2  }
.Ltmp2:
0x3a: {  	_ = 	snop;
	(pc) =	sbr.rel @p1 .LBB1_5-.Ltmp2, $1  }
0x3b: {  	_ =	sdelay $0x3  }
0x3c: {  	s19 =	simm.s32 $0x1  }
0x3d: {  	_ =	swait.ge [sflag:s5], $0x800;
	s19 =	simm.s32 @!p0 $0x0  }
0x3e: {  	[sflag:s5] =	ssyncset.done $0x0;
	s20 =	sshll.u32 s19, $0xB  }
0x3f: {  	[sflag:s5] =	ssyncadd.s32 $0xFFFFF800;
	s20 =	sor.u32 $0x40, s20  }
0x40: {  	s19 =	smul.u32 $0x2200, s19;
	v0 =	vld [tilespmem:s20+$0x30]  }
0x41: {  	v1 =	vld [tilespmem:s20+$0xFFFFFFD0]  }
0x42: {  	s19 =	sshrl.u32 s19, $0x2;
	v5 =	vld [tilespmem:s20+$0xFFFFFFE0]  }
0x43: {  	v6 =	vld [tilespmem:s20+$0xFFFFFFF0];
	s22 =	sor.u32 $0x1000, s19  }
0x44: {  	s31 =	sand.u32 $0x1, s15;
	v4 =	vld [tilespmem:s20+$0x0];
	s21 =	sadd.s32 $0x0, s22  }
0x45: {  	v3 =	vld [tilespmem:s20+$0x10];
	s19 =	smul.u32 $0x2200, s31;
	[tilespmem:s21+$0x770 ss:$0x11] =	vst.msk $0xffff, v0  }
0x46: {  	v2 =	vld [tilespmem:s20+$0x20];
	[tilespmem:s21+$0x110 ss:$0x11] =	vst.msk $0xffff, v1  }
0x47: {  	s19 =	sshrl.u32 s19, $0x2;
	v1 =	vld [tilespmem:s20+$0xFFFFFFC0];
	[tilespmem:s21+$0x220 ss:$0x11] =	vst.msk $0xffff, v5;
	s20 =	sadd.s32 $0x80, s20  }
0x48: {  	s23 =	simm.s32 $0x4;
	s24 =	simm.s32 $0x8;
	s19 =	sor.u32 $0x1000, s19;
	[tilespmem:s21+$0x330 ss:$0x11] =	vst.msk $0xffff, v6;
	v0 =	vld [tilespmem:s20+$0x30]  }
.LBB1_3:
0x49: {  	p1 =	sne.s32 s24, $0x3C;
	v5 =	vld [tilespmem:s20+$0xFFFFFFD0];
	[tilespmem:s21+$0x440 ss:$0x11] =	vst.msk $0xffff, v4  }
0x4a: {  	v6 =	vld [tilespmem:s20+$0xFFFFFFE0];
	[tilespmem:s21+$0x550 ss:$0x11] =	vst.msk $0xffff, v3  }
0x4b: {  	s25 =	sshra.s32 s23, $0x2;
	s23 =	smov.u32 s24;
	v7 =	vld [tilespmem:s20+$0xFFFFFFF0];
	[tilespmem:s21+$0x660 ss:$0x11] =	vst.msk $0xffff, v2  }
.Ltmp3:
0x4c: {  	v4 =	vld [tilespmem:s20+$0x0];
	[tilespmem:s21+$0x0 ss:$0x11] =	vst.msk $0xffff, v1;
	s21 =	sadd.s32 s25, s22;
	(pc) =	sbr.rel @p1 .LBB1_3-.Ltmp3, $4  }
0x4d: {  	v3 =	vld [tilespmem:s20+$0x10];
	[tilespmem:s21+$0x770 ss:$0x11] =	vst.msk $0xffff, v0  }
0x4e: {  	[tilespmem:s21+$0x110 ss:$0x11] =	vst.msk $0xffff, v5;
	v2 =	vld [tilespmem:s20+$0x20]  }
0x4f: {  	v1 =	vld [tilespmem:s20+$0xFFFFFFC0];
	[tilespmem:s21+$0x220 ss:$0x11] =	vst.msk $0xffff, v6;
	s20 =	sadd.s32 $0x80, s20  }
0x50: {  	s24 =	sadd.s32 $0x4, s24;
	v0 =	vld [tilespmem:s20+$0x30];
	[tilespmem:s21+$0x330 ss:$0x11] =	vst.msk $0xffff, v7  }
0x51: {  	s24 =	sshll.u32 s9, $0x7  }
0x52: {  	s25 =	sshll.u32 s10, $0x3;
	s23 =	sshra.s32 s23, $0x2;
	p1 =	sgt.s32 s11, $0xF  }
0x53: {  	s28 =	sshra.s32 s11, $0x1F;
	p2 =	sgt.s32 s10, $0x70;
	s27 =	smov.u32 s10  }
0x54: {  	s31 =	sshra.s32 s9, $0x1F;
	s26 =	sand.u32 $0xFFFFFC00, s24;
	s25 =	sand.u32 $0xFFFFFC00, s25  }
0x55: {  	s24 =	sand.u32 $0x380, s24;
	s22 =	sadd.s32 s23, s22;
	s27 =	simm.s32 @!p2 $0x70  }
0x56: {  	p2 =	sgt.s32 s9, $0xC2D0;
	s25 =	sadd.s32 s25, s26;
	s26 =	sand.u32 s28, s11  }
0x57: {  	[tilespmem:s21+$0x440 ss:$0x11] =	vst.msk $0xffff, v4;
	s28 =	sshra.s32 s10, $0x1F;
	s24 =	sor.u32 s24, s25;
	s25 =	smov.u32 s11  }
0x58: {  	[tilespmem:s21+$0x550 ss:$0x11] =	vst.msk $0xffff, v3;
	s30 =	sand.u32 s28, s10;
	s28 =	smov.u32 s9;
	s25 =	simm.s32 @!p1 $0xF  }
0x59: {  	v5 =	vld [tilespmem:s20+$0xFFFFFFD0];
	[tilespmem:s21+$0x660 ss:$0x11] =	vst.msk $0xffff, v2;
	s24 =	sshrl.u32 s24, $0x7;
	s28 =	simm.s32 @!p2 $0xC2D0;
	s25 =	ssub.s32 s25, s26  }
0x5a: {  	v58 =	vld [tilespmem:s20+$0xFFFFFFE0];
	[tilespmem:s21+$0x0 ss:$0x11] =	vst.msk $0xffff, v1;
	s29 =	smulhi.u32 $0x14F8B59, s24;
	s26 =	sadd.s32 $0xFFFFFFF1, s25;
	s21 =	ssub.s32 $0x10, s25  }
0x5b: {  	v59 =	vld [tilespmem:s20+$0xFFFFFFF0];
	p1 =	sgt.s32 s26, $0x0;
	s26 =	ssub.s32 s27, s30;
	s27 =	sand.u32 s31, s9  }
0x5c: {  	v60 =	vld [tilespmem:s20+$0x0];
	s23 =	sshrl.u32 s29, $0x8;
	s29 =	ssub.s32 s28, s27;
	s30 =	sadd.s32 $0xFFFFFF90, s26  }
0x5d: {  	v61 =	vld [tilespmem:s20+$0x10];
	[tilespmem:s22+$0x770 ss:$0x11] =	vst.msk $0xffff, v0;
	s21 =	simm.s32 @p1 $0x0;
	s26 =	ssub.s32 $0x80, s26;
	p1 =	sgt.s32 s30, $0xF  }
0x5e: {  	v62 =	vld [tilespmem:s20+$0x20];
	[tilespmem:s22+$0x110 ss:$0x11] =	vst.msk $0xffff, v5;
	s23 =	smul.u32 $0xC350, s23;
	s27 =	sshrl.u32 s10, $0x3;
	s26 =	simm.s32 @p1 $0x0  }
0x5f: {  	v63 =	vld [tilespmem:s20+$0xFFFFFFC0];
	[tilespmem:s22+$0x220 ss:$0x11] =	vst.msk $0xffff, v58;
	s31 =	sadd.s32 $0xFFFF3D30, s29;
	s20 =	ssub.s32 $0xC350, s29;
	s21 =	smul.u32 s21, s26  }
0x60: {  	[tilespmem:s22+$0x330 ss:$0x11] =	vst.msk $0xffff, v59;
	s29 =	sand.u32 $0x7, s10;
	p1 =	sgt.s32 s31, $0x7F;
	s26 =	smul.u32 $0xC3500, s11  }
.Ltmp4:
0x61: {  	[tilespmem:s22+$0x440 ss:$0x11] =	vst.msk $0xffff, v60;
	s23 =	ssub.s32 s24, s23;
	s20 =	simm.s32 @p1 $0x0;
	(pc) =	sbr.rel .LBB1_5-.Ltmp4, $4  }
0x62: {  	[tilespmem:s22+$0x550 ss:$0x11] =	vst.msk $0xffff, v61;
	s20 =	smul.u32 s20, s21;
	s21 =	sand.u32 $0xF, s27;
	s28 =	sadd.s32 s2, s26  }
0x63: {  	[tilespmem:s22+$0x660 ss:$0x11] =	vst.msk $0xffff, v62;
	s30 =	sshll.u32 s29, $0x12;
	s23 =	sshll.u32 s23, $0x4;
	s21 =	sadd.s32 s21, s28  }
0x64: {  	[tilespmem:s22+$0x0 ss:$0x11] =	vst.msk $0xffff, v63;
	s31 =	sor.u32 $0x10, s30;
	s20 =	sand.u32 $0x3FFFFFFF, s20;
	s21 =	sadd.s32 s23, s21  }
0x65: {  	[hbm4b:s21+s31] =	stream.strided.scatter [tilespmem:s19], [sflag:$0x2], s20, s8, s31, $0x8;
	[tilespmem:$0x2100] =	vst v63  }
.LBB1_6:
0x66: {  	_ =	sfence.sel $0x180000  }
0x67: {  	s1 =	simm.s32 $0x1;
	[bflag:$0x0] =	sbarrier.arrive $0xFFFF  }
0x68: {  	s31 =	simm.s32 $0x2;
	[sflag:s1] =	ssyncpa.u1 $0x1  }
0x69: {  	[sflag:s31] =	ssyncpa.u1 $0x1  }
0x6a: {  	p0 =	sne.s32 s3, $0x0;
	_ =	strace $0x9000004D  }
0x6b: {  	s0 =	sadd.s32 @!p0 $0x100000, s0;
	[bflag:$0x2] =	sbarrier.arrive $0xFFFF  }
0x6c: {  	[sflag:s0] =	ssyncadd.tile.s32 @!p0 $0x1;
	_ =	shalt  }
.Lfunc_end1:
_tile_overlayer_lowered:
.L_overlay_start_2:
0x6d: {  	(tag) =	ssettag $0x2  }
0x6e: {  	s0 =	rddreg [dreg:$0x0];
	s2 =	stileid.u32  }
0x6f: {  	s1 =	rddreg [dreg:$0x1];
	p0 =	sne.s32 s2, $0x0  }
0x70: {  	s3 =	rddreg [dreg:$0x2];
	[bflag:$0x3] =	sbarrier.arrive $0xFFFF;
	s2 =	simm.s32 @!p0 $0x1C01  }
0x71: {  	[timem:s3], [sflag:s2] =	dma.local @!p0 [hbm:s0], s1  }
0x72: {  	s0 =	simm.s32 @!p0 $0x1  }
0x73: {  	_ =	swait.ge @!p0 [sflag:s0], s1  }
0x74: {  	s1 =	ssub.s32 @!p0 $0x0, s1;
	[sflag:s0] =	ssyncset.done @!p0 $0x0  }
0x75: {  	[sflag:s0] =	ssyncadd.s32 @!p0 s1  }
0x76: {  	[bflag:$0x3] =	sbarrier.arrive $0xFFFF  }
0x77: {  	_ =	shalt  }

// kernel: sparse-core-data-format-call.cloned.1.call-start
scs
called_computation_lowered:
.L_overlay_start_0:
0x0: {  	s2 =	sld [smem:$0x3FD9]  }
0x1: {  	s3 =	sld [smem:$0x3FFE];
	_ =	sdelay $0x1  }
0x2: {  	s1 =	srdreg.scid  }
0x3: {  	s0 =	sand.u32 $0x1, s1  }
0x4: {  	s15 =	sshll.u32 s0, $0xA;
	s2 =	sadd.s32 s3, s2  }
0x5: {  	s2 =	sadd.s32 s2, s15  }
0x6: {  	[smem:$0x3FB9] =	sst s2  }
0x7: {  	_ = 	snop  }
0x8: {  	s2 =	sld [smem:$0x3FD0];
	_ =	sdelay $0x2  }
0x9: {  	s16 =	simm.s32 $0xA;
	s4 =	simm.s32 $0x10  }
0xa: {  	[smem:s4], [sflag:s16] =	dma.local [hbm:s2], $0x1  }
0xb: {  	_ =	swait.eq [sflag:s16], $0x1  }
0xc: {  	[sflag:s16] =	ssyncset.done $0x0  }
0xd: {  	[sflag:s16] =	ssyncadd.s32 $0xFFFFFFFF  }
0xe: {  	s17 =	sld [smem:$0x13];
	(tm) =	ssettm $0x1  }
0xf: {  	s18 =	sld [smem:$0x3FFB];
	_ =	sdelay $0x3  }
0x10: {  	_ =	strace s18  }
0x11: {  	s3 =	sld [smem:$0x3FFC];
	_ =	sdelay $0x3  }
0x12: {  	_ =	strace s3  }
0x13: {  	s3 =	sld [smem:$0x3FFD];
	_ =	sdelay $0x3  }
0x14: {  	_ =	strace s3  }
0x15: {  	_ =	strace $0x8FFFFFFF  }
0x16: {  	s19 =	sld [smem:$0x3FDB];
	_ =	sdelay $0x1  }
0x17: {  	s20 =	simm.s32 $_scs_section_size  }
0x18: {  	s5 =	simm.s32 $_size__tile_overlayer_lowered;
	s6 =	simm.s32 $_tile_overlayer_lowered  }
0x19: {  	s23 =	simm.s32 $0x1BFF;
	s22 =	sshll.u32 s6, $0x1;
	s3 =	sadd.s32 s20, s19  }
0x1a: {  	s7 =	simm.s32 $0x0;
	s21 =	sshll.u32 s5, $0x1;
	s5 =	sadd.s32 s22, s3  }
0x1b: {  	[timem:s7], [sflag:s23] =	dma.local [hbm:s5], s21  }
0x1c: {  	_ =	swait.ge [sflag:s23], s21  }
0x1d: {  	s4 =	ssub.s32 $0x0, s21;
	[sflag:s23] =	ssyncset.done $0x0  }
0x1e: {  	[sflag:s23] =	ssyncadd.s32 s4;
	_ =	sdelay $0x1  }
0x1f: {  	s24 =	simm.s32 $0x1B8B  }
0x20: {  	_ =	swait.ge [sflag:s24], $0x1  }
0x21: {  	[sflag:s24] =	ssyncset.done $0x0  }
0x22: {  	s26 =	simm.s32 $0x1B8E;
	s25 =	sld [smem:$0x3FFE];
	[sflag:s24] =	ssyncadd.s32 $0xFFFFFFFF  }
0x23: {  	s27 =	simm.s32 $execute0_lowered;
	[smem:$0x3FD2] =	sst s26  }
0x24: {  	s5 =	sshll.u32 s27, $0x1;
	_ =	strace $0x80000055;
	[dreg:$0x1] =	wrdreg $0xFFFFFFFF  }
0x25: {  	s28 =	simm.s32 $_size_execute0_lowered;
	s3 =	sadd.s32 s3, s5;
	[dreg:$0x0] =	wrdreg $0x0  }
0x26: {  	s5 =	sshll.u32 s28, $0x1;
	[dreg:$0x2] =	wrdreg s3  }
0x27: {  	[dreg:$0x3] =	wrdreg s5  }
0x28: {  	[dreg:$0x4] =	wrdreg $0xC0  }
0x29: {  	_ =	task [dreg:s7], $0x5FFFF  }
0x2a: {  	[dreg:$0x1] =	wrdreg $0xFFFFFFFF  }
0x2b: {  	[dreg:$0x0] =	wrdreg $0x60  }
0x2c: {  	[dreg:$0x2] =	wrdreg s25  }
0x2d: {  	[dreg:$0x3] =	wrdreg s17  }
0x2e: {  	[dreg:$0x4] =	wrdreg $0x9  }
0x2f: {  	_ =	task.clear_ibuf [dreg:s7], $0x5FFFF;
	_ =	strace $0x90000055  }
0x30: {  	s29 =	simm.s32 $0x9;
	_ =	strace $0x80000057  }
0x31: {  	_ =	swait.ge [sflag:s29], $0x1  }
0x32: {  	[sflag:s29] =	ssyncadd.s32 $0xFFFFFFFF  }
0x33: {  	_ =	strace $0x90000057  }
0x34: {  	_ =	sfence  }
0x35: {  	s30 =	sld [smem:$0x0];
	_ =	sdelay $0x2  }
0x36: {  	s31 =	sshll.u32 s1, $0xD;
	s1 =	sshrl.u32 s1, $0x2  }
0x37: {  	s3 =	sand.u32 $0x4000, s31;
	s1 =	sadd.s32 s1, s30  }
0x38: {  	s0 =	sor.u32 s3, s0;
	s1 =	sshll.u32 s1, $0x11  }
0x39: {  	s0 =	sor.u32 s1, s0  }
0x3a: {  	s0 =	sadd.s32 $0x8F2B, s0  }
0x3b: {  	[sflag:s0] =	ssyncadd.remote.s32 $0x1  }
0x3c: {  	_ =	sfence.sel $0xFFFF  }
0x3d: {  	[dreg:$0x0] =	wrdreg $0xFFFFFFFF;
	(pc) =	sbr.abs _section_cstart, $3  }
0x3e: {  	[dreg:$0x1] =	wrdreg $0xFFFFFFFF  }
0x3f: {  	_ =	task.clear_ibuf [dreg:s7], $0x2FFFF;
	_ =	strace $0x9FFFFFFF  }
0x40: {  	(tm) =	ssettm $0x7FFFFFFF  }
0x41: {  	_ =	shalt  }
tec
execute0_lowered:
.L_overlay_start_1:
0x0: {  	(tag) =	ssettag $0x1  }
0x1: {  	s0 =	srdreg.scid  }
0x2: {  	s0 =	sshll.u32 s0, $0x4  }
0x3: {  	s2 =	stileid.u32;
	s0 =	sand.u32 $0x10, s0  }
0x4: {  	s0 =	sor.u32 s2, s0  }
0x5: {  	s12 =	sshll.u32 s0, $0x7  }
0x6: {  	s1 =	rddreg [dreg:$0x0];
	s0 =	ssub.s32 $0x30D00, s12  }
0x7: {  	_ =	strace $0x80000056;
	s29 =	simm.s32 $0x1;
	s0 =	sshrl.u32 s0, $0xC  }
0x8: {  	s30 =	simm.s32 $0x2;
	s14 =	simm.s32 $0x0;
	s0 =	smul.u32 $0x5, s0  }
.Ltmp0:
0x9: {  	s9 =	simm.s32 $0x0;
	s1 =	sadd.s32 $0x5BEC00, s1;
	(pc) =	sbr.rel .LBB1_1-.Ltmp0, $4  }
0xa: {  	s8 =	simm.s32 $0x0;
	s11 =	simm.s32 $0x0;
	[dreg:$0x4] =	wrdreg s1  }
0xb: {  	s10 =	simm.s32 $0x0;
	[dreg:$0x3] =	wrdreg s12;
	s31 =	sadd.s32 $0x5, s0  }
0xc: {  	[sflag:s29] =	ssyncpa.u1 $0x0;
	s7 =	sadd.s32 $0x6, s0;
	[dreg:$0x5] =	wrdreg s31  }
0xd: {  	s13 =	simm.s32 $0x0;
	[sflag:s30] =	ssyncpa.u1 $0x0;
	[dreg:$0x6] =	wrdreg s7  }
.LBB1_12:
0xe: {  	s8 =	rddreg [dreg:$0x7]  }
0xf: {  	s0 =	sshrl.u32 s8, $0x3  }
0x10: {  	s1 =	sshll.u32 s11, $0x3;
	s0 =	smul.u32 $0x186C00, s0  }
0x11: {  	s1 =	sand.u32 $0xFFFFFC00, s1;
	s2 =	sshll.u32 s8, $0x7  }
0x12: {  	s22 =	sand.u32 $0x380, s2;
	s0 =	sadd.s32 s1, s0  }
0x13: {  	p1 =	sgt.s32 s11, $0x30D00;
	s24 =	rddreg [dreg:$0xb];
	s0 =	sor.u32 s22, s0  }
0x14: {  	s4 =	smov.u32 s11;
	s25 =	rddreg [dreg:$0xa];
	s1 =	sshrl.u32 s0, $0x7  }
0x15: {  	s5 =	sand.u32 $0x7F, s11;
	s30 =	rddreg [dreg:$0x1];
	s1 =	smulhi.u32 $0xA7B7EF, s1  }
0x16: {  	s31 =	simm.s32 $0x186C00;
	s7 =	rddreg [dreg:$0x6];
	p0 =	sgt.s32 s8, $0x188  }
0x17: {  	s3 =	smov.u32 s8;
	s4 =	simm.s32 @!p1 $0x30D00;
	s1 =	sshrl.u32 s1, $0x2  }
0x18: {  	s3 =	simm.s32 @!p0 $0x188;
	s4 =	sadd.s32 s25, s4;
	s23 =	smul.u32 $0xFC1, s1  }
0x19: {  	s9 =	rddreg [dreg:$0x8];
	s3 =	sadd.s32 s24, s3;
	s6 =	sadd.s32 $0xFFFCF300, s4  }
0x1a: {  	s4 =	ssub.s32 $0x30D80, s4;
	s26 =	sadd.s32 $0xFFFFFE78, s3;
	s2 =	sshrl.u32 s23, $0x15  }
0x1b: {  	p1 =	sgt.s32 s6, $0x7F;
	s3 =	ssub.s32 $0x208, s3;
	s2 =	smul.u32 $0x208, s2  }
0x1c: {  	p0 =	sgt.s32 s26, $0x7F;
	s4 =	simm.s32 @p1 $0x0;
	s27 =	smul.u32 $0x30D80, s1  }
0x1d: {  	s0 =	sor.u32 s5, s0;
	s3 =	simm.s32 @p0 $0x0;
	s1 =	ssub.s32 s1, s2  }
0x1e: {  	s28 =	smul.u32 s4, s3;
	s0 =	ssub.s32 s0, s27;
	s1 =	sand.u32 $0xFFFF, s1  }
0x1f: {  	s29 =	sshrl.u32 s0, $0x3;
	s0 =	sand.u32 $0x7, s0;
	s1 =	smul.u32 $0x61B0, s1  }
0x20: {  	s14 =	rddreg [dreg:$0x9];
	s3 =	sadd.s32 s30, s29;
	s0 =	sshll.u32 s0, $0x12  }
0x21: {  	s2 =	sand.u32 $0x3FFFFFFF, s28;
	s0 =	sor.u32 $0x400, s0;
	s1 =	sadd.s32 s1, s3  }
0x22: {  	[hbm4b:s1+s0] =	stream.strided.scatter [tilespmem:s17], [sflag:$0x2], s2, s31, s0, $0x20;
	[tilespmem:$0x10100] =	vst v63  }
.LBB1_13:
0x23: {  	p0 =	slt.u32 s13, $0x2  }
0x24: {  	s1 =	smov.u32 s14;
	s2 =	smov.u32 s9;
	p1 =	sgt.s32 @!p0 s14, $0x188  }
0x25: {  	s0 =	sshra.s32 @!p0 s14, $0x1F;
	p2 =	sgt.s32 @!p0 s9, $0x30D00;
	s3 =	sshra.s32 @!p0 s9, $0x1F  }
0x26: {  	p1 =	por !p1, p0;
	s0 =	sand.u32 @!p0 s0, s14;
	p2 =	por !p2, p0  }
0x27: {  	s3 =	sand.u32 @!p0 s3, s9;
	s1 =	simm.s32 @p1 $0x188;
	s2 =	simm.s32 @p2 $0x30D00  }
0x28: {  	s0 =	ssub.s32 @!p0 s1, s0;
	s1 =	ssub.s32 @!p0 s2, s3  }
0x29: {  	s2 =	sadd.s32 @!p0 $0xFFFFFE78, s0;
	s3 =	sadd.s32 @!p0 $0xFFFCF300, s1  }
0x2a: {  	s0 =	ssub.s32 @!p0 $0x208, s0;
	p1 =	sgt.s32 @!p0 s2, $0x7F;
	p2 =	sgt.s32 @!p0 s3, $0x7F  }
0x2b: {  	s1 =	ssub.s32 @!p0 $0x30D80, s1;
	p1 =	por !p1, p0;
	p2 =	por !p2, p0  }
0x2c: {  	s0 =	simm.s32 @!p1 $0x0;
	s1 =	simm.s32 @!p2 $0x0  }
0x2d: {  	s0 =	smul.u32 @!p0 s1, s0  }
0x2e: {  	s4 =	smov.u32 s12;
	s2 =	simm.s32 @!p0 $0x2;
	s1 =	sadd.s32 $0x80, s10  }
0x2f: {  	s3 =	sadd.s32 $0x1000, s12;
	p1 =	sgt.s32 s1, $0x203;
	s0 =	sand.u32 @!p0 $0x3FFFFFFF, s0  }
0x30: {  	s4 =	smov.u32 @p1 s3;
	_ =	swait.ge @!p0 [sflag:s2], s0  }
0x31: {  	s1 =	simm.s32 @p1 $0x0;
	p1 =	sgt.s32 s4, $0x30D3F;
	s3 =	rddreg [dreg:$0x3]  }
0x32: {  	s4 =	smov.u32 @p1 s3;
	p1 =	sne.s32 s13, s7  }
.Ltmp1:
0x33: {  	_ = 	snop;
	(pc) =	sbr.rel @!p1 .LBB1_14-.Ltmp1, $4  }
0x34: {  	s14 =	smov.u32 s8  }
0x35: {  	s9 =	smov.u32 s11;
	s8 =	smov.u32 s10;
	s11 =	smov.u32 s12  }
0x36: {  	s0 =	ssub.s32 @!p0 $0x0, s0;
	s10 =	smov.u32 s1;
	[sflag:s2] =	ssyncset.done @!p0 $0x0  }
0x37: {  	s13 =	sadd.s32 $0x1, s13;
	[sflag:s2] =	ssyncadd.s32 @!p0 s0;
	s12 =	smov.u32 s4  }
.LBB1_1:
0x38: {  	s0 =	rddreg [dreg:$0x5]  }
0x39: {  	s3 =	smov.u32 s12;
	p0 =	sge.u32 s13, s0  }
0x3a: {  	s5 =	smov.u32 s10;
	s0 =	sshrl.u32 @!p0 s12, $0x3;
	s1 =	sshll.u32 @!p0 s10, $0x3  }
0x3b: {  	s2 =	sshll.u32 @!p0 s12, $0x7;
	p1 =	sgt.s32 @!p0 s12, $0x30CC0;
	s0 =	smul.u32 @!p0 $0x1400, s0  }
0x3c: {  	s4 =	sshra.s32 @!p0 s12, $0x1F;
	s1 =	sand.u32 @!p0 $0xFFFFFC00, s1;
	p1 =	por !p1, p0  }
0x3d: {  	s3 =	simm.s32 @p1 $0x30CC0;
	s0 =	sadd.s32 @!p0 s0, s1;
	s1 =	sand.u32 @!p0 $0x380, s2  }
0x3e: {  	p1 =	sgt.s32 @!p0 s10, $0x200;
	s2 =	sand.u32 @!p0 $0x7F, s10;
	s0 =	sor.u32 @!p0 s1, s0  }
0x3f: {  	s6 =	sshra.s32 @!p0 s10, $0x1F;
	p1 =	por !p1, p0;
	s1 =	sor.u32 @!p0 s2, s0  }
0x40: {  	s6 =	sand.u32 @!p0 s6, s10;
	s5 =	simm.s32 @p1 $0x200;
	s2 =	smulhi.u32 @!p0 $0xCCCCCCCD, s1  }
0x41: {  	s4 =	sand.u32 @!p0 s4, s12;
	s0 =	smulhi.u32 @!p0 $0xCCCCCCCD, s0;
	s5 =	ssub.s32 @!p0 s5, s6  }
0x42: {  	s3 =	ssub.s32 @!p0 s3, s4;
	s6 =	sadd.s32 @!p0 $0xFFFFFE00, s5;
	s2 =	sshrl.u32 @!p0 s2, $0x9  }
0x43: {  	s0 =	sshrl.u32 @!p0 s0, $0x9;
	p2 =	sgt.s32 @!p0 s6, $0x7F;
	s2 =	smul.u32 @!p0 $0x280, s2  }
0x44: {  	s5 =	ssub.s32 @!p0 $0x280, s5;
	s4 =	smulhi.u32 @!p0 $0xA7C5AD, s0;
	p2 =	por !p2, p0  }
0x45: {  	s1 =	ssub.s32 @!p0 s1, s2;
	s2 =	sadd.s32 @!p0 $0xFFFCF340, s3;
	s3 =	ssub.s32 @!p0 $0x30D40, s3  }
0x46: {  	p1 =	sgt.s32 @!p0 s2, $0x7F;
	s2 =	sshrl.u32 @!p0 s4, $0x9;
	s4 =	sxor.u32 @!p0 $0xFFFFFFFF, s13  }
0x47: {  	s2 =	smul.u32 @!p0 $0x30D40, s2;
	p1 =	por !p1, p0;
	s4 =	sshll.u32 @!p0 s4, $0xE  }
0x48: {  	s5 =	simm.s32 @!p2 $0x0;
	s3 =	simm.s32 @!p1 $0x0;
	s4 =	sand.u32 @!p0 $0x4000, s4  }
0x49: {  	s0 =	ssub.s32 @!p0 s0, s2;
	s2 =	smul.u32 @!p0 s3, s5;
	s3 =	sshrl.u32 @!p0 s1, $0x3  }
0x4a: {  	s1 =	sand.u32 @!p0 $0x7, s1;
	s5 =	rddreg [dreg:$0x4];
	s0 =	smul.u32 @!p0 $0x50, s0  }
0x4b: {  	s3 =	sadd.s32 @!p0 s5, s3;
	s1 =	sshll.u32 @!p0 s1, $0x12;
	s2 =	sand.u32 @!p0 $0x3FFFFFFF, s2  }
0x4c: {  	s1 =	sor.u32 @!p0 $0x400, s1;
	s0 =	sadd.s32 @!p0 s0, s3;
	s3 =	simm.s32 @!p0 $0x1400  }
0x4d: {  	[tilespmem:s4], [sflag:$0x1] =	stream.strided.gather @!p0 [hbm4b:s0+s1], s2, s3, s1, $0x38;
	[tilespmem:$0x10100] =	vst v63  }
0x4e: {  	p0 =	seq.s32 s13, $0x0  }
0x4f: {  	p1 =	sge.u32 @!p0 s13, s7  }
0x50: {  	p0 =	por p0, p1  }
.Ltmp2:
0x51: {  	_ = 	snop;
	(pc) =	sbr.rel @p0 .LBB1_13-.Ltmp2, $1  }
0x52: {  	_ =	sdelay $0x3  }
0x53: {  	s0 =	ssub.s32 $0x0, s11;
	s1 =	sshra.s32 s11, $0x1F;
	p0 =	sgt.s32 s11, $0x30CC0  }
0x54: {  	s2 =	smov.u32 s11;
	s25 =	ssub.s32 $0x0, s8;
	s26 =	sshra.s32 s8, $0x1F  }
0x55: {  	s3 =	smov.u32 s8;
	s2 =	simm.s32 @!p0 $0x30CC0;
	p0 =	sgt.s32 s8, $0x200  }
0x56: {  	s4 =	sand.u32 s0, s1;
	s1 =	sand.u32 s25, s26;
	s3 =	simm.s32 @!p0 $0x200  }
0x57: {  	s2 =	sadd.s32 s4, s2;
	[dreg:$0xb] =	wrdreg s1;
	s1 =	sadd.s32 s1, s3  }
0x58: {  	s27 =	sadd.s32 $0xFFFCF340, s2;
	s2 =	ssub.s32 $0x30D40, s2;
	s28 =	sadd.s32 $0xFFFFFE00, s1  }
0x59: {  	p0 =	sgt.s32 s27, $0x7F;
	s0 =	ssub.s32 $0x280, s1;
	p1 =	sgt.s32 s28, $0x7F  }
0x5a: {  	s2 =	simm.s32 @p0 $0x0;
	s0 =	simm.s32 @p1 $0x0  }
0x5b: {  	s29 =	smul.u32 s2, s0;
	s2 =	sadd.s32 $0x80, s11  }
0x5c: {  	p0 =	slt.s32 s2, $0x30D40  }
0x5d: {  	s2 =	simm.s32 @!p0 $0x30D40  }
0x5e: {  	[dreg:$0x9] =	wrdreg s14;
	s19 =	ssub.s32 s2, s11  }
0x5f: {  	[dreg:$0x8] =	wrdreg s9;
	p0 =	slt.s32 s19, $0x1  }
.Ltmp3:
0x60: {  	[dreg:$0x7] =	wrdreg s8;
	s30 =	simm.s32 $0x1;
	(pc) =	sbr.rel @p0 .LBB1_12-.Ltmp3, $4  }
0x61: {  	[dreg:$0xa] =	wrdreg s4;
	s0 =	sand.u32 $0x1, s13;
	s1 =	sand.u32 $0x3FFFFFFF, s29  }
0x62: {  	s31 =	smul.u32 $0x4080, s0;
	_ =	swait.ge [sflag:s30], s1  }
0x63: {  	s1 =	ssub.s32 $0x0, s1;
	[sflag:s30] =	ssyncset.done $0x0  }
0x64: {  	s17 =	sor.u32 $0x8000, s31;
	[sflag:s30] =	ssyncadd.s32 s1  }
0x65: {  	s2 =	rddreg [dreg:$0x7]  }
0x66: {  	s1 =	sadd.s32 $0x80, s2  }
0x67: {  	p0 =	slt.s32 s1, $0x204  }
.Ltmp4:
0x68: {  	s1 =	simm.s32 @!p0 $0x204;
	(pc) =	sbr.rel .LBB1_4-.Ltmp4, $4  }
0x69: {  	s22 =	sshll.u32 s0, $0xE;
	s1 =	ssub.s32 s1, s2  }
0x6a: {  	s24 =	simm.s32 $0x0;
	s25 =	simm.s32 $0x400;
	s1 =	sadd.s32 $0xF, s1  }
0x6b: {  	s20 =	sand.u32 $0xFFFFFFF0, s1;
	s21 =	sand.u32 $0xFFFFFF00, s1;
	s31 =	sshll.u32 s1, $0x3  }
0x6c: {  	p0 =	slt.s32 s1, $0x100;
	s23 =	sand.u32 $0xFFFFF800, s31;
	p1 =	sge.s32 s21, s20  }
.LBB1_11:
0x6d: {  	s24 =	sadd.s32 $0x1, s24  }
0x6e: {  	p2 =	sne.s32 s24, s19  }
.Ltmp5:
0x6f: {  	_ = 	snop;
	(pc) =	sbr.rel @!p2 .LBB1_12-.Ltmp5, $2  }
0x70: {  	_ =	sdelay $0x2  }
0x71: {  	s25 =	sadd.s32 $0x80, s25  }
.LBB1_4:
.Ltmp6:
0x72: {  	(pc) =	sbr.rel @p0 .LBB1_8-.Ltmp6, $2  }
0x73: {  	_ =	sdelay $0x2  }
0x74: {  	s26 =	sshll.u32 s24, $0x7;
	s27 =	sand.u32 $0x7F, s24  }
0x75: {  	s0 =	sshll.u32 s24, $0x3  }
0x76: {  	s5 =	sand.u32 $0x380, s26;
	s3 =	sshrl.u32 s0, $0x7;
	s2 =	sadd.s32 $0x800, s0  }
0x77: {  	s6 =	sadd.s32 $0x1000, s0;
	s18 =	sadd.s32 s5, s22;
	s16 =	sadd.s32 $0x1800, s0  }
0x78: {  	s9 =	sadd.s32 $0x2800, s0;
	s1 =	sand.u32 $0x78, s3;
	s2 =	sshrl.u32 s2, $0x7  }
0x79: {  	s15 =	sshrl.u32 s6, $0x7;
	s6 =	sshrl.u32 s16, $0x7;
	s14 =	sshrl.u32 s9, $0x7  }
0x7a: {  	s16 =	sadd.s32 $0x3000, s0;
	s4 =	smul.u32 $0x204, s1;
	s2 =	sand.u32 $0x78, s2  }
0x7b: {  	s0 =	sadd.s32 $0x3800, s0;
	s5 =	sand.u32 $0x78, s15;
	s2 =	smul.u32 $0x204, s2  }
0x7c: {  	v0 =	vmov s18;
	s18 =	sand.u32 $0x3C00, s25;
	s1 =	sxor.u32 $0x40, s1;
	s5 =	smul.u32 $0x204, s5  }
0x7d: {  	s7 =	sand.u32 $0x78, s6;
	s1 =	smul.u32 $0x204, s1;
	s4 =	sshrl.u32 s4, $0x2  }
0x7e: {  	s4 =	sadd.s32 s4, s17;
	s2 =	sshrl.u32 s2, $0x2;
	s8 =	sshrl.u32 s5, $0x2  }
0x7f: {  	s1 =	sshrl.u32 s1, $0x2;
	s2 =	sadd.s32 s2, s17;
	s28 =	sadd.s32 s27, s4  }
0x80: {  	s4 =	sadd.s32 s8, s17;
	s15 =	sadd.s32 s1, s17;
	s8 =	sshrl.u32 s0, $0x7  }
0x81: {  	s29 =	sadd.s32 s27, s2;
	s2 =	smul.u32 $0x204, s7;
	s30 =	sadd.s32 s27, s4  }
0x82: {  	s4 =	sand.u32 $0x78, s14;
	s31 =	sadd.s32 s27, s15;
	s7 =	sshrl.u32 s16, $0x7  }
0x83: {  	s9 =	sand.u32 $0x78, s8;
	s14 =	sadd.s32 $0x10, s3;
	s15 =	sadd.s32 $0x20, s3  }
0x84: {  	s4 =	smul.u32 $0x204, s4;
	s5 =	sand.u32 $0x78, s14;
	s6 =	sand.u32 $0x78, s15  }
0x85: {  	s14 =	sadd.s32 $0x60, s3;
	s2 =	sshrl.u32 s2, $0x2;
	s5 =	smul.u32 $0x204, s5  }
0x86: {  	s6 =	smul.u32 $0x204, s6;
	s14 =	sand.u32 $0x78, s14;
	s2 =	sadd.s32 s2, s17  }
0x87: {  	s4 =	sshrl.u32 s4, $0x2;
	s14 =	smul.u32 $0x204, s14;
	s1 =	sadd.s32 s27, s2  }
0x88: {  	s2 =	sand.u32 $0x78, s7;
	s4 =	sadd.s32 s4, s17;
	s5 =	sshrl.u32 s5, $0x2  }
0x89: {  	s7 =	sadd.s32 $0x30, s3;
	s0 =	sadd.s32 s27, s4;
	s4 =	smul.u32 $0x204, s9  }
0x8a: {  	s16 =	sadd.s32 s5, s17;
	s5 =	sand.u32 $0x78, s7;
	s7 =	sadd.s32 $0x50, s3  }
0x8b: {  	s6 =	sshrl.u32 s6, $0x2;
	s3 =	sadd.s32 $0x70, s3;
	s7 =	sand.u32 $0x78, s7  }
0x8c: {  	v1 =	vld.idx.msk [tilespmem:v0+s18+$0x0 ss:$0x1], $0xffff;
	s3 =	sand.u32 $0x78, s3;
	s4 =	sshrl.u32 s4, $0x2;
	s7 =	smul.u32 $0x204, s7  }
0x8d: {  	s14 =	sshrl.u32 s14, $0x2;
	s3 =	smul.u32 $0x204, s3;
	s4 =	sadd.s32 s4, s17  }
0x8e: {  	s15 =	sadd.s32 s6, s17;
	s14 =	sadd.s32 s14, s17;
	s8 =	sadd.s32 s27, s4  }
0x8f: {  	s4 =	sadd.s32 s27, s15;
	s7 =	sshrl.u32 s7, $0x2;
	s3 =	sshrl.u32 s3, $0x2  }
0x90: {  	s15 =	sadd.s32 $0xFFFFFC00, s25;
	s7 =	sadd.s32 s7, s17;
	s9 =	sadd.s32 s3, s17  }
0x91: {  	[tilespmem:s28+$0x0 ss:$0x81] =	vst.msk $0xffff, v1;
	v1 =	vld.idx.msk [tilespmem:v0+s18+$0x20 ss:$0x1], $0xffff;
	s3 =	sadd.s32 s27, s7;
	s7 =	sadd.s32 s27, s14;
	s14 =	sand.u32 $0x3C00, s15  }
0x92: {  	v2 =	vld.idx.msk [tilespmem:v0+s14+$0x70 ss:$0x1], $0xffff  }
0x93: {  	v3 =	vld.idx.msk [tilespmem:v0+s14+$0x0 ss:$0x1], $0xffff  }
0x94: {  	v4 =	vld.idx.msk [tilespmem:v0+s14+$0x10 ss:$0x1], $0xffff  }
0x95: {  	v5 =	vld.idx.msk [tilespmem:v0+s14+$0x20 ss:$0x1], $0xffff  }
0x96: {  	v6 =	vld.idx.msk [tilespmem:v0+s14+$0x30 ss:$0x1], $0xffff  }
0x97: {  	v7 =	vld.idx.msk [tilespmem:v0+s14+$0x40 ss:$0x1], $0xffff;
	[tilespmem:s8+$0x0 ss:$0x81] =	vst.msk $0xffff, v2  }
0x98: {  	s2 =	smul.u32 $0x204, s2;
	v8 =	vld.idx.msk [tilespmem:v0+s14+$0x50 ss:$0x1], $0xffff;
	[tilespmem:s28+$0x0 ss:$0x81] =	vst.msk $0xffff, v3  }
0x99: {  	p2 =	sgt.s32 s21, $0x100;
	s5 =	smul.u32 $0x204, s5;
	v9 =	vld.idx.msk [tilespmem:v0+s14+$0x60 ss:$0x1], $0xffff;
	[tilespmem:s29+$0x0 ss:$0x81] =	vst.msk $0xffff, v4  }
.Ltmp7:
0x9a: {  	v4 =	vld.idx.msk [tilespmem:v0+s18+$0x10 ss:$0x1], $0xffff;
	[tilespmem:s30+$0x0 ss:$0x81] =	vst.msk $0xffff, v5;
	(pc) =	sbr.rel @!p2 .LBB1_7-.Ltmp7, $4  }
0x9b: {  	s2 =	sshrl.u32 s2, $0x2;
	s5 =	sshrl.u32 s5, $0x2;
	[tilespmem:s1+$0x0 ss:$0x81] =	vst.msk $0xffff, v6;
	v2 =	vld.idx.msk [tilespmem:v0+s18+$0x30 ss:$0x1], $0xffff  }
0x9c: {  	s2 =	sadd.s32 s2, s17;
	s5 =	sadd.s32 s5, s17;
	[tilespmem:s31+$0x0 ss:$0x81] =	vst.msk $0xffff, v7;
	v3 =	vld.idx.msk [tilespmem:v0+s18+$0x40 ss:$0x1], $0xffff  }
0x9d: {  	s6 =	sadd.s32 s27, s16;
	s2 =	sadd.s32 s27, s2;
	s5 =	sadd.s32 s27, s5;
	[tilespmem:s0+$0x0 ss:$0x81] =	vst.msk $0xffff, v8;
	v5 =	vld.idx.msk [tilespmem:v0+s18+$0x50 ss:$0x1], $0xffff  }
0x9e: {  	s16 =	sadd.s32 s27, s9;
	s15 =	sadd.s32 $0x800, s25;
	s14 =	simm.s32 $0x100;
	[tilespmem:s2+$0x0 ss:$0x81] =	vst.msk $0xffff, v9;
	v6 =	vld.idx.msk [tilespmem:v0+s18+$0x60 ss:$0x1], $0xffff  }
.LBB1_6:
0x9f: {  	s9 =	sadd.s32 $0xFFFFFC00, s15;
	s14 =	sadd.s32 $0x100, s14;
	[tilespmem:s6+$0x0 ss:$0x81] =	vst.msk $0xffff, v4;
	v4 =	vld.idx.msk [tilespmem:v0+s18+$0x70 ss:$0x1], $0xffff;
	s18 =	sand.u32 $0x3C00, s15  }
0xa0: {  	s9 =	sand.u32 $0x3C00, s9;
	v7 =	vld.idx.msk [tilespmem:v0+s18+$0x0 ss:$0x1], $0xffff;
	p2 =	slt.s32 s14, s21;
	[tilespmem:s4+$0x0 ss:$0x81] =	vst.msk $0xffff, v1  }
0xa1: {  	v1 =	vld.idx.msk [tilespmem:v0+s9+$0x70 ss:$0x1], $0xffff;
	[tilespmem:s5+$0x0 ss:$0x81] =	vst.msk $0xffff, v2  }
0xa2: {  	v2 =	vld.idx.msk [tilespmem:v0+s9+$0x0 ss:$0x1], $0xffff;
	[tilespmem:s31+$0x0 ss:$0x81] =	vst.msk $0xffff, v3  }
0xa3: {  	v3 =	vld.idx.msk [tilespmem:v0+s9+$0x10 ss:$0x1], $0xffff;
	[tilespmem:s3+$0x0 ss:$0x81] =	vst.msk $0xffff, v5  }
0xa4: {  	v5 =	vld.idx.msk [tilespmem:v0+s9+$0x20 ss:$0x1], $0xffff;
	[tilespmem:s7+$0x0 ss:$0x81] =	vst.msk $0xffff, v6  }
0xa5: {  	v6 =	vld.idx.msk [tilespmem:v0+s9+$0x30 ss:$0x1], $0xffff;
	[tilespmem:s16+$0x0 ss:$0x81] =	vst.msk $0xffff, v4  }
0xa6: {  	v8 =	vld.idx.msk [tilespmem:v0+s9+$0x40 ss:$0x1], $0xffff;
	[tilespmem:s28+$0x0 ss:$0x81] =	vst.msk $0xffff, v7  }
0xa7: {  	v7 =	vld.idx.msk [tilespmem:v0+s9+$0x50 ss:$0x1], $0xffff;
	[tilespmem:s8+$0x0 ss:$0x81] =	vst.msk $0xffff, v1  }
0xa8: {  	[tilespmem:s28+$0x0 ss:$0x81] =	vst.msk $0xffff, v2;
	v9 =	vld.idx.msk [tilespmem:v0+s9+$0x60 ss:$0x1], $0xffff  }
0xa9: {  	[tilespmem:s29+$0x0 ss:$0x81] =	vst.msk $0xffff, v3;
	v4 =	vld.idx.msk [tilespmem:v0+s18+$0x10 ss:$0x1], $0xffff  }
.Ltmp8:
0xaa: {  	[tilespmem:s30+$0x0 ss:$0x81] =	vst.msk $0xffff, v5;
	v1 =	vld.idx.msk [tilespmem:v0+s18+$0x20 ss:$0x1], $0xffff;
	(pc) =	sbr.rel @p2 .LBB1_6-.Ltmp8, $4  }
0xab: {  	[tilespmem:s1+$0x0 ss:$0x81] =	vst.msk $0xffff, v6;
	v2 =	vld.idx.msk [tilespmem:v0+s18+$0x30 ss:$0x1], $0xffff  }
0xac: {  	[tilespmem:s31+$0x0 ss:$0x81] =	vst.msk $0xffff, v8;
	v3 =	vld.idx.msk [tilespmem:v0+s18+$0x40 ss:$0x1], $0xffff  }
0xad: {  	[tilespmem:s0+$0x0 ss:$0x81] =	vst.msk $0xffff, v7;
	v5 =	vld.idx.msk [tilespmem:v0+s18+$0x50 ss:$0x1], $0xffff  }
0xae: {  	s15 =	sadd.s32 $0x800, s15;
	[tilespmem:s2+$0x0 ss:$0x81] =	vst.msk $0xffff, v9;
	v6 =	vld.idx.msk [tilespmem:v0+s18+$0x60 ss:$0x1], $0xffff  }
.LBB1_7:
0xaf: {  	_ =	sdelay $0x2  }
0xb0: {  	[tilespmem:s6+$0x0 ss:$0x81] =	vst.msk $0xffff, v4  }
0xb1: {  	v0 =	vld.idx.msk [tilespmem:v0+s18+$0x70 ss:$0x1], $0xffff;
	[tilespmem:s4+$0x0 ss:$0x81] =	vst.msk $0xffff, v1  }
0xb2: {  	[tilespmem:s5+$0x0 ss:$0x81] =	vst.msk $0xffff, v2  }
0xb3: {  	[tilespmem:s31+$0x0 ss:$0x81] =	vst.msk $0xffff, v3  }
0xb4: {  	[tilespmem:s3+$0x0 ss:$0x81] =	vst.msk $0xffff, v5  }
0xb5: {  	[tilespmem:s7+$0x0 ss:$0x81] =	vst.msk $0xffff, v6  }
0xb6: {  	[tilespmem:s16+$0x0 ss:$0x81] =	vst.msk $0xffff, v0  }
.LBB1_8:
.Ltmp9:
0xb7: {  	(pc) =	sbr.rel @p1 .LBB1_11-.Ltmp9, $1  }
0xb8: {  	_ =	sdelay $0x3  }
0xb9: {  	s1 =	sand.u32 $0x380, s26;
	s0 =	sshrl.u32 s24, $0x4;
	s2 =	sadd.s32 s27, s17  }
0xba: {  	s3 =	smov.u32 s23;
	s4 =	smov.u32 s21;
	s1 =	sadd.s32 s1, s22  }
.LBB1_10:
0xbb: {  	s5 =	sand.u32 $0x3C00, s3  }
0xbc: {  	s5 =	sadd.s32 s26, s5  }
0xbd: {  	s5 =	sand.u32 $0x3C00, s5  }
0xbe: {  	s6 =	sand.u32 $0x70, s4;
	s30 =	sadd.s32 s4, s0;
	s5 =	sadd.s32 s5, s1  }
0xbf: {  	s4 =	sadd.s32 $0x10, s4;
	s31 =	sand.u32 $0x78, s30;
	s5 =	sadd.s32 s6, s5  }
0xc0: {  	p2 =	slt.s32 s4, s20;
	v0 =	vld [tilespmem:s5+$0x0];
	s5 =	smul.u32 $0x204, s31  }
.Ltmp10:
0xc1: {  	_ = 	snop;
	(pc) =	sbr.rel @p2 .LBB1_10-.Ltmp10, $4  }
0xc2: {  	_ = 	snop  }
0xc3: {  	s5 =	sshrl.u32 s5, $0x2  }
0xc4: {  	s5 =	sadd.s32 s5, s2  }
0xc5: {  	s3 =	sadd.s32 $0x80, s3;
	[tilespmem:s5+$0x0 ss:$0x81] =	vst.msk $0xffff, v0  }
.Ltmp11:
0xc6: {  	_ = 	snop;
	(pc) =	sbr.rel .LBB1_11-.Ltmp11, $1  }
0xc7: {  	_ =	sdelay $0x3  }
.LBB1_14:
0xc8: {  	_ =	sfence.sel $0x180000  }
0xc9: {  	s0 =	simm.s32 $0x1;
	[bflag:$0x0] =	sbarrier.arrive $0xFFFF  }
0xca: {  	s30 =	simm.s32 $0x2;
	[sflag:s0] =	ssyncpa.u1 $0x1  }
0xcb: {  	[sflag:s30] =	ssyncpa.u1 $0x1  }
0xcc: {  	_ =	strace $0x90000056  }
0xcd: {  	s31 =	stileid.u32;
	[bflag:$0x2] =	sbarrier.arrive $0xFFFF  }
0xce: {  	p0 =	sne.s32 s31, $0x0;
	s0 =	rddreg [dreg:$0x2]  }
0xcf: {  	s0 =	sadd.s32 @!p0 $0x100000, s0  }
0xd0: {  	[sflag:s0] =	ssyncadd.tile.s32 @!p0 $0x1;
	_ =	shalt  }
.Lfunc_end1:
_tile_overlayer_lowered:
.L_overlay_start_2:
0xd1: {  	(tag) =	ssettag $0x2  }
0xd2: {  	s0 =	rddreg [dreg:$0x0];
	s2 =	stileid.u32  }
0xd3: {  	s1 =	rddreg [dreg:$0x1];
	p0 =	sne.s32 s2, $0x0  }
0xd4: {  	s3 =	rddreg [dreg:$0x2];
	[bflag:$0x3] =	sbarrier.arrive $0xFFFF;
	s2 =	simm.s32 @!p0 $0x1C01  }
0xd5: {  	[timem:s3], [sflag:s2] =	dma.local @!p0 [hbm:s0], s1  }
0xd6: {  	s0 =	simm.s32 @!p0 $0x1  }
0xd7: {  	_ =	swait.ge @!p0 [sflag:s0], s1  }
0xd8: {  	s1 =	ssub.s32 @!p0 $0x0, s1;
	[sflag:s0] =	ssyncset.done @!p0 $0x0  }
0xd9: {  	[sflag:s0] =	ssyncadd.s32 @!p0 s1  }
0xda: {  	[bflag:$0x3] =	sbarrier.arrive $0xFFFF  }
0xdb: {  	_ =	shalt  }

</sc_bundles>
